<compile_context>
chip_gen: v7x
topology: tpu7x:2x2x1
jax: 0.10.2.dev20260603
libtpu: 0.0.44.dev20260713+nightly
codegen_flags: <defaults>
</compile_context>

<pallas_src>
import functools

import jax
import jax.numpy as jnp
from jax import lax
from jax.experimental import pallas as pl
from jax.experimental.pallas import tpu as pltpu
from jax.experimental.pallas import tpu_sc as plsc

N = 10000
E = 320000
D = 128
NP = 10240
NC = 2
NS = 16
NW = NC * NS
K = 128
PAIRS = 13
STAGES = 3
SEDGES = PAIRS * 2 * K
WEDGES = STAGES * SEDGES
TAIL = E - NW * WEDGES
BLK = 2048
GRID = NP // BLK
ZROWS = 16
NEG_SLOPE = 0.2


def _sc_mesh():
    return plsc.VectorSubcoreMesh(core_axis_name="c", subcore_axis_name="s")


@functools.partial(
    pl.kernel,
    out_type=jax.ShapeDtypeStruct((NW, NP), jnp.float32),
    mesh=_sc_mesh(),
    scratch_types=[
        pltpu.VMEM((NP,), jnp.float32),
        pltpu.VMEM((WEDGES,), jnp.int32),
    ],
    compiler_params=pltpu.CompilerParams(needs_layout_passes=False),
)
def _sc_degree(e_hbm, out_hbm, deg_v, idx_v):
    c = lax.axis_index("c")
    s = lax.axis_index("s")
    w = c * NS + s
    zeros16 = jnp.zeros((16,), jnp.float32)
    ones16 = jnp.ones((16,), jnp.float32)

    def zero_body(i, _):
        deg_v[pl.ds(i * 16, 16)] = zeros16
        return ()

    lax.fori_loop(0, NP // 16, zero_body, (), unroll=4)

    ebase = pl.multiple_of(w * WEDGES, 128)
    pltpu.sync_copy(e_hbm.at[1, pl.ds(ebase, WEDGES)], idx_v)

    def hist_body(i, _):
        idx = idx_v[pl.ds(i * 16, 16)]
        plsc.addupdate_scatter(deg_v, [idx], ones16)
        return ()

    lax.fori_loop(0, WEDGES // 16, hist_body, (), unroll=4)

    @pl.when(w == 0)
    def _():
        pltpu.sync_copy(e_hbm.at[1, pl.ds(pl.multiple_of(NW * WEDGES, 128), TAIL)],
                        idx_v.at[pl.ds(0, TAIL)])

        def tail_body(i, _):
            idx = idx_v[pl.ds(i * 16, 16)]
            plsc.addupdate_scatter(deg_v, [idx], ones16)
            return ()

        lax.fori_loop(0, TAIL // 16, tail_body, (), unroll=4)

    pltpu.sync_copy(deg_v, out_hbm.at[w])


@functools.partial(
    pl.kernel,
    out_type=[
        jax.ShapeDtypeStruct((NP, D), jnp.float32),
        jax.ShapeDtypeStruct((NP, D), jnp.float32),
    ],
    mesh=_sc_mesh(),
    scratch_types=[
        pltpu.VMEM((2, SEDGES), jnp.int32),
        pltpu.VMEM((2, SEDGES), jnp.int32),
        pltpu.VMEM((K, D), jnp.float32),
        pltpu.VMEM((K, D), jnp.float32),
        pltpu.VMEM((ZROWS, D), jnp.float32),
        pltpu.VMEM_SHARED((NP, D), jnp.float32),
        pltpu.SemaphoreType.DMA,
        pltpu.SemaphoreType.DMA,
        pltpu.SemaphoreType.DMA,
        pltpu.SemaphoreType.DMA,
    ],
    compiler_params=pltpu.CompilerParams(needs_layout_passes=False),
)
def _sc_scatter(e_hbm, g_hbm, out0_hbm, out1_hbm, src_v, dst_v, rb0, rb1, zb,
                acc_sh, sem0, sem1, isem0, isem1):
    c = lax.axis_index("c")
    s = lax.axis_index("s")
    w = c * NS + s
    isems = (isem0, isem1)

    def stage_descs(t):
        p = t % 2
        ebase = pl.multiple_of(w * WEDGES + t * SEDGES, 128)
        return (pltpu.make_async_copy(e_hbm.at[0, pl.ds(ebase, SEDGES)],
                                      src_v.at[p], isems[p]),
                pltpu.make_async_copy(e_hbm.at[1, pl.ds(ebase, SEDGES)],
                                      dst_v.at[p], isems[p]))

    for d in stage_descs(0):
        d.start()

    zeros16 = jnp.zeros((16,), jnp.float32)
    for r in range(ZROWS):
        for q in range(D // 16):
            zb[r, pl.ds(q * 16, 16)] = zeros16

    row0 = s * (NP // NS)

    def zero_body(t, _):
        pltpu.sync_copy(zb, acc_sh.at[pl.ds(row0 + t * ZROWS, ZROWS), :])
        return ()

    lax.fori_loop(0, (NP // NS) // ZROWS, zero_body, ())

    plsc.subcore_barrier()

    for t in range(STAGES):
        p = t % 2
        for d in stage_descs(t):
            d.wait()
        if t + 1 < STAGES:
            for d in stage_descs(t + 1):
                d.start()

        sv = src_v.at[p]
        dv = dst_v.at[p]
        pltpu.async_copy(g_hbm.at[sv.at[pl.ds(0, K)]], rb0, sem0)
        pltpu.async_copy(g_hbm.at[sv.at[pl.ds(K, K)]], rb1, sem1)

        def pair_body(j, _):
            o0 = pl.multiple_of(j * 2 * K, 128)
            o1 = pl.multiple_of(j * 2 * K + K, 128)
            o2 = pl.multiple_of(j * 2 * K + 2 * K, 128)
            o3 = pl.multiple_of(j * 2 * K + 3 * K, 128)
            pltpu.make_async_copy(g_hbm.at[sv.at[pl.ds(o0, K)]], rb0,
                                  sem0).wait()

            @pl.when(j + 1 < PAIRS)
            def _():
                pltpu.async_copy(g_hbm.at[sv.at[pl.ds(o2, K)]], rb0, sem0)

            pltpu.sync_copy(rb0, acc_sh.at[dv.at[pl.ds(o0, K)]], add=True)

            pltpu.make_async_copy(g_hbm.at[sv.at[pl.ds(o1, K)]], rb1,
                                  sem1).wait()

            @pl.when(j + 1 < PAIRS)
            def _():
                pltpu.async_copy(g_hbm.at[sv.at[pl.ds(o3, K)]], rb1, sem1)

            pltpu.sync_copy(rb1, acc_sh.at[dv.at[pl.ds(o1, K)]], add=True)
            return ()

        lax.fori_loop(0, PAIRS, pair_body, ())

    @pl.when(s * NC + c < TAIL // K)
    def _():
        toff = pl.multiple_of(NW * WEDGES + (s * NC + c) * K, 128)
        pltpu.sync_copy(e_hbm.at[0, pl.ds(toff, K)], src_v.at[0, pl.ds(0, K)])
        pltpu.sync_copy(e_hbm.at[1, pl.ds(toff, K)], dst_v.at[0, pl.ds(0, K)])
        pltpu.sync_copy(g_hbm.at[src_v.at[0, pl.ds(0, K)]], rb0)
        pltpu.sync_copy(rb0, acc_sh.at[dst_v.at[0, pl.ds(0, K)]], add=True)

    plsc.subcore_barrier()

    rows = acc_sh.at[pl.ds(row0, NP // NS), :]

    @pl.when(c == 0)
    def _():
        pltpu.sync_copy(rows, out0_hbm.at[pl.ds(row0, NP // NS), :])

    @pl.when(c == 1)
    def _():
        pltpu.sync_copy(rows, out1_hbm.at[pl.ds(row0, NP // NS), :])


def _tc1a_body(x_ref, emb_a_ref, emb_c_ref, w1_ref, hw_ref):
    xa = x_ref[:, 0:1]
    xc = x_ref[:, 1:2] + 120
    iota = lax.broadcasted_iota(jnp.int32, (1, 128), 1)
    oh = ((xa == iota) | (xc == iota)).astype(jnp.float32)
    table = jnp.concatenate(
        [emb_a_ref[...], emb_c_ref[...], jnp.zeros((4, D), jnp.float32)], axis=0)
    tw = jnp.dot(table, w1_ref[...], preferred_element_type=jnp.float32)
    hw_ref[...] = jnp.dot(oh, tw, preferred_element_type=jnp.float32)


def _tc_stage1a(x, emb_atom, emb_chiral, W1):
    return pl.pallas_call(
        _tc1a_body,
        grid=(GRID,),
        in_specs=[
            pl.BlockSpec((BLK, 2), lambda i: (i, 0)),
            pl.BlockSpec((120, D), lambda i: (0, 0)),
            pl.BlockSpec((4, D), lambda i: (0, 0)),
            pl.BlockSpec((D, D), lambda i: (0, 0)),
        ],
        out_specs=pl.BlockSpec((BLK, D), lambda i: (i, 0)),
        out_shape=jax.ShapeDtypeStruct((NP, D), jnp.float32),
    )(x, emb_atom, emb_chiral, W1)


def _tc1b_body(dp_ref, hw_ref, g1_ref, dinv_ref):
    ones = jnp.ones((NW, 1), jnp.float32)
    deg = lax.dot_general(dp_ref[...], ones, (((0,), (0,)), ((), ())),
                          preferred_element_type=jnp.float32) + 1.0
    dinv = lax.rsqrt(deg)
    dinv_ref[...] = dinv
    g1_ref[...] = dinv * hw_ref[...]


def _tc_stage1b(deg_parts, hw1):
    return pl.pallas_call(
        _tc1b_body,
        grid=(GRID,),
        in_specs=[
            pl.BlockSpec((NW, BLK), lambda i: (0, i)),
            pl.BlockSpec((BLK, D), lambda i: (i, 0)),
        ],
        out_specs=[
            pl.BlockSpec((BLK, D), lambda i: (i, 0)),
            pl.BlockSpec((BLK, 1), lambda i: (i, 0)),
        ],
        out_shape=[
            jax.ShapeDtypeStruct((NP, D), jnp.float32),
            jax.ShapeDtypeStruct((NP, 1), jnp.float32),
        ],
    )(deg_parts, hw1)


def _tc2_body(a0_ref, a1_ref, g1_ref, dinv_ref, b1_ref, w2_ref, g2_ref):
    dinv = dinv_ref[...]
    pre = dinv * (a0_ref[...] + a1_ref[...] + g1_ref[...]) + b1_ref[...]
    out1 = jnp.where(pre >= 0, pre, NEG_SLOPE * pre)
    g2_ref[...] = dinv * jnp.dot(out1, w2_ref[...],
                                 preferred_element_type=jnp.float32)


def _tc_stage2(a0, a1, g1, dinv, b1_row, W2):
    return pl.pallas_call(
        _tc2_body,
        grid=(GRID,),
        in_specs=[
            pl.BlockSpec((BLK, D), lambda i: (i, 0)),
            pl.BlockSpec((BLK, D), lambda i: (i, 0)),
            pl.BlockSpec((BLK, D), lambda i: (i, 0)),
            pl.BlockSpec((BLK, 1), lambda i: (i, 0)),
            pl.BlockSpec((1, D), lambda i: (0, 0)),
            pl.BlockSpec((D, D), lambda i: (0, 0)),
        ],
        out_specs=pl.BlockSpec((BLK, D), lambda i: (i, 0)),
        out_shape=jax.ShapeDtypeStruct((NP, D), jnp.float32),
    )(a0, a1, g1, dinv, b1_row, W2)


def _tc3_body(a0_ref, a1_ref, g2_ref, dinv_ref, b2_ref, out_ref):
    i = pl.program_id(0)
    pre = dinv_ref[...] * (a0_ref[...] + a1_ref[...] + g2_ref[...]) + b2_ref[...]
    h2 = jnp.where(pre >= 0, pre, NEG_SLOPE * pre)
    row = i * BLK + lax.broadcasted_iota(jnp.int32, (BLK, 1), 0)
    h2 = jnp.where(row < N, h2, 0.0)
    part = jnp.sum(h2, axis=0, keepdims=True) * (1.0 / N)

    @pl.when(i == 0)
    def _():
        out_ref[...] = part

    @pl.when(i != 0)
    def _():
        out_ref[...] += part


def _tc_stage3(a0, a1, g2, dinv, b2_row):
    return pl.pallas_call(
        _tc3_body,
        grid=(GRID,),
        in_specs=[
            pl.BlockSpec((BLK, D), lambda i: (i, 0)),
            pl.BlockSpec((BLK, D), lambda i: (i, 0)),
            pl.BlockSpec((BLK, D), lambda i: (i, 0)),
            pl.BlockSpec((BLK, 1), lambda i: (i, 0)),
            pl.BlockSpec((1, D), lambda i: (0, 0)),
        ],
        out_specs=pl.BlockSpec((1, D), lambda i: (0, 0)),
        out_shape=jax.ShapeDtypeStruct((1, D), jnp.float32),
    )(a0, a1, g2, dinv, b2_row)


def kernel(x, edge_index, emb_atom, emb_chiral, W1, b1, W2, b2):
    deg_parts = _sc_degree(edge_index)
    hw1 = _tc_stage1a(x, emb_atom, emb_chiral, W1)
    g1, dinv = _tc_stage1b(deg_parts, hw1)
    a1, a1b = _sc_scatter(edge_index, g1)
    g2 = _tc_stage2(a1, a1b, g1, dinv, b1[None, :], W2)
    a2, a2b = _sc_scatter(edge_index, g2)
    return _tc_stage3(a2, a2b, g2, dinv, b2[None, :])

# --- scband reference (transcript-rebuilt; emitter-appended) ---
"""Pipeline reference for scband-gcn-55482387530472 (READ-ONLY COPY).

The authoritative reference and input builder live on the scoring server;
editing this copy changes nothing except your own understanding.
"""

import jax, jax.numpy as jnp
import numpy as np

N = 10000
E = 320000
EMB_DIM = 128
HIDDEN = 128
NUM_ATOM_TYPE = 120
NUM_CHIRALITY = 4


def setup_inputs(seed: int = 0):
    key = jax.random.key(seed)
    ks = jax.random.split(key, 8)
    x = jax.random.randint(ks[0], (N, 2), 0, 4)
    edge_index = jax.random.randint(ks[1], (2, E), 0, N)
    emb_atom = jax.random.normal(ks[2], (NUM_ATOM_TYPE, EMB_DIM), dtype=jnp.float32) * 0.02
    emb_chiral = jax.random.normal(ks[3], (NUM_CHIRALITY, EMB_DIM), dtype=jnp.float32) * 0.02
    s1 = 1.0 / np.sqrt(EMB_DIM)
    W1 = jax.random.uniform(ks[4], (EMB_DIM, HIDDEN), minval=-s1, maxval=s1, dtype=jnp.float32)
    b1 = jnp.zeros((HIDDEN,), dtype=jnp.float32)
    s2 = 1.0 / np.sqrt(HIDDEN)
    W2 = jax.random.uniform(ks[5], (HIDDEN, HIDDEN), minval=-s2, maxval=s2, dtype=jnp.float32)
    b2 = jnp.zeros((HIDDEN,), dtype=jnp.float32)
    return {"x": x, "edge_index": edge_index, "emb_atom": emb_atom, "emb_chiral": emb_chiral, "W1": W1, "b1": b1, "W2": W2, "b2": b2}


def gcn_conv(h, src, dst, W, b, n):
    # PyG GCNConv: linear transform, add self-loops, symmetric normalization, scatter-add
    h = h @ W
    loop = jnp.arange(n, dtype=src.dtype)
    src2 = jnp.concatenate([src, loop])
    dst2 = jnp.concatenate([dst, loop])
    deg = jnp.zeros((n,), dtype=h.dtype).at[dst2].add(1.0)
    dinv = deg ** -0.5
    dinv = jnp.where(jnp.isinf(dinv), 0.0, dinv)
    norm = dinv[src2] * dinv[dst2]
    msg = h[src2] * norm[:, None]
    out = jnp.zeros_like(h).at[dst2].add(msg)
    return out + b


def reference(x, edge_index, emb_atom, emb_chiral, W1, b1, W2, b2):
    # batch_g2d of a single graph
    h = emb_atom[x[:, 0]] + emb_chiral[x[:, 1]]
    src = edge_index[0]
    dst = edge_index[1]
    h = jax.nn.leaky_relu(gcn_conv(h, src, dst, W1, b1, N), negative_slope=0.2)
    h = jax.nn.leaky_relu(gcn_conv(h, src, dst, W2, b2, N), negative_slope=0.2)
    g_out = h.mean(axis=0)
    return g_out[None, :]

if __name__ == "__main__":
    import jax
    _d = setup_inputs()
    print(jax.jit(kernel)(*tuple(_d.values())))

</pallas_src>

<mosaic_0001>
#map = affine_map<(d0, d1) -> (0, 0)>
module attributes {stable_mosaic.version = 14 : i64} {
  func.func @_sc_degree(%arg0: i32, %arg1: i32, %arg2: memref<2x320000xi32, #tpu.memory_space<hbm>>, %arg3: memref<32x10240xf32, #tpu.memory_space<hbm>>, %arg4: memref<10240xf32, #tpu.memory_space<vmem>>, %arg5: memref<9984xi32, #tpu.memory_space<vmem>>) attributes {dimension_semantics = [#tpu.dimension_semantics<core_parallel>, #tpu.dimension_semantics<subcore_parallel>], iteration_bounds = array<i64: 2, 16>, scalar_prefetch = 0 : i64, scratch_operands = 2 : i64, tpu.core_type = #tpu.core_type<sc_vector_subcore>, window_params = [{transform_indices = #map}, {transform_indices = #map}]} {
    %mul3A = arith.constant 16 : i32
    %mul3A_0 = arith.muli %arg0, %mul3A : i32
    %add3A = arith.addi %mul3A_0, %arg1 : i32
    %broadcast_in_dim3A = arith.constant 0.000000e+00 : f32
    %broadcast_in_dim3A_1 = vector.broadcast %broadcast_in_dim3A : f32 to vector<16xf32>
    %broadcast_in_dim3A_2 = arith.constant 1.000000e+00 : f32
    %broadcast_in_dim3A_3 = vector.broadcast %broadcast_in_dim3A_2 : f32 to vector<16xf32>
    %scan3A = arith.constant 0 : i32
    %scan3A_4 = arith.constant 640 : i32
    %scan3A_5 = arith.addi %scan3A, %scan3A_4 : i32
    %scan3A_6 = arith.constant 4 : i32
    scf.for %scan3A_17 = %scan3A to %scan3A_5 step %scan3A_6  : i32 {
      %mul3A_18 = arith.constant 16 : i32
      %mul3A_19 = arith.muli %scan3A_17, %mul3A_18 : i32
      %swap3A = arith.index_cast %mul3A_19 : i32 to index
      %swap3A_20 = tpu.vector_load %arg4[%swap3A] {strides = array<i32>} : memref<10240xf32, #tpu.memory_space<vmem>>, vector<16xf32>,
      tpu.vector_store %arg4[%swap3A], %broadcast_in_dim3A_1 {strides = array<i32>} : memref<10240xf32, #tpu.memory_space<vmem>>, vector<16xf32>,
      %scan3A_21 = arith.constant 1 : i32
      %scan3A_22 = arith.addi %scan3A_17, %scan3A_21 : i32
      %mul3A_23 = arith.constant 16 : i32
      %mul3A_24 = arith.muli %scan3A_22, %mul3A_23 : i32
      %swap3A_25 = arith.index_cast %mul3A_24 : i32 to index
      %swap3A_26 = tpu.vector_load %arg4[%swap3A_25] {strides = array<i32>} : memref<10240xf32, #tpu.memory_space<vmem>>, vector<16xf32>,
      tpu.vector_store %arg4[%swap3A_25], %broadcast_in_dim3A_1 {strides = array<i32>} : memref<10240xf32, #tpu.memory_space<vmem>>, vector<16xf32>,
      %scan3A_27 = arith.constant 2 : i32
      %scan3A_28 = arith.addi %scan3A_17, %scan3A_27 : i32
      %mul3A_29 = arith.constant 16 : i32
      %mul3A_30 = arith.muli %scan3A_28, %mul3A_29 : i32
      %swap3A_31 = arith.index_cast %mul3A_30 : i32 to index
      %swap3A_32 = tpu.vector_load %arg4[%swap3A_31] {strides = array<i32>} : memref<10240xf32, #tpu.memory_space<vmem>>, vector<16xf32>,
      tpu.vector_store %arg4[%swap3A_31], %broadcast_in_dim3A_1 {strides = array<i32>} : memref<10240xf32, #tpu.memory_space<vmem>>, vector<16xf32>,
      %scan3A_33 = arith.constant 3 : i32
      %scan3A_34 = arith.addi %scan3A_17, %scan3A_33 : i32
      %mul3A_35 = arith.constant 16 : i32
      %mul3A_36 = arith.muli %scan3A_34, %mul3A_35 : i32
      %swap3A_37 = arith.index_cast %mul3A_36 : i32 to index
      %swap3A_38 = tpu.vector_load %arg4[%swap3A_37] {strides = array<i32>} : memref<10240xf32, #tpu.memory_space<vmem>>, vector<16xf32>,
      tpu.vector_store %arg4[%swap3A_37], %broadcast_in_dim3A_1 {strides = array<i32>} : memref<10240xf32, #tpu.memory_space<vmem>>, vector<16xf32>,
    }
    %scan3A_7 = arith.constant 640 : i32
    %mul3A_8 = arith.constant 9984 : i32
    %mul3A_9 = arith.muli %add3A, %mul3A_8 : i32
    %multiple_of3A = tpu.assume_multiple %mul3A_9, 128 : i32
    %run_scoped3A = arith.constant 1 : i32
    "tpu.region"() ({
      %run_scoped3A_17 = tpu.sem_alloc : memref<!tpu.dma_semaphore, #tpu.memory_space<semaphore_mem>>
      %dma_start3A = tpu.memref_slice %arg2[%run_scoped3A, %multiple_of3A] : memref<2x320000xi32, #tpu.memory_space<hbm>> -> memref<1x9984xi32, #tpu.memory_space<hbm>>
      %dma_start3A_18 = tpu.memref_squeeze %dma_start3A : memref<1x9984xi32, #tpu.memory_space<hbm>> -> memref<9984xi32, #tpu.memory_space<hbm>>
      %dma_start3A_19 = tpu.memref_slice %arg2[%run_scoped3A, %multiple_of3A] : memref<2x320000xi32, #tpu.memory_space<hbm>> -> memref<1x9984xi32, #tpu.memory_space<hbm>>
      %dma_start3A_20 = tpu.memref_squeeze %dma_start3A_19 : memref<1x9984xi32, #tpu.memory_space<hbm>> -> memref<9984xi32, #tpu.memory_space<hbm>>
      tpu.enqueue_dma source(%dma_start3A_20 : memref<9984xi32, #tpu.memory_space<hbm>>) target(%arg5 : memref<9984xi32, #tpu.memory_space<vmem>>) target_semaphore(%run_scoped3A_17 : memref<!tpu.dma_semaphore, #tpu.memory_space<semaphore_mem>>)
      %dma_wait3A = tpu.memref_slice %arg2[%run_scoped3A, %multiple_of3A] : memref<2x320000xi32, #tpu.memory_space<hbm>> -> memref<1x9984xi32, #tpu.memory_space<hbm>>
      %dma_wait3A_21 = tpu.memref_squeeze %dma_wait3A : memref<1x9984xi32, #tpu.memory_space<hbm>> -> memref<9984xi32, #tpu.memory_space<hbm>>
      %dma_wait3A_22 = tpu.memref_slice %arg2[%run_scoped3A, %multiple_of3A] : memref<2x320000xi32, #tpu.memory_space<hbm>> -> memref<1x9984xi32, #tpu.memory_space<hbm>>
      %dma_wait3A_23 = tpu.memref_squeeze %dma_wait3A_22 : memref<1x9984xi32, #tpu.memory_space<hbm>> -> memref<9984xi32, #tpu.memory_space<hbm>>
      tpu.wait_dma2 semaphore(%run_scoped3A_17 : memref<!tpu.dma_semaphore, #tpu.memory_space<semaphore_mem>>) src(%dma_wait3A_23 : memref<9984xi32, #tpu.memory_space<hbm>>) dst(%arg5 : memref<9984xi32, #tpu.memory_space<vmem>>)
      tpu.yield
    }) : () -> ()
    %scan3A_10 = arith.constant 0 : i32
    %scan3A_11 = arith.constant 624 : i32
    %scan3A_12 = arith.addi %scan3A_10, %scan3A_11 : i32
    %scan3A_13 = arith.constant 4 : i32
    scf.for %scan3A_17 = %scan3A_10 to %scan3A_12 step %scan3A_13  : i32 {
      %mul3A_18 = arith.constant 16 : i32
      %mul3A_19 = arith.muli %scan3A_17, %mul3A_18 : i32
      %get3A = arith.index_cast %mul3A_19 : i32 to index
      %get3A_20 = tpu.vector_load %arg5[%get3A] {strides = array<i32>} : memref<9984xi32, #tpu.memory_space<vmem>>, vector<16xi32>,
      tpu.vector_store_idx %arg4[%get3A_20], %broadcast_in_dim3A_3 {add = true} : memref<10240xf32, #tpu.memory_space<vmem>>[vector<16xi32>], vector<16xf32>,
      %scan3A_21 = arith.constant 1 : i32
      %scan3A_22 = arith.addi %scan3A_17, %scan3A_21 : i32
      %mul3A_23 = arith.constant 16 : i32
      %mul3A_24 = arith.muli %scan3A_22, %mul3A_23 : i32
      %get3A_25 = arith.index_cast %mul3A_24 : i32 to index
      %get3A_26 = tpu.vector_load %arg5[%get3A_25] {strides = array<i32>} : memref<9984xi32, #tpu.memory_space<vmem>>, vector<16xi32>,
      tpu.vector_store_idx %arg4[%get3A_26], %broadcast_in_dim3A_3 {add = true} : memref<10240xf32, #tpu.memory_space<vmem>>[vector<16xi32>], vector<16xf32>,
      %scan3A_27 = arith.constant 2 : i32
      %scan3A_28 = arith.addi %scan3A_17, %scan3A_27 : i32
      %mul3A_29 = arith.constant 16 : i32
      %mul3A_30 = arith.muli %scan3A_28, %mul3A_29 : i32
      %get3A_31 = arith.index_cast %mul3A_30 : i32 to index
      %get3A_32 = tpu.vector_load %arg5[%get3A_31] {strides = array<i32>} : memref<9984xi32, #tpu.memory_space<vmem>>, vector<16xi32>,
      tpu.vector_store_idx %arg4[%get3A_32], %broadcast_in_dim3A_3 {add = true} : memref<10240xf32, #tpu.memory_space<vmem>>[vector<16xi32>], vector<16xf32>,
      %scan3A_33 = arith.constant 3 : i32
      %scan3A_34 = arith.addi %scan3A_17, %scan3A_33 : i32
      %mul3A_35 = arith.constant 16 : i32
      %mul3A_36 = arith.muli %scan3A_34, %mul3A_35 : i32
      %get3A_37 = arith.index_cast %mul3A_36 : i32 to index
      %get3A_38 = tpu.vector_load %arg5[%get3A_37] {strides = array<i32>} : memref<9984xi32, #tpu.memory_space<vmem>>, vector<16xi32>,
      tpu.vector_store_idx %arg4[%get3A_38], %broadcast_in_dim3A_3 {add = true} : memref<10240xf32, #tpu.memory_space<vmem>>[vector<16xi32>], vector<16xf32>,
    }
    %scan3A_14 = arith.constant 624 : i32
    %eq3A = arith.constant 0 : i32
    %eq3A_15 = arith.cmpi eq, %add3A, %eq3A : i32
    %convert_element_type3A = arith.extui %eq3A_15 : i1 to i32
    %cond3A = arith.constant 0 : i32
    %cond3A_16 = arith.cmpi ne, %convert_element_type3A, %cond3A : i32
    scf.if %cond3A_16 {
      %multiple_of3A_17 = arith.constant 319488 : i32
      %multiple_of3A_18 = tpu.assume_multiple %multiple_of3A_17, 128 : i32
      %run_scoped3A_19 = arith.constant 1 : i32
      "tpu.region"() ({
        %run_scoped3A_25 = tpu.sem_alloc : memref<!tpu.dma_semaphore, #tpu.memory_space<semaphore_mem>>
        %dma_start3A = arith.constant 0 : i32
        %dma_start3A_26 = tpu.memref_slice %arg5[%dma_start3A] : memref<9984xi32, #tpu.memory_space<vmem>> -> memref<512xi32, #tpu.memory_space<vmem>>
        %dma_start3A_27 = tpu.memref_slice %arg2[%run_scoped3A_19, %multiple_of3A_18] : memref<2x320000xi32, #tpu.memory_space<hbm>> -> memref<1x512xi32, #tpu.memory_space<hbm>>
        %dma_start3A_28 = tpu.memref_squeeze %dma_start3A_27 : memref<1x512xi32, #tpu.memory_space<hbm>> -> memref<512xi32, #tpu.memory_space<hbm>>
        %dma_start3A_29 = arith.constant 0 : i32
        %dma_start3A_30 = tpu.memref_slice %arg5[%dma_start3A_29] : memref<9984xi32, #tpu.memory_space<vmem>> -> memref<512xi32, #tpu.memory_space<vmem>>
        %dma_start3A_31 = tpu.memref_slice %arg2[%run_scoped3A_19, %multiple_of3A_18] : memref<2x320000xi32, #tpu.memory_space<hbm>> -> memref<1x512xi32, #tpu.memory_space<hbm>>
        %dma_start3A_32 = tpu.memref_squeeze %dma_start3A_31 : memref<1x512xi32, #tpu.memory_space<hbm>> -> memref<512xi32, #tpu.memory_space<hbm>>
        tpu.enqueue_dma source(%dma_start3A_32 : memref<512xi32, #tpu.memory_space<hbm>>) target(%dma_start3A_30 : memref<512xi32, #tpu.memory_space<vmem>>) target_semaphore(%run_scoped3A_25 : memref<!tpu.dma_semaphore, #tpu.memory_space<semaphore_mem>>)
        %dma_wait3A = arith.constant 0 : i32
        %dma_wait3A_33 = tpu.memref_slice %arg5[%dma_wait3A] : memref<9984xi32, #tpu.memory_space<vmem>> -> memref<512xi32, #tpu.memory_space<vmem>>
        %dma_wait3A_34 = tpu.memref_slice %arg2[%run_scoped3A_19, %multiple_of3A_18] : memref<2x320000xi32, #tpu.memory_space<hbm>> -> memref<1x512xi32, #tpu.memory_space<hbm>>
        %dma_wait3A_35 = tpu.memref_squeeze %dma_wait3A_34 : memref<1x512xi32, #tpu.memory_space<hbm>> -> memref<512xi32, #tpu.memory_space<hbm>>
        %dma_wait3A_36 = arith.constant 0 : i32
        %dma_wait3A_37 = tpu.memref_slice %arg5[%dma_wait3A_36] : memref<9984xi32, #tpu.memory_space<vmem>> -> memref<512xi32, #tpu.memory_space<vmem>>
        %dma_wait3A_38 = tpu.memref_slice %arg2[%run_scoped3A_19, %multiple_of3A_18] : memref<2x320000xi32, #tpu.memory_space<hbm>> -> memref<1x512xi32, #tpu.memory_space<hbm>>
        %dma_wait3A_39 = tpu.memref_squeeze %dma_wait3A_38 : memref<1x512xi32, #tpu.memory_space<hbm>> -> memref<512xi32, #tpu.memory_space<hbm>>
        tpu.wait_dma2 semaphore(%run_scoped3A_25 : memref<!tpu.dma_semaphore, #tpu.memory_space<semaphore_mem>>) src(%dma_wait3A_39 : memref<512xi32, #tpu.memory_space<hbm>>) dst(%dma_wait3A_37 : memref<512xi32, #tpu.memory_space<vmem>>)
        tpu.yield
      }) : () -> ()
      %scan3A_20 = arith.constant 0 : i32
      %scan3A_21 = arith.constant 32 : i32
      %scan3A_22 = arith.addi %scan3A_20, %scan3A_21 : i32
      %scan3A_23 = arith.constant 4 : i32
      scf.for %scan3A_25 = %scan3A_20 to %scan3A_22 step %scan3A_23  : i32 {
        %mul3A_26 = arith.constant 16 : i32
        %mul3A_27 = arith.muli %scan3A_25, %mul3A_26 : i32
        %get3A = arith.index_cast %mul3A_27 : i32 to index
        %get3A_28 = tpu.vector_load %arg5[%get3A] {strides = array<i32>} : memref<9984xi32, #tpu.memory_space<vmem>>, vector<16xi32>,
        tpu.vector_store_idx %arg4[%get3A_28], %broadcast_in_dim3A_3 {add = true} : memref<10240xf32, #tpu.memory_space<vmem>>[vector<16xi32>], vector<16xf32>,
        %scan3A_29 = arith.constant 1 : i32
        %scan3A_30 = arith.addi %scan3A_25, %scan3A_29 : i32
        %mul3A_31 = arith.constant 16 : i32
        %mul3A_32 = arith.muli %scan3A_30, %mul3A_31 : i32
        %get3A_33 = arith.index_cast %mul3A_32 : i32 to index
        %get3A_34 = tpu.vector_load %arg5[%get3A_33] {strides = array<i32>} : memref<9984xi32, #tpu.memory_space<vmem>>, vector<16xi32>,
        tpu.vector_store_idx %arg4[%get3A_34], %broadcast_in_dim3A_3 {add = true} : memref<10240xf32, #tpu.memory_space<vmem>>[vector<16xi32>], vector<16xf32>,
        %scan3A_35 = arith.constant 2 : i32
        %scan3A_36 = arith.addi %scan3A_25, %scan3A_35 : i32
        %mul3A_37 = arith.constant 16 : i32
        %mul3A_38 = arith.muli %scan3A_36, %mul3A_37 : i32
        %get3A_39 = arith.index_cast %mul3A_38 : i32 to index
        %get3A_40 = tpu.vector_load %arg5[%get3A_39] {strides = array<i32>} : memref<9984xi32, #tpu.memory_space<vmem>>, vector<16xi32>,
        tpu.vector_store_idx %arg4[%get3A_40], %broadcast_in_dim3A_3 {add = true} : memref<10240xf32, #tpu.memory_space<vmem>>[vector<16xi32>], vector<16xf32>,
        %scan3A_41 = arith.constant 3 : i32
        %scan3A_42 = arith.addi %scan3A_25, %scan3A_41 : i32
        %mul3A_43 = arith.constant 16 : i32
        %mul3A_44 = arith.muli %scan3A_42, %mul3A_43 : i32
        %get3A_45 = arith.index_cast %mul3A_44 : i32 to index
        %get3A_46 = tpu.vector_load %arg5[%get3A_45] {strides = array<i32>} : memref<9984xi32, #tpu.memory_space<vmem>>, vector<16xi32>,
        tpu.vector_store_idx %arg4[%get3A_46], %broadcast_in_dim3A_3 {add = true} : memref<10240xf32, #tpu.memory_space<vmem>>[vector<16xi32>], vector<16xf32>,
      }
      %scan3A_24 = arith.constant 32 : i32
    } else {
    }
    "tpu.region"() ({
      %run_scoped3A_17 = tpu.sem_alloc : memref<!tpu.dma_semaphore, #tpu.memory_space<semaphore_mem>>
      %dma_start3A = arith.constant 0 : i32
      %dma_start3A_18 = tpu.memref_slice %arg3[%add3A, %dma_start3A] : memref<32x10240xf32, #tpu.memory_space<hbm>> -> memref<1x10240xf32, #tpu.memory_space<hbm>>
      %dma_start3A_19 = tpu.memref_squeeze %dma_start3A_18 : memref<1x10240xf32, #tpu.memory_space<hbm>> -> memref<10240xf32, #tpu.memory_space<hbm>>
      %dma_start3A_20 = arith.constant 0 : i32
      %dma_start3A_21 = tpu.memref_slice %arg3[%add3A, %dma_start3A_20] : memref<32x10240xf32, #tpu.memory_space<hbm>> -> memref<1x10240xf32, #tpu.memory_space<hbm>>
      %dma_start3A_22 = tpu.memref_squeeze %dma_start3A_21 : memref<1x10240xf32, #tpu.memory_space<hbm>> -> memref<10240xf32, #tpu.memory_space<hbm>>
      tpu.enqueue_dma source(%arg4 : memref<10240xf32, #tpu.memory_space<vmem>>) target(%dma_start3A_22 : memref<10240xf32, #tpu.memory_space<hbm>>) target_semaphore(%run_scoped3A_17 : memref<!tpu.dma_semaphore, #tpu.memory_space<semaphore_mem>>)
      %dma_wait3A = arith.constant 0 : i32
      %dma_wait3A_23 = tpu.memref_slice %arg3[%add3A, %dma_wait3A] : memref<32x10240xf32, #tpu.memory_space<hbm>> -> memref<1x10240xf32, #tpu.memory_space<hbm>>
      %dma_wait3A_24 = tpu.memref_squeeze %dma_wait3A_23 : memref<1x10240xf32, #tpu.memory_space<hbm>> -> memref<10240xf32, #tpu.memory_space<hbm>>
      %dma_wait3A_25 = arith.constant 0 : i32
      %dma_wait3A_26 = tpu.memref_slice %arg3[%add3A, %dma_wait3A_25] : memref<32x10240xf32, #tpu.memory_space<hbm>> -> memref<1x10240xf32, #tpu.memory_space<hbm>>
      %dma_wait3A_27 = tpu.memref_squeeze %dma_wait3A_26 : memref<1x10240xf32, #tpu.memory_space<hbm>> -> memref<10240xf32, #tpu.memory_space<hbm>>
      tpu.wait_dma2 semaphore(%run_scoped3A_17 : memref<!tpu.dma_semaphore, #tpu.memory_space<semaphore_mem>>) src(%arg4 : memref<10240xf32, #tpu.memory_space<vmem>>) dst(%dma_wait3A_27 : memref<10240xf32, #tpu.memory_space<hbm>>)
      tpu.yield
    }) : () -> ()
    return
  }
}

#map = affine_map<(d0, d1) -> (0, 0)>
module attributes {stable_mosaic.version = 14 : i64} {
  func.func @_sc_scatter(%arg0: i32, %arg1: i32, %arg2: memref<2x320000xi32, #tpu.memory_space<hbm>>, %arg3: memref<10240x128xf32, #tpu.memory_space<hbm>>, %arg4: memref<10240x128xf32, #tpu.memory_space<hbm>>, %arg5: memref<10240x128xf32, #tpu.memory_space<hbm>>, %arg6: memref<2x3328xi32, #tpu.memory_space<vmem>>, %arg7: memref<2x3328xi32, #tpu.memory_space<vmem>>, %arg8: memref<128x128xf32, #tpu.memory_space<vmem>>, %arg9: memref<128x128xf32, #tpu.memory_space<vmem>>, %arg10: memref<16x128xf32, #tpu.memory_space<vmem>>, %arg11: memref<10240x128xf32, #tpu.memory_space<vmem_shared>>, %arg12: memref<!tpu.dma_semaphore, #tpu.memory_space<semaphore_mem>>, %arg13: memref<!tpu.dma_semaphore, #tpu.memory_space<semaphore_mem>>, %arg14: memref<!tpu.dma_semaphore, #tpu.memory_space<semaphore_mem>>, %arg15: memref<!tpu.dma_semaphore, #tpu.memory_space<semaphore_mem>>) attributes {dimension_semantics = [#tpu.dimension_semantics<core_parallel>, #tpu.dimension_semantics<subcore_parallel>], iteration_bounds = array<i64: 2, 16>, scalar_prefetch = 0 : i64, scratch_operands = 10 : i64, tpu.core_type = #tpu.core_type<sc_vector_subcore>, window_params = [{transform_indices = #map}, {transform_indices = #map}, {transform_indices = #map}, {transform_indices = #map}]} {
    %mul3A = arith.constant 16 : i32
    %mul3A_0 = arith.muli %arg0, %mul3A : i32
    %add3A = arith.addi %mul3A_0, %arg1 : i32
    %mul3A_1 = arith.constant 9984 : i32
    %mul3A_2 = arith.muli %add3A, %mul3A_1 : i32
    %add3A_3 = arith.constant 0 : i32
    %add3A_4 = arith.addi %mul3A_2, %add3A_3 : i32
    %multiple_of3A = tpu.assume_multiple %add3A_4, 128 : i32
    %dma_start3A = arith.constant 0 : i32
    %dma_start3A_5 = arith.constant 0 : i32
    %dma_start3A_6 = arith.constant 0 : i32
    %dma_start3A_7 = tpu.memref_slice %arg6[%dma_start3A_5, %dma_start3A_6] : memref<2x3328xi32, #tpu.memory_space<vmem>> -> memref<1x3328xi32, #tpu.memory_space<vmem>>
    %dma_start3A_8 = tpu.memref_squeeze %dma_start3A_7 : memref<1x3328xi32, #tpu.memory_space<vmem>> -> memref<3328xi32, #tpu.memory_space<vmem>>
    %dma_start3A_9 = tpu.memref_slice %arg2[%dma_start3A, %multiple_of3A] : memref<2x320000xi32, #tpu.memory_space<hbm>> -> memref<1x3328xi32, #tpu.memory_space<hbm>>
    %dma_start3A_10 = tpu.memref_squeeze %dma_start3A_9 : memref<1x3328xi32, #tpu.memory_space<hbm>> -> memref<3328xi32, #tpu.memory_space<hbm>>
    %dma_start3A_11 = arith.constant 0 : i32
    %dma_start3A_12 = tpu.memref_slice %arg6[%dma_start3A_5, %dma_start3A_11] : memref<2x3328xi32, #tpu.memory_space<vmem>> -> memref<1x3328xi32, #tpu.memory_space<vmem>>
    %dma_start3A_13 = tpu.memref_squeeze %dma_start3A_12 : memref<1x3328xi32, #tpu.memory_space<vmem>> -> memref<3328xi32, #tpu.memory_space<vmem>>
    %dma_start3A_14 = tpu.memref_slice %arg2[%dma_start3A, %multiple_of3A] : memref<2x320000xi32, #tpu.memory_space<hbm>> -> memref<1x3328xi32, #tpu.memory_space<hbm>>
    %dma_start3A_15 = tpu.memref_squeeze %dma_start3A_14 : memref<1x3328xi32, #tpu.memory_space<hbm>> -> memref<3328xi32, #tpu.memory_space<hbm>>
    tpu.enqueue_dma source(%dma_start3A_15 : memref<3328xi32, #tpu.memory_space<hbm>>) target(%dma_start3A_13 : memref<3328xi32, #tpu.memory_space<vmem>>) target_semaphore(%arg14 : memref<!tpu.dma_semaphore, #tpu.memory_space<semaphore_mem>>)
    %dma_start3A_16 = arith.constant 1 : i32
    %dma_start3A_17 = arith.constant 0 : i32
    %dma_start3A_18 = arith.constant 0 : i32
    %dma_start3A_19 = tpu.memref_slice %arg7[%dma_start3A_17, %dma_start3A_18] : memref<2x3328xi32, #tpu.memory_space<vmem>> -> memref<1x3328xi32, #tpu.memory_space<vmem>>
    %dma_start3A_20 = tpu.memref_squeeze %dma_start3A_19 : memref<1x3328xi32, #tpu.memory_space<vmem>> -> memref<3328xi32, #tpu.memory_space<vmem>>
    %dma_start3A_21 = tpu.memref_slice %arg2[%dma_start3A_16, %multiple_of3A] : memref<2x320000xi32, #tpu.memory_space<hbm>> -> memref<1x3328xi32, #tpu.memory_space<hbm>>
    %dma_start3A_22 = tpu.memref_squeeze %dma_start3A_21 : memref<1x3328xi32, #tpu.memory_space<hbm>> -> memref<3328xi32, #tpu.memory_space<hbm>>
    %dma_start3A_23 = arith.constant 0 : i32
    %dma_start3A_24 = tpu.memref_slice %arg7[%dma_start3A_17, %dma_start3A_23] : memref<2x3328xi32, #tpu.memory_space<vmem>> -> memref<1x3328xi32, #tpu.memory_space<vmem>>
    %dma_start3A_25 = tpu.memref_squeeze %dma_start3A_24 : memref<1x3328xi32, #tpu.memory_space<vmem>> -> memref<3328xi32, #tpu.memory_space<vmem>>
    %dma_start3A_26 = tpu.memref_slice %arg2[%dma_start3A_16, %multiple_of3A] : memref<2x320000xi32, #tpu.memory_space<hbm>> -> memref<1x3328xi32, #tpu.memory_space<hbm>>
    %dma_start3A_27 = tpu.memref_squeeze %dma_start3A_26 : memref<1x3328xi32, #tpu.memory_space<hbm>> -> memref<3328xi32, #tpu.memory_space<hbm>>
    tpu.enqueue_dma source(%dma_start3A_27 : memref<3328xi32, #tpu.memory_space<hbm>>) target(%dma_start3A_25 : memref<3328xi32, #tpu.memory_space<vmem>>) target_semaphore(%arg14 : memref<!tpu.dma_semaphore, #tpu.memory_space<semaphore_mem>>)
    %broadcast_in_dim3A = arith.constant 0.000000e+00 : f32
    %broadcast_in_dim3A_28 = vector.broadcast %broadcast_in_dim3A : f32 to vector<16xf32>
    %swap3A = arith.constant 0 : i32
    %swap3A_29 = arith.index_cast %swap3A : i32 to index
    %swap3A_30 = arith.constant 0 : index
    %swap3A_31 = tpu.vector_load %arg10[%swap3A_29, %swap3A_30] {strides = array<i32>} : memref<16x128xf32, #tpu.memory_space<vmem>>, vector<16xf32>,
    tpu.vector_store %arg10[%swap3A_29, %swap3A_30], %broadcast_in_dim3A_28 {strides = array<i32>} : memref<16x128xf32, #tpu.memory_space<vmem>>, vector<16xf32>,
    %swap3A_32 = arith.constant 0 : i32
    %swap3A_33 = arith.index_cast %swap3A_32 : i32 to index
    %swap3A_34 = arith.constant 16 : index
    %swap3A_35 = tpu.vector_load %arg10[%swap3A_33, %swap3A_34] {strides = array<i32>} : memref<16x128xf32, #tpu.memory_space<vmem>>, vector<16xf32>,
    tpu.vector_store %arg10[%swap3A_33, %swap3A_34], %broadcast_in_dim3A_28 {strides = array<i32>} : memref<16x128xf32, #tpu.memory_space<vmem>>, vector<16xf32>,
    %swap3A_36 = arith.constant 0 : i32
    %swap3A_37 = arith.index_cast %swap3A_36 : i32 to index
    %swap3A_38 = arith.constant 32 : index
    %swap3A_39 = tpu.vector_load %arg10[%swap3A_37, %swap3A_38] {strides = array<i32>} : memref<16x128xf32, #tpu.memory_space<vmem>>, vector<16xf32>,
    tpu.vector_store %arg10[%swap3A_37, %swap3A_38], %broadcast_in_dim3A_28 {strides = array<i32>} : memref<16x128xf32, #tpu.memory_space<vmem>>, vector<16xf32>,
    %swap3A_40 = arith.constant 0 : i32
    %swap3A_41 = arith.index_cast %swap3A_40 : i32 to index
    %swap3A_42 = arith.constant 48 : index
    %swap3A_43 = tpu.vector_load %arg10[%swap3A_41, %swap3A_42] {strides = array<i32>} : memref<16x128xf32, #tpu.memory_space<vmem>>, vector<16xf32>,
    tpu.vector_store %arg10[%swap3A_41, %swap3A_42], %broadcast_in_dim3A_28 {strides = array<i32>} : memref<16x128xf32, #tpu.memory_space<vmem>>, vector<16xf32>,
    %swap3A_44 = arith.constant 0 : i32
    %swap3A_45 = arith.index_cast %swap3A_44 : i32 to index
    %swap3A_46 = arith.constant 64 : index
    %swap3A_47 = tpu.vector_load %arg10[%swap3A_45, %swap3A_46] {strides = array<i32>} : memref<16x128xf32, #tpu.memory_space<vmem>>, vector<16xf32>,
    tpu.vector_store %arg10[%swap3A_45, %swap3A_46], %broadcast_in_dim3A_28 {strides = array<i32>} : memref<16x128xf32, #tpu.memory_space<vmem>>, vector<16xf32>,
    %swap3A_48 = arith.constant 0 : i32
    %swap3A_49 = arith.index_cast %swap3A_48 : i32 to index
    %swap3A_50 = arith.constant 80 : index
    %swap3A_51 = tpu.vector_load %arg10[%swap3A_49, %swap3A_50] {strides = array<i32>} : memref<16x128xf32, #tpu.memory_space<vmem>>, vector<16xf32>,
    tpu.vector_store %arg10[%swap3A_49, %swap3A_50], %broadcast_in_dim3A_28 {strides = array<i32>} : memref<16x128xf32, #tpu.memory_space<vmem>>, vector<16xf32>,
    %swap3A_52 = arith.constant 0 : i32
    %swap3A_53 = arith.index_cast %swap3A_52 : i32 to index
    %swap3A_54 = arith.constant 96 : index
    %swap3A_55 = tpu.vector_load %arg10[%swap3A_53, %swap3A_54] {strides = array<i32>} : memref<16x128xf32, #tpu.memory_space<vmem>>, vector<16xf32>,
    tpu.vector_store %arg10[%swap3A_53, %swap3A_54], %broadcast_in_dim3A_28 {strides = array<i32>} : memref<16x128xf32, #tpu.memory_space<vmem>>, vector<16xf32>,
    %swap3A_56 = arith.constant 0 : i32
    %swap3A_57 = arith.index_cast %swap3A_56 : i32 to index
    %swap3A_58 = arith.constant 112 : index
    %swap3A_59 = tpu.vector_load %arg10[%swap3A_57, %swap3A_58] {strides = array<i32>} : memref<16x128xf32, #tpu.memory_space<vmem>>, vector<16xf32>,
    tpu.vector_store %arg10[%swap3A_57, %swap3A_58], %broadcast_in_dim3A_28 {strides = array<i32>} : memref<16x128xf32, #tpu.memory_space<vmem>>, vector<16xf32>,
    %swap3A_60 = arith.constant 1 : i32
    %swap3A_61 = arith.index_cast %swap3A_60 : i32 to index
    %swap3A_62 = arith.constant 0 : index
    %swap3A_63 = tpu.vector_load %arg10[%swap3A_61, %swap3A_62] {strides = array<i32>} : memref<16x128xf32, #tpu.memory_space<vmem>>, vector<16xf32>,
    tpu.vector_store %arg10[%swap3A_61, %swap3A_62], %broadcast_in_dim3A_28 {strides = array<i32>} : memref<16x128xf32, #tpu.memory_space<vmem>>, vector<16xf32>,
    %swap3A_64 = arith.constant 1 : i32
    %swap3A_65 = arith.index_cast %swap3A_64 : i32 to index
    %swap3A_66 = arith.constant 16 : index
    %swap3A_67 = tpu.vector_load %arg10[%swap3A_65, %swap3A_66] {strides = array<i32>} : memref<16x128xf32, #tpu.memory_space<vmem>>, vector<16xf32>,
    tpu.vector_store %arg10[%swap3A_65, %swap3A_66], %broadcast_in_dim3A_28 {strides = array<i32>} : memref<16x128xf32, #tpu.memory_space<vmem>>, vector<16xf32>,
    %swap3A_68 = arith.constant 1 : i32
    %swap3A_69 = arith.index_cast %swap3A_68 : i32 to index
    %swap3A_70 = arith.constant 32 : index
    %swap3A_71 = tpu.vector_load %arg10[%swap3A_69, %swap3A_70] {strides = array<i32>} : memref<16x128xf32, #tpu.memory_space<vmem>>, vector<16xf32>,
    tpu.vector_store %arg10[%swap3A_69, %swap3A_70], %broadcast_in_dim3A_28 {strides = array<i32>} : memref<16x128xf32, #tpu.memory_space<vmem>>, vector<16xf32>,
    %swap3A_72 = arith.constant 1 : i32
    %swap3A_73 = arith.index_cast %swap3A_72 : i32 to index
    %swap3A_74 = arith.constant 48 : index
    %swap3A_75 = tpu.vector_load %arg10[%swap3A_73, %swap3A_74] {strides = array<i32>} : memref<16x128xf32, #tpu.memory_space<vmem>>, vector<16xf32>,
    tpu.vector_store %arg10[%swap3A_73, %swap3A_74], %broadcast_in_dim3A_28 {strides = array<i32>} : memref<16x128xf32, #tpu.memory_space<vmem>>, vector<16xf32>,
    %swap3A_76 = arith.constant 1 : i32
    %swap3A_77 = arith.index_cast %swap3A_76 : i32 to index
    %swap3A_78 = arith.constant 64 : index
    %swap3A_79 = tpu.vector_load %arg10[%swap3A_77, %swap3A_78] {strides = array<i32>} : memref<16x128xf32, #tpu.memory_space<vmem>>, vector<16xf32>,
    tpu.vector_store %arg10[%swap3A_77, %swap3A_78], %broadcast_in_dim3A_28 {strides = array<i32>} : memref<16x128xf32, #tpu.memory_space<vmem>>, vector<16xf32>,
    %swap3A_80 = arith.constant 1 : i32
    %swap3A_81 = arith.index_cast %swap3A_80 : i32 to index
    %swap3A_82 = arith.constant 80 : index
    %swap3A_83 = tpu.vector_load %arg10[%swap3A_81, %swap3A_82] {strides = array<i32>} : memref<16x128xf32, #tpu.memory_space<vmem>>, vector<16xf32>,
    tpu.vector_store %arg10[%swap3A_81, %swap3A_82], %broadcast_in_dim3A_28 {strides = array<i32>} : memref<16x128xf32, #tpu.memory_space<vmem>>, vector<16xf32>,
    %swap3A_84 = arith.constant 1 : i32
    %swap3A_85 = arith.index_cast %swap3A_84 : i32 to index
    %swap3A_86 = arith.constant 96 : index
    %swap3A_87 = tpu.vector_load %arg10[%swap3A_85, %swap3A_86] {strides = array<i32>} : memref<16x128xf32, #tpu.memory_space<vmem>>, vector<16xf32>,
    tpu.vector_store %arg10[%swap3A_85, %swap3A_86], %broadcast_in_dim3A_28 {strides = array<i32>} : memref<16x128xf32, #tpu.memory_space<vmem>>, vector<16xf32>,
    %swap3A_88 = arith.constant 1 : i32
    %swap3A_89 = arith.index_cast %swap3A_88 : i32 to index
    %swap3A_90 = arith.constant 112 : index
    %swap3A_91 = tpu.vector_load %arg10[%swap3A_89, %swap3A_90] {strides = array<i32>} : memref<16x128xf32, #tpu.memory_space<vmem>>, vector<16xf32>,
    tpu.vector_store %arg10[%swap3A_89, %swap3A_90], %broadcast_in_dim3A_28 {strides = array<i32>} : memref<16x128xf32, #tpu.memory_space<vmem>>, vector<16xf32>,
    %swap3A_92 = arith.constant 2 : i32
    %swap3A_93 = arith.index_cast %swap3A_92 : i32 to index
    %swap3A_94 = arith.constant 0 : index
    %swap3A_95 = tpu.vector_load %arg10[%swap3A_93, %swap3A_94] {strides = array<i32>} : memref<16x128xf32, #tpu.memory_space<vmem>>, vector<16xf32>,
    tpu.vector_store %arg10[%swap3A_93, %swap3A_94], %broadcast_in_dim3A_28 {strides = array<i32>} : memref<16x128xf32, #tpu.memory_space<vmem>>, vector<16xf32>,
    %swap3A_96 = arith.constant 2 : i32
    %swap3A_97 = arith.index_cast %swap3A_96 : i32 to index
    %swap3A_98 = arith.constant 16 : index
    %swap3A_99 = tpu.vector_load %arg10[%swap3A_97, %swap3A_98] {strides = array<i32>} : memref<16x128xf32, #tpu.memory_space<vmem>>, vector<16xf32>,
    tpu.vector_store %arg10[%swap3A_97, %swap3A_98], %broadcast_in_dim3A_28 {strides = array<i32>} : memref<16x128xf32, #tpu.memory_space<vmem>>, vector<16xf32>,
    %swap3A_100 = arith.constant 2 : i32
    %swap3A_101 = arith.index_cast %swap3A_100 : i32 to index
    %swap3A_102 = arith.constant 32 : index
    %swap3A_103 = tpu.vector_load %arg10[%swap3A_101, %swap3A_102] {strides = array<i32>} : memref<16x128xf32, #tpu.memory_space<vmem>>, vector<16xf32>,
    tpu.vector_store %arg10[%swap3A_101, %swap3A_102], %broadcast_in_dim3A_28 {strides = array<i32>} : memref<16x128xf32, #tpu.memory_space<vmem>>, vector<16xf32>,
    %swap3A_104 = arith.constant 2 : i32
    %swap3A_105 = arith.index_cast %swap3A_104 : i32 to index
    %swap3A_106 = arith.constant 48 : index
    %swap3A_107 = tpu.vector_load %arg10[%swap3A_105, %swap3A_106] {strides = array<i32>} : memref<16x128xf32, #tpu.memory_space<vmem>>, vector<16xf32>,
    tpu.vector_store %arg10[%swap3A_105, %swap3A_106], %broadcast_in_dim3A_28 {strides = array<i32>} : memref<16x128xf32, #tpu.memory_space<vmem>>, vector<16xf32>,
    %swap3A_108 = arith.constant 2 : i32
    %swap3A_109 = arith.index_cast %swap3A_108 : i32 to index
    %swap3A_110 = arith.constant 64 : index
    %swap3A_111 = tpu.vector_load %arg10[%swap3A_109, %swap3A_110] {strides = array<i32>} : memref<16x128xf32, #tpu.memory_space<vmem>>, vector<16xf32>,
    tpu.vector_store %arg10[%swap3A_109, %swap3A_110], %broadcast_in_dim3A_28 {strides = array<i32>} : memref<16x128xf32, #tpu.memory_space<vmem>>, vector<16xf32>,
    %swap3A_112 = arith.constant 2 : i32
    %swap3A_113 = arith.index_cast %swap3A_112 : i32 to index
    %swap3A_114 = arith.constant 80 : index
    %swap3A_115 = tpu.vector_load %arg10[%swap3A_113, %swap3A_114] {strides = array<i32>} : memref<16x128xf32, #tpu.memory_space<vmem>>, vector<16xf32>,
    tpu.vector_store %arg10[%swap3A_113, %swap3A_114], %broadcast_in_dim3A_28 {strides = array<i32>} : memref<16x128xf32, #tpu.memory_space<vmem>>, vector<16xf32>,
    %swap3A_116 = arith.constant 2 : i32
    %swap3A_117 = arith.index_cast %swap3A_116 : i32 to index
    %swap3A_118 = arith.constant 96 : index
    %swap3A_119 = tpu.vector_load %arg10[%swap3A_117, %swap3A_118] {strides = array<i32>} : memref<16x128xf32, #tpu.memory_space<vmem>>, vector<16xf32>,
    tpu.vector_store %arg10[%swap3A_117, %swap3A_118], %broadcast_in_dim3A_28 {strides = array<i32>} : memref<16x128xf32, #tpu.memory_space<vmem>>, vector<16xf32>,
    %swap3A_120 = arith.constant 2 : i32
    %swap3A_121 = arith.index_cast %swap3A_120 : i32 to index
    %swap3A_122 = arith.constant 112 : index
    %swap3A_123 = tpu.vector_load %arg10[%swap3A_121, %swap3A_122] {strides = array<i32>} : memref<16x128xf32, #tpu.memory_space<vmem>>, vector<16xf32>,
    tpu.vector_store %arg10[%swap3A_121, %swap3A_122], %broadcast_in_dim3A_28 {strides = array<i32>} : memref<16x128xf32, #tpu.memory_space<vmem>>, vector<16xf32>,
    %swap3A_124 = arith.constant 3 : i32
    %swap3A_125 = arith.index_cast %swap3A_124 : i32 to index
    %swap3A_126 = arith.constant 0 : index
    %swap3A_127 = tpu.vector_load %arg10[%swap3A_125, %swap3A_126] {strides = array<i32>} : memref<16x128xf32, #tpu.memory_space<vmem>>, vector<16xf32>,
    tpu.vector_store %arg10[%swap3A_125, %swap3A_126], %broadcast_in_dim3A_28 {strides = array<i32>} : memref<16x128xf32, #tpu.memory_space<vmem>>, vector<16xf32>,
    %swap3A_128 = arith.constant 3 : i32
    %swap3A_129 = arith.index_cast %swap3A_128 : i32 to index
    %swap3A_130 = arith.constant 16 : index
    %swap3A_131 = tpu.vector_load %arg10[%swap3A_129, %swap3A_130] {strides = array<i32>} : memref<16x128xf32, #tpu.memory_space<vmem>>, vector<16xf32>,
    tpu.vector_store %arg10[%swap3A_129, %swap3A_130], %broadcast_in_dim3A_28 {strides = array<i32>} : memref<16x128xf32, #tpu.memory_space<vmem>>, vector<16xf32>,
    %swap3A_132 = arith.constant 3 : i32
    %swap3A_133 = arith.index_cast %swap3A_132 : i32 to index
    %swap3A_134 = arith.constant 32 : index
    %swap3A_135 = tpu.vector_load %arg10[%swap3A_133, %swap3A_134] {strides = array<i32>} : memref<16x128xf32, #tpu.memory_space<vmem>>, vector<16xf32>,
    tpu.vector_store %arg10[%swap3A_133, %swap3A_134], %broadcast_in_dim3A_28 {strides = array<i32>} : memref<16x128xf32, #tpu.memory_space<vmem>>, vector<16xf32>,
    %swap3A_136 = arith.constant 3 : i32
    %swap3A_137 = arith.index_cast %swap3A_136 : i32 to index
    %swap3A_138 = arith.constant 48 : index
    %swap3A_139 = tpu.vector_load %arg10[%swap3A_137, %swap3A_138] {strides = array<i32>} : memref<16x128xf32, #tpu.memory_space<vmem>>, vector<16xf32>,
    tpu.vector_store %arg10[%swap3A_137, %swap3A_138], %broadcast_in_dim3A_28 {strides = array<i32>} : memref<16x128xf32, #tpu.memory_space<vmem>>, vector<16xf32>,
    %swap3A_140 = arith.constant 3 : i32
    %swap3A_141 = arith.index_cast %swap3A_140 : i32 to index
    %swap3A_142 = arith.constant 64 : index
    %swap3A_143 = tpu.vector_load %arg10[%swap3A_141, %swap3A_142] {strides = array<i32>} : memref<16x128xf32, #tpu.memory_space<vmem>>, vector<16xf32>,
    tpu.vector_store %arg10[%swap3A_141, %swap3A_142], %broadcast_in_dim3A_28 {strides = array<i32>} : memref<16x128xf32, #tpu.memory_space<vmem>>, vector<16xf32>,
    %swap3A_144 = arith.constant 3 : i32
    %swap3A_145 = arith.index_cast %swap3A_144 : i32 to index
    %swap3A_146 = arith.constant 80 : index
    %swap3A_147 = tpu.vector_load %arg10[%swap3A_145, %swap3A_146] {strides = array<i32>} : memref<16x128xf32, #tpu.memory_space<vmem>>, vector<16xf32>,
    tpu.vector_store %arg10[%swap3A_145, %swap3A_146], %broadcast_in_dim3A_28 {strides = array<i32>} : memref<16x128xf32, #tpu.memory_space<vmem>>, vector<16xf32>,
    %swap3A_148 = arith.constant 3 : i32
    %swap3A_149 = arith.index_cast %swap3A_148 : i32 to index
    %swap3A_150 = arith.constant 96 : index
    %swap3A_151 = tpu.vector_load %arg10[%swap3A_149, %swap3A_150] {strides = array<i32>} : memref<16x128xf32, #tpu.memory_space<vmem>>, vector<16xf32>,
    tpu.vector_store %arg10[%swap3A_149, %swap3A_150], %broadcast_in_dim3A_28 {strides = array<i32>} : memref<16x128xf32, #tpu.memory_space<vmem>>, vector<16xf32>,
    %swap3A_152 = arith.constant 3 : i32
    %swap3A_153 = arith.index_cast %swap3A_152 : i32 to index
    %swap3A_154 = arith.constant 112 : index
    %swap3A_155 = tpu.vector_load %arg10[%swap3A_153, %swap3A_154] {strides = array<i32>} : memref<16x128xf32, #tpu.memory_space<vmem>>, vector<16xf32>,
    tpu.vector_store %arg10[%swap3A_153, %swap3A_154], %broadcast_in_dim3A_28 {strides = array<i32>} : memref<16x128xf32, #tpu.memory_space<vmem>>, vector<16xf32>,
    %swap3A_156 = arith.constant 4 : i32
    %swap3A_157 = arith.index_cast %swap3A_156 : i32 to index
    %swap3A_158 = arith.constant 0 : index
    %swap3A_159 = tpu.vector_load %arg10[%swap3A_157, %swap3A_158] {strides = array<i32>} : memref<16x128xf32, #tpu.memory_space<vmem>>, vector<16xf32>,
    tpu.vector_store %arg10[%swap3A_157, %swap3A_158], %broadcast_in_dim3A_28 {strides = array<i32>} : memref<16x128xf32, #tpu.memory_space<vmem>>, vector<16xf32>,
    %swap3A_160 = arith.constant 4 : i32
    %swap3A_161 = arith.index_cast %swap3A_160 : i32 to index
    %swap3A_162 = arith.constant 16 : index
    %swap3A_163 = tpu.vector_load %arg10[%swap3A_161, %swap3A_162] {strides = array<i32>} : memref<16x128xf32, #tpu.memory_space<vmem>>, vector<16xf32>,
    tpu.vector_store %arg10[%swap3A_161, %swap3A_162], %broadcast_in_dim3A_28 {strides = array<i32>} : memref<16x128xf32, #tpu.memory_space<vmem>>, vector<16xf32>,
    %swap3A_164 = arith.constant 4 : i32
    %swap3A_165 = arith.index_cast %swap3A_164 : i32 to index
    %swap3A_166 = arith.constant 32 : index
    %swap3A_167 = tpu.vector_load %arg10[%swap3A_165, %swap3A_166] {strides = array<i32>} : memref<16x128xf32, #tpu.memory_space<vmem>>, vector<16xf32>,
    tpu.vector_store %arg10[%swap3A_165, %swap3A_166], %broadcast_in_dim3A_28 {strides = array<i32>} : memref<16x128xf32, #tpu.memory_space<vmem>>, vector<16xf32>,
    %swap3A_168 = arith.constant 4 : i32
    %swap3A_169 = arith.index_cast %swap3A_168 : i32 to index
    %swap3A_170 = arith.constant 48 : index
    %swap3A_171 = tpu.vector_load %arg10[%swap3A_169, %swap3A_170] {strides = array<i32>} : memref<16x128xf32, #tpu.memory_space<vmem>>, vector<16xf32>,
    tpu.vector_store %arg10[%swap3A_169, %swap3A_170], %broadcast_in_dim3A_28 {strides = array<i32>} : memref<16x128xf32, #tpu.memory_space<vmem>>, vector<16xf32>,
    %swap3A_172 = arith.constant 4 : i32
    %swap3A_173 = arith.index_cast %swap3A_172 : i32 to index
    %swap3A_174 = arith.constant 64 : index
    %swap3A_175 = tpu.vector_load %arg10[%swap3A_173, %swap3A_174] {strides = array<i32>} : memref<16x128xf32, #tpu.memory_space<vmem>>, vector<16xf32>,
    tpu.vector_store %arg10[%swap3A_173, %swap3A_174], %broadcast_in_dim3A_28 {strides = array<i32>} : memref<16x128xf32, #tpu.memory_space<vmem>>, vector<16xf32>,
    %swap3A_176 = arith.constant 4 : i32
    %swap3A_177 = arith.index_cast %swap3A_176 : i32 to index
    %swap3A_178 = arith.constant 80 : index
    %swap3A_179 = tpu.vector_load %arg10[%swap3A_177, %swap3A_178] {strides = array<i32>} : memref<16x128xf32, #tpu.memory_space<vmem>>, vector<16xf32>,
    tpu.vector_store %arg10[%swap3A_177, %swap3A_178], %broadcast_in_dim3A_28 {strides = array<i32>} : memref<16x128xf32, #tpu.memory_space<vmem>>, vector<16xf32>,
    %swap3A_180 = arith.constant 4 : i32
    %swap3A_181 = arith.index_cast %swap3A_180 : i32 to index
    %swap3A_182 = arith.constant 96 : index
    %swap3A_183 = tpu.vector_load %arg10[%swap3A_181, %swap3A_182] {strides = array<i32>} : memref<16x128xf32, #tpu.memory_space<vmem>>, vector<16xf32>,
    tpu.vector_store %arg10[%swap3A_181, %swap3A_182], %broadcast_in_dim3A_28 {strides = array<i32>} : memref<16x128xf32, #tpu.memory_space<vmem>>, vector<16xf32>,
    %swap3A_184 = arith.constant 4 : i32
    %swap3A_185 = arith.index_cast %swap3A_184 : i32 to index
    %swap3A_186 = arith.constant 112 : index
    %swap3A_187 = tpu.vector_load %arg10[%swap3A_185, %swap3A_186] {strides = array<i32>} : memref<16x128xf32, #tpu.memory_space<vmem>>, vector<16xf32>,
    tpu.vector_store %arg10[%swap3A_185, %swap3A_186], %broadcast_in_dim3A_28 {strides = array<i32>} : memref<16x128xf32, #tpu.memory_space<vmem>>, vector<16xf32>,
    %swap3A_188 = arith.constant 5 : i32
    %swap3A_189 = arith.index_cast %swap3A_188 : i32 to index
    %swap3A_190 = arith.constant 0 : index
    %swap3A_191 = tpu.vector_load %arg10[%swap3A_189, %swap3A_190] {strides = array<i32>} : memref<16x128xf32, #tpu.memory_space<vmem>>, vector<16xf32>,
    tpu.vector_store %arg10[%swap3A_189, %swap3A_190], %broadcast_in_dim3A_28 {strides = array<i32>} : memref<16x128xf32, #tpu.memory_space<vmem>>, vector<16xf32>,
    %swap3A_192 = arith.constant 5 : i32
    %swap3A_193 = arith.index_cast %swap3A_192 : i32 to index
    %swap3A_194 = arith.constant 16 : index
    %swap3A_195 = tpu.vector_load %arg10[%swap3A_193, %swap3A_194] {strides = array<i32>} : memref<16x128xf32, #tpu.memory_space<vmem>>, vector<16xf32>,
    tpu.vector_store %arg10[%swap3A_193, %swap3A_194], %broadcast_in_dim3A_28 {strides = array<i32>} : memref<16x128xf32, #tpu.memory_space<vmem>>, vector<16xf32>,
    %swap3A_196 = arith.constant 5 : i32
    %swap3A_197 = arith.index_cast %swap3A_196 : i32 to index
    %swap3A_198 = arith.constant 32 : index
    %swap3A_199 = tpu.vector_load %arg10[%swap3A_197, %swap3A_198] {strides = array<i32>} : memref<16x128xf32, #tpu.memory_space<vmem>>, vector<16xf32>,
    tpu.vector_store %arg10[%swap3A_197, %swap3A_198], %broadcast_in_dim3A_28 {strides = array<i32>} : memref<16x128xf32, #tpu.memory_space<vmem>>, vector<16xf32>,
    %swap3A_200 = arith.constant 5 : i32
    %swap3A_201 = arith.index_cast %swap3A_200 : i32 to index
    %swap3A_202 = arith.constant 48 : index
    %swap3A_203 = tpu.vector_load %arg10[%swap3A_201, %swap3A_202] {strides = array<i32>} : memref<16x128xf32, #tpu.memory_space<vmem>>, vector<16xf32>,
    tpu.vector_store %arg10[%swap3A_201, %swap3A_202], %broadcast_in_dim3A_28 {strides = array<i32>} : memref<16x128xf32, #tpu.memory_space<vmem>>, vector<16xf32>,
    %swap3A_204 = arith.constant 5 : i32
    %swap3A_205 = arith.index_cast %swap3A_204 : i32 to index
    %swap3A_206 = arith.constant 64 : index
    %swap3A_207 = tpu.vector_load %arg10[%swap3A_205, %swap3A_206] {strides = array<i32>} : memref<16x128xf32, #tpu.memory_space<vmem>>, vector<16xf32>,
    tpu.vector_store %arg10[%swap3A_205, %swap3A_206], %broadcast_in_dim3A_28 {strides = array<i32>} : memref<16x128xf32, #tpu.memory_space<vmem>>, vector<16xf32>,
    %swap3A_208 = arith.constant 5 : i32
    %swap3A_209 = arith.index_cast %swap3A_208 : i32 to index
    %swap3A_210 = arith.constant 80 : index
    %swap3A_211 = tpu.vector_load %arg10[%swap3A_209, %swap3A_210] {strides = array<i32>} : memref<16x128xf32, #tpu.memory_space<vmem>>, vector<16xf32>,
    tpu.vector_store %arg10[%swap3A_209, %swap3A_210], %broadcast_in_dim3A_28 {strides = array<i32>} : memref<16x128xf32, #tpu.memory_space<vmem>>, vector<16xf32>,
    %swap3A_212 = arith.constant 5 : i32
    %swap3A_213 = arith.index_cast %swap3A_212 : i32 to index
    %swap3A_214 = arith.constant 96 : index
    %swap3A_215 = tpu.vector_load %arg10[%swap3A_213, %swap3A_214] {strides = array<i32>} : memref<16x128xf32, #tpu.memory_space<vmem>>, vector<16xf32>,
    tpu.vector_store %arg10[%swap3A_213, %swap3A_214], %broadcast_in_dim3A_28 {strides = array<i32>} : memref<16x128xf32, #tpu.memory_space<vmem>>, vector<16xf32>,
    %swap3A_216 = arith.constant 5 : i32
    %swap3A_217 = arith.index_cast %swap3A_216 : i32 to index
    %swap3A_218 = arith.constant 112 : index
    %swap3A_219 = tpu.vector_load %arg10[%swap3A_217, %swap3A_218] {strides = array<i32>} : memref<16x128xf32, #tpu.memory_space<vmem>>, vector<16xf32>,
    tpu.vector_store %arg10[%swap3A_217, %swap3A_218], %broadcast_in_dim3A_28 {strides = array<i32>} : memref<16x128xf32, #tpu.memory_space<vmem>>, vector<16xf32>,
    %swap3A_220 = arith.constant 6 : i32
    %swap3A_221 = arith.index_cast %swap3A_220 : i32 to index
    %swap3A_222 = arith.constant 0 : index
    %swap3A_223 = tpu.vector_load %arg10[%swap3A_221, %swap3A_222] {strides = array<i32>} : memref<16x128xf32, #tpu.memory_space<vmem>>, vector<16xf32>,
    tpu.vector_store %arg10[%swap3A_221, %swap3A_222], %broadcast_in_dim3A_28 {strides = array<i32>} : memref<16x128xf32, #tpu.memory_space<vmem>>, vector<16xf32>,
    %swap3A_224 = arith.constant 6 : i32
    %swap3A_225 = arith.index_cast %swap3A_224 : i32 to index
    %swap3A_226 = arith.constant 16 : index
    %swap3A_227 = tpu.vector_load %arg10[%swap3A_225, %swap3A_226] {strides = array<i32>} : memref<16x128xf32, #tpu.memory_space<vmem>>, vector<16xf32>,
    tpu.vector_store %arg10[%swap3A_225, %swap3A_226], %broadcast_in_dim3A_28 {strides = array<i32>} : memref<16x128xf32, #tpu.memory_space<vmem>>, vector<16xf32>,
    %swap3A_228 = arith.constant 6 : i32
    %swap3A_229 = arith.index_cast %swap3A_228 : i32 to index
    %swap3A_230 = arith.constant 32 : index
    %swap3A_231 = tpu.vector_load %arg10[%swap3A_229, %swap3A_230] {strides = array<i32>} : memref<16x128xf32, #tpu.memory_space<vmem>>, vector<16xf32>,
    tpu.vector_store %arg10[%swap3A_229, %swap3A_230], %broadcast_in_dim3A_28 {strides = array<i32>} : memref<16x128xf32, #tpu.memory_space<vmem>>, vector<16xf32>,
    %swap3A_232 = arith.constant 6 : i32
    %swap3A_233 = arith.index_cast %swap3A_232 : i32 to index
    %swap3A_234 = arith.constant 48 : index
    %swap3A_235 = tpu.vector_load %arg10[%swap3A_233, %swap3A_234] {strides = array<i32>} : memref<16x128xf32, #tpu.memory_space<vmem>>, vector<16xf32>,
    tpu.vector_store %arg10[%swap3A_233, %swap3A_234], %broadcast_in_dim3A_28 {strides = array<i32>} : memref<16x128xf32, #tpu.memory_space<vmem>>, vector<16xf32>,
    %swap3A_236 = arith.constant 6 : i32
    %swap3A_237 = arith.index_cast %swap3A_236 : i32 to index
    %swap3A_238 = arith.constant 64 : index
    %swap3A_239 = tpu.vector_load %arg10[%swap3A_237, %swap3A_238] {strides = array<i32>} : memref<16x128xf32, #tpu.memory_space<vmem>>, vector<16xf32>,
    tpu.vector_store %arg10[%swap3A_237, %swap3A_238], %broadcast_in_dim3A_28 {strides = array<i32>} : memref<16x128xf32, #tpu.memory_space<vmem>>, vector<16xf32>,
    %swap3A_240 = arith.constant 6 : i32
    %swap3A_241 = arith.index_cast %swap3A_240 : i32 to index
    %swap3A_242 = arith.constant 80 : index
    %swap3A_243 = tpu.vector_load %arg10[%swap3A_241, %swap3A_242] {strides = array<i32>} : memref<16x128xf32, #tpu.memory_space<vmem>>, vector<16xf32>,
    tpu.vector_store %arg10[%swap3A_241, %swap3A_242], %broadcast_in_dim3A_28 {strides = array<i32>} : memref<16x128xf32, #tpu.memory_space<vmem>>, vector<16xf32>,
    %swap3A_244 = arith.constant 6 : i32
    %swap3A_245 = arith.index_cast %swap3A_244 : i32 to index
    %swap3A_246 = arith.constant 96 : index
    %swap3A_247 = tpu.vector_load %arg10[%swap3A_245, %swap3A_246] {strides = array<i32>} : memref<16x128xf32, #tpu.memory_space<vmem>>, vector<16xf32>,
    tpu.vector_store %arg10[%swap3A_245, %swap3A_246], %broadcast_in_dim3A_28 {strides = array<i32>} : memref<16x128xf32, #tpu.memory_space<vmem>>, vector<16xf32>,
    %swap3A_248 = arith.constant 6 : i32
    %swap3A_249 = arith.index_cast %swap3A_248 : i32 to index
    %swap3A_250 = arith.constant 112 : index
    %swap3A_251 = tpu.vector_load %arg10[%swap3A_249, %swap3A_250] {strides = array<i32>} : memref<16x128xf32, #tpu.memory_space<vmem>>, vector<16xf32>,
    tpu.vector_store %arg10[%swap3A_249, %swap3A_250], %broadcast_in_dim3A_28 {strides = array<i32>} : memref<16x128xf32, #tpu.memory_space<vmem>>, vector<16xf32>,
    %swap3A_252 = arith.constant 7 : i32
    %swap3A_253 = arith.index_cast %swap3A_252 : i32 to index
    %swap3A_254 = arith.constant 0 : index
    %swap3A_255 = tpu.vector_load %arg10[%swap3A_253, %swap3A_254] {strides = array<i32>} : memref<16x128xf32, #tpu.memory_space<vmem>>, vector<16xf32>,
    tpu.vector_store %arg10[%swap3A_253, %swap3A_254], %broadcast_in_dim3A_28 {strides = array<i32>} : memref<16x128xf32, #tpu.memory_space<vmem>>, vector<16xf32>,
    %swap3A_256 = arith.constant 7 : i32
    %swap3A_257 = arith.index_cast %swap3A_256 : i32 to index
    %swap3A_258 = arith.constant 16 : index
    %swap3A_259 = tpu.vector_load %arg10[%swap3A_257, %swap3A_258] {strides = array<i32>} : memref<16x128xf32, #tpu.memory_space<vmem>>, vector<16xf32>,
    tpu.vector_store %arg10[%swap3A_257, %swap3A_258], %broadcast_in_dim3A_28 {strides = array<i32>} : memref<16x128xf32, #tpu.memory_space<vmem>>, vector<16xf32>,
    %swap3A_260 = arith.constant 7 : i32
    %swap3A_261 = arith.index_cast %swap3A_260 : i32 to index
    %swap3A_262 = arith.constant 32 : index
    %swap3A_263 = tpu.vector_load %arg10[%swap3A_261, %swap3A_262] {strides = array<i32>} : memref<16x128xf32, #tpu.memory_space<vmem>>, vector<16xf32>,
    tpu.vector_store %arg10[%swap3A_261, %swap3A_262], %broadcast_in_dim3A_28 {strides = array<i32>} : memref<16x128xf32, #tpu.memory_space<vmem>>, vector<16xf32>,
    %swap3A_264 = arith.constant 7 : i32
    %swap3A_265 = arith.index_cast %swap3A_264 : i32 to index
    %swap3A_266 = arith.constant 48 : index
    %swap3A_267 = tpu.vector_load %arg10[%swap3A_265, %swap3A_266] {strides = array<i32>} : memref<16x128xf32, #tpu.memory_space<vmem>>, vector<16xf32>,
    tpu.vector_store %arg10[%swap3A_265, %swap3A_266], %broadcast_in_dim3A_28 {strides = array<i32>} : memref<16x128xf32, #tpu.memory_space<vmem>>, vector<16xf32>,
    %swap3A_268 = arith.constant 7 : i32
    %swap3A_269 = arith.index_cast %swap3A_268 : i32 to index
    %swap3A_270 = arith.constant 64 : index
    %swap3A_271 = tpu.vector_load %arg10[%swap3A_269, %swap3A_270] {strides = array<i32>} : memref<16x128xf32, #tpu.memory_space<vmem>>, vector<16xf32>,
    tpu.vector_store %arg10[%swap3A_269, %swap3A_270], %broadcast_in_dim3A_28 {strides = array<i32>} : memref<16x128xf32, #tpu.memory_space<vmem>>, vector<16xf32>,
    %swap3A_272 = arith.constant 7 : i32
    %swap3A_273 = arith.index_cast %swap3A_272 : i32 to index
    %swap3A_274 = arith.constant 80 : index
    %swap3A_275 = tpu.vector_load %arg10[%swap3A_273, %swap3A_274] {strides = array<i32>} : memref<16x128xf32, #tpu.memory_space<vmem>>, vector<16xf32>,
    tpu.vector_store %arg10[%swap3A_273, %swap3A_274], %broadcast_in_dim3A_28 {strides = array<i32>} : memref<16x128xf32, #tpu.memory_space<vmem>>, vector<16xf32>,
    %swap3A_276 = arith.constant 7 : i32
    %swap3A_277 = arith.index_cast %swap3A_276 : i32 to index
    %swap3A_278 = arith.constant 96 : index
    %swap3A_279 = tpu.vector_load %arg10[%swap3A_277, %swap3A_278] {strides = array<i32>} : memref<16x128xf32, #tpu.memory_space<vmem>>, vector<16xf32>,
    tpu.vector_store %arg10[%swap3A_277, %swap3A_278], %broadcast_in_dim3A_28 {strides = array<i32>} : memref<16x128xf32, #tpu.memory_space<vmem>>, vector<16xf32>,
    %swap3A_280 = arith.constant 7 : i32
    %swap3A_281 = arith.index_cast %swap3A_280 : i32 to index
    %swap3A_282 = arith.constant 112 : index
    %swap3A_283 = tpu.vector_load %arg10[%swap3A_281, %swap3A_282] {strides = array<i32>} : memref<16x128xf32, #tpu.memory_space<vmem>>, vector<16xf32>,
    tpu.vector_store %arg10[%swap3A_281, %swap3A_282], %broadcast_in_dim3A_28 {strides = array<i32>} : memref<16x128xf32, #tpu.memory_space<vmem>>, vector<16xf32>,
    %swap3A_284 = arith.constant 8 : i32
    %swap3A_285 = arith.index_cast %swap3A_284 : i32 to index
    %swap3A_286 = arith.constant 0 : index
    %swap3A_287 = tpu.vector_load %arg10[%swap3A_285, %swap3A_286] {strides = array<i32>} : memref<16x128xf32, #tpu.memory_space<vmem>>, vector<16xf32>,
    tpu.vector_store %arg10[%swap3A_285, %swap3A_286], %broadcast_in_dim3A_28 {strides = array<i32>} : memref<16x128xf32, #tpu.memory_space<vmem>>, vector<16xf32>,
    %swap3A_288 = arith.constant 8 : i32
    %swap3A_289 = arith.index_cast %swap3A_288 : i32 to index
    %swap3A_290 = arith.constant 16 : index
    %swap3A_291 = tpu.vector_load %arg10[%swap3A_289, %swap3A_290] {strides = array<i32>} : memref<16x128xf32, #tpu.memory_space<vmem>>, vector<16xf32>,
    tpu.vector_store %arg10[%swap3A_289, %swap3A_290], %broadcast_in_dim3A_28 {strides = array<i32>} : memref<16x128xf32, #tpu.memory_space<vmem>>, vector<16xf32>,
    %swap3A_292 = arith.constant 8 : i32
    %swap3A_293 = arith.index_cast %swap3A_292 : i32 to index
    %swap3A_294 = arith.constant 32 : index
    %swap3A_295 = tpu.vector_load %arg10[%swap3A_293, %swap3A_294] {strides = array<i32>} : memref<16x128xf32, #tpu.memory_space<vmem>>, vector<16xf32>,
    tpu.vector_store %arg10[%swap3A_293, %swap3A_294], %broadcast_in_dim3A_28 {strides = array<i32>} : memref<16x128xf32, #tpu.memory_space<vmem>>, vector<16xf32>,
    %swap3A_296 = arith.constant 8 : i32
    %swap3A_297 = arith.index_cast %swap3A_296 : i32 to index
    %swap3A_298 = arith.constant 48 : index
    %swap3A_299 = tpu.vector_load %arg10[%swap3A_297, %swap3A_298] {strides = array<i32>} : memref<16x128xf32, #tpu.memory_space<vmem>>, vector<16xf32>,
    tpu.vector_store %arg10[%swap3A_297, %swap3A_298], %broadcast_in_dim3A_28 {strides = array<i32>} : memref<16x128xf32, #tpu.memory_space<vmem>>, vector<16xf32>,
    %swap3A_300 = arith.constant 8 : i32
    %swap3A_301 = arith.index_cast %swap3A_300 : i32 to index
    %swap3A_302 = arith.constant 64 : index
    %swap3A_303 = tpu.vector_load %arg10[%swap3A_301, %swap3A_302] {strides = array<i32>} : memref<16x128xf32, #tpu.memory_space<vmem>>, vector<16xf32>,
    tpu.vector_store %arg10[%swap3A_301, %swap3A_302], %broadcast_in_dim3A_28 {strides = array<i32>} : memref<16x128xf32, #tpu.memory_space<vmem>>, vector<16xf32>,
    %swap3A_304 = arith.constant 8 : i32
    %swap3A_305 = arith.index_cast %swap3A_304 : i32 to index
    %swap3A_306 = arith.constant 80 : index
    %swap3A_307 = tpu.vector_load %arg10[%swap3A_305, %swap3A_306] {strides = array<i32>} : memref<16x128xf32, #tpu.memory_space<vmem>>, vector<16xf32>,
    tpu.vector_store %arg10[%swap3A_305, %swap3A_306], %broadcast_in_dim3A_28 {strides = array<i32>} : memref<16x128xf32, #tpu.memory_space<vmem>>, vector<16xf32>,
    %swap3A_308 = arith.constant 8 : i32
    %swap3A_309 = arith.index_cast %swap3A_308 : i32 to index
    %swap3A_310 = arith.constant 96 : index
    %swap3A_311 = tpu.vector_load %arg10[%swap3A_309, %swap3A_310] {strides = array<i32>} : memref<16x128xf32, #tpu.memory_space<vmem>>, vector<16xf32>,
    tpu.vector_store %arg10[%swap3A_309, %swap3A_310], %broadcast_in_dim3A_28 {strides = array<i32>} : memref<16x128xf32, #tpu.memory_space<vmem>>, vector<16xf32>,
    %swap3A_312 = arith.constant 8 : i32
    %swap3A_313 = arith.index_cast %swap3A_312 : i32 to index
    %swap3A_314 = arith.constant 112 : index
    %swap3A_315 = tpu.vector_load %arg10[%swap3A_313, %swap3A_314] {strides = array<i32>} : memref<16x128xf32, #tpu.memory_space<vmem>>, vector<16xf32>,
    tpu.vector_store %arg10[%swap3A_313, %swap3A_314], %broadcast_in_dim3A_28 {strides = array<i32>} : memref<16x128xf32, #tpu.memory_space<vmem>>, vector<16xf32>,
    %swap3A_316 = arith.constant 9 : i32
    %swap3A_317 = arith.index_cast %swap3A_316 : i32 to index
    %swap3A_318 = arith.constant 0 : index
    %swap3A_319 = tpu.vector_load %arg10[%swap3A_317, %swap3A_318] {strides = array<i32>} : memref<16x128xf32, #tpu.memory_space<vmem>>, vector<16xf32>,
    tpu.vector_store %arg10[%swap3A_317, %swap3A_318], %broadcast_in_dim3A_28 {strides = array<i32>} : memref<16x128xf32, #tpu.memory_space<vmem>>, vector<16xf32>,
    %swap3A_320 = arith.constant 9 : i32
    %swap3A_321 = arith.index_cast %swap3A_320 : i32 to index
    %swap3A_322 = arith.constant 16 : index
    %swap3A_323 = tpu.vector_load %arg10[%swap3A_321, %swap3A_322] {strides = array<i32>} : memref<16x128xf32, #tpu.memory_space<vmem>>, vector<16xf32>,
    tpu.vector_store %arg10[%swap3A_321, %swap3A_322], %broadcast_in_dim3A_28 {strides = array<i32>} : memref<16x128xf32, #tpu.memory_space<vmem>>, vector<16xf32>,
    %swap3A_324 = arith.constant 9 : i32
    %swap3A_325 = arith.index_cast %swap3A_324 : i32 to index
    %swap3A_326 = arith.constant 32 : index
    %swap3A_327 = tpu.vector_load %arg10[%swap3A_325, %swap3A_326] {strides = array<i32>} : memref<16x128xf32, #tpu.memory_space<vmem>>, vector<16xf32>,
    tpu.vector_store %arg10[%swap3A_325, %swap3A_326], %broadcast_in_dim3A_28 {strides = array<i32>} : memref<16x128xf32, #tpu.memory_space<vmem>>, vector<16xf32>,
    %swap3A_328 = arith.constant 9 : i32
    %swap3A_329 = arith.index_cast %swap3A_328 : i32 to index
    %swap3A_330 = arith.constant 48 : index
    %swap3A_331 = tpu.vector_load %arg10[%swap3A_329, %swap3A_330] {strides = array<i32>} : memref<16x128xf32, #tpu.memory_space<vmem>>, vector<16xf32>,
    tpu.vector_store %arg10[%swap3A_329, %swap3A_330], %broadcast_in_dim3A_28 {strides = array<i32>} : memref<16x128xf32, #tpu.memory_space<vmem>>, vector<16xf32>,
    %swap3A_332 = arith.constant 9 : i32
    %swap3A_333 = arith.index_cast %swap3A_332 : i32 to index
    %swap3A_334 = arith.constant 64 : index
    %swap3A_335 = tpu.vector_load %arg10[%swap3A_333, %swap3A_334] {strides = array<i32>} : memref<16x128xf32, #tpu.memory_space<vmem>>, vector<16xf32>,
    tpu.vector_store %arg10[%swap3A_333, %swap3A_334], %broadcast_in_dim3A_28 {strides = array<i32>} : memref<16x128xf32, #tpu.memory_space<vmem>>, vector<16xf32>,
    %swap3A_336 = arith.constant 9 : i32
    %swap3A_337 = arith.index_cast %swap3A_336 : i32 to index
    %swap3A_338 = arith.constant 80 : index
    %swap3A_339 = tpu.vector_load %arg10[%swap3A_337, %swap3A_338] {strides = array<i32>} : memref<16x128xf32, #tpu.memory_space<vmem>>, vector<16xf32>,
    tpu.vector_store %arg10[%swap3A_337, %swap3A_338], %broadcast_in_dim3A_28 {strides = array<i32>} : memref<16x128xf32, #tpu.memory_space<vmem>>, vector<16xf32>,
    %swap3A_340 = arith.constant 9 : i32
    %swap3A_341 = arith.index_cast %swap3A_340 : i32 to index
    %swap3A_342 = arith.constant 96 : index
    %swap3A_343 = tpu.vector_load %arg10[%swap3A_341, %swap3A_342] {strides = array<i32>} : memref<16x128xf32, #tpu.memory_space<vmem>>, vector<16xf32>,
    tpu.vector_store %arg10[%swap3A_341, %swap3A_342], %broadcast_in_dim3A_28 {strides = array<i32>} : memref<16x128xf32, #tpu.memory_space<vmem>>, vector<16xf32>,
    %swap3A_344 = arith.constant 9 : i32
    %swap3A_345 = arith.index_cast %swap3A_344 : i32 to index
    %swap3A_346 = arith.constant 112 : index
    %swap3A_347 = tpu.vector_load %arg10[%swap3A_345, %swap3A_346] {strides = array<i32>} : memref<16x128xf32, #tpu.memory_space<vmem>>, vector<16xf32>,
    tpu.vector_store %arg10[%swap3A_345, %swap3A_346], %broadcast_in_dim3A_28 {strides = array<i32>} : memref<16x128xf32, #tpu.memory_space<vmem>>, vector<16xf32>,
    %swap3A_348 = arith.constant 10 : i32
    %swap3A_349 = arith.index_cast %swap3A_348 : i32 to index
    %swap3A_350 = arith.constant 0 : index
    %swap3A_351 = tpu.vector_load %arg10[%swap3A_349, %swap3A_350] {strides = array<i32>} : memref<16x128xf32, #tpu.memory_space<vmem>>, vector<16xf32>,
    tpu.vector_store %arg10[%swap3A_349, %swap3A_350], %broadcast_in_dim3A_28 {strides = array<i32>} : memref<16x128xf32, #tpu.memory_space<vmem>>, vector<16xf32>,
    %swap3A_352 = arith.constant 10 : i32
    %swap3A_353 = arith.index_cast %swap3A_352 : i32 to index
    %swap3A_354 = arith.constant 16 : index
    %swap3A_355 = tpu.vector_load %arg10[%swap3A_353, %swap3A_354] {strides = array<i32>} : memref<16x128xf32, #tpu.memory_space<vmem>>, vector<16xf32>,
    tpu.vector_store %arg10[%swap3A_353, %swap3A_354], %broadcast_in_dim3A_28 {strides = array<i32>} : memref<16x128xf32, #tpu.memory_space<vmem>>, vector<16xf32>,
    %swap3A_356 = arith.constant 10 : i32
    %swap3A_357 = arith.index_cast %swap3A_356 : i32 to index
    %swap3A_358 = arith.constant 32 : index
    %swap3A_359 = tpu.vector_load %arg10[%swap3A_357, %swap3A_358] {strides = array<i32>} : memref<16x128xf32, #tpu.memory_space<vmem>>, vector<16xf32>,
    tpu.vector_store %arg10[%swap3A_357, %swap3A_358], %broadcast_in_dim3A_28 {strides = array<i32>} : memref<16x128xf32, #tpu.memory_space<vmem>>, vector<16xf32>,
    %swap3A_360 = arith.constant 10 : i32
    %swap3A_361 = arith.index_cast %swap3A_360 : i32 to index
    %swap3A_362 = arith.constant 48 : index
    %swap3A_363 = tpu.vector_load %arg10[%swap3A_361, %swap3A_362] {strides = array<i32>} : memref<16x128xf32, #tpu.memory_space<vmem>>, vector<16xf32>,
    tpu.vector_store %arg10[%swap3A_361, %swap3A_362], %broadcast_in_dim3A_28 {strides = array<i32>} : memref<16x128xf32, #tpu.memory_space<vmem>>, vector<16xf32>,
    %swap3A_364 = arith.constant 10 : i32
    %swap3A_365 = arith.index_cast %swap3A_364 : i32 to index
    %swap3A_366 = arith.constant 64 : index
    %swap3A_367 = tpu.vector_load %arg10[%swap3A_365, %swap3A_366] {strides = array<i32>} : memref<16x128xf32, #tpu.memory_space<vmem>>, vector<16xf32>,
    tpu.vector_store %arg10[%swap3A_365, %swap3A_366], %broadcast_in_dim3A_28 {strides = array<i32>} : memref<16x128xf32, #tpu.memory_space<vmem>>, vector<16xf32>,
    %swap3A_368 = arith.constant 10 : i32
    %swap3A_369 = arith.index_cast %swap3A_368 : i32 to index
    %swap3A_370 = arith.constant 80 : index
    %swap3A_371 = tpu.vector_load %arg10[%swap3A_369, %swap3A_370] {strides = array<i32>} : memref<16x128xf32, #tpu.memory_space<vmem>>, vector<16xf32>,
    tpu.vector_store %arg10[%swap3A_369, %swap3A_370], %broadcast_in_dim3A_28 {strides = array<i32>} : memref<16x128xf32, #tpu.memory_space<vmem>>, vector<16xf32>,
    %swap3A_372 = arith.constant 10 : i32
    %swap3A_373 = arith.index_cast %swap3A_372 : i32 to index
    %swap3A_374 = arith.constant 96 : index
    %swap3A_375 = tpu.vector_load %arg10[%swap3A_373, %swap3A_374] {strides = array<i32>} : memref<16x128xf32, #tpu.memory_space<vmem>>, vector<16xf32>,
    tpu.vector_store %arg10[%swap3A_373, %swap3A_374], %broadcast_in_dim3A_28 {strides = array<i32>} : memref<16x128xf32, #tpu.memory_space<vmem>>, vector<16xf32>,
    %swap3A_376 = arith.constant 10 : i32
    %swap3A_377 = arith.index_cast %swap3A_376 : i32 to index
    %swap3A_378 = arith.constant 112 : index
    %swap3A_379 = tpu.vector_load %arg10[%swap3A_377, %swap3A_378] {strides = array<i32>} : memref<16x128xf32, #tpu.memory_space<vmem>>, vector<16xf32>,
    tpu.vector_store %arg10[%swap3A_377, %swap3A_378], %broadcast_in_dim3A_28 {strides = array<i32>} : memref<16x128xf32, #tpu.memory_space<vmem>>, vector<16xf32>,
    %swap3A_380 = arith.constant 11 : i32
    %swap3A_381 = arith.index_cast %swap3A_380 : i32 to index
    %swap3A_382 = arith.constant 0 : index
    %swap3A_383 = tpu.vector_load %arg10[%swap3A_381, %swap3A_382] {strides = array<i32>} : memref<16x128xf32, #tpu.memory_space<vmem>>, vector<16xf32>,
    tpu.vector_store %arg10[%swap3A_381, %swap3A_382], %broadcast_in_dim3A_28 {strides = array<i32>} : memref<16x128xf32, #tpu.memory_space<vmem>>, vector<16xf32>,
    %swap3A_384 = arith.constant 11 : i32
    %swap3A_385 = arith.index_cast %swap3A_384 : i32 to index
    %swap3A_386 = arith.constant 16 : index
    %swap3A_387 = tpu.vector_load %arg10[%swap3A_385, %swap3A_386] {strides = array<i32>} : memref<16x128xf32, #tpu.memory_space<vmem>>, vector<16xf32>,
    tpu.vector_store %arg10[%swap3A_385, %swap3A_386], %broadcast_in_dim3A_28 {strides = array<i32>} : memref<16x128xf32, #tpu.memory_space<vmem>>, vector<16xf32>,
    %swap3A_388 = arith.constant 11 : i32
    %swap3A_389 = arith.index_cast %swap3A_388 : i32 to index
    %swap3A_390 = arith.constant 32 : index
    %swap3A_391 = tpu.vector_load %arg10[%swap3A_389, %swap3A_390] {strides = array<i32>} : memref<16x128xf32, #tpu.memory_space<vmem>>, vector<16xf32>,
    tpu.vector_store %arg10[%swap3A_389, %swap3A_390], %broadcast_in_dim3A_28 {strides = array<i32>} : memref<16x128xf32, #tpu.memory_space<vmem>>, vector<16xf32>,
    %swap3A_392 = arith.constant 11 : i32
    %swap3A_393 = arith.index_cast %swap3A_392 : i32 to index
    %swap3A_394 = arith.constant 48 : index
    %swap3A_395 = tpu.vector_load %arg10[%swap3A_393, %swap3A_394] {strides = array<i32>} : memref<16x128xf32, #tpu.memory_space<vmem>>, vector<16xf32>,
    tpu.vector_store %arg10[%swap3A_393, %swap3A_394], %broadcast_in_dim3A_28 {strides = array<i32>} : memref<16x128xf32, #tpu.memory_space<vmem>>, vector<16xf32>,
    %swap3A_396 = arith.constant 11 : i32
    %swap3A_397 = arith.index_cast %swap3A_396 : i32 to index
    %swap3A_398 = arith.constant 64 : index
    %swap3A_399 = tpu.vector_load %arg10[%swap3A_397, %swap3A_398] {strides = array<i32>} : memref<16x128xf32, #tpu.memory_space<vmem>>, vector<16xf32>,
    tpu.vector_store %arg10[%swap3A_397, %swap3A_398], %broadcast_in_dim3A_28 {strides = array<i32>} : memref<16x128xf32, #tpu.memory_space<vmem>>, vector<16xf32>,
    %swap3A_400 = arith.constant 11 : i32
    %swap3A_401 = arith.index_cast %swap3A_400 : i32 to index
    %swap3A_402 = arith.constant 80 : index
    %swap3A_403 = tpu.vector_load %arg10[%swap3A_401, %swap3A_402] {strides = array<i32>} : memref<16x128xf32, #tpu.memory_space<vmem>>, vector<16xf32>,
    tpu.vector_store %arg10[%swap3A_401, %swap3A_402], %broadcast_in_dim3A_28 {strides = array<i32>} : memref<16x128xf32, #tpu.memory_space<vmem>>, vector<16xf32>,
    %swap3A_404 = arith.constant 11 : i32
    %swap3A_405 = arith.index_cast %swap3A_404 : i32 to index
    %swap3A_406 = arith.constant 96 : index
    %swap3A_407 = tpu.vector_load %arg10[%swap3A_405, %swap3A_406] {strides = array<i32>} : memref<16x128xf32, #tpu.memory_space<vmem>>, vector<16xf32>,
    tpu.vector_store %arg10[%swap3A_405, %swap3A_406], %broadcast_in_dim3A_28 {strides = array<i32>} : memref<16x128xf32, #tpu.memory_space<vmem>>, vector<16xf32>,
    %swap3A_408 = arith.constant 11 : i32
    %swap3A_409 = arith.index_cast %swap3A_408 : i32 to index
    %swap3A_410 = arith.constant 112 : index
    %swap3A_411 = tpu.vector_load %arg10[%swap3A_409, %swap3A_410] {strides = array<i32>} : memref<16x128xf32, #tpu.memory_space<vmem>>, vector<16xf32>,
    tpu.vector_store %arg10[%swap3A_409, %swap3A_410], %broadcast_in_dim3A_28 {strides = array<i32>} : memref<16x128xf32, #tpu.memory_space<vmem>>, vector<16xf32>,
    %swap3A_412 = arith.constant 12 : i32
    %swap3A_413 = arith.index_cast %swap3A_412 : i32 to index
    %swap3A_414 = arith.constant 0 : index
    %swap3A_415 = tpu.vector_load %arg10[%swap3A_413, %swap3A_414] {strides = array<i32>} : memref<16x128xf32, #tpu.memory_space<vmem>>, vector<16xf32>,
    tpu.vector_store %arg10[%swap3A_413, %swap3A_414], %broadcast_in_dim3A_28 {strides = array<i32>} : memref<16x128xf32, #tpu.memory_space<vmem>>, vector<16xf32>,
    %swap3A_416 = arith.constant 12 : i32
    %swap3A_417 = arith.index_cast %swap3A_416 : i32 to index
    %swap3A_418 = arith.constant 16 : index
    %swap3A_419 = tpu.vector_load %arg10[%swap3A_417, %swap3A_418] {strides = array<i32>} : memref<16x128xf32, #tpu.memory_space<vmem>>, vector<16xf32>,
    tpu.vector_store %arg10[%swap3A_417, %swap3A_418], %broadcast_in_dim3A_28 {strides = array<i32>} : memref<16x128xf32, #tpu.memory_space<vmem>>, vector<16xf32>,
    %swap3A_420 = arith.constant 12 : i32
    %swap3A_421 = arith.index_cast %swap3A_420 : i32 to index
    %swap3A_422 = arith.constant 32 : index
    %swap3A_423 = tpu.vector_load %arg10[%swap3A_421, %swap3A_422] {strides = array<i32>} : memref<16x128xf32, #tpu.memory_space<vmem>>, vector<16xf32>,
    tpu.vector_store %arg10[%swap3A_421, %swap3A_422], %broadcast_in_dim3A_28 {strides = array<i32>} : memref<16x128xf32, #tpu.memory_space<vmem>>, vector<16xf32>,
    %swap3A_424 = arith.constant 12 : i32
    %swap3A_425 = arith.index_cast %swap3A_424 : i32 to index
    %swap3A_426 = arith.constant 48 : index
    %swap3A_427 = tpu.vector_load %arg10[%swap3A_425, %swap3A_426] {strides = array<i32>} : memref<16x128xf32, #tpu.memory_space<vmem>>, vector<16xf32>,
    tpu.vector_store %arg10[%swap3A_425, %swap3A_426], %broadcast_in_dim3A_28 {strides = array<i32>} : memref<16x128xf32, #tpu.memory_space<vmem>>, vector<16xf32>,
    %swap3A_428 = arith.constant 12 : i32
    %swap3A_429 = arith.index_cast %swap3A_428 : i32 to index
    %swap3A_430 = arith.constant 64 : index
    %swap3A_431 = tpu.vector_load %arg10[%swap3A_429, %swap3A_430] {strides = array<i32>} : memref<16x128xf32, #tpu.memory_space<vmem>>, vector<16xf32>,
    tpu.vector_store %arg10[%swap3A_429, %swap3A_430], %broadcast_in_dim3A_28 {strides = array<i32>} : memref<16x128xf32, #tpu.memory_space<vmem>>, vector<16xf32>,
    %swap3A_432 = arith.constant 12 : i32
    %swap3A_433 = arith.index_cast %swap3A_432 : i32 to index
    %swap3A_434 = arith.constant 80 : index
    %swap3A_435 = tpu.vector_load %arg10[%swap3A_433, %swap3A_434] {strides = array<i32>} : memref<16x128xf32, #tpu.memory_space<vmem>>, vector<16xf32>,
    tpu.vector_store %arg10[%swap3A_433, %swap3A_434], %broadcast_in_dim3A_28 {strides = array<i32>} : memref<16x128xf32, #tpu.memory_space<vmem>>, vector<16xf32>,
    %swap3A_436 = arith.constant 12 : i32
    %swap3A_437 = arith.index_cast %swap3A_436 : i32 to index
    %swap3A_438 = arith.constant 96 : index
    %swap3A_439 = tpu.vector_load %arg10[%swap3A_437, %swap3A_438] {strides = array<i32>} : memref<16x128xf32, #tpu.memory_space<vmem>>, vector<16xf32>,
    tpu.vector_store %arg10[%swap3A_437, %swap3A_438], %broadcast_in_dim3A_28 {strides = array<i32>} : memref<16x128xf32, #tpu.memory_space<vmem>>, vector<16xf32>,
    %swap3A_440 = arith.constant 12 : i32
    %swap3A_441 = arith.index_cast %swap3A_440 : i32 to index
    %swap3A_442 = arith.constant 112 : index
    %swap3A_443 = tpu.vector_load %arg10[%swap3A_441, %swap3A_442] {strides = array<i32>} : memref<16x128xf32, #tpu.memory_space<vmem>>, vector<16xf32>,
    tpu.vector_store %arg10[%swap3A_441, %swap3A_442], %broadcast_in_dim3A_28 {strides = array<i32>} : memref<16x128xf32, #tpu.memory_space<vmem>>, vector<16xf32>,
    %swap3A_444 = arith.constant 13 : i32
    %swap3A_445 = arith.index_cast %swap3A_444 : i32 to index
    %swap3A_446 = arith.constant 0 : index
    %swap3A_447 = tpu.vector_load %arg10[%swap3A_445, %swap3A_446] {strides = array<i32>} : memref<16x128xf32, #tpu.memory_space<vmem>>, vector<16xf32>,
    tpu.vector_store %arg10[%swap3A_445, %swap3A_446], %broadcast_in_dim3A_28 {strides = array<i32>} : memref<16x128xf32, #tpu.memory_space<vmem>>, vector<16xf32>,
    %swap3A_448 = arith.constant 13 : i32
    %swap3A_449 = arith.index_cast %swap3A_448 : i32 to index
    %swap3A_450 = arith.constant 16 : index
    %swap3A_451 = tpu.vector_load %arg10[%swap3A_449, %swap3A_450] {strides = array<i32>} : memref<16x128xf32, #tpu.memory_space<vmem>>, vector<16xf32>,
    tpu.vector_store %arg10[%swap3A_449, %swap3A_450], %broadcast_in_dim3A_28 {strides = array<i32>} : memref<16x128xf32, #tpu.memory_space<vmem>>, vector<16xf32>,
    %swap3A_452 = arith.constant 13 : i32
    %swap3A_453 = arith.index_cast %swap3A_452 : i32 to index
    %swap3A_454 = arith.constant 32 : index
    %swap3A_455 = tpu.vector_load %arg10[%swap3A_453, %swap3A_454] {strides = array<i32>} : memref<16x128xf32, #tpu.memory_space<vmem>>, vector<16xf32>,
    tpu.vector_store %arg10[%swap3A_453, %swap3A_454], %broadcast_in_dim3A_28 {strides = array<i32>} : memref<16x128xf32, #tpu.memory_space<vmem>>, vector<16xf32>,
    %swap3A_456 = arith.constant 13 : i32
    %swap3A_457 = arith.index_cast %swap3A_456 : i32 to index
    %swap3A_458 = arith.constant 48 : index
    %swap3A_459 = tpu.vector_load %arg10[%swap3A_457, %swap3A_458] {strides = array<i32>} : memref<16x128xf32, #tpu.memory_space<vmem>>, vector<16xf32>,
    tpu.vector_store %arg10[%swap3A_457, %swap3A_458], %broadcast_in_dim3A_28 {strides = array<i32>} : memref<16x128xf32, #tpu.memory_space<vmem>>, vector<16xf32>,
    %swap3A_460 = arith.constant 13 : i32
    %swap3A_461 = arith.index_cast %swap3A_460 : i32 to index
    %swap3A_462 = arith.constant 64 : index
    %swap3A_463 = tpu.vector_load %arg10[%swap3A_461, %swap3A_462] {strides = array<i32>} : memref<16x128xf32, #tpu.memory_space<vmem>>, vector<16xf32>,
    tpu.vector_store %arg10[%swap3A_461, %swap3A_462], %broadcast_in_dim3A_28 {strides = array<i32>} : memref<16x128xf32, #tpu.memory_space<vmem>>, vector<16xf32>,
    %swap3A_464 = arith.constant 13 : i32
    %swap3A_465 = arith.index_cast %swap3A_464 : i32 to index
    %swap3A_466 = arith.constant 80 : index
    %swap3A_467 = tpu.vector_load %arg10[%swap3A_465, %swap3A_466] {strides = array<i32>} : memref<16x128xf32, #tpu.memory_space<vmem>>, vector<16xf32>,
    tpu.vector_store %arg10[%swap3A_465, %swap3A_466], %broadcast_in_dim3A_28 {strides = array<i32>} : memref<16x128xf32, #tpu.memory_space<vmem>>, vector<16xf32>,
    %swap3A_468 = arith.constant 13 : i32
    %swap3A_469 = arith.index_cast %swap3A_468 : i32 to index
    %swap3A_470 = arith.constant 96 : index
    %swap3A_471 = tpu.vector_load %arg10[%swap3A_469, %swap3A_470] {strides = array<i32>} : memref<16x128xf32, #tpu.memory_space<vmem>>, vector<16xf32>,
    tpu.vector_store %arg10[%swap3A_469, %swap3A_470], %broadcast_in_dim3A_28 {strides = array<i32>} : memref<16x128xf32, #tpu.memory_space<vmem>>, vector<16xf32>,
    %swap3A_472 = arith.constant 13 : i32
    %swap3A_473 = arith.index_cast %swap3A_472 : i32 to index
    %swap3A_474 = arith.constant 112 : index
    %swap3A_475 = tpu.vector_load %arg10[%swap3A_473, %swap3A_474] {strides = array<i32>} : memref<16x128xf32, #tpu.memory_space<vmem>>, vector<16xf32>,
    tpu.vector_store %arg10[%swap3A_473, %swap3A_474], %broadcast_in_dim3A_28 {strides = array<i32>} : memref<16x128xf32, #tpu.memory_space<vmem>>, vector<16xf32>,
    %swap3A_476 = arith.constant 14 : i32
    %swap3A_477 = arith.index_cast %swap3A_476 : i32 to index
    %swap3A_478 = arith.constant 0 : index
    %swap3A_479 = tpu.vector_load %arg10[%swap3A_477, %swap3A_478] {strides = array<i32>} : memref<16x128xf32, #tpu.memory_space<vmem>>, vector<16xf32>,
    tpu.vector_store %arg10[%swap3A_477, %swap3A_478], %broadcast_in_dim3A_28 {strides = array<i32>} : memref<16x128xf32, #tpu.memory_space<vmem>>, vector<16xf32>,
    %swap3A_480 = arith.constant 14 : i32
    %swap3A_481 = arith.index_cast %swap3A_480 : i32 to index
    %swap3A_482 = arith.constant 16 : index
    %swap3A_483 = tpu.vector_load %arg10[%swap3A_481, %swap3A_482] {strides = array<i32>} : memref<16x128xf32, #tpu.memory_space<vmem>>, vector<16xf32>,
    tpu.vector_store %arg10[%swap3A_481, %swap3A_482], %broadcast_in_dim3A_28 {strides = array<i32>} : memref<16x128xf32, #tpu.memory_space<vmem>>, vector<16xf32>,
    %swap3A_484 = arith.constant 14 : i32
    %swap3A_485 = arith.index_cast %swap3A_484 : i32 to index
    %swap3A_486 = arith.constant 32 : index
    %swap3A_487 = tpu.vector_load %arg10[%swap3A_485, %swap3A_486] {strides = array<i32>} : memref<16x128xf32, #tpu.memory_space<vmem>>, vector<16xf32>,
    tpu.vector_store %arg10[%swap3A_485, %swap3A_486], %broadcast_in_dim3A_28 {strides = array<i32>} : memref<16x128xf32, #tpu.memory_space<vmem>>, vector<16xf32>,
    %swap3A_488 = arith.constant 14 : i32
    %swap3A_489 = arith.index_cast %swap3A_488 : i32 to index
    %swap3A_490 = arith.constant 48 : index
    %swap3A_491 = tpu.vector_load %arg10[%swap3A_489, %swap3A_490] {strides = array<i32>} : memref<16x128xf32, #tpu.memory_space<vmem>>, vector<16xf32>,
    tpu.vector_store %arg10[%swap3A_489, %swap3A_490], %broadcast_in_dim3A_28 {strides = array<i32>} : memref<16x128xf32, #tpu.memory_space<vmem>>, vector<16xf32>,
    %swap3A_492 = arith.constant 14 : i32
    %swap3A_493 = arith.index_cast %swap3A_492 : i32 to index
    %swap3A_494 = arith.constant 64 : index
    %swap3A_495 = tpu.vector_load %arg10[%swap3A_493, %swap3A_494] {strides = array<i32>} : memref<16x128xf32, #tpu.memory_space<vmem>>, vector<16xf32>,
    tpu.vector_store %arg10[%swap3A_493, %swap3A_494], %broadcast_in_dim3A_28 {strides = array<i32>} : memref<16x128xf32, #tpu.memory_space<vmem>>, vector<16xf32>,
    %swap3A_496 = arith.constant 14 : i32
    %swap3A_497 = arith.index_cast %swap3A_496 : i32 to index
    %swap3A_498 = arith.constant 80 : index
    %swap3A_499 = tpu.vector_load %arg10[%swap3A_497, %swap3A_498] {strides = array<i32>} : memref<16x128xf32, #tpu.memory_space<vmem>>, vector<16xf32>,
    tpu.vector_store %arg10[%swap3A_497, %swap3A_498], %broadcast_in_dim3A_28 {strides = array<i32>} : memref<16x128xf32, #tpu.memory_space<vmem>>, vector<16xf32>,
    %swap3A_500 = arith.constant 14 : i32
    %swap3A_501 = arith.index_cast %swap3A_500 : i32 to index
    %swap3A_502 = arith.constant 96 : index
    %swap3A_503 = tpu.vector_load %arg10[%swap3A_501, %swap3A_502] {strides = array<i32>} : memref<16x128xf32, #tpu.memory_space<vmem>>, vector<16xf32>,
    tpu.vector_store %arg10[%swap3A_501, %swap3A_502], %broadcast_in_dim3A_28 {strides = array<i32>} : memref<16x128xf32, #tpu.memory_space<vmem>>, vector<16xf32>,
    %swap3A_504 = arith.constant 14 : i32
    %swap3A_505 = arith.index_cast %swap3A_504 : i32 to index
    %swap3A_506 = arith.constant 112 : index
    %swap3A_507 = tpu.vector_load %arg10[%swap3A_505, %swap3A_506] {strides = array<i32>} : memref<16x128xf32, #tpu.memory_space<vmem>>, vector<16xf32>,
    tpu.vector_store %arg10[%swap3A_505, %swap3A_506], %broadcast_in_dim3A_28 {strides = array<i32>} : memref<16x128xf32, #tpu.memory_space<vmem>>, vector<16xf32>,
    %swap3A_508 = arith.constant 15 : i32
    %swap3A_509 = arith.index_cast %swap3A_508 : i32 to index
    %swap3A_510 = arith.constant 0 : index
    %swap3A_511 = tpu.vector_load %arg10[%swap3A_509, %swap3A_510] {strides = array<i32>} : memref<16x128xf32, #tpu.memory_space<vmem>>, vector<16xf32>,
    tpu.vector_store %arg10[%swap3A_509, %swap3A_510], %broadcast_in_dim3A_28 {strides = array<i32>} : memref<16x128xf32, #tpu.memory_space<vmem>>, vector<16xf32>,
    %swap3A_512 = arith.constant 15 : i32
    %swap3A_513 = arith.index_cast %swap3A_512 : i32 to index
    %swap3A_514 = arith.constant 16 : index
    %swap3A_515 = tpu.vector_load %arg10[%swap3A_513, %swap3A_514] {strides = array<i32>} : memref<16x128xf32, #tpu.memory_space<vmem>>, vector<16xf32>,
    tpu.vector_store %arg10[%swap3A_513, %swap3A_514], %broadcast_in_dim3A_28 {strides = array<i32>} : memref<16x128xf32, #tpu.memory_space<vmem>>, vector<16xf32>,
    %swap3A_516 = arith.constant 15 : i32
    %swap3A_517 = arith.index_cast %swap3A_516 : i32 to index
    %swap3A_518 = arith.constant 32 : index
    %swap3A_519 = tpu.vector_load %arg10[%swap3A_517, %swap3A_518] {strides = array<i32>} : memref<16x128xf32, #tpu.memory_space<vmem>>, vector<16xf32>,
    tpu.vector_store %arg10[%swap3A_517, %swap3A_518], %broadcast_in_dim3A_28 {strides = array<i32>} : memref<16x128xf32, #tpu.memory_space<vmem>>, vector<16xf32>,
    %swap3A_520 = arith.constant 15 : i32
    %swap3A_521 = arith.index_cast %swap3A_520 : i32 to index
    %swap3A_522 = arith.constant 48 : index
    %swap3A_523 = tpu.vector_load %arg10[%swap3A_521, %swap3A_522] {strides = array<i32>} : memref<16x128xf32, #tpu.memory_space<vmem>>, vector<16xf32>,
    tpu.vector_store %arg10[%swap3A_521, %swap3A_522], %broadcast_in_dim3A_28 {strides = array<i32>} : memref<16x128xf32, #tpu.memory_space<vmem>>, vector<16xf32>,
    %swap3A_524 = arith.constant 15 : i32
    %swap3A_525 = arith.index_cast %swap3A_524 : i32 to index
    %swap3A_526 = arith.constant 64 : index
    %swap3A_527 = tpu.vector_load %arg10[%swap3A_525, %swap3A_526] {strides = array<i32>} : memref<16x128xf32, #tpu.memory_space<vmem>>, vector<16xf32>,
    tpu.vector_store %arg10[%swap3A_525, %swap3A_526], %broadcast_in_dim3A_28 {strides = array<i32>} : memref<16x128xf32, #tpu.memory_space<vmem>>, vector<16xf32>,
    %swap3A_528 = arith.constant 15 : i32
    %swap3A_529 = arith.index_cast %swap3A_528 : i32 to index
    %swap3A_530 = arith.constant 80 : index
    %swap3A_531 = tpu.vector_load %arg10[%swap3A_529, %swap3A_530] {strides = array<i32>} : memref<16x128xf32, #tpu.memory_space<vmem>>, vector<16xf32>,
    tpu.vector_store %arg10[%swap3A_529, %swap3A_530], %broadcast_in_dim3A_28 {strides = array<i32>} : memref<16x128xf32, #tpu.memory_space<vmem>>, vector<16xf32>,
    %swap3A_532 = arith.constant 15 : i32
    %swap3A_533 = arith.index_cast %swap3A_532 : i32 to index
    %swap3A_534 = arith.constant 96 : index
    %swap3A_535 = tpu.vector_load %arg10[%swap3A_533, %swap3A_534] {strides = array<i32>} : memref<16x128xf32, #tpu.memory_space<vmem>>, vector<16xf32>,
    tpu.vector_store %arg10[%swap3A_533, %swap3A_534], %broadcast_in_dim3A_28 {strides = array<i32>} : memref<16x128xf32, #tpu.memory_space<vmem>>, vector<16xf32>,
    %swap3A_536 = arith.constant 15 : i32
    %swap3A_537 = arith.index_cast %swap3A_536 : i32 to index
    %swap3A_538 = arith.constant 112 : index
    %swap3A_539 = tpu.vector_load %arg10[%swap3A_537, %swap3A_538] {strides = array<i32>} : memref<16x128xf32, #tpu.memory_space<vmem>>, vector<16xf32>,
    tpu.vector_store %arg10[%swap3A_537, %swap3A_538], %broadcast_in_dim3A_28 {strides = array<i32>} : memref<16x128xf32, #tpu.memory_space<vmem>>, vector<16xf32>,
    %mul3A_540 = arith.constant 640 : i32
    %mul3A_541 = arith.muli %arg1, %mul3A_540 : i32
    %scan3A = arith.constant 0 : i32
    %scan3A_542 = arith.constant 40 : i32
    %scan3A_543 = arith.addi %scan3A, %scan3A_542 : i32
    %scan3A_544 = arith.constant 1 : i32
    scf.for %scan3A_780 = %scan3A to %scan3A_543 step %scan3A_544  : i32 {
      %mul3A_781 = arith.constant 16 : i32
      %mul3A_782 = arith.muli %scan3A_780, %mul3A_781 : i32
      %add3A_783 = arith.addi %mul3A_541, %mul3A_782 : i32
      "tpu.region"() ({
        %run_scoped3A = tpu.sem_alloc : memref<!tpu.dma_semaphore, #tpu.memory_space<semaphore_mem>>
        %dma_start3A_784 = arith.constant 0 : i32
        %dma_start3A_785 = tpu.memref_slice %arg11[%add3A_783, %dma_start3A_784] : memref<10240x128xf32, #tpu.memory_space<vmem_shared>> -> memref<16x128xf32, #tpu.memory_space<vmem_shared>>
        %dma_start3A_786 = arith.constant 0 : i32
        %dma_start3A_787 = tpu.memref_slice %arg11[%add3A_783, %dma_start3A_786] : memref<10240x128xf32, #tpu.memory_space<vmem_shared>> -> memref<16x128xf32, #tpu.memory_space<vmem_shared>>
        tpu.enqueue_dma source(%arg10 : memref<16x128xf32, #tpu.memory_space<vmem>>) target(%dma_start3A_787 : memref<16x128xf32, #tpu.memory_space<vmem_shared>>) target_semaphore(%run_scoped3A : memref<!tpu.dma_semaphore, #tpu.memory_space<semaphore_mem>>)
        %dma_wait3A_788 = arith.constant 0 : i32
        %dma_wait3A_789 = tpu.memref_slice %arg11[%add3A_783, %dma_wait3A_788] : memref<10240x128xf32, #tpu.memory_space<vmem_shared>> -> memref<16x128xf32, #tpu.memory_space<vmem_shared>>
        %dma_wait3A_790 = arith.constant 0 : i32
        %dma_wait3A_791 = tpu.memref_slice %arg11[%add3A_783, %dma_wait3A_790] : memref<10240x128xf32, #tpu.memory_space<vmem_shared>> -> memref<16x128xf32, #tpu.memory_space<vmem_shared>>
        tpu.wait_dma2 semaphore(%run_scoped3A : memref<!tpu.dma_semaphore, #tpu.memory_space<semaphore_mem>>) src(%arg10 : memref<16x128xf32, #tpu.memory_space<vmem>>) dst(%dma_wait3A_791 : memref<16x128xf32, #tpu.memory_space<vmem_shared>>)
        tpu.yield
      }) : () -> ()
    }
    %scan3A_545 = arith.constant 40 : i32
    %barrier3A = arith.constant 0 : index
    tpu.barrier barrier_id(%barrier3A)
    %mul3A_546 = arith.constant 9984 : i32
    %mul3A_547 = arith.muli %add3A, %mul3A_546 : i32
    %add3A_548 = arith.constant 0 : i32
    %add3A_549 = arith.addi %mul3A_547, %add3A_548 : i32
    %multiple_of3A_550 = tpu.assume_multiple %add3A_549, 128 : i32
    %dma_wait3A = arith.constant 0 : i32
    %dma_wait3A_551 = arith.constant 0 : i32
    %dma_wait3A_552 = arith.constant 0 : i32
    %dma_wait3A_553 = tpu.memref_slice %arg6[%dma_wait3A_551, %dma_wait3A_552] : memref<2x3328xi32, #tpu.memory_space<vmem>> -> memref<1x3328xi32, #tpu.memory_space<vmem>>
    %dma_wait3A_554 = tpu.memref_squeeze %dma_wait3A_553 : memref<1x3328xi32, #tpu.memory_space<vmem>> -> memref<3328xi32, #tpu.memory_space<vmem>>
    %dma_wait3A_555 = tpu.memref_slice %arg2[%dma_wait3A, %multiple_of3A_550] : memref<2x320000xi32, #tpu.memory_space<hbm>> -> memref<1x3328xi32, #tpu.memory_space<hbm>>
    %dma_wait3A_556 = tpu.memref_squeeze %dma_wait3A_555 : memref<1x3328xi32, #tpu.memory_space<hbm>> -> memref<3328xi32, #tpu.memory_space<hbm>>
    %dma_wait3A_557 = arith.constant 0 : i32
    %dma_wait3A_558 = tpu.memref_slice %arg6[%dma_wait3A_551, %dma_wait3A_557] : memref<2x3328xi32, #tpu.memory_space<vmem>> -> memref<1x3328xi32, #tpu.memory_space<vmem>>
    %dma_wait3A_559 = tpu.memref_squeeze %dma_wait3A_558 : memref<1x3328xi32, #tpu.memory_space<vmem>> -> memref<3328xi32, #tpu.memory_space<vmem>>
    %dma_wait3A_560 = tpu.memref_slice %arg2[%dma_wait3A, %multiple_of3A_550] : memref<2x320000xi32, #tpu.memory_space<hbm>> -> memref<1x3328xi32, #tpu.memory_space<hbm>>
    %dma_wait3A_561 = tpu.memref_squeeze %dma_wait3A_560 : memref<1x3328xi32, #tpu.memory_space<hbm>> -> memref<3328xi32, #tpu.memory_space<hbm>>
    tpu.wait_dma2 semaphore(%arg14 : memref<!tpu.dma_semaphore, #tpu.memory_space<semaphore_mem>>) src(%dma_wait3A_561 : memref<3328xi32, #tpu.memory_space<hbm>>) dst(%dma_wait3A_559 : memref<3328xi32, #tpu.memory_space<vmem>>)
    %dma_wait3A_562 = arith.constant 1 : i32
    %dma_wait3A_563 = arith.constant 0 : i32
    %dma_wait3A_564 = arith.constant 0 : i32
    %dma_wait3A_565 = tpu.memref_slice %arg7[%dma_wait3A_563, %dma_wait3A_564] : memref<2x3328xi32, #tpu.memory_space<vmem>> -> memref<1x3328xi32, #tpu.memory_space<vmem>>
    %dma_wait3A_566 = tpu.memref_squeeze %dma_wait3A_565 : memref<1x3328xi32, #tpu.memory_space<vmem>> -> memref<3328xi32, #tpu.memory_space<vmem>>
    %dma_wait3A_567 = tpu.memref_slice %arg2[%dma_wait3A_562, %multiple_of3A_550] : memref<2x320000xi32, #tpu.memory_space<hbm>> -> memref<1x3328xi32, #tpu.memory_space<hbm>>
    %dma_wait3A_568 = tpu.memref_squeeze %dma_wait3A_567 : memref<1x3328xi32, #tpu.memory_space<hbm>> -> memref<3328xi32, #tpu.memory_space<hbm>>
    %dma_wait3A_569 = arith.constant 0 : i32
    %dma_wait3A_570 = tpu.memref_slice %arg7[%dma_wait3A_563, %dma_wait3A_569] : memref<2x3328xi32, #tpu.memory_space<vmem>> -> memref<1x3328xi32, #tpu.memory_space<vmem>>
    %dma_wait3A_571 = tpu.memref_squeeze %dma_wait3A_570 : memref<1x3328xi32, #tpu.memory_space<vmem>> -> memref<3328xi32, #tpu.memory_space<vmem>>
    %dma_wait3A_572 = tpu.memref_slice %arg2[%dma_wait3A_562, %multiple_of3A_550] : memref<2x320000xi32, #tpu.memory_space<hbm>> -> memref<1x3328xi32, #tpu.memory_space<hbm>>
    %dma_wait3A_573 = tpu.memref_squeeze %dma_wait3A_572 : memref<1x3328xi32, #tpu.memory_space<hbm>> -> memref<3328xi32, #tpu.memory_space<hbm>>
    tpu.wait_dma2 semaphore(%arg14 : memref<!tpu.dma_semaphore, #tpu.memory_space<semaphore_mem>>) src(%dma_wait3A_573 : memref<3328xi32, #tpu.memory_space<hbm>>) dst(%dma_wait3A_571 : memref<3328xi32, #tpu.memory_space<vmem>>)
    %mul3A_574 = arith.constant 9984 : i32
    %mul3A_575 = arith.muli %add3A, %mul3A_574 : i32
    %add3A_576 = arith.constant 3328 : i32
    %add3A_577 = arith.addi %mul3A_575, %add3A_576 : i32
    %multiple_of3A_578 = tpu.assume_multiple %add3A_577, 128 : i32
    %dma_start3A_579 = arith.constant 0 : i32
    %dma_start3A_580 = arith.constant 1 : i32
    %dma_start3A_581 = arith.constant 0 : i32
    %dma_start3A_582 = tpu.memref_slice %arg6[%dma_start3A_580, %dma_start3A_581] : memref<2x3328xi32, #tpu.memory_space<vmem>> -> memref<1x3328xi32, #tpu.memory_space<vmem>>
    %dma_start3A_583 = tpu.memref_squeeze %dma_start3A_582 : memref<1x3328xi32, #tpu.memory_space<vmem>> -> memref<3328xi32, #tpu.memory_space<vmem>>
    %dma_start3A_584 = tpu.memref_slice %arg2[%dma_start3A_579, %multiple_of3A_578] : memref<2x320000xi32, #tpu.memory_space<hbm>> -> memref<1x3328xi32, #tpu.memory_space<hbm>>
    %dma_start3A_585 = tpu.memref_squeeze %dma_start3A_584 : memref<1x3328xi32, #tpu.memory_space<hbm>> -> memref<3328xi32, #tpu.memory_space<hbm>>
    %dma_start3A_586 = arith.constant 0 : i32
    %dma_start3A_587 = tpu.memref_slice %arg6[%dma_start3A_580, %dma_start3A_586] : memref<2x3328xi32, #tpu.memory_space<vmem>> -> memref<1x3328xi32, #tpu.memory_space<vmem>>
    %dma_start3A_588 = tpu.memref_squeeze %dma_start3A_587 : memref<1x3328xi32, #tpu.memory_space<vmem>> -> memref<3328xi32, #tpu.memory_space<vmem>>
    %dma_start3A_589 = tpu.memref_slice %arg2[%dma_start3A_579, %multiple_of3A_578] : memref<2x320000xi32, #tpu.memory_space<hbm>> -> memref<1x3328xi32, #tpu.memory_space<hbm>>
    %dma_start3A_590 = tpu.memref_squeeze %dma_start3A_589 : memref<1x3328xi32, #tpu.memory_space<hbm>> -> memref<3328xi32, #tpu.memory_space<hbm>>
    tpu.enqueue_dma source(%dma_start3A_590 : memref<3328xi32, #tpu.memory_space<hbm>>) target(%dma_start3A_588 : memref<3328xi32, #tpu.memory_space<vmem>>) target_semaphore(%arg15 : memref<!tpu.dma_semaphore, #tpu.memory_space<semaphore_mem>>)
    %dma_start3A_591 = arith.constant 1 : i32
    %dma_start3A_592 = arith.constant 1 : i32
    %dma_start3A_593 = arith.constant 0 : i32
    %dma_start3A_594 = tpu.memref_slice %arg7[%dma_start3A_592, %dma_start3A_593] : memref<2x3328xi32, #tpu.memory_space<vmem>> -> memref<1x3328xi32, #tpu.memory_space<vmem>>
    %dma_start3A_595 = tpu.memref_squeeze %dma_start3A_594 : memref<1x3328xi32, #tpu.memory_space<vmem>> -> memref<3328xi32, #tpu.memory_space<vmem>>
    %dma_start3A_596 = tpu.memref_slice %arg2[%dma_start3A_591, %multiple_of3A_578] : memref<2x320000xi32, #tpu.memory_space<hbm>> -> memref<1x3328xi32, #tpu.memory_space<hbm>>
    %dma_start3A_597 = tpu.memref_squeeze %dma_start3A_596 : memref<1x3328xi32, #tpu.memory_space<hbm>> -> memref<3328xi32, #tpu.memory_space<hbm>>
    %dma_start3A_598 = arith.constant 0 : i32
    %dma_start3A_599 = tpu.memref_slice %arg7[%dma_start3A_592, %dma_start3A_598] : memref<2x3328xi32, #tpu.memory_space<vmem>> -> memref<1x3328xi32, #tpu.memory_space<vmem>>
    %dma_start3A_600 = tpu.memref_squeeze %dma_start3A_599 : memref<1x3328xi32, #tpu.memory_space<vmem>> -> memref<3328xi32, #tpu.memory_space<vmem>>
    %dma_start3A_601 = tpu.memref_slice %arg2[%dma_start3A_591, %multiple_of3A_578] : memref<2x320000xi32, #tpu.memory_space<hbm>> -> memref<1x3328xi32, #tpu.memory_space<hbm>>
    %dma_start3A_602 = tpu.memref_squeeze %dma_start3A_601 : memref<1x3328xi32, #tpu.memory_space<hbm>> -> memref<3328xi32, #tpu.memory_space<hbm>>
    tpu.enqueue_dma source(%dma_start3A_602 : memref<3328xi32, #tpu.memory_space<hbm>>) target(%dma_start3A_600 : memref<3328xi32, #tpu.memory_space<vmem>>) target_semaphore(%arg15 : memref<!tpu.dma_semaphore, #tpu.memory_space<semaphore_mem>>)
    %dma_start3A_603 = arith.constant 0 : i32
    %dma_start3A_604 = arith.constant 0 : i32
    %dma_start3A_605 = tpu.memref_slice %arg6[%dma_start3A_603, %dma_start3A_604] : memref<2x3328xi32, #tpu.memory_space<vmem>> -> memref<1x3328xi32, #tpu.memory_space<vmem>>
    %dma_start3A_606 = tpu.memref_squeeze %dma_start3A_605 : memref<1x3328xi32, #tpu.memory_space<vmem>> -> memref<3328xi32, #tpu.memory_space<vmem>>
    %dma_start3A_607 = arith.constant 0 : i32
    %dma_start3A_608 = tpu.memref_slice %dma_start3A_606[%dma_start3A_607] : memref<3328xi32, #tpu.memory_space<vmem>> -> memref<128xi32, #tpu.memory_space<vmem>>
    %dma_start3A_609 = arith.constant 0 : i32
    %dma_start3A_610 = arith.constant 0 : i32
    %dma_start3A_611 = tpu.memref_slice %arg3[%dma_start3A_609, %dma_start3A_610] : memref<10240x128xf32, #tpu.memory_space<hbm>> -> memref<10240x128xf32, #tpu.memory_space<hbm>>
    tpu.enqueue_indirect_dma source(%dma_start3A_611 : memref<10240x128xf32, #tpu.memory_space<hbm>>) target(%arg8 : memref<128x128xf32, #tpu.memory_space<vmem>>) offsets(%dma_start3A_608 : memref<128xi32, #tpu.memory_space<vmem>>) semaphore(%arg12 : memref<!tpu.dma_semaphore, #tpu.memory_space<semaphore_mem>>)
    %dma_start3A_612 = arith.constant 0 : i32
    %dma_start3A_613 = arith.constant 0 : i32
    %dma_start3A_614 = tpu.memref_slice %arg6[%dma_start3A_612, %dma_start3A_613] : memref<2x3328xi32, #tpu.memory_space<vmem>> -> memref<1x3328xi32, #tpu.memory_space<vmem>>
    %dma_start3A_615 = tpu.memref_squeeze %dma_start3A_614 : memref<1x3328xi32, #tpu.memory_space<vmem>> -> memref<3328xi32, #tpu.memory_space<vmem>>
    %dma_start3A_616 = arith.constant 128 : i32
    %dma_start3A_617 = tpu.memref_slice %dma_start3A_615[%dma_start3A_616] : memref<3328xi32, #tpu.memory_space<vmem>> -> memref<128xi32, #tpu.memory_space<vmem>>
    %dma_start3A_618 = arith.constant 0 : i32
    %dma_start3A_619 = arith.constant 0 : i32
    %dma_start3A_620 = tpu.memref_slice %arg3[%dma_start3A_618, %dma_start3A_619] : memref<10240x128xf32, #tpu.memory_space<hbm>> -> memref<10240x128xf32, #tpu.memory_space<hbm>>
    tpu.enqueue_indirect_dma source(%dma_start3A_620 : memref<10240x128xf32, #tpu.memory_space<hbm>>) target(%arg9 : memref<128x128xf32, #tpu.memory_space<vmem>>) offsets(%dma_start3A_617 : memref<128xi32, #tpu.memory_space<vmem>>) semaphore(%arg13 : memref<!tpu.dma_semaphore, #tpu.memory_space<semaphore_mem>>)
    %scan3A_621 = arith.constant 0 : i32
    %scan3A_622 = arith.constant 0 : i32
    %scan3A_623 = arith.constant 0 : i32
    %scan3A_624 = arith.constant 13 : i32
    %scan3A_625 = arith.addi %scan3A_623, %scan3A_624 : i32
    %scan3A_626 = arith.constant 1 : i32
    scf.for %scan3A_780 = %scan3A_623 to %scan3A_625 step %scan3A_626  : i32 {
      %mul3A_781 = arith.constant 2 : i32
      %mul3A_782 = arith.muli %scan3A_780, %mul3A_781 : i32
      %mul3A_783 = arith.constant 128 : i32
      %mul3A_784 = arith.muli %mul3A_782, %mul3A_783 : i32
      %multiple_of3A_785 = tpu.assume_multiple %mul3A_784, 128 : i32
      %mul3A_786 = arith.constant 2 : i32
      %mul3A_787 = arith.muli %scan3A_780, %mul3A_786 : i32
      %mul3A_788 = arith.constant 128 : i32
      %mul3A_789 = arith.muli %mul3A_787, %mul3A_788 : i32
      %add3A_790 = arith.constant 128 : i32
      %add3A_791 = arith.addi %mul3A_789, %add3A_790 : i32
      %multiple_of3A_792 = tpu.assume_multiple %add3A_791, 128 : i32
      %mul3A_793 = arith.constant 2 : i32
      %mul3A_794 = arith.muli %scan3A_780, %mul3A_793 : i32
      %mul3A_795 = arith.constant 128 : i32
      %mul3A_796 = arith.muli %mul3A_794, %mul3A_795 : i32
      %add3A_797 = arith.constant 256 : i32
      %add3A_798 = arith.addi %mul3A_796, %add3A_797 : i32
      %multiple_of3A_799 = tpu.assume_multiple %add3A_798, 128 : i32
      %mul3A_800 = arith.constant 2 : i32
      %mul3A_801 = arith.muli %scan3A_780, %mul3A_800 : i32
      %mul3A_802 = arith.constant 128 : i32
      %mul3A_803 = arith.muli %mul3A_801, %mul3A_802 : i32
      %add3A_804 = arith.constant 384 : i32
      %add3A_805 = arith.addi %mul3A_803, %add3A_804 : i32
      %multiple_of3A_806 = tpu.assume_multiple %add3A_805, 128 : i32
      %dma_wait3A_807 = arith.constant 0 : i32
      %dma_wait3A_808 = tpu.memref_slice %arg6[%scan3A_621, %dma_wait3A_807] : memref<2x3328xi32, #tpu.memory_space<vmem>> -> memref<1x3328xi32, #tpu.memory_space<vmem>>
      %dma_wait3A_809 = tpu.memref_squeeze %dma_wait3A_808 : memref<1x3328xi32, #tpu.memory_space<vmem>> -> memref<3328xi32, #tpu.memory_space<vmem>>
      %dma_wait3A_810 = tpu.memref_slice %dma_wait3A_809[%multiple_of3A_785] : memref<3328xi32, #tpu.memory_space<vmem>> -> memref<128xi32, #tpu.memory_space<vmem>>
      %dma_wait3A_811 = arith.constant 0 : i32
      %dma_wait3A_812 = arith.constant 0 : i32
      %dma_wait3A_813 = tpu.memref_slice %arg3[%dma_wait3A_811, %dma_wait3A_812] : memref<10240x128xf32, #tpu.memory_space<hbm>> -> memref<10240x128xf32, #tpu.memory_space<hbm>>
      tpu.wait_indirect_dma semaphore(%arg12 : memref<!tpu.dma_semaphore, #tpu.memory_space<semaphore_mem>>) src(%dma_wait3A_813 : memref<10240x128xf32, #tpu.memory_space<hbm>>) dst(%arg8 : memref<128x128xf32, #tpu.memory_space<vmem>>)
      %add3A_814 = arith.constant 1 : i32
      %add3A_815 = arith.addi %scan3A_780, %add3A_814 : i32
      %lt3A_816 = arith.constant 13 : i32
      %lt3A_817 = arith.cmpi slt, %add3A_815, %lt3A_816 : i32
      %convert_element_type3A_818 = arith.extui %lt3A_817 : i1 to i32
      %cond3A_819 = arith.constant 0 : i32
      %cond3A_820 = arith.cmpi ne, %convert_element_type3A_818, %cond3A_819 : i32
      scf.if %cond3A_820 {
        %dma_start3A_835 = arith.constant 0 : i32
        %dma_start3A_836 = tpu.memref_slice %arg6[%scan3A_621, %dma_start3A_835] : memref<2x3328xi32, #tpu.memory_space<vmem>> -> memref<1x3328xi32, #tpu.memory_space<vmem>>
        %dma_start3A_837 = tpu.memref_squeeze %dma_start3A_836 : memref<1x3328xi32, #tpu.memory_space<vmem>> -> memref<3328xi32, #tpu.memory_space<vmem>>
        %dma_start3A_838 = tpu.memref_slice %dma_start3A_837[%multiple_of3A_799] : memref<3328xi32, #tpu.memory_space<vmem>> -> memref<128xi32, #tpu.memory_space<vmem>>
        %dma_start3A_839 = arith.constant 0 : i32
        %dma_start3A_840 = arith.constant 0 : i32
        %dma_start3A_841 = tpu.memref_slice %arg3[%dma_start3A_839, %dma_start3A_840] : memref<10240x128xf32, #tpu.memory_space<hbm>> -> memref<10240x128xf32, #tpu.memory_space<hbm>>
        tpu.enqueue_indirect_dma source(%dma_start3A_841 : memref<10240x128xf32, #tpu.memory_space<hbm>>) target(%arg8 : memref<128x128xf32, #tpu.memory_space<vmem>>) offsets(%dma_start3A_838 : memref<128xi32, #tpu.memory_space<vmem>>) semaphore(%arg12 : memref<!tpu.dma_semaphore, #tpu.memory_space<semaphore_mem>>)
      } else {
      }
      "tpu.region"() ({
        %run_scoped3A = tpu.sem_alloc : memref<!tpu.dma_semaphore, #tpu.memory_space<semaphore_mem>>
        %dma_start3A_835 = arith.constant 0 : i32
        %dma_start3A_836 = tpu.memref_slice %arg7[%scan3A_622, %dma_start3A_835] : memref<2x3328xi32, #tpu.memory_space<vmem>> -> memref<1x3328xi32, #tpu.memory_space<vmem>>
        %dma_start3A_837 = tpu.memref_squeeze %dma_start3A_836 : memref<1x3328xi32, #tpu.memory_space<vmem>> -> memref<3328xi32, #tpu.memory_space<vmem>>
        %dma_start3A_838 = tpu.memref_slice %dma_start3A_837[%multiple_of3A_785] : memref<3328xi32, #tpu.memory_space<vmem>> -> memref<128xi32, #tpu.memory_space<vmem>>
        %dma_start3A_839 = arith.constant 0 : i32
        %dma_start3A_840 = arith.constant 0 : i32
        %dma_start3A_841 = tpu.memref_slice %arg11[%dma_start3A_839, %dma_start3A_840] : memref<10240x128xf32, #tpu.memory_space<vmem_shared>> -> memref<10240x128xf32, #tpu.memory_space<vmem_shared>>
        tpu.enqueue_indirect_dma source(%arg8 : memref<128x128xf32, #tpu.memory_space<vmem>>) target(%dma_start3A_841 : memref<10240x128xf32, #tpu.memory_space<vmem_shared>>) offsets(%dma_start3A_838 : memref<128xi32, #tpu.memory_space<vmem>>) semaphore(%run_scoped3A : memref<!tpu.dma_semaphore, #tpu.memory_space<semaphore_mem>>) {add = true}
        %dma_wait3A_842 = arith.constant 0 : i32
        %dma_wait3A_843 = tpu.memref_slice %arg7[%scan3A_622, %dma_wait3A_842] : memref<2x3328xi32, #tpu.memory_space<vmem>> -> memref<1x3328xi32, #tpu.memory_space<vmem>>
        %dma_wait3A_844 = tpu.memref_squeeze %dma_wait3A_843 : memref<1x3328xi32, #tpu.memory_space<vmem>> -> memref<3328xi32, #tpu.memory_space<vmem>>
        %dma_wait3A_845 = tpu.memref_slice %dma_wait3A_844[%multiple_of3A_785] : memref<3328xi32, #tpu.memory_space<vmem>> -> memref<128xi32, #tpu.memory_space<vmem>>
        %dma_wait3A_846 = arith.constant 0 : i32
        %dma_wait3A_847 = arith.constant 0 : i32
        %dma_wait3A_848 = tpu.memref_slice %arg11[%dma_wait3A_846, %dma_wait3A_847] : memref<10240x128xf32, #tpu.memory_space<vmem_shared>> -> memref<10240x128xf32, #tpu.memory_space<vmem_shared>>
        tpu.wait_indirect_dma semaphore(%run_scoped3A : memref<!tpu.dma_semaphore, #tpu.memory_space<semaphore_mem>>) src(%arg8 : memref<128x128xf32, #tpu.memory_space<vmem>>) dst(%dma_wait3A_848 : memref<10240x128xf32, #tpu.memory_space<vmem_shared>>)
        tpu.yield
      }) : () -> ()
      %dma_wait3A_821 = arith.constant 0 : i32
      %dma_wait3A_822 = tpu.memref_slice %arg6[%scan3A_621, %dma_wait3A_821] : memref<2x3328xi32, #tpu.memory_space<vmem>> -> memref<1x3328xi32, #tpu.memory_space<vmem>>
      %dma_wait3A_823 = tpu.memref_squeeze %dma_wait3A_822 : memref<1x3328xi32, #tpu.memory_space<vmem>> -> memref<3328xi32, #tpu.memory_space<vmem>>
      %dma_wait3A_824 = tpu.memref_slice %dma_wait3A_823[%multiple_of3A_792] : memref<3328xi32, #tpu.memory_space<vmem>> -> memref<128xi32, #tpu.memory_space<vmem>>
      %dma_wait3A_825 = arith.constant 0 : i32
      %dma_wait3A_826 = arith.constant 0 : i32
      %dma_wait3A_827 = tpu.memref_slice %arg3[%dma_wait3A_825, %dma_wait3A_826] : memref<10240x128xf32, #tpu.memory_space<hbm>> -> memref<10240x128xf32, #tpu.memory_space<hbm>>
      tpu.wait_indirect_dma semaphore(%arg13 : memref<!tpu.dma_semaphore, #tpu.memory_space<semaphore_mem>>) src(%dma_wait3A_827 : memref<10240x128xf32, #tpu.memory_space<hbm>>) dst(%arg9 : memref<128x128xf32, #tpu.memory_space<vmem>>)
      %add3A_828 = arith.constant 1 : i32
      %add3A_829 = arith.addi %scan3A_780, %add3A_828 : i32
      %lt3A_830 = arith.constant 13 : i32
      %lt3A_831 = arith.cmpi slt, %add3A_829, %lt3A_830 : i32
      %convert_element_type3A_832 = arith.extui %lt3A_831 : i1 to i32
      %cond3A_833 = arith.constant 0 : i32
      %cond3A_834 = arith.cmpi ne, %convert_element_type3A_832, %cond3A_833 : i32
      scf.if %cond3A_834 {
        %dma_start3A_835 = arith.constant 0 : i32
        %dma_start3A_836 = tpu.memref_slice %arg6[%scan3A_621, %dma_start3A_835] : memref<2x3328xi32, #tpu.memory_space<vmem>> -> memref<1x3328xi32, #tpu.memory_space<vmem>>
        %dma_start3A_837 = tpu.memref_squeeze %dma_start3A_836 : memref<1x3328xi32, #tpu.memory_space<vmem>> -> memref<3328xi32, #tpu.memory_space<vmem>>
        %dma_start3A_838 = tpu.memref_slice %dma_start3A_837[%multiple_of3A_806] : memref<3328xi32, #tpu.memory_space<vmem>> -> memref<128xi32, #tpu.memory_space<vmem>>
        %dma_start3A_839 = arith.constant 0 : i32
        %dma_start3A_840 = arith.constant 0 : i32
        %dma_start3A_841 = tpu.memref_slice %arg3[%dma_start3A_839, %dma_start3A_840] : memref<10240x128xf32, #tpu.memory_space<hbm>> -> memref<10240x128xf32, #tpu.memory_space<hbm>>
        tpu.enqueue_indirect_dma source(%dma_start3A_841 : memref<10240x128xf32, #tpu.memory_space<hbm>>) target(%arg9 : memref<128x128xf32, #tpu.memory_space<vmem>>) offsets(%dma_start3A_838 : memref<128xi32, #tpu.memory_space<vmem>>) semaphore(%arg13 : memref<!tpu.dma_semaphore, #tpu.memory_space<semaphore_mem>>)
      } else {
      }
      "tpu.region"() ({
        %run_scoped3A = tpu.sem_alloc : memref<!tpu.dma_semaphore, #tpu.memory_space<semaphore_mem>>
        %dma_start3A_835 = arith.constant 0 : i32
        %dma_start3A_836 = tpu.memref_slice %arg7[%scan3A_622, %dma_start3A_835] : memref<2x3328xi32, #tpu.memory_space<vmem>> -> memref<1x3328xi32, #tpu.memory_space<vmem>>
        %dma_start3A_837 = tpu.memref_squeeze %dma_start3A_836 : memref<1x3328xi32, #tpu.memory_space<vmem>> -> memref<3328xi32, #tpu.memory_space<vmem>>
        %dma_start3A_838 = tpu.memref_slice %dma_start3A_837[%multiple_of3A_792] : memref<3328xi32, #tpu.memory_space<vmem>> -> memref<128xi32, #tpu.memory_space<vmem>>
        %dma_start3A_839 = arith.constant 0 : i32
        %dma_start3A_840 = arith.constant 0 : i32
        %dma_start3A_841 = tpu.memref_slice %arg11[%dma_start3A_839, %dma_start3A_840] : memref<10240x128xf32, #tpu.memory_space<vmem_shared>> -> memref<10240x128xf32, #tpu.memory_space<vmem_shared>>
        tpu.enqueue_indirect_dma source(%arg9 : memref<128x128xf32, #tpu.memory_space<vmem>>) target(%dma_start3A_841 : memref<10240x128xf32, #tpu.memory_space<vmem_shared>>) offsets(%dma_start3A_838 : memref<128xi32, #tpu.memory_space<vmem>>) semaphore(%run_scoped3A : memref<!tpu.dma_semaphore, #tpu.memory_space<semaphore_mem>>) {add = true}
        %dma_wait3A_842 = arith.constant 0 : i32
        %dma_wait3A_843 = tpu.memref_slice %arg7[%scan3A_622, %dma_wait3A_842] : memref<2x3328xi32, #tpu.memory_space<vmem>> -> memref<1x3328xi32, #tpu.memory_space<vmem>>
        %dma_wait3A_844 = tpu.memref_squeeze %dma_wait3A_843 : memref<1x3328xi32, #tpu.memory_space<vmem>> -> memref<3328xi32, #tpu.memory_space<vmem>>
        %dma_wait3A_845 = tpu.memref_slice %dma_wait3A_844[%multiple_of3A_792] : memref<3328xi32, #tpu.memory_space<vmem>> -> memref<128xi32, #tpu.memory_space<vmem>>
        %dma_wait3A_846 = arith.constant 0 : i32
        %dma_wait3A_847 = arith.constant 0 : i32
        %dma_wait3A_848 = tpu.memref_slice %arg11[%dma_wait3A_846, %dma_wait3A_847] : memref<10240x128xf32, #tpu.memory_space<vmem_shared>> -> memref<10240x128xf32, #tpu.memory_space<vmem_shared>>
        tpu.wait_indirect_dma semaphore(%run_scoped3A : memref<!tpu.dma_semaphore, #tpu.memory_space<semaphore_mem>>) src(%arg9 : memref<128x128xf32, #tpu.memory_space<vmem>>) dst(%dma_wait3A_848 : memref<10240x128xf32, #tpu.memory_space<vmem_shared>>)
        tpu.yield
      }) : () -> ()
    }
    %scan3A_627 = arith.constant 13 : i32
    %mul3A_628 = arith.constant 9984 : i32
    %mul3A_629 = arith.muli %add3A, %mul3A_628 : i32
    %add3A_630 = arith.constant 3328 : i32
    %add3A_631 = arith.addi %mul3A_629, %add3A_630 : i32
    %multiple_of3A_632 = tpu.assume_multiple %add3A_631, 128 : i32
    %dma_wait3A_633 = arith.constant 0 : i32
    %dma_wait3A_634 = arith.constant 1 : i32
    %dma_wait3A_635 = arith.constant 0 : i32
    %dma_wait3A_636 = tpu.memref_slice %arg6[%dma_wait3A_634, %dma_wait3A_635] : memref<2x3328xi32, #tpu.memory_space<vmem>> -> memref<1x3328xi32, #tpu.memory_space<vmem>>
    %dma_wait3A_637 = tpu.memref_squeeze %dma_wait3A_636 : memref<1x3328xi32, #tpu.memory_space<vmem>> -> memref<3328xi32, #tpu.memory_space<vmem>>
    %dma_wait3A_638 = tpu.memref_slice %arg2[%dma_wait3A_633, %multiple_of3A_632] : memref<2x320000xi32, #tpu.memory_space<hbm>> -> memref<1x3328xi32, #tpu.memory_space<hbm>>
    %dma_wait3A_639 = tpu.memref_squeeze %dma_wait3A_638 : memref<1x3328xi32, #tpu.memory_space<hbm>> -> memref<3328xi32, #tpu.memory_space<hbm>>
    %dma_wait3A_640 = arith.constant 0 : i32
    %dma_wait3A_641 = tpu.memref_slice %arg6[%dma_wait3A_634, %dma_wait3A_640] : memref<2x3328xi32, #tpu.memory_space<vmem>> -> memref<1x3328xi32, #tpu.memory_space<vmem>>
    %dma_wait3A_642 = tpu.memref_squeeze %dma_wait3A_641 : memref<1x3328xi32, #tpu.memory_space<vmem>> -> memref<3328xi32, #tpu.memory_space<vmem>>
    %dma_wait3A_643 = tpu.memref_slice %arg2[%dma_wait3A_633, %multiple_of3A_632] : memref<2x320000xi32, #tpu.memory_space<hbm>> -> memref<1x3328xi32, #tpu.memory_space<hbm>>
    %dma_wait3A_644 = tpu.memref_squeeze %dma_wait3A_643 : memref<1x3328xi32, #tpu.memory_space<hbm>> -> memref<3328xi32, #tpu.memory_space<hbm>>
    tpu.wait_dma2 semaphore(%arg15 : memref<!tpu.dma_semaphore, #tpu.memory_space<semaphore_mem>>) src(%dma_wait3A_644 : memref<3328xi32, #tpu.memory_space<hbm>>) dst(%dma_wait3A_642 : memref<3328xi32, #tpu.memory_space<vmem>>)
    %dma_wait3A_645 = arith.constant 1 : i32
    %dma_wait3A_646 = arith.constant 1 : i32
    %dma_wait3A_647 = arith.constant 0 : i32
    %dma_wait3A_648 = tpu.memref_slice %arg7[%dma_wait3A_646, %dma_wait3A_647] : memref<2x3328xi32, #tpu.memory_space<vmem>> -> memref<1x3328xi32, #tpu.memory_space<vmem>>
    %dma_wait3A_649 = tpu.memref_squeeze %dma_wait3A_648 : memref<1x3328xi32, #tpu.memory_space<vmem>> -> memref<3328xi32, #tpu.memory_space<vmem>>
    %dma_wait3A_650 = tpu.memref_slice %arg2[%dma_wait3A_645, %multiple_of3A_632] : memref<2x320000xi32, #tpu.memory_space<hbm>> -> memref<1x3328xi32, #tpu.memory_space<hbm>>
    %dma_wait3A_651 = tpu.memref_squeeze %dma_wait3A_650 : memref<1x3328xi32, #tpu.memory_space<hbm>> -> memref<3328xi32, #tpu.memory_space<hbm>>
    %dma_wait3A_652 = arith.constant 0 : i32
    %dma_wait3A_653 = tpu.memref_slice %arg7[%dma_wait3A_646, %dma_wait3A_652] : memref<2x3328xi32, #tpu.memory_space<vmem>> -> memref<1x3328xi32, #tpu.memory_space<vmem>>
    %dma_wait3A_654 = tpu.memref_squeeze %dma_wait3A_653 : memref<1x3328xi32, #tpu.memory_space<vmem>> -> memref<3328xi32, #tpu.memory_space<vmem>>
    %dma_wait3A_655 = tpu.memref_slice %arg2[%dma_wait3A_645, %multiple_of3A_632] : memref<2x320000xi32, #tpu.memory_space<hbm>> -> memref<1x3328xi32, #tpu.memory_space<hbm>>
    %dma_wait3A_656 = tpu.memref_squeeze %dma_wait3A_655 : memref<1x3328xi32, #tpu.memory_space<hbm>> -> memref<3328xi32, #tpu.memory_space<hbm>>
    tpu.wait_dma2 semaphore(%arg15 : memref<!tpu.dma_semaphore, #tpu.memory_space<semaphore_mem>>) src(%dma_wait3A_656 : memref<3328xi32, #tpu.memory_space<hbm>>) dst(%dma_wait3A_654 : memref<3328xi32, #tpu.memory_space<vmem>>)
    %mul3A_657 = arith.constant 9984 : i32
    %mul3A_658 = arith.muli %add3A, %mul3A_657 : i32
    %add3A_659 = arith.constant 6656 : i32
    %add3A_660 = arith.addi %mul3A_658, %add3A_659 : i32
    %multiple_of3A_661 = tpu.assume_multiple %add3A_660, 128 : i32
    %dma_start3A_662 = arith.constant 0 : i32
    %dma_start3A_663 = arith.constant 0 : i32
    %dma_start3A_664 = arith.constant 0 : i32
    %dma_start3A_665 = tpu.memref_slice %arg6[%dma_start3A_663, %dma_start3A_664] : memref<2x3328xi32, #tpu.memory_space<vmem>> -> memref<1x3328xi32, #tpu.memory_space<vmem>>
    %dma_start3A_666 = tpu.memref_squeeze %dma_start3A_665 : memref<1x3328xi32, #tpu.memory_space<vmem>> -> memref<3328xi32, #tpu.memory_space<vmem>>
    %dma_start3A_667 = tpu.memref_slice %arg2[%dma_start3A_662, %multiple_of3A_661] : memref<2x320000xi32, #tpu.memory_space<hbm>> -> memref<1x3328xi32, #tpu.memory_space<hbm>>
    %dma_start3A_668 = tpu.memref_squeeze %dma_start3A_667 : memref<1x3328xi32, #tpu.memory_space<hbm>> -> memref<3328xi32, #tpu.memory_space<hbm>>
    %dma_start3A_669 = arith.constant 0 : i32
    %dma_start3A_670 = tpu.memref_slice %arg6[%dma_start3A_663, %dma_start3A_669] : memref<2x3328xi32, #tpu.memory_space<vmem>> -> memref<1x3328xi32, #tpu.memory_space<vmem>>
    %dma_start3A_671 = tpu.memref_squeeze %dma_start3A_670 : memref<1x3328xi32, #tpu.memory_space<vmem>> -> memref<3328xi32, #tpu.memory_space<vmem>>
    %dma_start3A_672 = tpu.memref_slice %arg2[%dma_start3A_662, %multiple_of3A_661] : memref<2x320000xi32, #tpu.memory_space<hbm>> -> memref<1x3328xi32, #tpu.memory_space<hbm>>
    %dma_start3A_673 = tpu.memref_squeeze %dma_start3A_672 : memref<1x3328xi32, #tpu.memory_space<hbm>> -> memref<3328xi32, #tpu.memory_space<hbm>>
    tpu.enqueue_dma source(%dma_start3A_673 : memref<3328xi32, #tpu.memory_space<hbm>>) target(%dma_start3A_671 : memref<3328xi32, #tpu.memory_space<vmem>>) target_semaphore(%arg14 : memref<!tpu.dma_semaphore, #tpu.memory_space<semaphore_mem>>)
    %dma_start3A_674 = arith.constant 1 : i32
    %dma_start3A_675 = arith.constant 0 : i32
    %dma_start3A_676 = arith.constant 0 : i32
    %dma_start3A_677 = tpu.memref_slice %arg7[%dma_start3A_675, %dma_start3A_676] : memref<2x3328xi32, #tpu.memory_space<vmem>> -> memref<1x3328xi32, #tpu.memory_space<vmem>>
    %dma_start3A_678 = tpu.memref_squeeze %dma_start3A_677 : memref<1x3328xi32, #tpu.memory_space<vmem>> -> memref<3328xi32, #tpu.memory_space<vmem>>
    %dma_start3A_679 = tpu.memref_slice %arg2[%dma_start3A_674, %multiple_of3A_661] : memref<2x320000xi32, #tpu.memory_space<hbm>> -> memref<1x3328xi32, #tpu.memory_space<hbm>>
    %dma_start3A_680 = tpu.memref_squeeze %dma_start3A_679 : memref<1x3328xi32, #tpu.memory_space<hbm>> -> memref<3328xi32, #tpu.memory_space<hbm>>
    %dma_start3A_681 = arith.constant 0 : i32
    %dma_start3A_682 = tpu.memref_slice %arg7[%dma_start3A_675, %dma_start3A_681] : memref<2x3328xi32, #tpu.memory_space<vmem>> -> memref<1x3328xi32, #tpu.memory_space<vmem>>
    %dma_start3A_683 = tpu.memref_squeeze %dma_start3A_682 : memref<1x3328xi32, #tpu.memory_space<vmem>> -> memref<3328xi32, #tpu.memory_space<vmem>>
    %dma_start3A_684 = tpu.memref_slice %arg2[%dma_start3A_674, %multiple_of3A_661] : memref<2x320000xi32, #tpu.memory_space<hbm>> -> memref<1x3328xi32, #tpu.memory_space<hbm>>
    %dma_start3A_685 = tpu.memref_squeeze %dma_start3A_684 : memref<1x3328xi32, #tpu.memory_space<hbm>> -> memref<3328xi32, #tpu.memory_space<hbm>>
    tpu.enqueue_dma source(%dma_start3A_685 : memref<3328xi32, #tpu.memory_space<hbm>>) target(%dma_start3A_683 : memref<3328xi32, #tpu.memory_space<vmem>>) target_semaphore(%arg14 : memref<!tpu.dma_semaphore, #tpu.memory_space<semaphore_mem>>)
    %dma_start3A_686 = arith.constant 1 : i32
    %dma_start3A_687 = arith.constant 0 : i32
    %dma_start3A_688 = tpu.memref_slice %arg6[%dma_start3A_686, %dma_start3A_687] : memref<2x3328xi32, #tpu.memory_space<vmem>> -> memref<1x3328xi32, #tpu.memory_space<vmem>>
    %dma_start3A_689 = tpu.memref_squeeze %dma_start3A_688 : memref<1x3328xi32, #tpu.memory_space<vmem>> -> memref<3328xi32, #tpu.memory_space<vmem>>
    %dma_start3A_690 = arith.constant 0 : i32
    %dma_start3A_691 = tpu.memref_slice %dma_start3A_689[%dma_start3A_690] : memref<3328xi32, #tpu.memory_space<vmem>> -> memref<128xi32, #tpu.memory_space<vmem>>
    %dma_start3A_692 = arith.constant 0 : i32
    %dma_start3A_693 = arith.constant 0 : i32
    %dma_start3A_694 = tpu.memref_slice %arg3[%dma_start3A_692, %dma_start3A_693] : memref<10240x128xf32, #tpu.memory_space<hbm>> -> memref<10240x128xf32, #tpu.memory_space<hbm>>
    tpu.enqueue_indirect_dma source(%dma_start3A_694 : memref<10240x128xf32, #tpu.memory_space<hbm>>) target(%arg8 : memref<128x128xf32, #tpu.memory_space<vmem>>) offsets(%dma_start3A_691 : memref<128xi32, #tpu.memory_space<vmem>>) semaphore(%arg12 : memref<!tpu.dma_semaphore, #tpu.memory_space<semaphore_mem>>)
    %dma_start3A_695 = arith.constant 1 : i32
    %dma_start3A_696 = arith.constant 0 : i32
    %dma_start3A_697 = tpu.memref_slice %arg6[%dma_start3A_695, %dma_start3A_696] : memref<2x3328xi32, #tpu.memory_space<vmem>> -> memref<1x3328xi32, #tpu.memory_space<vmem>>
    %dma_start3A_698 = tpu.memref_squeeze %dma_start3A_697 : memref<1x3328xi32, #tpu.memory_space<vmem>> -> memref<3328xi32, #tpu.memory_space<vmem>>
    %dma_start3A_699 = arith.constant 128 : i32
    %dma_start3A_700 = tpu.memref_slice %dma_start3A_698[%dma_start3A_699] : memref<3328xi32, #tpu.memory_space<vmem>> -> memref<128xi32, #tpu.memory_space<vmem>>
    %dma_start3A_701 = arith.constant 0 : i32
    %dma_start3A_702 = arith.constant 0 : i32
    %dma_start3A_703 = tpu.memref_slice %arg3[%dma_start3A_701, %dma_start3A_702] : memref<10240x128xf32, #tpu.memory_space<hbm>> -> memref<10240x128xf32, #tpu.memory_space<hbm>>
    tpu.enqueue_indirect_dma source(%dma_start3A_703 : memref<10240x128xf32, #tpu.memory_space<hbm>>) target(%arg9 : memref<128x128xf32, #tpu.memory_space<vmem>>) offsets(%dma_start3A_700 : memref<128xi32, #tpu.memory_space<vmem>>) semaphore(%arg13 : memref<!tpu.dma_semaphore, #tpu.memory_space<semaphore_mem>>)
    %scan3A_704 = arith.constant 1 : i32
    %scan3A_705 = arith.constant 1 : i32
    %scan3A_706 = arith.constant 0 : i32
    %scan3A_707 = arith.constant 13 : i32
    %scan3A_708 = arith.addi %scan3A_706, %scan3A_707 : i32
    %scan3A_709 = arith.constant 1 : i32
    scf.for %scan3A_780 = %scan3A_706 to %scan3A_708 step %scan3A_709  : i32 {
      %mul3A_781 = arith.constant 2 : i32
      %mul3A_782 = arith.muli %scan3A_780, %mul3A_781 : i32
      %mul3A_783 = arith.constant 128 : i32
      %mul3A_784 = arith.muli %mul3A_782, %mul3A_783 : i32
      %multiple_of3A_785 = tpu.assume_multiple %mul3A_784, 128 : i32
      %mul3A_786 = arith.constant 2 : i32
      %mul3A_787 = arith.muli %scan3A_780, %mul3A_786 : i32
      %mul3A_788 = arith.constant 128 : i32
      %mul3A_789 = arith.muli %mul3A_787, %mul3A_788 : i32
      %add3A_790 = arith.constant 128 : i32
      %add3A_791 = arith.addi %mul3A_789, %add3A_790 : i32
      %multiple_of3A_792 = tpu.assume_multiple %add3A_791, 128 : i32
      %mul3A_793 = arith.constant 2 : i32
      %mul3A_794 = arith.muli %scan3A_780, %mul3A_793 : i32
      %mul3A_795 = arith.constant 128 : i32
      %mul3A_796 = arith.muli %mul3A_794, %mul3A_795 : i32
      %add3A_797 = arith.constant 256 : i32
      %add3A_798 = arith.addi %mul3A_796, %add3A_797 : i32
      %multiple_of3A_799 = tpu.assume_multiple %add3A_798, 128 : i32
      %mul3A_800 = arith.constant 2 : i32
      %mul3A_801 = arith.muli %scan3A_780, %mul3A_800 : i32
      %mul3A_802 = arith.constant 128 : i32
      %mul3A_803 = arith.muli %mul3A_801, %mul3A_802 : i32
      %add3A_804 = arith.constant 384 : i32
      %add3A_805 = arith.addi %mul3A_803, %add3A_804 : i32
      %multiple_of3A_806 = tpu.assume_multiple %add3A_805, 128 : i32
      %dma_wait3A_807 = arith.constant 0 : i32
      %dma_wait3A_808 = tpu.memref_slice %arg6[%scan3A_704, %dma_wait3A_807] : memref<2x3328xi32, #tpu.memory_space<vmem>> -> memref<1x3328xi32, #tpu.memory_space<vmem>>
      %dma_wait3A_809 = tpu.memref_squeeze %dma_wait3A_808 : memref<1x3328xi32, #tpu.memory_space<vmem>> -> memref<3328xi32, #tpu.memory_space<vmem>>
      %dma_wait3A_810 = tpu.memref_slice %dma_wait3A_809[%multiple_of3A_785] : memref<3328xi32, #tpu.memory_space<vmem>> -> memref<128xi32, #tpu.memory_space<vmem>>
      %dma_wait3A_811 = arith.constant 0 : i32
      %dma_wait3A_812 = arith.constant 0 : i32
      %dma_wait3A_813 = tpu.memref_slice %arg3[%dma_wait3A_811, %dma_wait3A_812] : memref<10240x128xf32, #tpu.memory_space<hbm>> -> memref<10240x128xf32, #tpu.memory_space<hbm>>
      tpu.wait_indirect_dma semaphore(%arg12 : memref<!tpu.dma_semaphore, #tpu.memory_space<semaphore_mem>>) src(%dma_wait3A_813 : memref<10240x128xf32, #tpu.memory_space<hbm>>) dst(%arg8 : memref<128x128xf32, #tpu.memory_space<vmem>>)
      %add3A_814 = arith.constant 1 : i32
      %add3A_815 = arith.addi %scan3A_780, %add3A_814 : i32
      %lt3A_816 = arith.constant 13 : i32
      %lt3A_817 = arith.cmpi slt, %add3A_815, %lt3A_816 : i32
      %convert_element_type3A_818 = arith.extui %lt3A_817 : i1 to i32
      %cond3A_819 = arith.constant 0 : i32
      %cond3A_820 = arith.cmpi ne, %convert_element_type3A_818, %cond3A_819 : i32
      scf.if %cond3A_820 {
        %dma_start3A_835 = arith.constant 0 : i32
        %dma_start3A_836 = tpu.memref_slice %arg6[%scan3A_704, %dma_start3A_835] : memref<2x3328xi32, #tpu.memory_space<vmem>> -> memref<1x3328xi32, #tpu.memory_space<vmem>>
        %dma_start3A_837 = tpu.memref_squeeze %dma_start3A_836 : memref<1x3328xi32, #tpu.memory_space<vmem>> -> memref<3328xi32, #tpu.memory_space<vmem>>
        %dma_start3A_838 = tpu.memref_slice %dma_start3A_837[%multiple_of3A_799] : memref<3328xi32, #tpu.memory_space<vmem>> -> memref<128xi32, #tpu.memory_space<vmem>>
        %dma_start3A_839 = arith.constant 0 : i32
        %dma_start3A_840 = arith.constant 0 : i32
        %dma_start3A_841 = tpu.memref_slice %arg3[%dma_start3A_839, %dma_start3A_840] : memref<10240x128xf32, #tpu.memory_space<hbm>> -> memref<10240x128xf32, #tpu.memory_space<hbm>>
        tpu.enqueue_indirect_dma source(%dma_start3A_841 : memref<10240x128xf32, #tpu.memory_space<hbm>>) target(%arg8 : memref<128x128xf32, #tpu.memory_space<vmem>>) offsets(%dma_start3A_838 : memref<128xi32, #tpu.memory_space<vmem>>) semaphore(%arg12 : memref<!tpu.dma_semaphore, #tpu.memory_space<semaphore_mem>>)
      } else {
      }
      "tpu.region"() ({
        %run_scoped3A = tpu.sem_alloc : memref<!tpu.dma_semaphore, #tpu.memory_space<semaphore_mem>>
        %dma_start3A_835 = arith.constant 0 : i32
        %dma_start3A_836 = tpu.memref_slice %arg7[%scan3A_705, %dma_start3A_835] : memref<2x3328xi32, #tpu.memory_space<vmem>> -> memref<1x3328xi32, #tpu.memory_space<vmem>>
        %dma_start3A_837 = tpu.memref_squeeze %dma_start3A_836 : memref<1x3328xi32, #tpu.memory_space<vmem>> -> memref<3328xi32, #tpu.memory_space<vmem>>
        %dma_start3A_838 = tpu.memref_slice %dma_start3A_837[%multiple_of3A_785] : memref<3328xi32, #tpu.memory_space<vmem>> -> memref<128xi32, #tpu.memory_space<vmem>>
        %dma_start3A_839 = arith.constant 0 : i32
        %dma_start3A_840 = arith.constant 0 : i32
        %dma_start3A_841 = tpu.memref_slice %arg11[%dma_start3A_839, %dma_start3A_840] : memref<10240x128xf32, #tpu.memory_space<vmem_shared>> -> memref<10240x128xf32, #tpu.memory_space<vmem_shared>>
        tpu.enqueue_indirect_dma source(%arg8 : memref<128x128xf32, #tpu.memory_space<vmem>>) target(%dma_start3A_841 : memref<10240x128xf32, #tpu.memory_space<vmem_shared>>) offsets(%dma_start3A_838 : memref<128xi32, #tpu.memory_space<vmem>>) semaphore(%run_scoped3A : memref<!tpu.dma_semaphore, #tpu.memory_space<semaphore_mem>>) {add = true}
        %dma_wait3A_842 = arith.constant 0 : i32
        %dma_wait3A_843 = tpu.memref_slice %arg7[%scan3A_705, %dma_wait3A_842] : memref<2x3328xi32, #tpu.memory_space<vmem>> -> memref<1x3328xi32, #tpu.memory_space<vmem>>
        %dma_wait3A_844 = tpu.memref_squeeze %dma_wait3A_843 : memref<1x3328xi32, #tpu.memory_space<vmem>> -> memref<3328xi32, #tpu.memory_space<vmem>>
        %dma_wait3A_845 = tpu.memref_slice %dma_wait3A_844[%multiple_of3A_785] : memref<3328xi32, #tpu.memory_space<vmem>> -> memref<128xi32, #tpu.memory_space<vmem>>
        %dma_wait3A_846 = arith.constant 0 : i32
        %dma_wait3A_847 = arith.constant 0 : i32
        %dma_wait3A_848 = tpu.memref_slice %arg11[%dma_wait3A_846, %dma_wait3A_847] : memref<10240x128xf32, #tpu.memory_space<vmem_shared>> -> memref<10240x128xf32, #tpu.memory_space<vmem_shared>>
        tpu.wait_indirect_dma semaphore(%run_scoped3A : memref<!tpu.dma_semaphore, #tpu.memory_space<semaphore_mem>>) src(%arg8 : memref<128x128xf32, #tpu.memory_space<vmem>>) dst(%dma_wait3A_848 : memref<10240x128xf32, #tpu.memory_space<vmem_shared>>)
        tpu.yield
      }) : () -> ()
      %dma_wait3A_821 = arith.constant 0 : i32
      %dma_wait3A_822 = tpu.memref_slice %arg6[%scan3A_704, %dma_wait3A_821] : memref<2x3328xi32, #tpu.memory_space<vmem>> -> memref<1x3328xi32, #tpu.memory_space<vmem>>
      %dma_wait3A_823 = tpu.memref_squeeze %dma_wait3A_822 : memref<1x3328xi32, #tpu.memory_space<vmem>> -> memref<3328xi32, #tpu.memory_space<vmem>>
      %dma_wait3A_824 = tpu.memref_slice %dma_wait3A_823[%multiple_of3A_792] : memref<3328xi32, #tpu.memory_space<vmem>> -> memref<128xi32, #tpu.memory_space<vmem>>
      %dma_wait3A_825 = arith.constant 0 : i32
      %dma_wait3A_826 = arith.constant 0 : i32
      %dma_wait3A_827 = tpu.memref_slice %arg3[%dma_wait3A_825, %dma_wait3A_826] : memref<10240x128xf32, #tpu.memory_space<hbm>> -> memref<10240x128xf32, #tpu.memory_space<hbm>>
      tpu.wait_indirect_dma semaphore(%arg13 : memref<!tpu.dma_semaphore, #tpu.memory_space<semaphore_mem>>) src(%dma_wait3A_827 : memref<10240x128xf32, #tpu.memory_space<hbm>>) dst(%arg9 : memref<128x128xf32, #tpu.memory_space<vmem>>)
      %add3A_828 = arith.constant 1 : i32
      %add3A_829 = arith.addi %scan3A_780, %add3A_828 : i32
      %lt3A_830 = arith.constant 13 : i32
      %lt3A_831 = arith.cmpi slt, %add3A_829, %lt3A_830 : i32
      %convert_element_type3A_832 = arith.extui %lt3A_831 : i1 to i32
      %cond3A_833 = arith.constant 0 : i32
      %cond3A_834 = arith.cmpi ne, %convert_element_type3A_832, %cond3A_833 : i32
      scf.if %cond3A_834 {
        %dma_start3A_835 = arith.constant 0 : i32
        %dma_start3A_836 = tpu.memref_slice %arg6[%scan3A_704, %dma_start3A_835] : memref<2x3328xi32, #tpu.memory_space<vmem>> -> memref<1x3328xi32, #tpu.memory_space<vmem>>
        %dma_start3A_837 = tpu.memref_squeeze %dma_start3A_836 : memref<1x3328xi32, #tpu.memory_space<vmem>> -> memref<3328xi32, #tpu.memory_space<vmem>>
        %dma_start3A_838 = tpu.memref_slice %dma_start3A_837[%multiple_of3A_806] : memref<3328xi32, #tpu.memory_space<vmem>> -> memref<128xi32, #tpu.memory_space<vmem>>
        %dma_start3A_839 = arith.constant 0 : i32
        %dma_start3A_840 = arith.constant 0 : i32
        %dma_start3A_841 = tpu.memref_slice %arg3[%dma_start3A_839, %dma_start3A_840] : memref<10240x128xf32, #tpu.memory_space<hbm>> -> memref<10240x128xf32, #tpu.memory_space<hbm>>
        tpu.enqueue_indirect_dma source(%dma_start3A_841 : memref<10240x128xf32, #tpu.memory_space<hbm>>) target(%arg9 : memref<128x128xf32, #tpu.memory_space<vmem>>) offsets(%dma_start3A_838 : memref<128xi32, #tpu.memory_space<vmem>>) semaphore(%arg13 : memref<!tpu.dma_semaphore, #tpu.memory_space<semaphore_mem>>)
      } else {
      }
      "tpu.region"() ({
        %run_scoped3A = tpu.sem_alloc : memref<!tpu.dma_semaphore, #tpu.memory_space<semaphore_mem>>
        %dma_start3A_835 = arith.constant 0 : i32
        %dma_start3A_836 = tpu.memref_slice %arg7[%scan3A_705, %dma_start3A_835] : memref<2x3328xi32, #tpu.memory_space<vmem>> -> memref<1x3328xi32, #tpu.memory_space<vmem>>
        %dma_start3A_837 = tpu.memref_squeeze %dma_start3A_836 : memref<1x3328xi32, #tpu.memory_space<vmem>> -> memref<3328xi32, #tpu.memory_space<vmem>>
        %dma_start3A_838 = tpu.memref_slice %dma_start3A_837[%multiple_of3A_792] : memref<3328xi32, #tpu.memory_space<vmem>> -> memref<128xi32, #tpu.memory_space<vmem>>
        %dma_start3A_839 = arith.constant 0 : i32
        %dma_start3A_840 = arith.constant 0 : i32
        %dma_start3A_841 = tpu.memref_slice %arg11[%dma_start3A_839, %dma_start3A_840] : memref<10240x128xf32, #tpu.memory_space<vmem_shared>> -> memref<10240x128xf32, #tpu.memory_space<vmem_shared>>
        tpu.enqueue_indirect_dma source(%arg9 : memref<128x128xf32, #tpu.memory_space<vmem>>) target(%dma_start3A_841 : memref<10240x128xf32, #tpu.memory_space<vmem_shared>>) offsets(%dma_start3A_838 : memref<128xi32, #tpu.memory_space<vmem>>) semaphore(%run_scoped3A : memref<!tpu.dma_semaphore, #tpu.memory_space<semaphore_mem>>) {add = true}
        %dma_wait3A_842 = arith.constant 0 : i32
        %dma_wait3A_843 = tpu.memref_slice %arg7[%scan3A_705, %dma_wait3A_842] : memref<2x3328xi32, #tpu.memory_space<vmem>> -> memref<1x3328xi32, #tpu.memory_space<vmem>>
        %dma_wait3A_844 = tpu.memref_squeeze %dma_wait3A_843 : memref<1x3328xi32, #tpu.memory_space<vmem>> -> memref<3328xi32, #tpu.memory_space<vmem>>
        %dma_wait3A_845 = tpu.memref_slice %dma_wait3A_844[%multiple_of3A_792] : memref<3328xi32, #tpu.memory_space<vmem>> -> memref<128xi32, #tpu.memory_space<vmem>>
        %dma_wait3A_846 = arith.constant 0 : i32
        %dma_wait3A_847 = arith.constant 0 : i32
        %dma_wait3A_848 = tpu.memref_slice %arg11[%dma_wait3A_846, %dma_wait3A_847] : memref<10240x128xf32, #tpu.memory_space<vmem_shared>> -> memref<10240x128xf32, #tpu.memory_space<vmem_shared>>
        tpu.wait_indirect_dma semaphore(%run_scoped3A : memref<!tpu.dma_semaphore, #tpu.memory_space<semaphore_mem>>) src(%arg9 : memref<128x128xf32, #tpu.memory_space<vmem>>) dst(%dma_wait3A_848 : memref<10240x128xf32, #tpu.memory_space<vmem_shared>>)
        tpu.yield
      }) : () -> ()
    }
    %scan3A_710 = arith.constant 13 : i32
    %mul3A_711 = arith.constant 9984 : i32
    %mul3A_712 = arith.muli %add3A, %mul3A_711 : i32
    %add3A_713 = arith.constant 6656 : i32
    %add3A_714 = arith.addi %mul3A_712, %add3A_713 : i32
    %multiple_of3A_715 = tpu.assume_multiple %add3A_714, 128 : i32
    %dma_wait3A_716 = arith.constant 0 : i32
    %dma_wait3A_717 = arith.constant 0 : i32
    %dma_wait3A_718 = arith.constant 0 : i32
    %dma_wait3A_719 = tpu.memref_slice %arg6[%dma_wait3A_717, %dma_wait3A_718] : memref<2x3328xi32, #tpu.memory_space<vmem>> -> memref<1x3328xi32, #tpu.memory_space<vmem>>
    %dma_wait3A_720 = tpu.memref_squeeze %dma_wait3A_719 : memref<1x3328xi32, #tpu.memory_space<vmem>> -> memref<3328xi32, #tpu.memory_space<vmem>>
    %dma_wait3A_721 = tpu.memref_slice %arg2[%dma_wait3A_716, %multiple_of3A_715] : memref<2x320000xi32, #tpu.memory_space<hbm>> -> memref<1x3328xi32, #tpu.memory_space<hbm>>
    %dma_wait3A_722 = tpu.memref_squeeze %dma_wait3A_721 : memref<1x3328xi32, #tpu.memory_space<hbm>> -> memref<3328xi32, #tpu.memory_space<hbm>>
    %dma_wait3A_723 = arith.constant 0 : i32
    %dma_wait3A_724 = tpu.memref_slice %arg6[%dma_wait3A_717, %dma_wait3A_723] : memref<2x3328xi32, #tpu.memory_space<vmem>> -> memref<1x3328xi32, #tpu.memory_space<vmem>>
    %dma_wait3A_725 = tpu.memref_squeeze %dma_wait3A_724 : memref<1x3328xi32, #tpu.memory_space<vmem>> -> memref<3328xi32, #tpu.memory_space<vmem>>
    %dma_wait3A_726 = tpu.memref_slice %arg2[%dma_wait3A_716, %multiple_of3A_715] : memref<2x320000xi32, #tpu.memory_space<hbm>> -> memref<1x3328xi32, #tpu.memory_space<hbm>>
    %dma_wait3A_727 = tpu.memref_squeeze %dma_wait3A_726 : memref<1x3328xi32, #tpu.memory_space<hbm>> -> memref<3328xi32, #tpu.memory_space<hbm>>
    tpu.wait_dma2 semaphore(%arg14 : memref<!tpu.dma_semaphore, #tpu.memory_space<semaphore_mem>>) src(%dma_wait3A_727 : memref<3328xi32, #tpu.memory_space<hbm>>) dst(%dma_wait3A_725 : memref<3328xi32, #tpu.memory_space<vmem>>)
    %dma_wait3A_728 = arith.constant 1 : i32
    %dma_wait3A_729 = arith.constant 0 : i32
    %dma_wait3A_730 = arith.constant 0 : i32
    %dma_wait3A_731 = tpu.memref_slice %arg7[%dma_wait3A_729, %dma_wait3A_730] : memref<2x3328xi32, #tpu.memory_space<vmem>> -> memref<1x3328xi32, #tpu.memory_space<vmem>>
    %dma_wait3A_732 = tpu.memref_squeeze %dma_wait3A_731 : memref<1x3328xi32, #tpu.memory_space<vmem>> -> memref<3328xi32, #tpu.memory_space<vmem>>
    %dma_wait3A_733 = tpu.memref_slice %arg2[%dma_wait3A_728, %multiple_of3A_715] : memref<2x320000xi32, #tpu.memory_space<hbm>> -> memref<1x3328xi32, #tpu.memory_space<hbm>>
    %dma_wait3A_734 = tpu.memref_squeeze %dma_wait3A_733 : memref<1x3328xi32, #tpu.memory_space<hbm>> -> memref<3328xi32, #tpu.memory_space<hbm>>
    %dma_wait3A_735 = arith.constant 0 : i32
    %dma_wait3A_736 = tpu.memref_slice %arg7[%dma_wait3A_729, %dma_wait3A_735] : memref<2x3328xi32, #tpu.memory_space<vmem>> -> memref<1x3328xi32, #tpu.memory_space<vmem>>
    %dma_wait3A_737 = tpu.memref_squeeze %dma_wait3A_736 : memref<1x3328xi32, #tpu.memory_space<vmem>> -> memref<3328xi32, #tpu.memory_space<vmem>>
    %dma_wait3A_738 = tpu.memref_slice %arg2[%dma_wait3A_728, %multiple_of3A_715] : memref<2x320000xi32, #tpu.memory_space<hbm>> -> memref<1x3328xi32, #tpu.memory_space<hbm>>
    %dma_wait3A_739 = tpu.memref_squeeze %dma_wait3A_738 : memref<1x3328xi32, #tpu.memory_space<hbm>> -> memref<3328xi32, #tpu.memory_space<hbm>>
    tpu.wait_dma2 semaphore(%arg14 : memref<!tpu.dma_semaphore, #tpu.memory_space<semaphore_mem>>) src(%dma_wait3A_739 : memref<3328xi32, #tpu.memory_space<hbm>>) dst(%dma_wait3A_737 : memref<3328xi32, #tpu.memory_space<vmem>>)
    %dma_start3A_740 = arith.constant 0 : i32
    %dma_start3A_741 = arith.constant 0 : i32
    %dma_start3A_742 = tpu.memref_slice %arg6[%dma_start3A_740, %dma_start3A_741] : memref<2x3328xi32, #tpu.memory_space<vmem>> -> memref<1x3328xi32, #tpu.memory_space<vmem>>
    %dma_start3A_743 = tpu.memref_squeeze %dma_start3A_742 : memref<1x3328xi32, #tpu.memory_space<vmem>> -> memref<3328xi32, #tpu.memory_space<vmem>>
    %dma_start3A_744 = arith.constant 0 : i32
    %dma_start3A_745 = tpu.memref_slice %dma_start3A_743[%dma_start3A_744] : memref<3328xi32, #tpu.memory_space<vmem>> -> memref<128xi32, #tpu.memory_space<vmem>>
    %dma_start3A_746 = arith.constant 0 : i32
    %dma_start3A_747 = arith.constant 0 : i32
    %dma_start3A_748 = tpu.memref_slice %arg3[%dma_start3A_746, %dma_start3A_747] : memref<10240x128xf32, #tpu.memory_space<hbm>> -> memref<10240x128xf32, #tpu.memory_space<hbm>>
    tpu.enqueue_indirect_dma source(%dma_start3A_748 : memref<10240x128xf32, #tpu.memory_space<hbm>>) target(%arg8 : memref<128x128xf32, #tpu.memory_space<vmem>>) offsets(%dma_start3A_745 : memref<128xi32, #tpu.memory_space<vmem>>) semaphore(%arg12 : memref<!tpu.dma_semaphore, #tpu.memory_space<semaphore_mem>>)
    %dma_start3A_749 = arith.constant 0 : i32
    %dma_start3A_750 = arith.constant 0 : i32
    %dma_start3A_751 = tpu.memref_slice %arg6[%dma_start3A_749, %dma_start3A_750] : memref<2x3328xi32, #tpu.memory_space<vmem>> -> memref<1x3328xi32, #tpu.memory_space<vmem>>
    %dma_start3A_752 = tpu.memref_squeeze %dma_start3A_751 : memref<1x3328xi32, #tpu.memory_space<vmem>> -> memref<3328xi32, #tpu.memory_space<vmem>>
    %dma_start3A_753 = arith.constant 128 : i32
    %dma_start3A_754 = tpu.memref_slice %dma_start3A_752[%dma_start3A_753] : memref<3328xi32, #tpu.memory_space<vmem>> -> memref<128xi32, #tpu.memory_space<vmem>>
    %dma_start3A_755 = arith.constant 0 : i32
    %dma_start3A_756 = arith.constant 0 : i32
    %dma_start3A_757 = tpu.memref_slice %arg3[%dma_start3A_755, %dma_start3A_756] : memref<10240x128xf32, #tpu.memory_space<hbm>> -> memref<10240x128xf32, #tpu.memory_space<hbm>>
    tpu.enqueue_indirect_dma source(%dma_start3A_757 : memref<10240x128xf32, #tpu.memory_space<hbm>>) target(%arg9 : memref<128x128xf32, #tpu.memory_space<vmem>>) offsets(%dma_start3A_754 : memref<128xi32, #tpu.memory_space<vmem>>) semaphore(%arg13 : memref<!tpu.dma_semaphore, #tpu.memory_space<semaphore_mem>>)
    %scan3A_758 = arith.constant 0 : i32
    %scan3A_759 = arith.constant 0 : i32
    %scan3A_760 = arith.constant 0 : i32
    %scan3A_761 = arith.constant 13 : i32
    %scan3A_762 = arith.addi %scan3A_760, %scan3A_761 : i32
    %scan3A_763 = arith.constant 1 : i32
    scf.for %scan3A_780 = %scan3A_760 to %scan3A_762 step %scan3A_763  : i32 {
      %mul3A_781 = arith.constant 2 : i32
      %mul3A_782 = arith.muli %scan3A_780, %mul3A_781 : i32
      %mul3A_783 = arith.constant 128 : i32
      %mul3A_784 = arith.muli %mul3A_782, %mul3A_783 : i32
      %multiple_of3A_785 = tpu.assume_multiple %mul3A_784, 128 : i32
      %mul3A_786 = arith.constant 2 : i32
      %mul3A_787 = arith.muli %scan3A_780, %mul3A_786 : i32
      %mul3A_788 = arith.constant 128 : i32
      %mul3A_789 = arith.muli %mul3A_787, %mul3A_788 : i32
      %add3A_790 = arith.constant 128 : i32
      %add3A_791 = arith.addi %mul3A_789, %add3A_790 : i32
      %multiple_of3A_792 = tpu.assume_multiple %add3A_791, 128 : i32
      %mul3A_793 = arith.constant 2 : i32
      %mul3A_794 = arith.muli %scan3A_780, %mul3A_793 : i32
      %mul3A_795 = arith.constant 128 : i32
      %mul3A_796 = arith.muli %mul3A_794, %mul3A_795 : i32
      %add3A_797 = arith.constant 256 : i32
      %add3A_798 = arith.addi %mul3A_796, %add3A_797 : i32
      %multiple_of3A_799 = tpu.assume_multiple %add3A_798, 128 : i32
      %mul3A_800 = arith.constant 2 : i32
      %mul3A_801 = arith.muli %scan3A_780, %mul3A_800 : i32
      %mul3A_802 = arith.constant 128 : i32
      %mul3A_803 = arith.muli %mul3A_801, %mul3A_802 : i32
      %add3A_804 = arith.constant 384 : i32
      %add3A_805 = arith.addi %mul3A_803, %add3A_804 : i32
      %multiple_of3A_806 = tpu.assume_multiple %add3A_805, 128 : i32
      %dma_wait3A_807 = arith.constant 0 : i32
      %dma_wait3A_808 = tpu.memref_slice %arg6[%scan3A_758, %dma_wait3A_807] : memref<2x3328xi32, #tpu.memory_space<vmem>> -> memref<1x3328xi32, #tpu.memory_space<vmem>>
      %dma_wait3A_809 = tpu.memref_squeeze %dma_wait3A_808 : memref<1x3328xi32, #tpu.memory_space<vmem>> -> memref<3328xi32, #tpu.memory_space<vmem>>
      %dma_wait3A_810 = tpu.memref_slice %dma_wait3A_809[%multiple_of3A_785] : memref<3328xi32, #tpu.memory_space<vmem>> -> memref<128xi32, #tpu.memory_space<vmem>>
      %dma_wait3A_811 = arith.constant 0 : i32
      %dma_wait3A_812 = arith.constant 0 : i32
      %dma_wait3A_813 = tpu.memref_slice %arg3[%dma_wait3A_811, %dma_wait3A_812] : memref<10240x128xf32, #tpu.memory_space<hbm>> -> memref<10240x128xf32, #tpu.memory_space<hbm>>
      tpu.wait_indirect_dma semaphore(%arg12 : memref<!tpu.dma_semaphore, #tpu.memory_space<semaphore_mem>>) src(%dma_wait3A_813 : memref<10240x128xf32, #tpu.memory_space<hbm>>) dst(%arg8 : memref<128x128xf32, #tpu.memory_space<vmem>>)
      %add3A_814 = arith.constant 1 : i32
      %add3A_815 = arith.addi %scan3A_780, %add3A_814 : i32
      %lt3A_816 = arith.constant 13 : i32
      %lt3A_817 = arith.cmpi slt, %add3A_815, %lt3A_816 : i32
      %convert_element_type3A_818 = arith.extui %lt3A_817 : i1 to i32
      %cond3A_819 = arith.constant 0 : i32
      %cond3A_820 = arith.cmpi ne, %convert_element_type3A_818, %cond3A_819 : i32
      scf.if %cond3A_820 {
        %dma_start3A_835 = arith.constant 0 : i32
        %dma_start3A_836 = tpu.memref_slice %arg6[%scan3A_758, %dma_start3A_835] : memref<2x3328xi32, #tpu.memory_space<vmem>> -> memref<1x3328xi32, #tpu.memory_space<vmem>>
        %dma_start3A_837 = tpu.memref_squeeze %dma_start3A_836 : memref<1x3328xi32, #tpu.memory_space<vmem>> -> memref<3328xi32, #tpu.memory_space<vmem>>
        %dma_start3A_838 = tpu.memref_slice %dma_start3A_837[%multiple_of3A_799] : memref<3328xi32, #tpu.memory_space<vmem>> -> memref<128xi32, #tpu.memory_space<vmem>>
        %dma_start3A_839 = arith.constant 0 : i32
        %dma_start3A_840 = arith.constant 0 : i32
        %dma_start3A_841 = tpu.memref_slice %arg3[%dma_start3A_839, %dma_start3A_840] : memref<10240x128xf32, #tpu.memory_space<hbm>> -> memref<10240x128xf32, #tpu.memory_space<hbm>>
        tpu.enqueue_indirect_dma source(%dma_start3A_841 : memref<10240x128xf32, #tpu.memory_space<hbm>>) target(%arg8 : memref<128x128xf32, #tpu.memory_space<vmem>>) offsets(%dma_start3A_838 : memref<128xi32, #tpu.memory_space<vmem>>) semaphore(%arg12 : memref<!tpu.dma_semaphore, #tpu.memory_space<semaphore_mem>>)
      } else {
      }
      "tpu.region"() ({
        %run_scoped3A = tpu.sem_alloc : memref<!tpu.dma_semaphore, #tpu.memory_space<semaphore_mem>>
        %dma_start3A_835 = arith.constant 0 : i32
        %dma_start3A_836 = tpu.memref_slice %arg7[%scan3A_759, %dma_start3A_835] : memref<2x3328xi32, #tpu.memory_space<vmem>> -> memref<1x3328xi32, #tpu.memory_space<vmem>>
        %dma_start3A_837 = tpu.memref_squeeze %dma_start3A_836 : memref<1x3328xi32, #tpu.memory_space<vmem>> -> memref<3328xi32, #tpu.memory_space<vmem>>
        %dma_start3A_838 = tpu.memref_slice %dma_start3A_837[%multiple_of3A_785] : memref<3328xi32, #tpu.memory_space<vmem>> -> memref<128xi32, #tpu.memory_space<vmem>>
        %dma_start3A_839 = arith.constant 0 : i32
        %dma_start3A_840 = arith.constant 0 : i32
        %dma_start3A_841 = tpu.memref_slice %arg11[%dma_start3A_839, %dma_start3A_840] : memref<10240x128xf32, #tpu.memory_space<vmem_shared>> -> memref<10240x128xf32, #tpu.memory_space<vmem_shared>>
        tpu.enqueue_indirect_dma source(%arg8 : memref<128x128xf32, #tpu.memory_space<vmem>>) target(%dma_start3A_841 : memref<10240x128xf32, #tpu.memory_space<vmem_shared>>) offsets(%dma_start3A_838 : memref<128xi32, #tpu.memory_space<vmem>>) semaphore(%run_scoped3A : memref<!tpu.dma_semaphore, #tpu.memory_space<semaphore_mem>>) {add = true}
        %dma_wait3A_842 = arith.constant 0 : i32
        %dma_wait3A_843 = tpu.memref_slice %arg7[%scan3A_759, %dma_wait3A_842] : memref<2x3328xi32, #tpu.memory_space<vmem>> -> memref<1x3328xi32, #tpu.memory_space<vmem>>
        %dma_wait3A_844 = tpu.memref_squeeze %dma_wait3A_843 : memref<1x3328xi32, #tpu.memory_space<vmem>> -> memref<3328xi32, #tpu.memory_space<vmem>>
        %dma_wait3A_845 = tpu.memref_slice %dma_wait3A_844[%multiple_of3A_785] : memref<3328xi32, #tpu.memory_space<vmem>> -> memref<128xi32, #tpu.memory_space<vmem>>
        %dma_wait3A_846 = arith.constant 0 : i32
        %dma_wait3A_847 = arith.constant 0 : i32
        %dma_wait3A_848 = tpu.memref_slice %arg11[%dma_wait3A_846, %dma_wait3A_847] : memref<10240x128xf32, #tpu.memory_space<vmem_shared>> -> memref<10240x128xf32, #tpu.memory_space<vmem_shared>>
        tpu.wait_indirect_dma semaphore(%run_scoped3A : memref<!tpu.dma_semaphore, #tpu.memory_space<semaphore_mem>>) src(%arg8 : memref<128x128xf32, #tpu.memory_space<vmem>>) dst(%dma_wait3A_848 : memref<10240x128xf32, #tpu.memory_space<vmem_shared>>)
        tpu.yield
      }) : () -> ()
      %dma_wait3A_821 = arith.constant 0 : i32
      %dma_wait3A_822 = tpu.memref_slice %arg6[%scan3A_758, %dma_wait3A_821] : memref<2x3328xi32, #tpu.memory_space<vmem>> -> memref<1x3328xi32, #tpu.memory_space<vmem>>
      %dma_wait3A_823 = tpu.memref_squeeze %dma_wait3A_822 : memref<1x3328xi32, #tpu.memory_space<vmem>> -> memref<3328xi32, #tpu.memory_space<vmem>>
      %dma_wait3A_824 = tpu.memref_slice %dma_wait3A_823[%multiple_of3A_792] : memref<3328xi32, #tpu.memory_space<vmem>> -> memref<128xi32, #tpu.memory_space<vmem>>
      %dma_wait3A_825 = arith.constant 0 : i32
      %dma_wait3A_826 = arith.constant 0 : i32
      %dma_wait3A_827 = tpu.memref_slice %arg3[%dma_wait3A_825, %dma_wait3A_826] : memref<10240x128xf32, #tpu.memory_space<hbm>> -> memref<10240x128xf32, #tpu.memory_space<hbm>>
      tpu.wait_indirect_dma semaphore(%arg13 : memref<!tpu.dma_semaphore, #tpu.memory_space<semaphore_mem>>) src(%dma_wait3A_827 : memref<10240x128xf32, #tpu.memory_space<hbm>>) dst(%arg9 : memref<128x128xf32, #tpu.memory_space<vmem>>)
      %add3A_828 = arith.constant 1 : i32
      %add3A_829 = arith.addi %scan3A_780, %add3A_828 : i32
      %lt3A_830 = arith.constant 13 : i32
      %lt3A_831 = arith.cmpi slt, %add3A_829, %lt3A_830 : i32
      %convert_element_type3A_832 = arith.extui %lt3A_831 : i1 to i32
      %cond3A_833 = arith.constant 0 : i32
      %cond3A_834 = arith.cmpi ne, %convert_element_type3A_832, %cond3A_833 : i32
      scf.if %cond3A_834 {
        %dma_start3A_835 = arith.constant 0 : i32
        %dma_start3A_836 = tpu.memref_slice %arg6[%scan3A_758, %dma_start3A_835] : memref<2x3328xi32, #tpu.memory_space<vmem>> -> memref<1x3328xi32, #tpu.memory_space<vmem>>
        %dma_start3A_837 = tpu.memref_squeeze %dma_start3A_836 : memref<1x3328xi32, #tpu.memory_space<vmem>> -> memref<3328xi32, #tpu.memory_space<vmem>>
        %dma_start3A_838 = tpu.memref_slice %dma_start3A_837[%multiple_of3A_806] : memref<3328xi32, #tpu.memory_space<vmem>> -> memref<128xi32, #tpu.memory_space<vmem>>
        %dma_start3A_839 = arith.constant 0 : i32
        %dma_start3A_840 = arith.constant 0 : i32
        %dma_start3A_841 = tpu.memref_slice %arg3[%dma_start3A_839, %dma_start3A_840] : memref<10240x128xf32, #tpu.memory_space<hbm>> -> memref<10240x128xf32, #tpu.memory_space<hbm>>
        tpu.enqueue_indirect_dma source(%dma_start3A_841 : memref<10240x128xf32, #tpu.memory_space<hbm>>) target(%arg9 : memref<128x128xf32, #tpu.memory_space<vmem>>) offsets(%dma_start3A_838 : memref<128xi32, #tpu.memory_space<vmem>>) semaphore(%arg13 : memref<!tpu.dma_semaphore, #tpu.memory_space<semaphore_mem>>)
      } else {
      }
      "tpu.region"() ({
        %run_scoped3A = tpu.sem_alloc : memref<!tpu.dma_semaphore, #tpu.memory_space<semaphore_mem>>
        %dma_start3A_835 = arith.constant 0 : i32
        %dma_start3A_836 = tpu.memref_slice %arg7[%scan3A_759, %dma_start3A_835] : memref<2x3328xi32, #tpu.memory_space<vmem>> -> memref<1x3328xi32, #tpu.memory_space<vmem>>
        %dma_start3A_837 = tpu.memref_squeeze %dma_start3A_836 : memref<1x3328xi32, #tpu.memory_space<vmem>> -> memref<3328xi32, #tpu.memory_space<vmem>>
        %dma_start3A_838 = tpu.memref_slice %dma_start3A_837[%multiple_of3A_792] : memref<3328xi32, #tpu.memory_space<vmem>> -> memref<128xi32, #tpu.memory_space<vmem>>
        %dma_start3A_839 = arith.constant 0 : i32
        %dma_start3A_840 = arith.constant 0 : i32
        %dma_start3A_841 = tpu.memref_slice %arg11[%dma_start3A_839, %dma_start3A_840] : memref<10240x128xf32, #tpu.memory_space<vmem_shared>> -> memref<10240x128xf32, #tpu.memory_space<vmem_shared>>
        tpu.enqueue_indirect_dma source(%arg9 : memref<128x128xf32, #tpu.memory_space<vmem>>) target(%dma_start3A_841 : memref<10240x128xf32, #tpu.memory_space<vmem_shared>>) offsets(%dma_start3A_838 : memref<128xi32, #tpu.memory_space<vmem>>) semaphore(%run_scoped3A : memref<!tpu.dma_semaphore, #tpu.memory_space<semaphore_mem>>) {add = true}
        %dma_wait3A_842 = arith.constant 0 : i32
        %dma_wait3A_843 = tpu.memref_slice %arg7[%scan3A_759, %dma_wait3A_842] : memref<2x3328xi32, #tpu.memory_space<vmem>> -> memref<1x3328xi32, #tpu.memory_space<vmem>>
        %dma_wait3A_844 = tpu.memref_squeeze %dma_wait3A_843 : memref<1x3328xi32, #tpu.memory_space<vmem>> -> memref<3328xi32, #tpu.memory_space<vmem>>
        %dma_wait3A_845 = tpu.memref_slice %dma_wait3A_844[%multiple_of3A_792] : memref<3328xi32, #tpu.memory_space<vmem>> -> memref<128xi32, #tpu.memory_space<vmem>>
        %dma_wait3A_846 = arith.constant 0 : i32
        %dma_wait3A_847 = arith.constant 0 : i32
        %dma_wait3A_848 = tpu.memref_slice %arg11[%dma_wait3A_846, %dma_wait3A_847] : memref<10240x128xf32, #tpu.memory_space<vmem_shared>> -> memref<10240x128xf32, #tpu.memory_space<vmem_shared>>
        tpu.wait_indirect_dma semaphore(%run_scoped3A : memref<!tpu.dma_semaphore, #tpu.memory_space<semaphore_mem>>) src(%arg9 : memref<128x128xf32, #tpu.memory_space<vmem>>) dst(%dma_wait3A_848 : memref<10240x128xf32, #tpu.memory_space<vmem_shared>>)
        tpu.yield
      }) : () -> ()
    }
    %scan3A_764 = arith.constant 13 : i32
    %mul3A_765 = arith.constant 2 : i32
    %mul3A_766 = arith.muli %arg1, %mul3A_765 : i32
    %add3A_767 = arith.addi %mul3A_766, %arg0 : i32
    %lt3A = arith.constant 4 : i32
    %lt3A_768 = arith.cmpi slt, %add3A_767, %lt3A : i32
    %convert_element_type3A = arith.extui %lt3A_768 : i1 to i32
    %cond3A = arith.constant 0 : i32
    %cond3A_769 = arith.cmpi ne, %convert_element_type3A, %cond3A : i32
    scf.if %cond3A_769 {
      %mul3A_780 = arith.constant 2 : i32
      %mul3A_781 = arith.muli %arg1, %mul3A_780 : i32
      %add3A_782 = arith.addi %mul3A_781, %arg0 : i32
      %mul3A_783 = arith.constant 128 : i32
      %mul3A_784 = arith.muli %add3A_782, %mul3A_783 : i32
      %add3A_785 = arith.constant 319488 : i32
      %add3A_786 = arith.addi %add3A_785, %mul3A_784 : i32
      %multiple_of3A_787 = tpu.assume_multiple %add3A_786, 128 : i32
      %run_scoped3A = arith.constant 0 : i32
      %run_scoped3A_788 = arith.constant 0 : i32
      "tpu.region"() ({
        %run_scoped3A_793 = tpu.sem_alloc : memref<!tpu.dma_semaphore, #tpu.memory_space<semaphore_mem>>
        %dma_start3A_794 = arith.constant 0 : i32
        %dma_start3A_795 = tpu.memref_slice %arg6[%run_scoped3A_788, %dma_start3A_794] : memref<2x3328xi32, #tpu.memory_space<vmem>> -> memref<1x128xi32, #tpu.memory_space<vmem>>
        %dma_start3A_796 = tpu.memref_squeeze %dma_start3A_795 : memref<1x128xi32, #tpu.memory_space<vmem>> -> memref<128xi32, #tpu.memory_space<vmem>>
        %dma_start3A_797 = tpu.memref_slice %arg2[%run_scoped3A, %multiple_of3A_787] : memref<2x320000xi32, #tpu.memory_space<hbm>> -> memref<1x128xi32, #tpu.memory_space<hbm>>
        %dma_start3A_798 = tpu.memref_squeeze %dma_start3A_797 : memref<1x128xi32, #tpu.memory_space<hbm>> -> memref<128xi32, #tpu.memory_space<hbm>>
        %dma_start3A_799 = arith.constant 0 : i32
        %dma_start3A_800 = tpu.memref_slice %arg6[%run_scoped3A_788, %dma_start3A_799] : memref<2x3328xi32, #tpu.memory_space<vmem>> -> memref<1x128xi32, #tpu.memory_space<vmem>>
        %dma_start3A_801 = tpu.memref_squeeze %dma_start3A_800 : memref<1x128xi32, #tpu.memory_space<vmem>> -> memref<128xi32, #tpu.memory_space<vmem>>
        %dma_start3A_802 = tpu.memref_slice %arg2[%run_scoped3A, %multiple_of3A_787] : memref<2x320000xi32, #tpu.memory_space<hbm>> -> memref<1x128xi32, #tpu.memory_space<hbm>>
        %dma_start3A_803 = tpu.memref_squeeze %dma_start3A_802 : memref<1x128xi32, #tpu.memory_space<hbm>> -> memref<128xi32, #tpu.memory_space<hbm>>
        tpu.enqueue_dma source(%dma_start3A_803 : memref<128xi32, #tpu.memory_space<hbm>>) target(%dma_start3A_801 : memref<128xi32, #tpu.memory_space<vmem>>) target_semaphore(%run_scoped3A_793 : memref<!tpu.dma_semaphore, #tpu.memory_space<semaphore_mem>>)
        %dma_wait3A_804 = arith.constant 0 : i32
        %dma_wait3A_805 = tpu.memref_slice %arg6[%run_scoped3A_788, %dma_wait3A_804] : memref<2x3328xi32, #tpu.memory_space<vmem>> -> memref<1x128xi32, #tpu.memory_space<vmem>>
        %dma_wait3A_806 = tpu.memref_squeeze %dma_wait3A_805 : memref<1x128xi32, #tpu.memory_space<vmem>> -> memref<128xi32, #tpu.memory_space<vmem>>
        %dma_wait3A_807 = tpu.memref_slice %arg2[%run_scoped3A, %multiple_of3A_787] : memref<2x320000xi32, #tpu.memory_space<hbm>> -> memref<1x128xi32, #tpu.memory_space<hbm>>
        %dma_wait3A_808 = tpu.memref_squeeze %dma_wait3A_807 : memref<1x128xi32, #tpu.memory_space<hbm>> -> memref<128xi32, #tpu.memory_space<hbm>>
        %dma_wait3A_809 = arith.constant 0 : i32
        %dma_wait3A_810 = tpu.memref_slice %arg6[%run_scoped3A_788, %dma_wait3A_809] : memref<2x3328xi32, #tpu.memory_space<vmem>> -> memref<1x128xi32, #tpu.memory_space<vmem>>
        %dma_wait3A_811 = tpu.memref_squeeze %dma_wait3A_810 : memref<1x128xi32, #tpu.memory_space<vmem>> -> memref<128xi32, #tpu.memory_space<vmem>>
        %dma_wait3A_812 = tpu.memref_slice %arg2[%run_scoped3A, %multiple_of3A_787] : memref<2x320000xi32, #tpu.memory_space<hbm>> -> memref<1x128xi32, #tpu.memory_space<hbm>>
        %dma_wait3A_813 = tpu.memref_squeeze %dma_wait3A_812 : memref<1x128xi32, #tpu.memory_space<hbm>> -> memref<128xi32, #tpu.memory_space<hbm>>
        tpu.wait_dma2 semaphore(%run_scoped3A_793 : memref<!tpu.dma_semaphore, #tpu.memory_space<semaphore_mem>>) src(%dma_wait3A_813 : memref<128xi32, #tpu.memory_space<hbm>>) dst(%dma_wait3A_811 : memref<128xi32, #tpu.memory_space<vmem>>)
        tpu.yield
      }) : () -> ()
      %run_scoped3A_789 = arith.constant 1 : i32
      %run_scoped3A_790 = arith.constant 0 : i32
      "tpu.region"() ({
        %run_scoped3A_793 = tpu.sem_alloc : memref<!tpu.dma_semaphore, #tpu.memory_space<semaphore_mem>>
        %dma_start3A_794 = arith.constant 0 : i32
        %dma_start3A_795 = tpu.memref_slice %arg7[%run_scoped3A_790, %dma_start3A_794] : memref<2x3328xi32, #tpu.memory_space<vmem>> -> memref<1x128xi32, #tpu.memory_space<vmem>>
        %dma_start3A_796 = tpu.memref_squeeze %dma_start3A_795 : memref<1x128xi32, #tpu.memory_space<vmem>> -> memref<128xi32, #tpu.memory_space<vmem>>
        %dma_start3A_797 = tpu.memref_slice %arg2[%run_scoped3A_789, %multiple_of3A_787] : memref<2x320000xi32, #tpu.memory_space<hbm>> -> memref<1x128xi32, #tpu.memory_space<hbm>>
        %dma_start3A_798 = tpu.memref_squeeze %dma_start3A_797 : memref<1x128xi32, #tpu.memory_space<hbm>> -> memref<128xi32, #tpu.memory_space<hbm>>
        %dma_start3A_799 = arith.constant 0 : i32
        %dma_start3A_800 = tpu.memref_slice %arg7[%run_scoped3A_790, %dma_start3A_799] : memref<2x3328xi32, #tpu.memory_space<vmem>> -> memref<1x128xi32, #tpu.memory_space<vmem>>
        %dma_start3A_801 = tpu.memref_squeeze %dma_start3A_800 : memref<1x128xi32, #tpu.memory_space<vmem>> -> memref<128xi32, #tpu.memory_space<vmem>>
        %dma_start3A_802 = tpu.memref_slice %arg2[%run_scoped3A_789, %multiple_of3A_787] : memref<2x320000xi32, #tpu.memory_space<hbm>> -> memref<1x128xi32, #tpu.memory_space<hbm>>
        %dma_start3A_803 = tpu.memref_squeeze %dma_start3A_802 : memref<1x128xi32, #tpu.memory_space<hbm>> -> memref<128xi32, #tpu.memory_space<hbm>>
        tpu.enqueue_dma source(%dma_start3A_803 : memref<128xi32, #tpu.memory_space<hbm>>) target(%dma_start3A_801 : memref<128xi32, #tpu.memory_space<vmem>>) target_semaphore(%run_scoped3A_793 : memref<!tpu.dma_semaphore, #tpu.memory_space<semaphore_mem>>)
        %dma_wait3A_804 = arith.constant 0 : i32
        %dma_wait3A_805 = tpu.memref_slice %arg7[%run_scoped3A_790, %dma_wait3A_804] : memref<2x3328xi32, #tpu.memory_space<vmem>> -> memref<1x128xi32, #tpu.memory_space<vmem>>
        %dma_wait3A_806 = tpu.memref_squeeze %dma_wait3A_805 : memref<1x128xi32, #tpu.memory_space<vmem>> -> memref<128xi32, #tpu.memory_space<vmem>>
        %dma_wait3A_807 = tpu.memref_slice %arg2[%run_scoped3A_789, %multiple_of3A_787] : memref<2x320000xi32, #tpu.memory_space<hbm>> -> memref<1x128xi32, #tpu.memory_space<hbm>>
        %dma_wait3A_808 = tpu.memref_squeeze %dma_wait3A_807 : memref<1x128xi32, #tpu.memory_space<hbm>> -> memref<128xi32, #tpu.memory_space<hbm>>
        %dma_wait3A_809 = arith.constant 0 : i32
        %dma_wait3A_810 = tpu.memref_slice %arg7[%run_scoped3A_790, %dma_wait3A_809] : memref<2x3328xi32, #tpu.memory_space<vmem>> -> memref<1x128xi32, #tpu.memory_space<vmem>>
        %dma_wait3A_811 = tpu.memref_squeeze %dma_wait3A_810 : memref<1x128xi32, #tpu.memory_space<vmem>> -> memref<128xi32, #tpu.memory_space<vmem>>
        %dma_wait3A_812 = tpu.memref_slice %arg2[%run_scoped3A_789, %multiple_of3A_787] : memref<2x320000xi32, #tpu.memory_space<hbm>> -> memref<1x128xi32, #tpu.memory_space<hbm>>
        %dma_wait3A_813 = tpu.memref_squeeze %dma_wait3A_812 : memref<1x128xi32, #tpu.memory_space<hbm>> -> memref<128xi32, #tpu.memory_space<hbm>>
        tpu.wait_dma2 semaphore(%run_scoped3A_793 : memref<!tpu.dma_semaphore, #tpu.memory_space<semaphore_mem>>) src(%dma_wait3A_813 : memref<128xi32, #tpu.memory_space<hbm>>) dst(%dma_wait3A_811 : memref<128xi32, #tpu.memory_space<vmem>>)
        tpu.yield
      }) : () -> ()
      %run_scoped3A_791 = arith.constant 0 : i32
      "tpu.region"() ({
        %run_scoped3A_793 = tpu.sem_alloc : memref<!tpu.dma_semaphore, #tpu.memory_space<semaphore_mem>>
        %dma_start3A_794 = arith.constant 0 : i32
        %dma_start3A_795 = tpu.memref_slice %arg6[%run_scoped3A_791, %dma_start3A_794] : memref<2x3328xi32, #tpu.memory_space<vmem>> -> memref<1x128xi32, #tpu.memory_space<vmem>>
        %dma_start3A_796 = tpu.memref_squeeze %dma_start3A_795 : memref<1x128xi32, #tpu.memory_space<vmem>> -> memref<128xi32, #tpu.memory_space<vmem>>
        %dma_start3A_797 = arith.constant 0 : i32
        %dma_start3A_798 = arith.constant 0 : i32
        %dma_start3A_799 = tpu.memref_slice %arg3[%dma_start3A_797, %dma_start3A_798] : memref<10240x128xf32, #tpu.memory_space<hbm>> -> memref<10240x128xf32, #tpu.memory_space<hbm>>
        tpu.enqueue_indirect_dma source(%dma_start3A_799 : memref<10240x128xf32, #tpu.memory_space<hbm>>) target(%arg8 : memref<128x128xf32, #tpu.memory_space<vmem>>) offsets(%dma_start3A_796 : memref<128xi32, #tpu.memory_space<vmem>>) semaphore(%run_scoped3A_793 : memref<!tpu.dma_semaphore, #tpu.memory_space<semaphore_mem>>)
        %dma_wait3A_800 = arith.constant 0 : i32
        %dma_wait3A_801 = tpu.memref_slice %arg6[%run_scoped3A_791, %dma_wait3A_800] : memref<2x3328xi32, #tpu.memory_space<vmem>> -> memref<1x128xi32, #tpu.memory_space<vmem>>
        %dma_wait3A_802 = tpu.memref_squeeze %dma_wait3A_801 : memref<1x128xi32, #tpu.memory_space<vmem>> -> memref<128xi32, #tpu.memory_space<vmem>>
        %dma_wait3A_803 = arith.constant 0 : i32
        %dma_wait3A_804 = arith.constant 0 : i32
        %dma_wait3A_805 = tpu.memref_slice %arg3[%dma_wait3A_803, %dma_wait3A_804] : memref<10240x128xf32, #tpu.memory_space<hbm>> -> memref<10240x128xf32, #tpu.memory_space<hbm>>
        tpu.wait_indirect_dma semaphore(%run_scoped3A_793 : memref<!tpu.dma_semaphore, #tpu.memory_space<semaphore_mem>>) src(%dma_wait3A_805 : memref<10240x128xf32, #tpu.memory_space<hbm>>) dst(%arg8 : memref<128x128xf32, #tpu.memory_space<vmem>>)
        tpu.yield
      }) : () -> ()
      %run_scoped3A_792 = arith.constant 0 : i32
      "tpu.region"() ({
        %run_scoped3A_793 = tpu.sem_alloc : memref<!tpu.dma_semaphore, #tpu.memory_space<semaphore_mem>>
        %dma_start3A_794 = arith.constant 0 : i32
        %dma_start3A_795 = tpu.memref_slice %arg7[%run_scoped3A_792, %dma_start3A_794] : memref<2x3328xi32, #tpu.memory_space<vmem>> -> memref<1x128xi32, #tpu.memory_space<vmem>>
        %dma_start3A_796 = tpu.memref_squeeze %dma_start3A_795 : memref<1x128xi32, #tpu.memory_space<vmem>> -> memref<128xi32, #tpu.memory_space<vmem>>
        %dma_start3A_797 = arith.constant 0 : i32
        %dma_start3A_798 = arith.constant 0 : i32
        %dma_start3A_799 = tpu.memref_slice %arg11[%dma_start3A_797, %dma_start3A_798] : memref<10240x128xf32, #tpu.memory_space<vmem_shared>> -> memref<10240x128xf32, #tpu.memory_space<vmem_shared>>
        tpu.enqueue_indirect_dma source(%arg8 : memref<128x128xf32, #tpu.memory_space<vmem>>) target(%dma_start3A_799 : memref<10240x128xf32, #tpu.memory_space<vmem_shared>>) offsets(%dma_start3A_796 : memref<128xi32, #tpu.memory_space<vmem>>) semaphore(%run_scoped3A_793 : memref<!tpu.dma_semaphore, #tpu.memory_space<semaphore_mem>>) {add = true}
        %dma_wait3A_800 = arith.constant 0 : i32
        %dma_wait3A_801 = tpu.memref_slice %arg7[%run_scoped3A_792, %dma_wait3A_800] : memref<2x3328xi32, #tpu.memory_space<vmem>> -> memref<1x128xi32, #tpu.memory_space<vmem>>
        %dma_wait3A_802 = tpu.memref_squeeze %dma_wait3A_801 : memref<1x128xi32, #tpu.memory_space<vmem>> -> memref<128xi32, #tpu.memory_space<vmem>>
        %dma_wait3A_803 = arith.constant 0 : i32
        %dma_wait3A_804 = arith.constant 0 : i32
        %dma_wait3A_805 = tpu.memref_slice %arg11[%dma_wait3A_803, %dma_wait3A_804] : memref<10240x128xf32, #tpu.memory_space<vmem_shared>> -> memref<10240x128xf32, #tpu.memory_space<vmem_shared>>
        tpu.wait_indirect_dma semaphore(%run_scoped3A_793 : memref<!tpu.dma_semaphore, #tpu.memory_space<semaphore_mem>>) src(%arg8 : memref<128x128xf32, #tpu.memory_space<vmem>>) dst(%dma_wait3A_805 : memref<10240x128xf32, #tpu.memory_space<vmem_shared>>)
        tpu.yield
      }) : () -> ()
    } else {
    }
    %barrier3A_770 = arith.constant 0 : index
    tpu.barrier barrier_id(%barrier3A_770)
    %eq3A = arith.constant 0 : i32
    %eq3A_771 = arith.cmpi eq, %arg0, %eq3A : i32
    %convert_element_type3A_772 = arith.extui %eq3A_771 : i1 to i32
    %cond3A_773 = arith.constant 0 : i32
    %cond3A_774 = arith.cmpi ne, %convert_element_type3A_772, %cond3A_773 : i32
    scf.if %cond3A_774 {
      "tpu.region"() ({
        %run_scoped3A = tpu.sem_alloc : memref<!tpu.dma_semaphore, #tpu.memory_space<semaphore_mem>>
        %dma_start3A_780 = arith.constant 0 : i32
        %dma_start3A_781 = tpu.memref_slice %arg4[%mul3A_541, %dma_start3A_780] : memref<10240x128xf32, #tpu.memory_space<hbm>> -> memref<640x128xf32, #tpu.memory_space<hbm>>
        %dma_start3A_782 = arith.constant 0 : i32
        %dma_start3A_783 = tpu.memref_slice %arg11[%mul3A_541, %dma_start3A_782] : memref<10240x128xf32, #tpu.memory_space<vmem_shared>> -> memref<640x128xf32, #tpu.memory_space<vmem_shared>>
        tpu.enqueue_dma source(%dma_start3A_783 : memref<640x128xf32, #tpu.memory_space<vmem_shared>>) target(%dma_start3A_781 : memref<640x128xf32, #tpu.memory_space<hbm>>) target_semaphore(%run_scoped3A : memref<!tpu.dma_semaphore, #tpu.memory_space<semaphore_mem>>)
        %dma_wait3A_784 = arith.constant 0 : i32
        %dma_wait3A_785 = tpu.memref_slice %arg4[%mul3A_541, %dma_wait3A_784] : memref<10240x128xf32, #tpu.memory_space<hbm>> -> memref<640x128xf32, #tpu.memory_space<hbm>>
        %dma_wait3A_786 = arith.constant 0 : i32
        %dma_wait3A_787 = tpu.memref_slice %arg11[%mul3A_541, %dma_wait3A_786] : memref<10240x128xf32, #tpu.memory_space<vmem_shared>> -> memref<640x128xf32, #tpu.memory_space<vmem_shared>>
        tpu.wait_dma2 semaphore(%run_scoped3A : memref<!tpu.dma_semaphore, #tpu.memory_space<semaphore_mem>>) src(%dma_wait3A_787 : memref<640x128xf32, #tpu.memory_space<vmem_shared>>) dst(%dma_wait3A_785 : memref<640x128xf32, #tpu.memory_space<hbm>>)
        tpu.yield
      }) : () -> ()
    } else {
    }
    %eq3A_775 = arith.constant 1 : i32
    %eq3A_776 = arith.cmpi eq, %arg0, %eq3A_775 : i32
    %convert_element_type3A_777 = arith.extui %eq3A_776 : i1 to i32
    %cond3A_778 = arith.constant 0 : i32
    %cond3A_779 = arith.cmpi ne, %convert_element_type3A_777, %cond3A_778 : i32
    scf.if %cond3A_779 {
      "tpu.region"() ({
        %run_scoped3A = tpu.sem_alloc : memref<!tpu.dma_semaphore, #tpu.memory_space<semaphore_mem>>
        %dma_start3A_780 = arith.constant 0 : i32
        %dma_start3A_781 = tpu.memref_slice %arg5[%mul3A_541, %dma_start3A_780] : memref<10240x128xf32, #tpu.memory_space<hbm>> -> memref<640x128xf32, #tpu.memory_space<hbm>>
        %dma_start3A_782 = arith.constant 0 : i32
        %dma_start3A_783 = tpu.memref_slice %arg11[%mul3A_541, %dma_start3A_782] : memref<10240x128xf32, #tpu.memory_space<vmem_shared>> -> memref<640x128xf32, #tpu.memory_space<vmem_shared>>
        tpu.enqueue_dma source(%dma_start3A_783 : memref<640x128xf32, #tpu.memory_space<vmem_shared>>) target(%dma_start3A_781 : memref<640x128xf32, #tpu.memory_space<hbm>>) target_semaphore(%run_scoped3A : memref<!tpu.dma_semaphore, #tpu.memory_space<semaphore_mem>>)
        %dma_wait3A_784 = arith.constant 0 : i32
        %dma_wait3A_785 = tpu.memref_slice %arg5[%mul3A_541, %dma_wait3A_784] : memref<10240x128xf32, #tpu.memory_space<hbm>> -> memref<640x128xf32, #tpu.memory_space<hbm>>
        %dma_wait3A_786 = arith.constant 0 : i32
        %dma_wait3A_787 = tpu.memref_slice %arg11[%mul3A_541, %dma_wait3A_786] : memref<10240x128xf32, #tpu.memory_space<vmem_shared>> -> memref<640x128xf32, #tpu.memory_space<vmem_shared>>
        tpu.wait_dma2 semaphore(%run_scoped3A : memref<!tpu.dma_semaphore, #tpu.memory_space<semaphore_mem>>) src(%dma_wait3A_787 : memref<640x128xf32, #tpu.memory_space<vmem_shared>>) dst(%dma_wait3A_785 : memref<640x128xf32, #tpu.memory_space<hbm>>)
        tpu.yield
      }) : () -> ()
    } else {
    }
    return
  }
}

#map = affine_map<(d0, d1) -> (0, 0)>
module attributes {stable_mosaic.version = 14 : i64} {
  func.func @_sc_scatter(%arg0: i32, %arg1: i32, %arg2: memref<2x320000xi32, #tpu.memory_space<hbm>>, %arg3: memref<10240x128xf32, #tpu.memory_space<hbm>>, %arg4: memref<10240x128xf32, #tpu.memory_space<hbm>>, %arg5: memref<10240x128xf32, #tpu.memory_space<hbm>>, %arg6: memref<2x3328xi32, #tpu.memory_space<vmem>>, %arg7: memref<2x3328xi32, #tpu.memory_space<vmem>>, %arg8: memref<128x128xf32, #tpu.memory_space<vmem>>, %arg9: memref<128x128xf32, #tpu.memory_space<vmem>>, %arg10: memref<16x128xf32, #tpu.memory_space<vmem>>, %arg11: memref<10240x128xf32, #tpu.memory_space<vmem_shared>>, %arg12: memref<!tpu.dma_semaphore, #tpu.memory_space<semaphore_mem>>, %arg13: memref<!tpu.dma_semaphore, #tpu.memory_space<semaphore_mem>>, %arg14: memref<!tpu.dma_semaphore, #tpu.memory_space<semaphore_mem>>, %arg15: memref<!tpu.dma_semaphore, #tpu.memory_space<semaphore_mem>>) attributes {dimension_semantics = [#tpu.dimension_semantics<core_parallel>, #tpu.dimension_semantics<subcore_parallel>], iteration_bounds = array<i64: 2, 16>, scalar_prefetch = 0 : i64, scratch_operands = 10 : i64, tpu.core_type = #tpu.core_type<sc_vector_subcore>, window_params = [{transform_indices = #map}, {transform_indices = #map}, {transform_indices = #map}, {transform_indices = #map}]} {
    %mul3A = arith.constant 16 : i32
    %mul3A_0 = arith.muli %arg0, %mul3A : i32
    %add3A = arith.addi %mul3A_0, %arg1 : i32
    %mul3A_1 = arith.constant 9984 : i32
    %mul3A_2 = arith.muli %add3A, %mul3A_1 : i32
    %add3A_3 = arith.constant 0 : i32
    %add3A_4 = arith.addi %mul3A_2, %add3A_3 : i32
    %multiple_of3A = tpu.assume_multiple %add3A_4, 128 : i32
    %dma_start3A = arith.constant 0 : i32
    %dma_start3A_5 = arith.constant 0 : i32
    %dma_start3A_6 = arith.constant 0 : i32
    %dma_start3A_7 = tpu.memref_slice %arg6[%dma_start3A_5, %dma_start3A_6] : memref<2x3328xi32, #tpu.memory_space<vmem>> -> memref<1x3328xi32, #tpu.memory_space<vmem>>
    %dma_start3A_8 = tpu.memref_squeeze %dma_start3A_7 : memref<1x3328xi32, #tpu.memory_space<vmem>> -> memref<3328xi32, #tpu.memory_space<vmem>>
    %dma_start3A_9 = tpu.memref_slice %arg2[%dma_start3A, %multiple_of3A] : memref<2x320000xi32, #tpu.memory_space<hbm>> -> memref<1x3328xi32, #tpu.memory_space<hbm>>
    %dma_start3A_10 = tpu.memref_squeeze %dma_start3A_9 : memref<1x3328xi32, #tpu.memory_space<hbm>> -> memref<3328xi32, #tpu.memory_space<hbm>>
    %dma_start3A_11 = arith.constant 0 : i32
    %dma_start3A_12 = tpu.memref_slice %arg6[%dma_start3A_5, %dma_start3A_11] : memref<2x3328xi32, #tpu.memory_space<vmem>> -> memref<1x3328xi32, #tpu.memory_space<vmem>>
    %dma_start3A_13 = tpu.memref_squeeze %dma_start3A_12 : memref<1x3328xi32, #tpu.memory_space<vmem>> -> memref<3328xi32, #tpu.memory_space<vmem>>
    %dma_start3A_14 = tpu.memref_slice %arg2[%dma_start3A, %multiple_of3A] : memref<2x320000xi32, #tpu.memory_space<hbm>> -> memref<1x3328xi32, #tpu.memory_space<hbm>>
    %dma_start3A_15 = tpu.memref_squeeze %dma_start3A_14 : memref<1x3328xi32, #tpu.memory_space<hbm>> -> memref<3328xi32, #tpu.memory_space<hbm>>
    tpu.enqueue_dma source(%dma_start3A_15 : memref<3328xi32, #tpu.memory_space<hbm>>) target(%dma_start3A_13 : memref<3328xi32, #tpu.memory_space<vmem>>) target_semaphore(%arg14 : memref<!tpu.dma_semaphore, #tpu.memory_space<semaphore_mem>>)
    %dma_start3A_16 = arith.constant 1 : i32
    %dma_start3A_17 = arith.constant 0 : i32
    %dma_start3A_18 = arith.constant 0 : i32
    %dma_start3A_19 = tpu.memref_slice %arg7[%dma_start3A_17, %dma_start3A_18] : memref<2x3328xi32, #tpu.memory_space<vmem>> -> memref<1x3328xi32, #tpu.memory_space<vmem>>
    %dma_start3A_20 = tpu.memref_squeeze %dma_start3A_19 : memref<1x3328xi32, #tpu.memory_space<vmem>> -> memref<3328xi32, #tpu.memory_space<vmem>>
    %dma_start3A_21 = tpu.memref_slice %arg2[%dma_start3A_16, %multiple_of3A] : memref<2x320000xi32, #tpu.memory_space<hbm>> -> memref<1x3328xi32, #tpu.memory_space<hbm>>
    %dma_start3A_22 = tpu.memref_squeeze %dma_start3A_21 : memref<1x3328xi32, #tpu.memory_space<hbm>> -> memref<3328xi32, #tpu.memory_space<hbm>>
    %dma_start3A_23 = arith.constant 0 : i32
    %dma_start3A_24 = tpu.memref_slice %arg7[%dma_start3A_17, %dma_start3A_23] : memref<2x3328xi32, #tpu.memory_space<vmem>> -> memref<1x3328xi32, #tpu.memory_space<vmem>>
    %dma_start3A_25 = tpu.memref_squeeze %dma_start3A_24 : memref<1x3328xi32, #tpu.memory_space<vmem>> -> memref<3328xi32, #tpu.memory_space<vmem>>
    %dma_start3A_26 = tpu.memref_slice %arg2[%dma_start3A_16, %multiple_of3A] : memref<2x320000xi32, #tpu.memory_space<hbm>> -> memref<1x3328xi32, #tpu.memory_space<hbm>>
    %dma_start3A_27 = tpu.memref_squeeze %dma_start3A_26 : memref<1x3328xi32, #tpu.memory_space<hbm>> -> memref<3328xi32, #tpu.memory_space<hbm>>
    tpu.enqueue_dma source(%dma_start3A_27 : memref<3328xi32, #tpu.memory_space<hbm>>) target(%dma_start3A_25 : memref<3328xi32, #tpu.memory_space<vmem>>) target_semaphore(%arg14 : memref<!tpu.dma_semaphore, #tpu.memory_space<semaphore_mem>>)
    %broadcast_in_dim3A = arith.constant 0.000000e+00 : f32
    %broadcast_in_dim3A_28 = vector.broadcast %broadcast_in_dim3A : f32 to vector<16xf32>
    %swap3A = arith.constant 0 : i32
    %swap3A_29 = arith.index_cast %swap3A : i32 to index
    %swap3A_30 = arith.constant 0 : index
    %swap3A_31 = tpu.vector_load %arg10[%swap3A_29, %swap3A_30] {strides = array<i32>} : memref<16x128xf32, #tpu.memory_space<vmem>>, vector<16xf32>,
    tpu.vector_store %arg10[%swap3A_29, %swap3A_30], %broadcast_in_dim3A_28 {strides = array<i32>} : memref<16x128xf32, #tpu.memory_space<vmem>>, vector<16xf32>,
    %swap3A_32 = arith.constant 0 : i32
    %swap3A_33 = arith.index_cast %swap3A_32 : i32 to index
    %swap3A_34 = arith.constant 16 : index
    %swap3A_35 = tpu.vector_load %arg10[%swap3A_33, %swap3A_34] {strides = array<i32>} : memref<16x128xf32, #tpu.memory_space<vmem>>, vector<16xf32>,
    tpu.vector_store %arg10[%swap3A_33, %swap3A_34], %broadcast_in_dim3A_28 {strides = array<i32>} : memref<16x128xf32, #tpu.memory_space<vmem>>, vector<16xf32>,
    %swap3A_36 = arith.constant 0 : i32
    %swap3A_37 = arith.index_cast %swap3A_36 : i32 to index
    %swap3A_38 = arith.constant 32 : index
    %swap3A_39 = tpu.vector_load %arg10[%swap3A_37, %swap3A_38] {strides = array<i32>} : memref<16x128xf32, #tpu.memory_space<vmem>>, vector<16xf32>,
    tpu.vector_store %arg10[%swap3A_37, %swap3A_38], %broadcast_in_dim3A_28 {strides = array<i32>} : memref<16x128xf32, #tpu.memory_space<vmem>>, vector<16xf32>,
    %swap3A_40 = arith.constant 0 : i32
    %swap3A_41 = arith.index_cast %swap3A_40 : i32 to index
    %swap3A_42 = arith.constant 48 : index
    %swap3A_43 = tpu.vector_load %arg10[%swap3A_41, %swap3A_42] {strides = array<i32>} : memref<16x128xf32, #tpu.memory_space<vmem>>, vector<16xf32>,
    tpu.vector_store %arg10[%swap3A_41, %swap3A_42], %broadcast_in_dim3A_28 {strides = array<i32>} : memref<16x128xf32, #tpu.memory_space<vmem>>, vector<16xf32>,
    %swap3A_44 = arith.constant 0 : i32
    %swap3A_45 = arith.index_cast %swap3A_44 : i32 to index
    %swap3A_46 = arith.constant 64 : index
    %swap3A_47 = tpu.vector_load %arg10[%swap3A_45, %swap3A_46] {strides = array<i32>} : memref<16x128xf32, #tpu.memory_space<vmem>>, vector<16xf32>,
    tpu.vector_store %arg10[%swap3A_45, %swap3A_46], %broadcast_in_dim3A_28 {strides = array<i32>} : memref<16x128xf32, #tpu.memory_space<vmem>>, vector<16xf32>,
    %swap3A_48 = arith.constant 0 : i32
    %swap3A_49 = arith.index_cast %swap3A_48 : i32 to index
    %swap3A_50 = arith.constant 80 : index
    %swap3A_51 = tpu.vector_load %arg10[%swap3A_49, %swap3A_50] {strides = array<i32>} : memref<16x128xf32, #tpu.memory_space<vmem>>, vector<16xf32>,
    tpu.vector_store %arg10[%swap3A_49, %swap3A_50], %broadcast_in_dim3A_28 {strides = array<i32>} : memref<16x128xf32, #tpu.memory_space<vmem>>, vector<16xf32>,
    %swap3A_52 = arith.constant 0 : i32
    %swap3A_53 = arith.index_cast %swap3A_52 : i32 to index
    %swap3A_54 = arith.constant 96 : index
    %swap3A_55 = tpu.vector_load %arg10[%swap3A_53, %swap3A_54] {strides = array<i32>} : memref<16x128xf32, #tpu.memory_space<vmem>>, vector<16xf32>,
    tpu.vector_store %arg10[%swap3A_53, %swap3A_54], %broadcast_in_dim3A_28 {strides = array<i32>} : memref<16x128xf32, #tpu.memory_space<vmem>>, vector<16xf32>,
    %swap3A_56 = arith.constant 0 : i32
    %swap3A_57 = arith.index_cast %swap3A_56 : i32 to index
    %swap3A_58 = arith.constant 112 : index
    %swap3A_59 = tpu.vector_load %arg10[%swap3A_57, %swap3A_58] {strides = array<i32>} : memref<16x128xf32, #tpu.memory_space<vmem>>, vector<16xf32>,
    tpu.vector_store %arg10[%swap3A_57, %swap3A_58], %broadcast_in_dim3A_28 {strides = array<i32>} : memref<16x128xf32, #tpu.memory_space<vmem>>, vector<16xf32>,
    %swap3A_60 = arith.constant 1 : i32
    %swap3A_61 = arith.index_cast %swap3A_60 : i32 to index
    %swap3A_62 = arith.constant 0 : index
    %swap3A_63 = tpu.vector_load %arg10[%swap3A_61, %swap3A_62] {strides = array<i32>} : memref<16x128xf32, #tpu.memory_space<vmem>>, vector<16xf32>,
    tpu.vector_store %arg10[%swap3A_61, %swap3A_62], %broadcast_in_dim3A_28 {strides = array<i32>} : memref<16x128xf32, #tpu.memory_space<vmem>>, vector<16xf32>,
    %swap3A_64 = arith.constant 1 : i32
    %swap3A_65 = arith.index_cast %swap3A_64 : i32 to index
    %swap3A_66 = arith.constant 16 : index
    %swap3A_67 = tpu.vector_load %arg10[%swap3A_65, %swap3A_66] {strides = array<i32>} : memref<16x128xf32, #tpu.memory_space<vmem>>, vector<16xf32>,
    tpu.vector_store %arg10[%swap3A_65, %swap3A_66], %broadcast_in_dim3A_28 {strides = array<i32>} : memref<16x128xf32, #tpu.memory_space<vmem>>, vector<16xf32>,
    %swap3A_68 = arith.constant 1 : i32
    %swap3A_69 = arith.index_cast %swap3A_68 : i32 to index
    %swap3A_70 = arith.constant 32 : index
    %swap3A_71 = tpu.vector_load %arg10[%swap3A_69, %swap3A_70] {strides = array<i32>} : memref<16x128xf32, #tpu.memory_space<vmem>>, vector<16xf32>,
    tpu.vector_store %arg10[%swap3A_69, %swap3A_70], %broadcast_in_dim3A_28 {strides = array<i32>} : memref<16x128xf32, #tpu.memory_space<vmem>>, vector<16xf32>,
    %swap3A_72 = arith.constant 1 : i32
    %swap3A_73 = arith.index_cast %swap3A_72 : i32 to index
    %swap3A_74 = arith.constant 48 : index
    %swap3A_75 = tpu.vector_load %arg10[%swap3A_73, %swap3A_74] {strides = array<i32>} : memref<16x128xf32, #tpu.memory_space<vmem>>, vector<16xf32>,
    tpu.vector_store %arg10[%swap3A_73, %swap3A_74], %broadcast_in_dim3A_28 {strides = array<i32>} : memref<16x128xf32, #tpu.memory_space<vmem>>, vector<16xf32>,
    %swap3A_76 = arith.constant 1 : i32
    %swap3A_77 = arith.index_cast %swap3A_76 : i32 to index
    %swap3A_78 = arith.constant 64 : index
    %swap3A_79 = tpu.vector_load %arg10[%swap3A_77, %swap3A_78] {strides = array<i32>} : memref<16x128xf32, #tpu.memory_space<vmem>>, vector<16xf32>,
    tpu.vector_store %arg10[%swap3A_77, %swap3A_78], %broadcast_in_dim3A_28 {strides = array<i32>} : memref<16x128xf32, #tpu.memory_space<vmem>>, vector<16xf32>,
    %swap3A_80 = arith.constant 1 : i32
    %swap3A_81 = arith.index_cast %swap3A_80 : i32 to index
    %swap3A_82 = arith.constant 80 : index
    %swap3A_83 = tpu.vector_load %arg10[%swap3A_81, %swap3A_82] {strides = array<i32>} : memref<16x128xf32, #tpu.memory_space<vmem>>, vector<16xf32>,
    tpu.vector_store %arg10[%swap3A_81, %swap3A_82], %broadcast_in_dim3A_28 {strides = array<i32>} : memref<16x128xf32, #tpu.memory_space<vmem>>, vector<16xf32>,
    %swap3A_84 = arith.constant 1 : i32
    %swap3A_85 = arith.index_cast %swap3A_84 : i32 to index
    %swap3A_86 = arith.constant 96 : index
    %swap3A_87 = tpu.vector_load %arg10[%swap3A_85, %swap3A_86] {strides = array<i32>} : memref<16x128xf32, #tpu.memory_space<vmem>>, vector<16xf32>,
    tpu.vector_store %arg10[%swap3A_85, %swap3A_86], %broadcast_in_dim3A_28 {strides = array<i32>} : memref<16x128xf32, #tpu.memory_space<vmem>>, vector<16xf32>,
    %swap3A_88 = arith.constant 1 : i32
    %swap3A_89 = arith.index_cast %swap3A_88 : i32 to index
    %swap3A_90 = arith.constant 112 : index
    %swap3A_91 = tpu.vector_load %arg10[%swap3A_89, %swap3A_90] {strides = array<i32>} : memref<16x128xf32, #tpu.memory_space<vmem>>, vector<16xf32>,
    tpu.vector_store %arg10[%swap3A_89, %swap3A_90], %broadcast_in_dim3A_28 {strides = array<i32>} : memref<16x128xf32, #tpu.memory_space<vmem>>, vector<16xf32>,
    %swap3A_92 = arith.constant 2 : i32
    %swap3A_93 = arith.index_cast %swap3A_92 : i32 to index
    %swap3A_94 = arith.constant 0 : index
    %swap3A_95 = tpu.vector_load %arg10[%swap3A_93, %swap3A_94] {strides = array<i32>} : memref<16x128xf32, #tpu.memory_space<vmem>>, vector<16xf32>,
    tpu.vector_store %arg10[%swap3A_93, %swap3A_94], %broadcast_in_dim3A_28 {strides = array<i32>} : memref<16x128xf32, #tpu.memory_space<vmem>>, vector<16xf32>,
    %swap3A_96 = arith.constant 2 : i32
    %swap3A_97 = arith.index_cast %swap3A_96 : i32 to index
    %swap3A_98 = arith.constant 16 : index
    %swap3A_99 = tpu.vector_load %arg10[%swap3A_97, %swap3A_98] {strides = array<i32>} : memref<16x128xf32, #tpu.memory_space<vmem>>, vector<16xf32>,
    tpu.vector_store %arg10[%swap3A_97, %swap3A_98], %broadcast_in_dim3A_28 {strides = array<i32>} : memref<16x128xf32, #tpu.memory_space<vmem>>, vector<16xf32>,
    %swap3A_100 = arith.constant 2 : i32
    %swap3A_101 = arith.index_cast %swap3A_100 : i32 to index
    %swap3A_102 = arith.constant 32 : index
    %swap3A_103 = tpu.vector_load %arg10[%swap3A_101, %swap3A_102] {strides = array<i32>} : memref<16x128xf32, #tpu.memory_space<vmem>>, vector<16xf32>,
    tpu.vector_store %arg10[%swap3A_101, %swap3A_102], %broadcast_in_dim3A_28 {strides = array<i32>} : memref<16x128xf32, #tpu.memory_space<vmem>>, vector<16xf32>,
    %swap3A_104 = arith.constant 2 : i32
    %swap3A_105 = arith.index_cast %swap3A_104 : i32 to index
    %swap3A_106 = arith.constant 48 : index
    %swap3A_107 = tpu.vector_load %arg10[%swap3A_105, %swap3A_106] {strides = array<i32>} : memref<16x128xf32, #tpu.memory_space<vmem>>, vector<16xf32>,
    tpu.vector_store %arg10[%swap3A_105, %swap3A_106], %broadcast_in_dim3A_28 {strides = array<i32>} : memref<16x128xf32, #tpu.memory_space<vmem>>, vector<16xf32>,
    %swap3A_108 = arith.constant 2 : i32
    %swap3A_109 = arith.index_cast %swap3A_108 : i32 to index
    %swap3A_110 = arith.constant 64 : index
    %swap3A_111 = tpu.vector_load %arg10[%swap3A_109, %swap3A_110] {strides = array<i32>} : memref<16x128xf32, #tpu.memory_space<vmem>>, vector<16xf32>,
    tpu.vector_store %arg10[%swap3A_109, %swap3A_110], %broadcast_in_dim3A_28 {strides = array<i32>} : memref<16x128xf32, #tpu.memory_space<vmem>>, vector<16xf32>,
    %swap3A_112 = arith.constant 2 : i32
    %swap3A_113 = arith.index_cast %swap3A_112 : i32 to index
    %swap3A_114 = arith.constant 80 : index
    %swap3A_115 = tpu.vector_load %arg10[%swap3A_113, %swap3A_114] {strides = array<i32>} : memref<16x128xf32, #tpu.memory_space<vmem>>, vector<16xf32>,
    tpu.vector_store %arg10[%swap3A_113, %swap3A_114], %broadcast_in_dim3A_28 {strides = array<i32>} : memref<16x128xf32, #tpu.memory_space<vmem>>, vector<16xf32>,
    %swap3A_116 = arith.constant 2 : i32
    %swap3A_117 = arith.index_cast %swap3A_116 : i32 to index
    %swap3A_118 = arith.constant 96 : index
    %swap3A_119 = tpu.vector_load %arg10[%swap3A_117, %swap3A_118] {strides = array<i32>} : memref<16x128xf32, #tpu.memory_space<vmem>>, vector<16xf32>,
    tpu.vector_store %arg10[%swap3A_117, %swap3A_118], %broadcast_in_dim3A_28 {strides = array<i32>} : memref<16x128xf32, #tpu.memory_space<vmem>>, vector<16xf32>,
    %swap3A_120 = arith.constant 2 : i32
    %swap3A_121 = arith.index_cast %swap3A_120 : i32 to index
    %swap3A_122 = arith.constant 112 : index
    %swap3A_123 = tpu.vector_load %arg10[%swap3A_121, %swap3A_122] {strides = array<i32>} : memref<16x128xf32, #tpu.memory_space<vmem>>, vector<16xf32>,
    tpu.vector_store %arg10[%swap3A_121, %swap3A_122], %broadcast_in_dim3A_28 {strides = array<i32>} : memref<16x128xf32, #tpu.memory_space<vmem>>, vector<16xf32>,
    %swap3A_124 = arith.constant 3 : i32
    %swap3A_125 = arith.index_cast %swap3A_124 : i32 to index
    %swap3A_126 = arith.constant 0 : index
    %swap3A_127 = tpu.vector_load %arg10[%swap3A_125, %swap3A_126] {strides = array<i32>} : memref<16x128xf32, #tpu.memory_space<vmem>>, vector<16xf32>,
    tpu.vector_store %arg10[%swap3A_125, %swap3A_126], %broadcast_in_dim3A_28 {strides = array<i32>} : memref<16x128xf32, #tpu.memory_space<vmem>>, vector<16xf32>,
    %swap3A_128 = arith.constant 3 : i32
    %swap3A_129 = arith.index_cast %swap3A_128 : i32 to index
    %swap3A_130 = arith.constant 16 : index
    %swap3A_131 = tpu.vector_load %arg10[%swap3A_129, %swap3A_130] {strides = array<i32>} : memref<16x128xf32, #tpu.memory_space<vmem>>, vector<16xf32>,
    tpu.vector_store %arg10[%swap3A_129, %swap3A_130], %broadcast_in_dim3A_28 {strides = array<i32>} : memref<16x128xf32, #tpu.memory_space<vmem>>, vector<16xf32>,
    %swap3A_132 = arith.constant 3 : i32
    %swap3A_133 = arith.index_cast %swap3A_132 : i32 to index
    %swap3A_134 = arith.constant 32 : index
    %swap3A_135 = tpu.vector_load %arg10[%swap3A_133, %swap3A_134] {strides = array<i32>} : memref<16x128xf32, #tpu.memory_space<vmem>>, vector<16xf32>,
    tpu.vector_store %arg10[%swap3A_133, %swap3A_134], %broadcast_in_dim3A_28 {strides = array<i32>} : memref<16x128xf32, #tpu.memory_space<vmem>>, vector<16xf32>,
    %swap3A_136 = arith.constant 3 : i32
    %swap3A_137 = arith.index_cast %swap3A_136 : i32 to index
    %swap3A_138 = arith.constant 48 : index
    %swap3A_139 = tpu.vector_load %arg10[%swap3A_137, %swap3A_138] {strides = array<i32>} : memref<16x128xf32, #tpu.memory_space<vmem>>, vector<16xf32>,
    tpu.vector_store %arg10[%swap3A_137, %swap3A_138], %broadcast_in_dim3A_28 {strides = array<i32>} : memref<16x128xf32, #tpu.memory_space<vmem>>, vector<16xf32>,
    %swap3A_140 = arith.constant 3 : i32
    %swap3A_141 = arith.index_cast %swap3A_140 : i32 to index
    %swap3A_142 = arith.constant 64 : index
    %swap3A_143 = tpu.vector_load %arg10[%swap3A_141, %swap3A_142] {strides = array<i32>} : memref<16x128xf32, #tpu.memory_space<vmem>>, vector<16xf32>,
    tpu.vector_store %arg10[%swap3A_141, %swap3A_142], %broadcast_in_dim3A_28 {strides = array<i32>} : memref<16x128xf32, #tpu.memory_space<vmem>>, vector<16xf32>,
    %swap3A_144 = arith.constant 3 : i32
    %swap3A_145 = arith.index_cast %swap3A_144 : i32 to index
    %swap3A_146 = arith.constant 80 : index
    %swap3A_147 = tpu.vector_load %arg10[%swap3A_145, %swap3A_146] {strides = array<i32>} : memref<16x128xf32, #tpu.memory_space<vmem>>, vector<16xf32>,
    tpu.vector_store %arg10[%swap3A_145, %swap3A_146], %broadcast_in_dim3A_28 {strides = array<i32>} : memref<16x128xf32, #tpu.memory_space<vmem>>, vector<16xf32>,
    %swap3A_148 = arith.constant 3 : i32
    %swap3A_149 = arith.index_cast %swap3A_148 : i32 to index
    %swap3A_150 = arith.constant 96 : index
    %swap3A_151 = tpu.vector_load %arg10[%swap3A_149, %swap3A_150] {strides = array<i32>} : memref<16x128xf32, #tpu.memory_space<vmem>>, vector<16xf32>,
    tpu.vector_store %arg10[%swap3A_149, %swap3A_150], %broadcast_in_dim3A_28 {strides = array<i32>} : memref<16x128xf32, #tpu.memory_space<vmem>>, vector<16xf32>,
    %swap3A_152 = arith.constant 3 : i32
    %swap3A_153 = arith.index_cast %swap3A_152 : i32 to index
    %swap3A_154 = arith.constant 112 : index
    %swap3A_155 = tpu.vector_load %arg10[%swap3A_153, %swap3A_154] {strides = array<i32>} : memref<16x128xf32, #tpu.memory_space<vmem>>, vector<16xf32>,
    tpu.vector_store %arg10[%swap3A_153, %swap3A_154], %broadcast_in_dim3A_28 {strides = array<i32>} : memref<16x128xf32, #tpu.memory_space<vmem>>, vector<16xf32>,
    %swap3A_156 = arith.constant 4 : i32
    %swap3A_157 = arith.index_cast %swap3A_156 : i32 to index
    %swap3A_158 = arith.constant 0 : index
    %swap3A_159 = tpu.vector_load %arg10[%swap3A_157, %swap3A_158] {strides = array<i32>} : memref<16x128xf32, #tpu.memory_space<vmem>>, vector<16xf32>,
    tpu.vector_store %arg10[%swap3A_157, %swap3A_158], %broadcast_in_dim3A_28 {strides = array<i32>} : memref<16x128xf32, #tpu.memory_space<vmem>>, vector<16xf32>,
    %swap3A_160 = arith.constant 4 : i32
    %swap3A_161 = arith.index_cast %swap3A_160 : i32 to index
    %swap3A_162 = arith.constant 16 : index
    %swap3A_163 = tpu.vector_load %arg10[%swap3A_161, %swap3A_162] {strides = array<i32>} : memref<16x128xf32, #tpu.memory_space<vmem>>, vector<16xf32>,
    tpu.vector_store %arg10[%swap3A_161, %swap3A_162], %broadcast_in_dim3A_28 {strides = array<i32>} : memref<16x128xf32, #tpu.memory_space<vmem>>, vector<16xf32>,
    %swap3A_164 = arith.constant 4 : i32
    %swap3A_165 = arith.index_cast %swap3A_164 : i32 to index
    %swap3A_166 = arith.constant 32 : index
    %swap3A_167 = tpu.vector_load %arg10[%swap3A_165, %swap3A_166] {strides = array<i32>} : memref<16x128xf32, #tpu.memory_space<vmem>>, vector<16xf32>,
    tpu.vector_store %arg10[%swap3A_165, %swap3A_166], %broadcast_in_dim3A_28 {strides = array<i32>} : memref<16x128xf32, #tpu.memory_space<vmem>>, vector<16xf32>,
    %swap3A_168 = arith.constant 4 : i32
    %swap3A_169 = arith.index_cast %swap3A_168 : i32 to index
    %swap3A_170 = arith.constant 48 : index
    %swap3A_171 = tpu.vector_load %arg10[%swap3A_169, %swap3A_170] {strides = array<i32>} : memref<16x128xf32, #tpu.memory_space<vmem>>, vector<16xf32>,
    tpu.vector_store %arg10[%swap3A_169, %swap3A_170], %broadcast_in_dim3A_28 {strides = array<i32>} : memref<16x128xf32, #tpu.memory_space<vmem>>, vector<16xf32>,
    %swap3A_172 = arith.constant 4 : i32
    %swap3A_173 = arith.index_cast %swap3A_172 : i32 to index
    %swap3A_174 = arith.constant 64 : index
    %swap3A_175 = tpu.vector_load %arg10[%swap3A_173, %swap3A_174] {strides = array<i32>} : memref<16x128xf32, #tpu.memory_space<vmem>>, vector<16xf32>,
    tpu.vector_store %arg10[%swap3A_173, %swap3A_174], %broadcast_in_dim3A_28 {strides = array<i32>} : memref<16x128xf32, #tpu.memory_space<vmem>>, vector<16xf32>,
    %swap3A_176 = arith.constant 4 : i32
    %swap3A_177 = arith.index_cast %swap3A_176 : i32 to index
    %swap3A_178 = arith.constant 80 : index
    %swap3A_179 = tpu.vector_load %arg10[%swap3A_177, %swap3A_178] {strides = array<i32>} : memref<16x128xf32, #tpu.memory_space<vmem>>, vector<16xf32>,
    tpu.vector_store %arg10[%swap3A_177, %swap3A_178], %broadcast_in_dim3A_28 {strides = array<i32>} : memref<16x128xf32, #tpu.memory_space<vmem>>, vector<16xf32>,
    %swap3A_180 = arith.constant 4 : i32
    %swap3A_181 = arith.index_cast %swap3A_180 : i32 to index
    %swap3A_182 = arith.constant 96 : index
    %swap3A_183 = tpu.vector_load %arg10[%swap3A_181, %swap3A_182] {strides = array<i32>} : memref<16x128xf32, #tpu.memory_space<vmem>>, vector<16xf32>,
    tpu.vector_store %arg10[%swap3A_181, %swap3A_182], %broadcast_in_dim3A_28 {strides = array<i32>} : memref<16x128xf32, #tpu.memory_space<vmem>>, vector<16xf32>,
    %swap3A_184 = arith.constant 4 : i32
    %swap3A_185 = arith.index_cast %swap3A_184 : i32 to index
    %swap3A_186 = arith.constant 112 : index
    %swap3A_187 = tpu.vector_load %arg10[%swap3A_185, %swap3A_186] {strides = array<i32>} : memref<16x128xf32, #tpu.memory_space<vmem>>, vector<16xf32>,
    tpu.vector_store %arg10[%swap3A_185, %swap3A_186], %broadcast_in_dim3A_28 {strides = array<i32>} : memref<16x128xf32, #tpu.memory_space<vmem>>, vector<16xf32>,
    %swap3A_188 = arith.constant 5 : i32
    %swap3A_189 = arith.index_cast %swap3A_188 : i32 to index
    %swap3A_190 = arith.constant 0 : index
    %swap3A_191 = tpu.vector_load %arg10[%swap3A_189, %swap3A_190] {strides = array<i32>} : memref<16x128xf32, #tpu.memory_space<vmem>>, vector<16xf32>,
    tpu.vector_store %arg10[%swap3A_189, %swap3A_190], %broadcast_in_dim3A_28 {strides = array<i32>} : memref<16x128xf32, #tpu.memory_space<vmem>>, vector<16xf32>,
    %swap3A_192 = arith.constant 5 : i32
    %swap3A_193 = arith.index_cast %swap3A_192 : i32 to index
    %swap3A_194 = arith.constant 16 : index
    %swap3A_195 = tpu.vector_load %arg10[%swap3A_193, %swap3A_194] {strides = array<i32>} : memref<16x128xf32, #tpu.memory_space<vmem>>, vector<16xf32>,
    tpu.vector_store %arg10[%swap3A_193, %swap3A_194], %broadcast_in_dim3A_28 {strides = array<i32>} : memref<16x128xf32, #tpu.memory_space<vmem>>, vector<16xf32>,
    %swap3A_196 = arith.constant 5 : i32
    %swap3A_197 = arith.index_cast %swap3A_196 : i32 to index
    %swap3A_198 = arith.constant 32 : index
    %swap3A_199 = tpu.vector_load %arg10[%swap3A_197, %swap3A_198] {strides = array<i32>} : memref<16x128xf32, #tpu.memory_space<vmem>>, vector<16xf32>,
    tpu.vector_store %arg10[%swap3A_197, %swap3A_198], %broadcast_in_dim3A_28 {strides = array<i32>} : memref<16x128xf32, #tpu.memory_space<vmem>>, vector<16xf32>,
    %swap3A_200 = arith.constant 5 : i32
    %swap3A_201 = arith.index_cast %swap3A_200 : i32 to index
    %swap3A_202 = arith.constant 48 : index
    %swap3A_203 = tpu.vector_load %arg10[%swap3A_201, %swap3A_202] {strides = array<i32>} : memref<16x128xf32, #tpu.memory_space<vmem>>, vector<16xf32>,
    tpu.vector_store %arg10[%swap3A_201, %swap3A_202], %broadcast_in_dim3A_28 {strides = array<i32>} : memref<16x128xf32, #tpu.memory_space<vmem>>, vector<16xf32>,
    %swap3A_204 = arith.constant 5 : i32
    %swap3A_205 = arith.index_cast %swap3A_204 : i32 to index
    %swap3A_206 = arith.constant 64 : index
    %swap3A_207 = tpu.vector_load %arg10[%swap3A_205, %swap3A_206] {strides = array<i32>} : memref<16x128xf32, #tpu.memory_space<vmem>>, vector<16xf32>,
    tpu.vector_store %arg10[%swap3A_205, %swap3A_206], %broadcast_in_dim3A_28 {strides = array<i32>} : memref<16x128xf32, #tpu.memory_space<vmem>>, vector<16xf32>,
    %swap3A_208 = arith.constant 5 : i32
    %swap3A_209 = arith.index_cast %swap3A_208 : i32 to index
    %swap3A_210 = arith.constant 80 : index
    %swap3A_211 = tpu.vector_load %arg10[%swap3A_209, %swap3A_210] {strides = array<i32>} : memref<16x128xf32, #tpu.memory_space<vmem>>, vector<16xf32>,
    tpu.vector_store %arg10[%swap3A_209, %swap3A_210], %broadcast_in_dim3A_28 {strides = array<i32>} : memref<16x128xf32, #tpu.memory_space<vmem>>, vector<16xf32>,
    %swap3A_212 = arith.constant 5 : i32
    %swap3A_213 = arith.index_cast %swap3A_212 : i32 to index
    %swap3A_214 = arith.constant 96 : index
    %swap3A_215 = tpu.vector_load %arg10[%swap3A_213, %swap3A_214] {strides = array<i32>} : memref<16x128xf32, #tpu.memory_space<vmem>>, vector<16xf32>,
    tpu.vector_store %arg10[%swap3A_213, %swap3A_214], %broadcast_in_dim3A_28 {strides = array<i32>} : memref<16x128xf32, #tpu.memory_space<vmem>>, vector<16xf32>,
    %swap3A_216 = arith.constant 5 : i32
    %swap3A_217 = arith.index_cast %swap3A_216 : i32 to index
    %swap3A_218 = arith.constant 112 : index
    %swap3A_219 = tpu.vector_load %arg10[%swap3A_217, %swap3A_218] {strides = array<i32>} : memref<16x128xf32, #tpu.memory_space<vmem>>, vector<16xf32>,
    tpu.vector_store %arg10[%swap3A_217, %swap3A_218], %broadcast_in_dim3A_28 {strides = array<i32>} : memref<16x128xf32, #tpu.memory_space<vmem>>, vector<16xf32>,
    %swap3A_220 = arith.constant 6 : i32
    %swap3A_221 = arith.index_cast %swap3A_220 : i32 to index
    %swap3A_222 = arith.constant 0 : index
    %swap3A_223 = tpu.vector_load %arg10[%swap3A_221, %swap3A_222] {strides = array<i32>} : memref<16x128xf32, #tpu.memory_space<vmem>>, vector<16xf32>,
    tpu.vector_store %arg10[%swap3A_221, %swap3A_222], %broadcast_in_dim3A_28 {strides = array<i32>} : memref<16x128xf32, #tpu.memory_space<vmem>>, vector<16xf32>,
    %swap3A_224 = arith.constant 6 : i32
    %swap3A_225 = arith.index_cast %swap3A_224 : i32 to index
    %swap3A_226 = arith.constant 16 : index
    %swap3A_227 = tpu.vector_load %arg10[%swap3A_225, %swap3A_226] {strides = array<i32>} : memref<16x128xf32, #tpu.memory_space<vmem>>, vector<16xf32>,
    tpu.vector_store %arg10[%swap3A_225, %swap3A_226], %broadcast_in_dim3A_28 {strides = array<i32>} : memref<16x128xf32, #tpu.memory_space<vmem>>, vector<16xf32>,
    %swap3A_228 = arith.constant 6 : i32
    %swap3A_229 = arith.index_cast %swap3A_228 : i32 to index
    %swap3A_230 = arith.constant 32 : index
    %swap3A_231 = tpu.vector_load %arg10[%swap3A_229, %swap3A_230] {strides = array<i32>} : memref<16x128xf32, #tpu.memory_space<vmem>>, vector<16xf32>,
    tpu.vector_store %arg10[%swap3A_229, %swap3A_230], %broadcast_in_dim3A_28 {strides = array<i32>} : memref<16x128xf32, #tpu.memory_space<vmem>>, vector<16xf32>,
    %swap3A_232 = arith.constant 6 : i32
    %swap3A_233 = arith.index_cast %swap3A_232 : i32 to index
    %swap3A_234 = arith.constant 48 : index
    %swap3A_235 = tpu.vector_load %arg10[%swap3A_233, %swap3A_234] {strides = array<i32>} : memref<16x128xf32, #tpu.memory_space<vmem>>, vector<16xf32>,
    tpu.vector_store %arg10[%swap3A_233, %swap3A_234], %broadcast_in_dim3A_28 {strides = array<i32>} : memref<16x128xf32, #tpu.memory_space<vmem>>, vector<16xf32>,
    %swap3A_236 = arith.constant 6 : i32
    %swap3A_237 = arith.index_cast %swap3A_236 : i32 to index
    %swap3A_238 = arith.constant 64 : index
    %swap3A_239 = tpu.vector_load %arg10[%swap3A_237, %swap3A_238] {strides = array<i32>} : memref<16x128xf32, #tpu.memory_space<vmem>>, vector<16xf32>,
    tpu.vector_store %arg10[%swap3A_237, %swap3A_238], %broadcast_in_dim3A_28 {strides = array<i32>} : memref<16x128xf32, #tpu.memory_space<vmem>>, vector<16xf32>,
    %swap3A_240 = arith.constant 6 : i32
    %swap3A_241 = arith.index_cast %swap3A_240 : i32 to index
    %swap3A_242 = arith.constant 80 : index
    %swap3A_243 = tpu.vector_load %arg10[%swap3A_241, %swap3A_242] {strides = array<i32>} : memref<16x128xf32, #tpu.memory_space<vmem>>, vector<16xf32>,
    tpu.vector_store %arg10[%swap3A_241, %swap3A_242], %broadcast_in_dim3A_28 {strides = array<i32>} : memref<16x128xf32, #tpu.memory_space<vmem>>, vector<16xf32>,
    %swap3A_244 = arith.constant 6 : i32
    %swap3A_245 = arith.index_cast %swap3A_244 : i32 to index
    %swap3A_246 = arith.constant 96 : index
    %swap3A_247 = tpu.vector_load %arg10[%swap3A_245, %swap3A_246] {strides = array<i32>} : memref<16x128xf32, #tpu.memory_space<vmem>>, vector<16xf32>,
    tpu.vector_store %arg10[%swap3A_245, %swap3A_246], %broadcast_in_dim3A_28 {strides = array<i32>} : memref<16x128xf32, #tpu.memory_space<vmem>>, vector<16xf32>,
    %swap3A_248 = arith.constant 6 : i32
    %swap3A_249 = arith.index_cast %swap3A_248 : i32 to index
    %swap3A_250 = arith.constant 112 : index
    %swap3A_251 = tpu.vector_load %arg10[%swap3A_249, %swap3A_250] {strides = array<i32>} : memref<16x128xf32, #tpu.memory_space<vmem>>, vector<16xf32>,
    tpu.vector_store %arg10[%swap3A_249, %swap3A_250], %broadcast_in_dim3A_28 {strides = array<i32>} : memref<16x128xf32, #tpu.memory_space<vmem>>, vector<16xf32>,
    %swap3A_252 = arith.constant 7 : i32
    %swap3A_253 = arith.index_cast %swap3A_252 : i32 to index
    %swap3A_254 = arith.constant 0 : index
    %swap3A_255 = tpu.vector_load %arg10[%swap3A_253, %swap3A_254] {strides = array<i32>} : memref<16x128xf32, #tpu.memory_space<vmem>>, vector<16xf32>,
    tpu.vector_store %arg10[%swap3A_253, %swap3A_254], %broadcast_in_dim3A_28 {strides = array<i32>} : memref<16x128xf32, #tpu.memory_space<vmem>>, vector<16xf32>,
    %swap3A_256 = arith.constant 7 : i32
    %swap3A_257 = arith.index_cast %swap3A_256 : i32 to index
    %swap3A_258 = arith.constant 16 : index
    %swap3A_259 = tpu.vector_load %arg10[%swap3A_257, %swap3A_258] {strides = array<i32>} : memref<16x128xf32, #tpu.memory_space<vmem>>, vector<16xf32>,
    tpu.vector_store %arg10[%swap3A_257, %swap3A_258], %broadcast_in_dim3A_28 {strides = array<i32>} : memref<16x128xf32, #tpu.memory_space<vmem>>, vector<16xf32>,
    %swap3A_260 = arith.constant 7 : i32
    %swap3A_261 = arith.index_cast %swap3A_260 : i32 to index
    %swap3A_262 = arith.constant 32 : index
    %swap3A_263 = tpu.vector_load %arg10[%swap3A_261, %swap3A_262] {strides = array<i32>} : memref<16x128xf32, #tpu.memory_space<vmem>>, vector<16xf32>,
    tpu.vector_store %arg10[%swap3A_261, %swap3A_262], %broadcast_in_dim3A_28 {strides = array<i32>} : memref<16x128xf32, #tpu.memory_space<vmem>>, vector<16xf32>,
    %swap3A_264 = arith.constant 7 : i32
    %swap3A_265 = arith.index_cast %swap3A_264 : i32 to index
    %swap3A_266 = arith.constant 48 : index
    %swap3A_267 = tpu.vector_load %arg10[%swap3A_265, %swap3A_266] {strides = array<i32>} : memref<16x128xf32, #tpu.memory_space<vmem>>, vector<16xf32>,
    tpu.vector_store %arg10[%swap3A_265, %swap3A_266], %broadcast_in_dim3A_28 {strides = array<i32>} : memref<16x128xf32, #tpu.memory_space<vmem>>, vector<16xf32>,
    %swap3A_268 = arith.constant 7 : i32
    %swap3A_269 = arith.index_cast %swap3A_268 : i32 to index
    %swap3A_270 = arith.constant 64 : index
    %swap3A_271 = tpu.vector_load %arg10[%swap3A_269, %swap3A_270] {strides = array<i32>} : memref<16x128xf32, #tpu.memory_space<vmem>>, vector<16xf32>,
    tpu.vector_store %arg10[%swap3A_269, %swap3A_270], %broadcast_in_dim3A_28 {strides = array<i32>} : memref<16x128xf32, #tpu.memory_space<vmem>>, vector<16xf32>,
    %swap3A_272 = arith.constant 7 : i32
    %swap3A_273 = arith.index_cast %swap3A_272 : i32 to index
    %swap3A_274 = arith.constant 80 : index
    %swap3A_275 = tpu.vector_load %arg10[%swap3A_273, %swap3A_274] {strides = array<i32>} : memref<16x128xf32, #tpu.memory_space<vmem>>, vector<16xf32>,
    tpu.vector_store %arg10[%swap3A_273, %swap3A_274], %broadcast_in_dim3A_28 {strides = array<i32>} : memref<16x128xf32, #tpu.memory_space<vmem>>, vector<16xf32>,
    %swap3A_276 = arith.constant 7 : i32
    %swap3A_277 = arith.index_cast %swap3A_276 : i32 to index
    %swap3A_278 = arith.constant 96 : index
    %swap3A_279 = tpu.vector_load %arg10[%swap3A_277, %swap3A_278] {strides = array<i32>} : memref<16x128xf32, #tpu.memory_space<vmem>>, vector<16xf32>,
    tpu.vector_store %arg10[%swap3A_277, %swap3A_278], %broadcast_in_dim3A_28 {strides = array<i32>} : memref<16x128xf32, #tpu.memory_space<vmem>>, vector<16xf32>,
    %swap3A_280 = arith.constant 7 : i32
    %swap3A_281 = arith.index_cast %swap3A_280 : i32 to index
    %swap3A_282 = arith.constant 112 : index
    %swap3A_283 = tpu.vector_load %arg10[%swap3A_281, %swap3A_282] {strides = array<i32>} : memref<16x128xf32, #tpu.memory_space<vmem>>, vector<16xf32>,
    tpu.vector_store %arg10[%swap3A_281, %swap3A_282], %broadcast_in_dim3A_28 {strides = array<i32>} : memref<16x128xf32, #tpu.memory_space<vmem>>, vector<16xf32>,
    %swap3A_284 = arith.constant 8 : i32
    %swap3A_285 = arith.index_cast %swap3A_284 : i32 to index
    %swap3A_286 = arith.constant 0 : index
    %swap3A_287 = tpu.vector_load %arg10[%swap3A_285, %swap3A_286] {strides = array<i32>} : memref<16x128xf32, #tpu.memory_space<vmem>>, vector<16xf32>,
    tpu.vector_store %arg10[%swap3A_285, %swap3A_286], %broadcast_in_dim3A_28 {strides = array<i32>} : memref<16x128xf32, #tpu.memory_space<vmem>>, vector<16xf32>,
    %swap3A_288 = arith.constant 8 : i32
    %swap3A_289 = arith.index_cast %swap3A_288 : i32 to index
    %swap3A_290 = arith.constant 16 : index
    %swap3A_291 = tpu.vector_load %arg10[%swap3A_289, %swap3A_290] {strides = array<i32>} : memref<16x128xf32, #tpu.memory_space<vmem>>, vector<16xf32>,
    tpu.vector_store %arg10[%swap3A_289, %swap3A_290], %broadcast_in_dim3A_28 {strides = array<i32>} : memref<16x128xf32, #tpu.memory_space<vmem>>, vector<16xf32>,
    %swap3A_292 = arith.constant 8 : i32
    %swap3A_293 = arith.index_cast %swap3A_292 : i32 to index
    %swap3A_294 = arith.constant 32 : index
    %swap3A_295 = tpu.vector_load %arg10[%swap3A_293, %swap3A_294] {strides = array<i32>} : memref<16x128xf32, #tpu.memory_space<vmem>>, vector<16xf32>,
    tpu.vector_store %arg10[%swap3A_293, %swap3A_294], %broadcast_in_dim3A_28 {strides = array<i32>} : memref<16x128xf32, #tpu.memory_space<vmem>>, vector<16xf32>,
    %swap3A_296 = arith.constant 8 : i32
    %swap3A_297 = arith.index_cast %swap3A_296 : i32 to index
    %swap3A_298 = arith.constant 48 : index
    %swap3A_299 = tpu.vector_load %arg10[%swap3A_297, %swap3A_298] {strides = array<i32>} : memref<16x128xf32, #tpu.memory_space<vmem>>, vector<16xf32>,
    tpu.vector_store %arg10[%swap3A_297, %swap3A_298], %broadcast_in_dim3A_28 {strides = array<i32>} : memref<16x128xf32, #tpu.memory_space<vmem>>, vector<16xf32>,
    %swap3A_300 = arith.constant 8 : i32
    %swap3A_301 = arith.index_cast %swap3A_300 : i32 to index
    %swap3A_302 = arith.constant 64 : index
    %swap3A_303 = tpu.vector_load %arg10[%swap3A_301, %swap3A_302] {strides = array<i32>} : memref<16x128xf32, #tpu.memory_space<vmem>>, vector<16xf32>,
    tpu.vector_store %arg10[%swap3A_301, %swap3A_302], %broadcast_in_dim3A_28 {strides = array<i32>} : memref<16x128xf32, #tpu.memory_space<vmem>>, vector<16xf32>,
    %swap3A_304 = arith.constant 8 : i32
    %swap3A_305 = arith.index_cast %swap3A_304 : i32 to index
    %swap3A_306 = arith.constant 80 : index
    %swap3A_307 = tpu.vector_load %arg10[%swap3A_305, %swap3A_306] {strides = array<i32>} : memref<16x128xf32, #tpu.memory_space<vmem>>, vector<16xf32>,
    tpu.vector_store %arg10[%swap3A_305, %swap3A_306], %broadcast_in_dim3A_28 {strides = array<i32>} : memref<16x128xf32, #tpu.memory_space<vmem>>, vector<16xf32>,
    %swap3A_308 = arith.constant 8 : i32
    %swap3A_309 = arith.index_cast %swap3A_308 : i32 to index
    %swap3A_310 = arith.constant 96 : index
    %swap3A_311 = tpu.vector_load %arg10[%swap3A_309, %swap3A_310] {strides = array<i32>} : memref<16x128xf32, #tpu.memory_space<vmem>>, vector<16xf32>,
    tpu.vector_store %arg10[%swap3A_309, %swap3A_310], %broadcast_in_dim3A_28 {strides = array<i32>} : memref<16x128xf32, #tpu.memory_space<vmem>>, vector<16xf32>,
    %swap3A_312 = arith.constant 8 : i32
    %swap3A_313 = arith.index_cast %swap3A_312 : i32 to index
    %swap3A_314 = arith.constant 112 : index
    %swap3A_315 = tpu.vector_load %arg10[%swap3A_313, %swap3A_314] {strides = array<i32>} : memref<16x128xf32, #tpu.memory_space<vmem>>, vector<16xf32>,
    tpu.vector_store %arg10[%swap3A_313, %swap3A_314], %broadcast_in_dim3A_28 {strides = array<i32>} : memref<16x128xf32, #tpu.memory_space<vmem>>, vector<16xf32>,
    %swap3A_316 = arith.constant 9 : i32
    %swap3A_317 = arith.index_cast %swap3A_316 : i32 to index
    %swap3A_318 = arith.constant 0 : index
    %swap3A_319 = tpu.vector_load %arg10[%swap3A_317, %swap3A_318] {strides = array<i32>} : memref<16x128xf32, #tpu.memory_space<vmem>>, vector<16xf32>,
    tpu.vector_store %arg10[%swap3A_317, %swap3A_318], %broadcast_in_dim3A_28 {strides = array<i32>} : memref<16x128xf32, #tpu.memory_space<vmem>>, vector<16xf32>,
    %swap3A_320 = arith.constant 9 : i32
    %swap3A_321 = arith.index_cast %swap3A_320 : i32 to index
    %swap3A_322 = arith.constant 16 : index
    %swap3A_323 = tpu.vector_load %arg10[%swap3A_321, %swap3A_322] {strides = array<i32>} : memref<16x128xf32, #tpu.memory_space<vmem>>, vector<16xf32>,
    tpu.vector_store %arg10[%swap3A_321, %swap3A_322], %broadcast_in_dim3A_28 {strides = array<i32>} : memref<16x128xf32, #tpu.memory_space<vmem>>, vector<16xf32>,
    %swap3A_324 = arith.constant 9 : i32
    %swap3A_325 = arith.index_cast %swap3A_324 : i32 to index
    %swap3A_326 = arith.constant 32 : index
    %swap3A_327 = tpu.vector_load %arg10[%swap3A_325, %swap3A_326] {strides = array<i32>} : memref<16x128xf32, #tpu.memory_space<vmem>>, vector<16xf32>,
    tpu.vector_store %arg10[%swap3A_325, %swap3A_326], %broadcast_in_dim3A_28 {strides = array<i32>} : memref<16x128xf32, #tpu.memory_space<vmem>>, vector<16xf32>,
    %swap3A_328 = arith.constant 9 : i32
    %swap3A_329 = arith.index_cast %swap3A_328 : i32 to index
    %swap3A_330 = arith.constant 48 : index
    %swap3A_331 = tpu.vector_load %arg10[%swap3A_329, %swap3A_330] {strides = array<i32>} : memref<16x128xf32, #tpu.memory_space<vmem>>, vector<16xf32>,
    tpu.vector_store %arg10[%swap3A_329, %swap3A_330], %broadcast_in_dim3A_28 {strides = array<i32>} : memref<16x128xf32, #tpu.memory_space<vmem>>, vector<16xf32>,
    %swap3A_332 = arith.constant 9 : i32
    %swap3A_333 = arith.index_cast %swap3A_332 : i32 to index
    %swap3A_334 = arith.constant 64 : index
    %swap3A_335 = tpu.vector_load %arg10[%swap3A_333, %swap3A_334] {strides = array<i32>} : memref<16x128xf32, #tpu.memory_space<vmem>>, vector<16xf32>,
    tpu.vector_store %arg10[%swap3A_333, %swap3A_334], %broadcast_in_dim3A_28 {strides = array<i32>} : memref<16x128xf32, #tpu.memory_space<vmem>>, vector<16xf32>,
    %swap3A_336 = arith.constant 9 : i32
    %swap3A_337 = arith.index_cast %swap3A_336 : i32 to index
    %swap3A_338 = arith.constant 80 : index
    %swap3A_339 = tpu.vector_load %arg10[%swap3A_337, %swap3A_338] {strides = array<i32>} : memref<16x128xf32, #tpu.memory_space<vmem>>, vector<16xf32>,
    tpu.vector_store %arg10[%swap3A_337, %swap3A_338], %broadcast_in_dim3A_28 {strides = array<i32>} : memref<16x128xf32, #tpu.memory_space<vmem>>, vector<16xf32>,
    %swap3A_340 = arith.constant 9 : i32
    %swap3A_341 = arith.index_cast %swap3A_340 : i32 to index
    %swap3A_342 = arith.constant 96 : index
    %swap3A_343 = tpu.vector_load %arg10[%swap3A_341, %swap3A_342] {strides = array<i32>} : memref<16x128xf32, #tpu.memory_space<vmem>>, vector<16xf32>,
    tpu.vector_store %arg10[%swap3A_341, %swap3A_342], %broadcast_in_dim3A_28 {strides = array<i32>} : memref<16x128xf32, #tpu.memory_space<vmem>>, vector<16xf32>,
    %swap3A_344 = arith.constant 9 : i32
    %swap3A_345 = arith.index_cast %swap3A_344 : i32 to index
    %swap3A_346 = arith.constant 112 : index
    %swap3A_347 = tpu.vector_load %arg10[%swap3A_345, %swap3A_346] {strides = array<i32>} : memref<16x128xf32, #tpu.memory_space<vmem>>, vector<16xf32>,
    tpu.vector_store %arg10[%swap3A_345, %swap3A_346], %broadcast_in_dim3A_28 {strides = array<i32>} : memref<16x128xf32, #tpu.memory_space<vmem>>, vector<16xf32>,
    %swap3A_348 = arith.constant 10 : i32
    %swap3A_349 = arith.index_cast %swap3A_348 : i32 to index
    %swap3A_350 = arith.constant 0 : index
    %swap3A_351 = tpu.vector_load %arg10[%swap3A_349, %swap3A_350] {strides = array<i32>} : memref<16x128xf32, #tpu.memory_space<vmem>>, vector<16xf32>,
    tpu.vector_store %arg10[%swap3A_349, %swap3A_350], %broadcast_in_dim3A_28 {strides = array<i32>} : memref<16x128xf32, #tpu.memory_space<vmem>>, vector<16xf32>,
    %swap3A_352 = arith.constant 10 : i32
    %swap3A_353 = arith.index_cast %swap3A_352 : i32 to index
    %swap3A_354 = arith.constant 16 : index
    %swap3A_355 = tpu.vector_load %arg10[%swap3A_353, %swap3A_354] {strides = array<i32>} : memref<16x128xf32, #tpu.memory_space<vmem>>, vector<16xf32>,
    tpu.vector_store %arg10[%swap3A_353, %swap3A_354], %broadcast_in_dim3A_28 {strides = array<i32>} : memref<16x128xf32, #tpu.memory_space<vmem>>, vector<16xf32>,
    %swap3A_356 = arith.constant 10 : i32
    %swap3A_357 = arith.index_cast %swap3A_356 : i32 to index
    %swap3A_358 = arith.constant 32 : index
    %swap3A_359 = tpu.vector_load %arg10[%swap3A_357, %swap3A_358] {strides = array<i32>} : memref<16x128xf32, #tpu.memory_space<vmem>>, vector<16xf32>,
    tpu.vector_store %arg10[%swap3A_357, %swap3A_358], %broadcast_in_dim3A_28 {strides = array<i32>} : memref<16x128xf32, #tpu.memory_space<vmem>>, vector<16xf32>,
    %swap3A_360 = arith.constant 10 : i32
    %swap3A_361 = arith.index_cast %swap3A_360 : i32 to index
    %swap3A_362 = arith.constant 48 : index
    %swap3A_363 = tpu.vector_load %arg10[%swap3A_361, %swap3A_362] {strides = array<i32>} : memref<16x128xf32, #tpu.memory_space<vmem>>, vector<16xf32>,
    tpu.vector_store %arg10[%swap3A_361, %swap3A_362], %broadcast_in_dim3A_28 {strides = array<i32>} : memref<16x128xf32, #tpu.memory_space<vmem>>, vector<16xf32>,
    %swap3A_364 = arith.constant 10 : i32
    %swap3A_365 = arith.index_cast %swap3A_364 : i32 to index
    %swap3A_366 = arith.constant 64 : index
    %swap3A_367 = tpu.vector_load %arg10[%swap3A_365, %swap3A_366] {strides = array<i32>} : memref<16x128xf32, #tpu.memory_space<vmem>>, vector<16xf32>,
    tpu.vector_store %arg10[%swap3A_365, %swap3A_366], %broadcast_in_dim3A_28 {strides = array<i32>} : memref<16x128xf32, #tpu.memory_space<vmem>>, vector<16xf32>,
    %swap3A_368 = arith.constant 10 : i32
    %swap3A_369 = arith.index_cast %swap3A_368 : i32 to index
    %swap3A_370 = arith.constant 80 : index
    %swap3A_371 = tpu.vector_load %arg10[%swap3A_369, %swap3A_370] {strides = array<i32>} : memref<16x128xf32, #tpu.memory_space<vmem>>, vector<16xf32>,
    tpu.vector_store %arg10[%swap3A_369, %swap3A_370], %broadcast_in_dim3A_28 {strides = array<i32>} : memref<16x128xf32, #tpu.memory_space<vmem>>, vector<16xf32>,
    %swap3A_372 = arith.constant 10 : i32
    %swap3A_373 = arith.index_cast %swap3A_372 : i32 to index
    %swap3A_374 = arith.constant 96 : index
    %swap3A_375 = tpu.vector_load %arg10[%swap3A_373, %swap3A_374] {strides = array<i32>} : memref<16x128xf32, #tpu.memory_space<vmem>>, vector<16xf32>,
    tpu.vector_store %arg10[%swap3A_373, %swap3A_374], %broadcast_in_dim3A_28 {strides = array<i32>} : memref<16x128xf32, #tpu.memory_space<vmem>>, vector<16xf32>,
    %swap3A_376 = arith.constant 10 : i32
    %swap3A_377 = arith.index_cast %swap3A_376 : i32 to index
    %swap3A_378 = arith.constant 112 : index
    %swap3A_379 = tpu.vector_load %arg10[%swap3A_377, %swap3A_378] {strides = array<i32>} : memref<16x128xf32, #tpu.memory_space<vmem>>, vector<16xf32>,
    tpu.vector_store %arg10[%swap3A_377, %swap3A_378], %broadcast_in_dim3A_28 {strides = array<i32>} : memref<16x128xf32, #tpu.memory_space<vmem>>, vector<16xf32>,
    %swap3A_380 = arith.constant 11 : i32
    %swap3A_381 = arith.index_cast %swap3A_380 : i32 to index
    %swap3A_382 = arith.constant 0 : index
    %swap3A_383 = tpu.vector_load %arg10[%swap3A_381, %swap3A_382] {strides = array<i32>} : memref<16x128xf32, #tpu.memory_space<vmem>>, vector<16xf32>,
    tpu.vector_store %arg10[%swap3A_381, %swap3A_382], %broadcast_in_dim3A_28 {strides = array<i32>} : memref<16x128xf32, #tpu.memory_space<vmem>>, vector<16xf32>,
    %swap3A_384 = arith.constant 11 : i32
    %swap3A_385 = arith.index_cast %swap3A_384 : i32 to index
    %swap3A_386 = arith.constant 16 : index
    %swap3A_387 = tpu.vector_load %arg10[%swap3A_385, %swap3A_386] {strides = array<i32>} : memref<16x128xf32, #tpu.memory_space<vmem>>, vector<16xf32>,
    tpu.vector_store %arg10[%swap3A_385, %swap3A_386], %broadcast_in_dim3A_28 {strides = array<i32>} : memref<16x128xf32, #tpu.memory_space<vmem>>, vector<16xf32>,
    %swap3A_388 = arith.constant 11 : i32
    %swap3A_389 = arith.index_cast %swap3A_388 : i32 to index
    %swap3A_390 = arith.constant 32 : index
    %swap3A_391 = tpu.vector_load %arg10[%swap3A_389, %swap3A_390] {strides = array<i32>} : memref<16x128xf32, #tpu.memory_space<vmem>>, vector<16xf32>,
    tpu.vector_store %arg10[%swap3A_389, %swap3A_390], %broadcast_in_dim3A_28 {strides = array<i32>} : memref<16x128xf32, #tpu.memory_space<vmem>>, vector<16xf32>,
    %swap3A_392 = arith.constant 11 : i32
    %swap3A_393 = arith.index_cast %swap3A_392 : i32 to index
    %swap3A_394 = arith.constant 48 : index
    %swap3A_395 = tpu.vector_load %arg10[%swap3A_393, %swap3A_394] {strides = array<i32>} : memref<16x128xf32, #tpu.memory_space<vmem>>, vector<16xf32>,
    tpu.vector_store %arg10[%swap3A_393, %swap3A_394], %broadcast_in_dim3A_28 {strides = array<i32>} : memref<16x128xf32, #tpu.memory_space<vmem>>, vector<16xf32>,
    %swap3A_396 = arith.constant 11 : i32
    %swap3A_397 = arith.index_cast %swap3A_396 : i32 to index
    %swap3A_398 = arith.constant 64 : index
    %swap3A_399 = tpu.vector_load %arg10[%swap3A_397, %swap3A_398] {strides = array<i32>} : memref<16x128xf32, #tpu.memory_space<vmem>>, vector<16xf32>,
    tpu.vector_store %arg10[%swap3A_397, %swap3A_398], %broadcast_in_dim3A_28 {strides = array<i32>} : memref<16x128xf32, #tpu.memory_space<vmem>>, vector<16xf32>,
    %swap3A_400 = arith.constant 11 : i32
    %swap3A_401 = arith.index_cast %swap3A_400 : i32 to index
    %swap3A_402 = arith.constant 80 : index
    %swap3A_403 = tpu.vector_load %arg10[%swap3A_401, %swap3A_402] {strides = array<i32>} : memref<16x128xf32, #tpu.memory_space<vmem>>, vector<16xf32>,
    tpu.vector_store %arg10[%swap3A_401, %swap3A_402], %broadcast_in_dim3A_28 {strides = array<i32>} : memref<16x128xf32, #tpu.memory_space<vmem>>, vector<16xf32>,
    %swap3A_404 = arith.constant 11 : i32
    %swap3A_405 = arith.index_cast %swap3A_404 : i32 to index
    %swap3A_406 = arith.constant 96 : index
    %swap3A_407 = tpu.vector_load %arg10[%swap3A_405, %swap3A_406] {strides = array<i32>} : memref<16x128xf32, #tpu.memory_space<vmem>>, vector<16xf32>,
    tpu.vector_store %arg10[%swap3A_405, %swap3A_406], %broadcast_in_dim3A_28 {strides = array<i32>} : memref<16x128xf32, #tpu.memory_space<vmem>>, vector<16xf32>,
    %swap3A_408 = arith.constant 11 : i32
    %swap3A_409 = arith.index_cast %swap3A_408 : i32 to index
    %swap3A_410 = arith.constant 112 : index
    %swap3A_411 = tpu.vector_load %arg10[%swap3A_409, %swap3A_410] {strides = array<i32>} : memref<16x128xf32, #tpu.memory_space<vmem>>, vector<16xf32>,
    tpu.vector_store %arg10[%swap3A_409, %swap3A_410], %broadcast_in_dim3A_28 {strides = array<i32>} : memref<16x128xf32, #tpu.memory_space<vmem>>, vector<16xf32>,
    %swap3A_412 = arith.constant 12 : i32
    %swap3A_413 = arith.index_cast %swap3A_412 : i32 to index
    %swap3A_414 = arith.constant 0 : index
    %swap3A_415 = tpu.vector_load %arg10[%swap3A_413, %swap3A_414] {strides = array<i32>} : memref<16x128xf32, #tpu.memory_space<vmem>>, vector<16xf32>,
    tpu.vector_store %arg10[%swap3A_413, %swap3A_414], %broadcast_in_dim3A_28 {strides = array<i32>} : memref<16x128xf32, #tpu.memory_space<vmem>>, vector<16xf32>,
    %swap3A_416 = arith.constant 12 : i32
    %swap3A_417 = arith.index_cast %swap3A_416 : i32 to index
    %swap3A_418 = arith.constant 16 : index
    %swap3A_419 = tpu.vector_load %arg10[%swap3A_417, %swap3A_418] {strides = array<i32>} : memref<16x128xf32, #tpu.memory_space<vmem>>, vector<16xf32>,
    tpu.vector_store %arg10[%swap3A_417, %swap3A_418], %broadcast_in_dim3A_28 {strides = array<i32>} : memref<16x128xf32, #tpu.memory_space<vmem>>, vector<16xf32>,
    %swap3A_420 = arith.constant 12 : i32
    %swap3A_421 = arith.index_cast %swap3A_420 : i32 to index
    %swap3A_422 = arith.constant 32 : index
    %swap3A_423 = tpu.vector_load %arg10[%swap3A_421, %swap3A_422] {strides = array<i32>} : memref<16x128xf32, #tpu.memory_space<vmem>>, vector<16xf32>,
    tpu.vector_store %arg10[%swap3A_421, %swap3A_422], %broadcast_in_dim3A_28 {strides = array<i32>} : memref<16x128xf32, #tpu.memory_space<vmem>>, vector<16xf32>,
    %swap3A_424 = arith.constant 12 : i32
    %swap3A_425 = arith.index_cast %swap3A_424 : i32 to index
    %swap3A_426 = arith.constant 48 : index
    %swap3A_427 = tpu.vector_load %arg10[%swap3A_425, %swap3A_426] {strides = array<i32>} : memref<16x128xf32, #tpu.memory_space<vmem>>, vector<16xf32>,
    tpu.vector_store %arg10[%swap3A_425, %swap3A_426], %broadcast_in_dim3A_28 {strides = array<i32>} : memref<16x128xf32, #tpu.memory_space<vmem>>, vector<16xf32>,
    %swap3A_428 = arith.constant 12 : i32
    %swap3A_429 = arith.index_cast %swap3A_428 : i32 to index
    %swap3A_430 = arith.constant 64 : index
    %swap3A_431 = tpu.vector_load %arg10[%swap3A_429, %swap3A_430] {strides = array<i32>} : memref<16x128xf32, #tpu.memory_space<vmem>>, vector<16xf32>,
    tpu.vector_store %arg10[%swap3A_429, %swap3A_430], %broadcast_in_dim3A_28 {strides = array<i32>} : memref<16x128xf32, #tpu.memory_space<vmem>>, vector<16xf32>,
    %swap3A_432 = arith.constant 12 : i32
    %swap3A_433 = arith.index_cast %swap3A_432 : i32 to index
    %swap3A_434 = arith.constant 80 : index
    %swap3A_435 = tpu.vector_load %arg10[%swap3A_433, %swap3A_434] {strides = array<i32>} : memref<16x128xf32, #tpu.memory_space<vmem>>, vector<16xf32>,
    tpu.vector_store %arg10[%swap3A_433, %swap3A_434], %broadcast_in_dim3A_28 {strides = array<i32>} : memref<16x128xf32, #tpu.memory_space<vmem>>, vector<16xf32>,
    %swap3A_436 = arith.constant 12 : i32
    %swap3A_437 = arith.index_cast %swap3A_436 : i32 to index
    %swap3A_438 = arith.constant 96 : index
    %swap3A_439 = tpu.vector_load %arg10[%swap3A_437, %swap3A_438] {strides = array<i32>} : memref<16x128xf32, #tpu.memory_space<vmem>>, vector<16xf32>,
    tpu.vector_store %arg10[%swap3A_437, %swap3A_438], %broadcast_in_dim3A_28 {strides = array<i32>} : memref<16x128xf32, #tpu.memory_space<vmem>>, vector<16xf32>,
    %swap3A_440 = arith.constant 12 : i32
    %swap3A_441 = arith.index_cast %swap3A_440 : i32 to index
    %swap3A_442 = arith.constant 112 : index
    %swap3A_443 = tpu.vector_load %arg10[%swap3A_441, %swap3A_442] {strides = array<i32>} : memref<16x128xf32, #tpu.memory_space<vmem>>, vector<16xf32>,
    tpu.vector_store %arg10[%swap3A_441, %swap3A_442], %broadcast_in_dim3A_28 {strides = array<i32>} : memref<16x128xf32, #tpu.memory_space<vmem>>, vector<16xf32>,
    %swap3A_444 = arith.constant 13 : i32
    %swap3A_445 = arith.index_cast %swap3A_444 : i32 to index
    %swap3A_446 = arith.constant 0 : index
    %swap3A_447 = tpu.vector_load %arg10[%swap3A_445, %swap3A_446] {strides = array<i32>} : memref<16x128xf32, #tpu.memory_space<vmem>>, vector<16xf32>,
    tpu.vector_store %arg10[%swap3A_445, %swap3A_446], %broadcast_in_dim3A_28 {strides = array<i32>} : memref<16x128xf32, #tpu.memory_space<vmem>>, vector<16xf32>,
    %swap3A_448 = arith.constant 13 : i32
    %swap3A_449 = arith.index_cast %swap3A_448 : i32 to index
    %swap3A_450 = arith.constant 16 : index
    %swap3A_451 = tpu.vector_load %arg10[%swap3A_449, %swap3A_450] {strides = array<i32>} : memref<16x128xf32, #tpu.memory_space<vmem>>, vector<16xf32>,
    tpu.vector_store %arg10[%swap3A_449, %swap3A_450], %broadcast_in_dim3A_28 {strides = array<i32>} : memref<16x128xf32, #tpu.memory_space<vmem>>, vector<16xf32>,
    %swap3A_452 = arith.constant 13 : i32
    %swap3A_453 = arith.index_cast %swap3A_452 : i32 to index
    %swap3A_454 = arith.constant 32 : index
    %swap3A_455 = tpu.vector_load %arg10[%swap3A_453, %swap3A_454] {strides = array<i32>} : memref<16x128xf32, #tpu.memory_space<vmem>>, vector<16xf32>,
    tpu.vector_store %arg10[%swap3A_453, %swap3A_454], %broadcast_in_dim3A_28 {strides = array<i32>} : memref<16x128xf32, #tpu.memory_space<vmem>>, vector<16xf32>,
    %swap3A_456 = arith.constant 13 : i32
    %swap3A_457 = arith.index_cast %swap3A_456 : i32 to index
    %swap3A_458 = arith.constant 48 : index
    %swap3A_459 = tpu.vector_load %arg10[%swap3A_457, %swap3A_458] {strides = array<i32>} : memref<16x128xf32, #tpu.memory_space<vmem>>, vector<16xf32>,
    tpu.vector_store %arg10[%swap3A_457, %swap3A_458], %broadcast_in_dim3A_28 {strides = array<i32>} : memref<16x128xf32, #tpu.memory_space<vmem>>, vector<16xf32>,
    %swap3A_460 = arith.constant 13 : i32
    %swap3A_461 = arith.index_cast %swap3A_460 : i32 to index
    %swap3A_462 = arith.constant 64 : index
    %swap3A_463 = tpu.vector_load %arg10[%swap3A_461, %swap3A_462] {strides = array<i32>} : memref<16x128xf32, #tpu.memory_space<vmem>>, vector<16xf32>,
    tpu.vector_store %arg10[%swap3A_461, %swap3A_462], %broadcast_in_dim3A_28 {strides = array<i32>} : memref<16x128xf32, #tpu.memory_space<vmem>>, vector<16xf32>,
    %swap3A_464 = arith.constant 13 : i32
    %swap3A_465 = arith.index_cast %swap3A_464 : i32 to index
    %swap3A_466 = arith.constant 80 : index
    %swap3A_467 = tpu.vector_load %arg10[%swap3A_465, %swap3A_466] {strides = array<i32>} : memref<16x128xf32, #tpu.memory_space<vmem>>, vector<16xf32>,
    tpu.vector_store %arg10[%swap3A_465, %swap3A_466], %broadcast_in_dim3A_28 {strides = array<i32>} : memref<16x128xf32, #tpu.memory_space<vmem>>, vector<16xf32>,
    %swap3A_468 = arith.constant 13 : i32
    %swap3A_469 = arith.index_cast %swap3A_468 : i32 to index
    %swap3A_470 = arith.constant 96 : index
    %swap3A_471 = tpu.vector_load %arg10[%swap3A_469, %swap3A_470] {strides = array<i32>} : memref<16x128xf32, #tpu.memory_space<vmem>>, vector<16xf32>,
    tpu.vector_store %arg10[%swap3A_469, %swap3A_470], %broadcast_in_dim3A_28 {strides = array<i32>} : memref<16x128xf32, #tpu.memory_space<vmem>>, vector<16xf32>,
    %swap3A_472 = arith.constant 13 : i32
    %swap3A_473 = arith.index_cast %swap3A_472 : i32 to index
    %swap3A_474 = arith.constant 112 : index
    %swap3A_475 = tpu.vector_load %arg10[%swap3A_473, %swap3A_474] {strides = array<i32>} : memref<16x128xf32, #tpu.memory_space<vmem>>, vector<16xf32>,
    tpu.vector_store %arg10[%swap3A_473, %swap3A_474], %broadcast_in_dim3A_28 {strides = array<i32>} : memref<16x128xf32, #tpu.memory_space<vmem>>, vector<16xf32>,
    %swap3A_476 = arith.constant 14 : i32
    %swap3A_477 = arith.index_cast %swap3A_476 : i32 to index
    %swap3A_478 = arith.constant 0 : index
    %swap3A_479 = tpu.vector_load %arg10[%swap3A_477, %swap3A_478] {strides = array<i32>} : memref<16x128xf32, #tpu.memory_space<vmem>>, vector<16xf32>,
    tpu.vector_store %arg10[%swap3A_477, %swap3A_478], %broadcast_in_dim3A_28 {strides = array<i32>} : memref<16x128xf32, #tpu.memory_space<vmem>>, vector<16xf32>,
    %swap3A_480 = arith.constant 14 : i32
    %swap3A_481 = arith.index_cast %swap3A_480 : i32 to index
    %swap3A_482 = arith.constant 16 : index
    %swap3A_483 = tpu.vector_load %arg10[%swap3A_481, %swap3A_482] {strides = array<i32>} : memref<16x128xf32, #tpu.memory_space<vmem>>, vector<16xf32>,
    tpu.vector_store %arg10[%swap3A_481, %swap3A_482], %broadcast_in_dim3A_28 {strides = array<i32>} : memref<16x128xf32, #tpu.memory_space<vmem>>, vector<16xf32>,
    %swap3A_484 = arith.constant 14 : i32
    %swap3A_485 = arith.index_cast %swap3A_484 : i32 to index
    %swap3A_486 = arith.constant 32 : index
    %swap3A_487 = tpu.vector_load %arg10[%swap3A_485, %swap3A_486] {strides = array<i32>} : memref<16x128xf32, #tpu.memory_space<vmem>>, vector<16xf32>,
    tpu.vector_store %arg10[%swap3A_485, %swap3A_486], %broadcast_in_dim3A_28 {strides = array<i32>} : memref<16x128xf32, #tpu.memory_space<vmem>>, vector<16xf32>,
    %swap3A_488 = arith.constant 14 : i32
    %swap3A_489 = arith.index_cast %swap3A_488 : i32 to index
    %swap3A_490 = arith.constant 48 : index
    %swap3A_491 = tpu.vector_load %arg10[%swap3A_489, %swap3A_490] {strides = array<i32>} : memref<16x128xf32, #tpu.memory_space<vmem>>, vector<16xf32>,
    tpu.vector_store %arg10[%swap3A_489, %swap3A_490], %broadcast_in_dim3A_28 {strides = array<i32>} : memref<16x128xf32, #tpu.memory_space<vmem>>, vector<16xf32>,
    %swap3A_492 = arith.constant 14 : i32
    %swap3A_493 = arith.index_cast %swap3A_492 : i32 to index
    %swap3A_494 = arith.constant 64 : index
    %swap3A_495 = tpu.vector_load %arg10[%swap3A_493, %swap3A_494] {strides = array<i32>} : memref<16x128xf32, #tpu.memory_space<vmem>>, vector<16xf32>,
    tpu.vector_store %arg10[%swap3A_493, %swap3A_494], %broadcast_in_dim3A_28 {strides = array<i32>} : memref<16x128xf32, #tpu.memory_space<vmem>>, vector<16xf32>,
    %swap3A_496 = arith.constant 14 : i32
    %swap3A_497 = arith.index_cast %swap3A_496 : i32 to index
    %swap3A_498 = arith.constant 80 : index
    %swap3A_499 = tpu.vector_load %arg10[%swap3A_497, %swap3A_498] {strides = array<i32>} : memref<16x128xf32, #tpu.memory_space<vmem>>, vector<16xf32>,
    tpu.vector_store %arg10[%swap3A_497, %swap3A_498], %broadcast_in_dim3A_28 {strides = array<i32>} : memref<16x128xf32, #tpu.memory_space<vmem>>, vector<16xf32>,
    %swap3A_500 = arith.constant 14 : i32
    %swap3A_501 = arith.index_cast %swap3A_500 : i32 to index
    %swap3A_502 = arith.constant 96 : index
    %swap3A_503 = tpu.vector_load %arg10[%swap3A_501, %swap3A_502] {strides = array<i32>} : memref<16x128xf32, #tpu.memory_space<vmem>>, vector<16xf32>,
    tpu.vector_store %arg10[%swap3A_501, %swap3A_502], %broadcast_in_dim3A_28 {strides = array<i32>} : memref<16x128xf32, #tpu.memory_space<vmem>>, vector<16xf32>,
    %swap3A_504 = arith.constant 14 : i32
    %swap3A_505 = arith.index_cast %swap3A_504 : i32 to index
    %swap3A_506 = arith.constant 112 : index
    %swap3A_507 = tpu.vector_load %arg10[%swap3A_505, %swap3A_506] {strides = array<i32>} : memref<16x128xf32, #tpu.memory_space<vmem>>, vector<16xf32>,
    tpu.vector_store %arg10[%swap3A_505, %swap3A_506], %broadcast_in_dim3A_28 {strides = array<i32>} : memref<16x128xf32, #tpu.memory_space<vmem>>, vector<16xf32>,
    %swap3A_508 = arith.constant 15 : i32
    %swap3A_509 = arith.index_cast %swap3A_508 : i32 to index
    %swap3A_510 = arith.constant 0 : index
    %swap3A_511 = tpu.vector_load %arg10[%swap3A_509, %swap3A_510] {strides = array<i32>} : memref<16x128xf32, #tpu.memory_space<vmem>>, vector<16xf32>,
    tpu.vector_store %arg10[%swap3A_509, %swap3A_510], %broadcast_in_dim3A_28 {strides = array<i32>} : memref<16x128xf32, #tpu.memory_space<vmem>>, vector<16xf32>,
    %swap3A_512 = arith.constant 15 : i32
    %swap3A_513 = arith.index_cast %swap3A_512 : i32 to index
    %swap3A_514 = arith.constant 16 : index
    %swap3A_515 = tpu.vector_load %arg10[%swap3A_513, %swap3A_514] {strides = array<i32>} : memref<16x128xf32, #tpu.memory_space<vmem>>, vector<16xf32>,
    tpu.vector_store %arg10[%swap3A_513, %swap3A_514], %broadcast_in_dim3A_28 {strides = array<i32>} : memref<16x128xf32, #tpu.memory_space<vmem>>, vector<16xf32>,
    %swap3A_516 = arith.constant 15 : i32
    %swap3A_517 = arith.index_cast %swap3A_516 : i32 to index
    %swap3A_518 = arith.constant 32 : index
    %swap3A_519 = tpu.vector_load %arg10[%swap3A_517, %swap3A_518] {strides = array<i32>} : memref<16x128xf32, #tpu.memory_space<vmem>>, vector<16xf32>,
    tpu.vector_store %arg10[%swap3A_517, %swap3A_518], %broadcast_in_dim3A_28 {strides = array<i32>} : memref<16x128xf32, #tpu.memory_space<vmem>>, vector<16xf32>,
    %swap3A_520 = arith.constant 15 : i32
    %swap3A_521 = arith.index_cast %swap3A_520 : i32 to index
    %swap3A_522 = arith.constant 48 : index
    %swap3A_523 = tpu.vector_load %arg10[%swap3A_521, %swap3A_522] {strides = array<i32>} : memref<16x128xf32, #tpu.memory_space<vmem>>, vector<16xf32>,
    tpu.vector_store %arg10[%swap3A_521, %swap3A_522], %broadcast_in_dim3A_28 {strides = array<i32>} : memref<16x128xf32, #tpu.memory_space<vmem>>, vector<16xf32>,
    %swap3A_524 = arith.constant 15 : i32
    %swap3A_525 = arith.index_cast %swap3A_524 : i32 to index
    %swap3A_526 = arith.constant 64 : index
    %swap3A_527 = tpu.vector_load %arg10[%swap3A_525, %swap3A_526] {strides = array<i32>} : memref<16x128xf32, #tpu.memory_space<vmem>>, vector<16xf32>,
    tpu.vector_store %arg10[%swap3A_525, %swap3A_526], %broadcast_in_dim3A_28 {strides = array<i32>} : memref<16x128xf32, #tpu.memory_space<vmem>>, vector<16xf32>,
    %swap3A_528 = arith.constant 15 : i32
    %swap3A_529 = arith.index_cast %swap3A_528 : i32 to index
    %swap3A_530 = arith.constant 80 : index
    %swap3A_531 = tpu.vector_load %arg10[%swap3A_529, %swap3A_530] {strides = array<i32>} : memref<16x128xf32, #tpu.memory_space<vmem>>, vector<16xf32>,
    tpu.vector_store %arg10[%swap3A_529, %swap3A_530], %broadcast_in_dim3A_28 {strides = array<i32>} : memref<16x128xf32, #tpu.memory_space<vmem>>, vector<16xf32>,
    %swap3A_532 = arith.constant 15 : i32
    %swap3A_533 = arith.index_cast %swap3A_532 : i32 to index
    %swap3A_534 = arith.constant 96 : index
    %swap3A_535 = tpu.vector_load %arg10[%swap3A_533, %swap3A_534] {strides = array<i32>} : memref<16x128xf32, #tpu.memory_space<vmem>>, vector<16xf32>,
    tpu.vector_store %arg10[%swap3A_533, %swap3A_534], %broadcast_in_dim3A_28 {strides = array<i32>} : memref<16x128xf32, #tpu.memory_space<vmem>>, vector<16xf32>,
    %swap3A_536 = arith.constant 15 : i32
    %swap3A_537 = arith.index_cast %swap3A_536 : i32 to index
    %swap3A_538 = arith.constant 112 : index
    %swap3A_539 = tpu.vector_load %arg10[%swap3A_537, %swap3A_538] {strides = array<i32>} : memref<16x128xf32, #tpu.memory_space<vmem>>, vector<16xf32>,
    tpu.vector_store %arg10[%swap3A_537, %swap3A_538], %broadcast_in_dim3A_28 {strides = array<i32>} : memref<16x128xf32, #tpu.memory_space<vmem>>, vector<16xf32>,
    %mul3A_540 = arith.constant 640 : i32
    %mul3A_541 = arith.muli %arg1, %mul3A_540 : i32
    %scan3A = arith.constant 0 : i32
    %scan3A_542 = arith.constant 40 : i32
    %scan3A_543 = arith.addi %scan3A, %scan3A_542 : i32
    %scan3A_544 = arith.constant 1 : i32
    scf.for %scan3A_780 = %scan3A to %scan3A_543 step %scan3A_544  : i32 {
      %mul3A_781 = arith.constant 16 : i32
      %mul3A_782 = arith.muli %scan3A_780, %mul3A_781 : i32
      %add3A_783 = arith.addi %mul3A_541, %mul3A_782 : i32
      "tpu.region"() ({
        %run_scoped3A = tpu.sem_alloc : memref<!tpu.dma_semaphore, #tpu.memory_space<semaphore_mem>>
        %dma_start3A_784 = arith.constant 0 : i32
        %dma_start3A_785 = tpu.memref_slice %arg11[%add3A_783, %dma_start3A_784] : memref<10240x128xf32, #tpu.memory_space<vmem_shared>> -> memref<16x128xf32, #tpu.memory_space<vmem_shared>>
        %dma_start3A_786 = arith.constant 0 : i32
        %dma_start3A_787 = tpu.memref_slice %arg11[%add3A_783, %dma_start3A_786] : memref<10240x128xf32, #tpu.memory_space<vmem_shared>> -> memref<16x128xf32, #tpu.memory_space<vmem_shared>>
        tpu.enqueue_dma source(%arg10 : memref<16x128xf32, #tpu.memory_space<vmem>>) target(%dma_start3A_787 : memref<16x128xf32, #tpu.memory_space<vmem_shared>>) target_semaphore(%run_scoped3A : memref<!tpu.dma_semaphore, #tpu.memory_space<semaphore_mem>>)
        %dma_wait3A_788 = arith.constant 0 : i32
        %dma_wait3A_789 = tpu.memref_slice %arg11[%add3A_783, %dma_wait3A_788] : memref<10240x128xf32, #tpu.memory_space<vmem_shared>> -> memref<16x128xf32, #tpu.memory_space<vmem_shared>>
        %dma_wait3A_790 = arith.constant 0 : i32
        %dma_wait3A_791 = tpu.memref_slice %arg11[%add3A_783, %dma_wait3A_790] : memref<10240x128xf32, #tpu.memory_space<vmem_shared>> -> memref<16x128xf32, #tpu.memory_space<vmem_shared>>
        tpu.wait_dma2 semaphore(%run_scoped3A : memref<!tpu.dma_semaphore, #tpu.memory_space<semaphore_mem>>) src(%arg10 : memref<16x128xf32, #tpu.memory_space<vmem>>) dst(%dma_wait3A_791 : memref<16x128xf32, #tpu.memory_space<vmem_shared>>)
        tpu.yield
      }) : () -> ()
    }
    %scan3A_545 = arith.constant 40 : i32
    %barrier3A = arith.constant 0 : index
    tpu.barrier barrier_id(%barrier3A)
    %mul3A_546 = arith.constant 9984 : i32
    %mul3A_547 = arith.muli %add3A, %mul3A_546 : i32
    %add3A_548 = arith.constant 0 : i32
    %add3A_549 = arith.addi %mul3A_547, %add3A_548 : i32
    %multiple_of3A_550 = tpu.assume_multiple %add3A_549, 128 : i32
    %dma_wait3A = arith.constant 0 : i32
    %dma_wait3A_551 = arith.constant 0 : i32
    %dma_wait3A_552 = arith.constant 0 : i32
    %dma_wait3A_553 = tpu.memref_slice %arg6[%dma_wait3A_551, %dma_wait3A_552] : memref<2x3328xi32, #tpu.memory_space<vmem>> -> memref<1x3328xi32, #tpu.memory_space<vmem>>
    %dma_wait3A_554 = tpu.memref_squeeze %dma_wait3A_553 : memref<1x3328xi32, #tpu.memory_space<vmem>> -> memref<3328xi32, #tpu.memory_space<vmem>>
    %dma_wait3A_555 = tpu.memref_slice %arg2[%dma_wait3A, %multiple_of3A_550] : memref<2x320000xi32, #tpu.memory_space<hbm>> -> memref<1x3328xi32, #tpu.memory_space<hbm>>
    %dma_wait3A_556 = tpu.memref_squeeze %dma_wait3A_555 : memref<1x3328xi32, #tpu.memory_space<hbm>> -> memref<3328xi32, #tpu.memory_space<hbm>>
    %dma_wait3A_557 = arith.constant 0 : i32
    %dma_wait3A_558 = tpu.memref_slice %arg6[%dma_wait3A_551, %dma_wait3A_557] : memref<2x3328xi32, #tpu.memory_space<vmem>> -> memref<1x3328xi32, #tpu.memory_space<vmem>>
    %dma_wait3A_559 = tpu.memref_squeeze %dma_wait3A_558 : memref<1x3328xi32, #tpu.memory_space<vmem>> -> memref<3328xi32, #tpu.memory_space<vmem>>
    %dma_wait3A_560 = tpu.memref_slice %arg2[%dma_wait3A, %multiple_of3A_550] : memref<2x320000xi32, #tpu.memory_space<hbm>> -> memref<1x3328xi32, #tpu.memory_space<hbm>>
    %dma_wait3A_561 = tpu.memref_squeeze %dma_wait3A_560 : memref<1x3328xi32, #tpu.memory_space<hbm>> -> memref<3328xi32, #tpu.memory_space<hbm>>
    tpu.wait_dma2 semaphore(%arg14 : memref<!tpu.dma_semaphore, #tpu.memory_space<semaphore_mem>>) src(%dma_wait3A_561 : memref<3328xi32, #tpu.memory_space<hbm>>) dst(%dma_wait3A_559 : memref<3328xi32, #tpu.memory_space<vmem>>)
    %dma_wait3A_562 = arith.constant 1 : i32
    %dma_wait3A_563 = arith.constant 0 : i32
    %dma_wait3A_564 = arith.constant 0 : i32
    %dma_wait3A_565 = tpu.memref_slice %arg7[%dma_wait3A_563, %dma_wait3A_564] : memref<2x3328xi32, #tpu.memory_space<vmem>> -> memref<1x3328xi32, #tpu.memory_space<vmem>>
    %dma_wait3A_566 = tpu.memref_squeeze %dma_wait3A_565 : memref<1x3328xi32, #tpu.memory_space<vmem>> -> memref<3328xi32, #tpu.memory_space<vmem>>
    %dma_wait3A_567 = tpu.memref_slice %arg2[%dma_wait3A_562, %multiple_of3A_550] : memref<2x320000xi32, #tpu.memory_space<hbm>> -> memref<1x3328xi32, #tpu.memory_space<hbm>>
    %dma_wait3A_568 = tpu.memref_squeeze %dma_wait3A_567 : memref<1x3328xi32, #tpu.memory_space<hbm>> -> memref<3328xi32, #tpu.memory_space<hbm>>
    %dma_wait3A_569 = arith.constant 0 : i32
    %dma_wait3A_570 = tpu.memref_slice %arg7[%dma_wait3A_563, %dma_wait3A_569] : memref<2x3328xi32, #tpu.memory_space<vmem>> -> memref<1x3328xi32, #tpu.memory_space<vmem>>
    %dma_wait3A_571 = tpu.memref_squeeze %dma_wait3A_570 : memref<1x3328xi32, #tpu.memory_space<vmem>> -> memref<3328xi32, #tpu.memory_space<vmem>>
    %dma_wait3A_572 = tpu.memref_slice %arg2[%dma_wait3A_562, %multiple_of3A_550] : memref<2x320000xi32, #tpu.memory_space<hbm>> -> memref<1x3328xi32, #tpu.memory_space<hbm>>
    %dma_wait3A_573 = tpu.memref_squeeze %dma_wait3A_572 : memref<1x3328xi32, #tpu.memory_space<hbm>> -> memref<3328xi32, #tpu.memory_space<hbm>>
    tpu.wait_dma2 semaphore(%arg14 : memref<!tpu.dma_semaphore, #tpu.memory_space<semaphore_mem>>) src(%dma_wait3A_573 : memref<3328xi32, #tpu.memory_space<hbm>>) dst(%dma_wait3A_571 : memref<3328xi32, #tpu.memory_space<vmem>>)
    %mul3A_574 = arith.constant 9984 : i32
    %mul3A_575 = arith.muli %add3A, %mul3A_574 : i32
    %add3A_576 = arith.constant 3328 : i32
    %add3A_577 = arith.addi %mul3A_575, %add3A_576 : i32
    %multiple_of3A_578 = tpu.assume_multiple %add3A_577, 128 : i32
    %dma_start3A_579 = arith.constant 0 : i32
    %dma_start3A_580 = arith.constant 1 : i32
    %dma_start3A_581 = arith.constant 0 : i32
    %dma_start3A_582 = tpu.memref_slice %arg6[%dma_start3A_580, %dma_start3A_581] : memref<2x3328xi32, #tpu.memory_space<vmem>> -> memref<1x3328xi32, #tpu.memory_space<vmem>>
    %dma_start3A_583 = tpu.memref_squeeze %dma_start3A_582 : memref<1x3328xi32, #tpu.memory_space<vmem>> -> memref<3328xi32, #tpu.memory_space<vmem>>
    %dma_start3A_584 = tpu.memref_slice %arg2[%dma_start3A_579, %multiple_of3A_578] : memref<2x320000xi32, #tpu.memory_space<hbm>> -> memref<1x3328xi32, #tpu.memory_space<hbm>>
    %dma_start3A_585 = tpu.memref_squeeze %dma_start3A_584 : memref<1x3328xi32, #tpu.memory_space<hbm>> -> memref<3328xi32, #tpu.memory_space<hbm>>
    %dma_start3A_586 = arith.constant 0 : i32
    %dma_start3A_587 = tpu.memref_slice %arg6[%dma_start3A_580, %dma_start3A_586] : memref<2x3328xi32, #tpu.memory_space<vmem>> -> memref<1x3328xi32, #tpu.memory_space<vmem>>
    %dma_start3A_588 = tpu.memref_squeeze %dma_start3A_587 : memref<1x3328xi32, #tpu.memory_space<vmem>> -> memref<3328xi32, #tpu.memory_space<vmem>>
    %dma_start3A_589 = tpu.memref_slice %arg2[%dma_start3A_579, %multiple_of3A_578] : memref<2x320000xi32, #tpu.memory_space<hbm>> -> memref<1x3328xi32, #tpu.memory_space<hbm>>
    %dma_start3A_590 = tpu.memref_squeeze %dma_start3A_589 : memref<1x3328xi32, #tpu.memory_space<hbm>> -> memref<3328xi32, #tpu.memory_space<hbm>>
    tpu.enqueue_dma source(%dma_start3A_590 : memref<3328xi32, #tpu.memory_space<hbm>>) target(%dma_start3A_588 : memref<3328xi32, #tpu.memory_space<vmem>>) target_semaphore(%arg15 : memref<!tpu.dma_semaphore, #tpu.memory_space<semaphore_mem>>)
    %dma_start3A_591 = arith.constant 1 : i32
    %dma_start3A_592 = arith.constant 1 : i32
    %dma_start3A_593 = arith.constant 0 : i32
    %dma_start3A_594 = tpu.memref_slice %arg7[%dma_start3A_592, %dma_start3A_593] : memref<2x3328xi32, #tpu.memory_space<vmem>> -> memref<1x3328xi32, #tpu.memory_space<vmem>>
    %dma_start3A_595 = tpu.memref_squeeze %dma_start3A_594 : memref<1x3328xi32, #tpu.memory_space<vmem>> -> memref<3328xi32, #tpu.memory_space<vmem>>
    %dma_start3A_596 = tpu.memref_slice %arg2[%dma_start3A_591, %multiple_of3A_578] : memref<2x320000xi32, #tpu.memory_space<hbm>> -> memref<1x3328xi32, #tpu.memory_space<hbm>>
    %dma_start3A_597 = tpu.memref_squeeze %dma_start3A_596 : memref<1x3328xi32, #tpu.memory_space<hbm>> -> memref<3328xi32, #tpu.memory_space<hbm>>
    %dma_start3A_598 = arith.constant 0 : i32
    %dma_start3A_599 = tpu.memref_slice %arg7[%dma_start3A_592, %dma_start3A_598] : memref<2x3328xi32, #tpu.memory_space<vmem>> -> memref<1x3328xi32, #tpu.memory_space<vmem>>
    %dma_start3A_600 = tpu.memref_squeeze %dma_start3A_599 : memref<1x3328xi32, #tpu.memory_space<vmem>> -> memref<3328xi32, #tpu.memory_space<vmem>>
    %dma_start3A_601 = tpu.memref_slice %arg2[%dma_start3A_591, %multiple_of3A_578] : memref<2x320000xi32, #tpu.memory_space<hbm>> -> memref<1x3328xi32, #tpu.memory_space<hbm>>
    %dma_start3A_602 = tpu.memref_squeeze %dma_start3A_601 : memref<1x3328xi32, #tpu.memory_space<hbm>> -> memref<3328xi32, #tpu.memory_space<hbm>>
    tpu.enqueue_dma source(%dma_start3A_602 : memref<3328xi32, #tpu.memory_space<hbm>>) target(%dma_start3A_600 : memref<3328xi32, #tpu.memory_space<vmem>>) target_semaphore(%arg15 : memref<!tpu.dma_semaphore, #tpu.memory_space<semaphore_mem>>)
    %dma_start3A_603 = arith.constant 0 : i32
    %dma_start3A_604 = arith.constant 0 : i32
    %dma_start3A_605 = tpu.memref_slice %arg6[%dma_start3A_603, %dma_start3A_604] : memref<2x3328xi32, #tpu.memory_space<vmem>> -> memref<1x3328xi32, #tpu.memory_space<vmem>>
    %dma_start3A_606 = tpu.memref_squeeze %dma_start3A_605 : memref<1x3328xi32, #tpu.memory_space<vmem>> -> memref<3328xi32, #tpu.memory_space<vmem>>
    %dma_start3A_607 = arith.constant 0 : i32
    %dma_start3A_608 = tpu.memref_slice %dma_start3A_606[%dma_start3A_607] : memref<3328xi32, #tpu.memory_space<vmem>> -> memref<128xi32, #tpu.memory_space<vmem>>
    %dma_start3A_609 = arith.constant 0 : i32
    %dma_start3A_610 = arith.constant 0 : i32
    %dma_start3A_611 = tpu.memref_slice %arg3[%dma_start3A_609, %dma_start3A_610] : memref<10240x128xf32, #tpu.memory_space<hbm>> -> memref<10240x128xf32, #tpu.memory_space<hbm>>
    tpu.enqueue_indirect_dma source(%dma_start3A_611 : memref<10240x128xf32, #tpu.memory_space<hbm>>) target(%arg8 : memref<128x128xf32, #tpu.memory_space<vmem>>) offsets(%dma_start3A_608 : memref<128xi32, #tpu.memory_space<vmem>>) semaphore(%arg12 : memref<!tpu.dma_semaphore, #tpu.memory_space<semaphore_mem>>)
    %dma_start3A_612 = arith.constant 0 : i32
    %dma_start3A_613 = arith.constant 0 : i32
    %dma_start3A_614 = tpu.memref_slice %arg6[%dma_start3A_612, %dma_start3A_613] : memref<2x3328xi32, #tpu.memory_space<vmem>> -> memref<1x3328xi32, #tpu.memory_space<vmem>>
    %dma_start3A_615 = tpu.memref_squeeze %dma_start3A_614 : memref<1x3328xi32, #tpu.memory_space<vmem>> -> memref<3328xi32, #tpu.memory_space<vmem>>
    %dma_start3A_616 = arith.constant 128 : i32
    %dma_start3A_617 = tpu.memref_slice %dma_start3A_615[%dma_start3A_616] : memref<3328xi32, #tpu.memory_space<vmem>> -> memref<128xi32, #tpu.memory_space<vmem>>
    %dma_start3A_618 = arith.constant 0 : i32
    %dma_start3A_619 = arith.constant 0 : i32
    %dma_start3A_620 = tpu.memref_slice %arg3[%dma_start3A_618, %dma_start3A_619] : memref<10240x128xf32, #tpu.memory_space<hbm>> -> memref<10240x128xf32, #tpu.memory_space<hbm>>
    tpu.enqueue_indirect_dma source(%dma_start3A_620 : memref<10240x128xf32, #tpu.memory_space<hbm>>) target(%arg9 : memref<128x128xf32, #tpu.memory_space<vmem>>) offsets(%dma_start3A_617 : memref<128xi32, #tpu.memory_space<vmem>>) semaphore(%arg13 : memref<!tpu.dma_semaphore, #tpu.memory_space<semaphore_mem>>)
    %scan3A_621 = arith.constant 0 : i32
    %scan3A_622 = arith.constant 0 : i32
    %scan3A_623 = arith.constant 0 : i32
    %scan3A_624 = arith.constant 13 : i32
    %scan3A_625 = arith.addi %scan3A_623, %scan3A_624 : i32
    %scan3A_626 = arith.constant 1 : i32
    scf.for %scan3A_780 = %scan3A_623 to %scan3A_625 step %scan3A_626  : i32 {
      %mul3A_781 = arith.constant 2 : i32
      %mul3A_782 = arith.muli %scan3A_780, %mul3A_781 : i32
      %mul3A_783 = arith.constant 128 : i32
      %mul3A_784 = arith.muli %mul3A_782, %mul3A_783 : i32
      %multiple_of3A_785 = tpu.assume_multiple %mul3A_784, 128 : i32
      %mul3A_786 = arith.constant 2 : i32
      %mul3A_787 = arith.muli %scan3A_780, %mul3A_786 : i32
      %mul3A_788 = arith.constant 128 : i32
      %mul3A_789 = arith.muli %mul3A_787, %mul3A_788 : i32
      %add3A_790 = arith.constant 128 : i32
      %add3A_791 = arith.addi %mul3A_789, %add3A_790 : i32
      %multiple_of3A_792 = tpu.assume_multiple %add3A_791, 128 : i32
      %mul3A_793 = arith.constant 2 : i32
      %mul3A_794 = arith.muli %scan3A_780, %mul3A_793 : i32
      %mul3A_795 = arith.constant 128 : i32
      %mul3A_796 = arith.muli %mul3A_794, %mul3A_795 : i32
      %add3A_797 = arith.constant 256 : i32
      %add3A_798 = arith.addi %mul3A_796, %add3A_797 : i32
      %multiple_of3A_799 = tpu.assume_multiple %add3A_798, 128 : i32
      %mul3A_800 = arith.constant 2 : i32
      %mul3A_801 = arith.muli %scan3A_780, %mul3A_800 : i32
      %mul3A_802 = arith.constant 128 : i32
      %mul3A_803 = arith.muli %mul3A_801, %mul3A_802 : i32
      %add3A_804 = arith.constant 384 : i32
      %add3A_805 = arith.addi %mul3A_803, %add3A_804 : i32
      %multiple_of3A_806 = tpu.assume_multiple %add3A_805, 128 : i32
      %dma_wait3A_807 = arith.constant 0 : i32
      %dma_wait3A_808 = tpu.memref_slice %arg6[%scan3A_621, %dma_wait3A_807] : memref<2x3328xi32, #tpu.memory_space<vmem>> -> memref<1x3328xi32, #tpu.memory_space<vmem>>
      %dma_wait3A_809 = tpu.memref_squeeze %dma_wait3A_808 : memref<1x3328xi32, #tpu.memory_space<vmem>> -> memref<3328xi32, #tpu.memory_space<vmem>>
      %dma_wait3A_810 = tpu.memref_slice %dma_wait3A_809[%multiple_of3A_785] : memref<3328xi32, #tpu.memory_space<vmem>> -> memref<128xi32, #tpu.memory_space<vmem>>
      %dma_wait3A_811 = arith.constant 0 : i32
      %dma_wait3A_812 = arith.constant 0 : i32
      %dma_wait3A_813 = tpu.memref_slice %arg3[%dma_wait3A_811, %dma_wait3A_812] : memref<10240x128xf32, #tpu.memory_space<hbm>> -> memref<10240x128xf32, #tpu.memory_space<hbm>>
      tpu.wait_indirect_dma semaphore(%arg12 : memref<!tpu.dma_semaphore, #tpu.memory_space<semaphore_mem>>) src(%dma_wait3A_813 : memref<10240x128xf32, #tpu.memory_space<hbm>>) dst(%arg8 : memref<128x128xf32, #tpu.memory_space<vmem>>)
      %add3A_814 = arith.constant 1 : i32
      %add3A_815 = arith.addi %scan3A_780, %add3A_814 : i32
      %lt3A_816 = arith.constant 13 : i32
      %lt3A_817 = arith.cmpi slt, %add3A_815, %lt3A_816 : i32
      %convert_element_type3A_818 = arith.extui %lt3A_817 : i1 to i32
      %cond3A_819 = arith.constant 0 : i32
      %cond3A_820 = arith.cmpi ne, %convert_element_type3A_818, %cond3A_819 : i32
      scf.if %cond3A_820 {
        %dma_start3A_835 = arith.constant 0 : i32
        %dma_start3A_836 = tpu.memref_slice %arg6[%scan3A_621, %dma_start3A_835] : memref<2x3328xi32, #tpu.memory_space<vmem>> -> memref<1x3328xi32, #tpu.memory_space<vmem>>
        %dma_start3A_837 = tpu.memref_squeeze %dma_start3A_836 : memref<1x3328xi32, #tpu.memory_space<vmem>> -> memref<3328xi32, #tpu.memory_space<vmem>>
        %dma_start3A_838 = tpu.memref_slice %dma_start3A_837[%multiple_of3A_799] : memref<3328xi32, #tpu.memory_space<vmem>> -> memref<128xi32, #tpu.memory_space<vmem>>
        %dma_start3A_839 = arith.constant 0 : i32
        %dma_start3A_840 = arith.constant 0 : i32
        %dma_start3A_841 = tpu.memref_slice %arg3[%dma_start3A_839, %dma_start3A_840] : memref<10240x128xf32, #tpu.memory_space<hbm>> -> memref<10240x128xf32, #tpu.memory_space<hbm>>
        tpu.enqueue_indirect_dma source(%dma_start3A_841 : memref<10240x128xf32, #tpu.memory_space<hbm>>) target(%arg8 : memref<128x128xf32, #tpu.memory_space<vmem>>) offsets(%dma_start3A_838 : memref<128xi32, #tpu.memory_space<vmem>>) semaphore(%arg12 : memref<!tpu.dma_semaphore, #tpu.memory_space<semaphore_mem>>)
      } else {
      }
      "tpu.region"() ({
        %run_scoped3A = tpu.sem_alloc : memref<!tpu.dma_semaphore, #tpu.memory_space<semaphore_mem>>
        %dma_start3A_835 = arith.constant 0 : i32
        %dma_start3A_836 = tpu.memref_slice %arg7[%scan3A_622, %dma_start3A_835] : memref<2x3328xi32, #tpu.memory_space<vmem>> -> memref<1x3328xi32, #tpu.memory_space<vmem>>
        %dma_start3A_837 = tpu.memref_squeeze %dma_start3A_836 : memref<1x3328xi32, #tpu.memory_space<vmem>> -> memref<3328xi32, #tpu.memory_space<vmem>>
        %dma_start3A_838 = tpu.memref_slice %dma_start3A_837[%multiple_of3A_785] : memref<3328xi32, #tpu.memory_space<vmem>> -> memref<128xi32, #tpu.memory_space<vmem>>
        %dma_start3A_839 = arith.constant 0 : i32
        %dma_start3A_840 = arith.constant 0 : i32
        %dma_start3A_841 = tpu.memref_slice %arg11[%dma_start3A_839, %dma_start3A_840] : memref<10240x128xf32, #tpu.memory_space<vmem_shared>> -> memref<10240x128xf32, #tpu.memory_space<vmem_shared>>
        tpu.enqueue_indirect_dma source(%arg8 : memref<128x128xf32, #tpu.memory_space<vmem>>) target(%dma_start3A_841 : memref<10240x128xf32, #tpu.memory_space<vmem_shared>>) offsets(%dma_start3A_838 : memref<128xi32, #tpu.memory_space<vmem>>) semaphore(%run_scoped3A : memref<!tpu.dma_semaphore, #tpu.memory_space<semaphore_mem>>) {add = true}
        %dma_wait3A_842 = arith.constant 0 : i32
        %dma_wait3A_843 = tpu.memref_slice %arg7[%scan3A_622, %dma_wait3A_842] : memref<2x3328xi32, #tpu.memory_space<vmem>> -> memref<1x3328xi32, #tpu.memory_space<vmem>>
        %dma_wait3A_844 = tpu.memref_squeeze %dma_wait3A_843 : memref<1x3328xi32, #tpu.memory_space<vmem>> -> memref<3328xi32, #tpu.memory_space<vmem>>
        %dma_wait3A_845 = tpu.memref_slice %dma_wait3A_844[%multiple_of3A_785] : memref<3328xi32, #tpu.memory_space<vmem>> -> memref<128xi32, #tpu.memory_space<vmem>>
        %dma_wait3A_846 = arith.constant 0 : i32
        %dma_wait3A_847 = arith.constant 0 : i32
        %dma_wait3A_848 = tpu.memref_slice %arg11[%dma_wait3A_846, %dma_wait3A_847] : memref<10240x128xf32, #tpu.memory_space<vmem_shared>> -> memref<10240x128xf32, #tpu.memory_space<vmem_shared>>
        tpu.wait_indirect_dma semaphore(%run_scoped3A : memref<!tpu.dma_semaphore, #tpu.memory_space<semaphore_mem>>) src(%arg8 : memref<128x128xf32, #tpu.memory_space<vmem>>) dst(%dma_wait3A_848 : memref<10240x128xf32, #tpu.memory_space<vmem_shared>>)
        tpu.yield
      }) : () -> ()
      %dma_wait3A_821 = arith.constant 0 : i32
      %dma_wait3A_822 = tpu.memref_slice %arg6[%scan3A_621, %dma_wait3A_821] : memref<2x3328xi32, #tpu.memory_space<vmem>> -> memref<1x3328xi32, #tpu.memory_space<vmem>>
      %dma_wait3A_823 = tpu.memref_squeeze %dma_wait3A_822 : memref<1x3328xi32, #tpu.memory_space<vmem>> -> memref<3328xi32, #tpu.memory_space<vmem>>
      %dma_wait3A_824 = tpu.memref_slice %dma_wait3A_823[%multiple_of3A_792] : memref<3328xi32, #tpu.memory_space<vmem>> -> memref<128xi32, #tpu.memory_space<vmem>>
      %dma_wait3A_825 = arith.constant 0 : i32
      %dma_wait3A_826 = arith.constant 0 : i32
      %dma_wait3A_827 = tpu.memref_slice %arg3[%dma_wait3A_825, %dma_wait3A_826] : memref<10240x128xf32, #tpu.memory_space<hbm>> -> memref<10240x128xf32, #tpu.memory_space<hbm>>
      tpu.wait_indirect_dma semaphore(%arg13 : memref<!tpu.dma_semaphore, #tpu.memory_space<semaphore_mem>>) src(%dma_wait3A_827 : memref<10240x128xf32, #tpu.memory_space<hbm>>) dst(%arg9 : memref<128x128xf32, #tpu.memory_space<vmem>>)
      %add3A_828 = arith.constant 1 : i32
      %add3A_829 = arith.addi %scan3A_780, %add3A_828 : i32
      %lt3A_830 = arith.constant 13 : i32
      %lt3A_831 = arith.cmpi slt, %add3A_829, %lt3A_830 : i32
      %convert_element_type3A_832 = arith.extui %lt3A_831 : i1 to i32
      %cond3A_833 = arith.constant 0 : i32
      %cond3A_834 = arith.cmpi ne, %convert_element_type3A_832, %cond3A_833 : i32
      scf.if %cond3A_834 {
        %dma_start3A_835 = arith.constant 0 : i32
        %dma_start3A_836 = tpu.memref_slice %arg6[%scan3A_621, %dma_start3A_835] : memref<2x3328xi32, #tpu.memory_space<vmem>> -> memref<1x3328xi32, #tpu.memory_space<vmem>>
        %dma_start3A_837 = tpu.memref_squeeze %dma_start3A_836 : memref<1x3328xi32, #tpu.memory_space<vmem>> -> memref<3328xi32, #tpu.memory_space<vmem>>
        %dma_start3A_838 = tpu.memref_slice %dma_start3A_837[%multiple_of3A_806] : memref<3328xi32, #tpu.memory_space<vmem>> -> memref<128xi32, #tpu.memory_space<vmem>>
        %dma_start3A_839 = arith.constant 0 : i32
        %dma_start3A_840 = arith.constant 0 : i32
        %dma_start3A_841 = tpu.memref_slice %arg3[%dma_start3A_839, %dma_start3A_840] : memref<10240x128xf32, #tpu.memory_space<hbm>> -> memref<10240x128xf32, #tpu.memory_space<hbm>>
        tpu.enqueue_indirect_dma source(%dma_start3A_841 : memref<10240x128xf32, #tpu.memory_space<hbm>>) target(%arg9 : memref<128x128xf32, #tpu.memory_space<vmem>>) offsets(%dma_start3A_838 : memref<128xi32, #tpu.memory_space<vmem>>) semaphore(%arg13 : memref<!tpu.dma_semaphore, #tpu.memory_space<semaphore_mem>>)
      } else {
      }
      "tpu.region"() ({
        %run_scoped3A = tpu.sem_alloc : memref<!tpu.dma_semaphore, #tpu.memory_space<semaphore_mem>>
        %dma_start3A_835 = arith.constant 0 : i32
        %dma_start3A_836 = tpu.memref_slice %arg7[%scan3A_622, %dma_start3A_835] : memref<2x3328xi32, #tpu.memory_space<vmem>> -> memref<1x3328xi32, #tpu.memory_space<vmem>>
        %dma_start3A_837 = tpu.memref_squeeze %dma_start3A_836 : memref<1x3328xi32, #tpu.memory_space<vmem>> -> memref<3328xi32, #tpu.memory_space<vmem>>
        %dma_start3A_838 = tpu.memref_slice %dma_start3A_837[%multiple_of3A_792] : memref<3328xi32, #tpu.memory_space<vmem>> -> memref<128xi32, #tpu.memory_space<vmem>>
        %dma_start3A_839 = arith.constant 0 : i32
        %dma_start3A_840 = arith.constant 0 : i32
        %dma_start3A_841 = tpu.memref_slice %arg11[%dma_start3A_839, %dma_start3A_840] : memref<10240x128xf32, #tpu.memory_space<vmem_shared>> -> memref<10240x128xf32, #tpu.memory_space<vmem_shared>>
        tpu.enqueue_indirect_dma source(%arg9 : memref<128x128xf32, #tpu.memory_space<vmem>>) target(%dma_start3A_841 : memref<10240x128xf32, #tpu.memory_space<vmem_shared>>) offsets(%dma_start3A_838 : memref<128xi32, #tpu.memory_space<vmem>>) semaphore(%run_scoped3A : memref<!tpu.dma_semaphore, #tpu.memory_space<semaphore_mem>>) {add = true}
        %dma_wait3A_842 = arith.constant 0 : i32
        %dma_wait3A_843 = tpu.memref_slice %arg7[%scan3A_622, %dma_wait3A_842] : memref<2x3328xi32, #tpu.memory_space<vmem>> -> memref<1x3328xi32, #tpu.memory_space<vmem>>
        %dma_wait3A_844 = tpu.memref_squeeze %dma_wait3A_843 : memref<1x3328xi32, #tpu.memory_space<vmem>> -> memref<3328xi32, #tpu.memory_space<vmem>>
        %dma_wait3A_845 = tpu.memref_slice %dma_wait3A_844[%multiple_of3A_792] : memref<3328xi32, #tpu.memory_space<vmem>> -> memref<128xi32, #tpu.memory_space<vmem>>
        %dma_wait3A_846 = arith.constant 0 : i32
        %dma_wait3A_847 = arith.constant 0 : i32
        %dma_wait3A_848 = tpu.memref_slice %arg11[%dma_wait3A_846, %dma_wait3A_847] : memref<10240x128xf32, #tpu.memory_space<vmem_shared>> -> memref<10240x128xf32, #tpu.memory_space<vmem_shared>>
        tpu.wait_indirect_dma semaphore(%run_scoped3A : memref<!tpu.dma_semaphore, #tpu.memory_space<semaphore_mem>>) src(%arg9 : memref<128x128xf32, #tpu.memory_space<vmem>>) dst(%dma_wait3A_848 : memref<10240x128xf32, #tpu.memory_space<vmem_shared>>)
        tpu.yield
      }) : () -> ()
    }
    %scan3A_627 = arith.constant 13 : i32
    %mul3A_628 = arith.constant 9984 : i32
    %mul3A_629 = arith.muli %add3A, %mul3A_628 : i32
    %add3A_630 = arith.constant 3328 : i32
    %add3A_631 = arith.addi %mul3A_629, %add3A_630 : i32
    %multiple_of3A_632 = tpu.assume_multiple %add3A_631, 128 : i32
    %dma_wait3A_633 = arith.constant 0 : i32
    %dma_wait3A_634 = arith.constant 1 : i32
    %dma_wait3A_635 = arith.constant 0 : i32
    %dma_wait3A_636 = tpu.memref_slice %arg6[%dma_wait3A_634, %dma_wait3A_635] : memref<2x3328xi32, #tpu.memory_space<vmem>> -> memref<1x3328xi32, #tpu.memory_space<vmem>>
    %dma_wait3A_637 = tpu.memref_squeeze %dma_wait3A_636 : memref<1x3328xi32, #tpu.memory_space<vmem>> -> memref<3328xi32, #tpu.memory_space<vmem>>
    %dma_wait3A_638 = tpu.memref_slice %arg2[%dma_wait3A_633, %multiple_of3A_632] : memref<2x320000xi32, #tpu.memory_space<hbm>> -> memref<1x3328xi32, #tpu.memory_space<hbm>>
    %dma_wait3A_639 = tpu.memref_squeeze %dma_wait3A_638 : memref<1x3328xi32, #tpu.memory_space<hbm>> -> memref<3328xi32, #tpu.memory_space<hbm>>
    %dma_wait3A_640 = arith.constant 0 : i32
    %dma_wait3A_641 = tpu.memref_slice %arg6[%dma_wait3A_634, %dma_wait3A_640] : memref<2x3328xi32, #tpu.memory_space<vmem>> -> memref<1x3328xi32, #tpu.memory_space<vmem>>
    %dma_wait3A_642 = tpu.memref_squeeze %dma_wait3A_641 : memref<1x3328xi32, #tpu.memory_space<vmem>> -> memref<3328xi32, #tpu.memory_space<vmem>>
    %dma_wait3A_643 = tpu.memref_slice %arg2[%dma_wait3A_633, %multiple_of3A_632] : memref<2x320000xi32, #tpu.memory_space<hbm>> -> memref<1x3328xi32, #tpu.memory_space<hbm>>
    %dma_wait3A_644 = tpu.memref_squeeze %dma_wait3A_643 : memref<1x3328xi32, #tpu.memory_space<hbm>> -> memref<3328xi32, #tpu.memory_space<hbm>>
    tpu.wait_dma2 semaphore(%arg15 : memref<!tpu.dma_semaphore, #tpu.memory_space<semaphore_mem>>) src(%dma_wait3A_644 : memref<3328xi32, #tpu.memory_space<hbm>>) dst(%dma_wait3A_642 : memref<3328xi32, #tpu.memory_space<vmem>>)
    %dma_wait3A_645 = arith.constant 1 : i32
    %dma_wait3A_646 = arith.constant 1 : i32
    %dma_wait3A_647 = arith.constant 0 : i32
    %dma_wait3A_648 = tpu.memref_slice %arg7[%dma_wait3A_646, %dma_wait3A_647] : memref<2x3328xi32, #tpu.memory_space<vmem>> -> memref<1x3328xi32, #tpu.memory_space<vmem>>
    %dma_wait3A_649 = tpu.memref_squeeze %dma_wait3A_648 : memref<1x3328xi32, #tpu.memory_space<vmem>> -> memref<3328xi32, #tpu.memory_space<vmem>>
    %dma_wait3A_650 = tpu.memref_slice %arg2[%dma_wait3A_645, %multiple_of3A_632] : memref<2x320000xi32, #tpu.memory_space<hbm>> -> memref<1x3328xi32, #tpu.memory_space<hbm>>
    %dma_wait3A_651 = tpu.memref_squeeze %dma_wait3A_650 : memref<1x3328xi32, #tpu.memory_space<hbm>> -> memref<3328xi32, #tpu.memory_space<hbm>>
    %dma_wait3A_652 = arith.constant 0 : i32
    %dma_wait3A_653 = tpu.memref_slice %arg7[%dma_wait3A_646, %dma_wait3A_652] : memref<2x3328xi32, #tpu.memory_space<vmem>> -> memref<1x3328xi32, #tpu.memory_space<vmem>>
    %dma_wait3A_654 = tpu.memref_squeeze %dma_wait3A_653 : memref<1x3328xi32, #tpu.memory_space<vmem>> -> memref<3328xi32, #tpu.memory_space<vmem>>
    %dma_wait3A_655 = tpu.memref_slice %arg2[%dma_wait3A_645, %multiple_of3A_632] : memref<2x320000xi32, #tpu.memory_space<hbm>> -> memref<1x3328xi32, #tpu.memory_space<hbm>>
    %dma_wait3A_656 = tpu.memref_squeeze %dma_wait3A_655 : memref<1x3328xi32, #tpu.memory_space<hbm>> -> memref<3328xi32, #tpu.memory_space<hbm>>
    tpu.wait_dma2 semaphore(%arg15 : memref<!tpu.dma_semaphore, #tpu.memory_space<semaphore_mem>>) src(%dma_wait3A_656 : memref<3328xi32, #tpu.memory_space<hbm>>) dst(%dma_wait3A_654 : memref<3328xi32, #tpu.memory_space<vmem>>)
    %mul3A_657 = arith.constant 9984 : i32
    %mul3A_658 = arith.muli %add3A, %mul3A_657 : i32
    %add3A_659 = arith.constant 6656 : i32
    %add3A_660 = arith.addi %mul3A_658, %add3A_659 : i32
    %multiple_of3A_661 = tpu.assume_multiple %add3A_660, 128 : i32
    %dma_start3A_662 = arith.constant 0 : i32
    %dma_start3A_663 = arith.constant 0 : i32
    %dma_start3A_664 = arith.constant 0 : i32
    %dma_start3A_665 = tpu.memref_slice %arg6[%dma_start3A_663, %dma_start3A_664] : memref<2x3328xi32, #tpu.memory_space<vmem>> -> memref<1x3328xi32, #tpu.memory_space<vmem>>
    %dma_start3A_666 = tpu.memref_squeeze %dma_start3A_665 : memref<1x3328xi32, #tpu.memory_space<vmem>> -> memref<3328xi32, #tpu.memory_space<vmem>>
    %dma_start3A_667 = tpu.memref_slice %arg2[%dma_start3A_662, %multiple_of3A_661] : memref<2x320000xi32, #tpu.memory_space<hbm>> -> memref<1x3328xi32, #tpu.memory_space<hbm>>
    %dma_start3A_668 = tpu.memref_squeeze %dma_start3A_667 : memref<1x3328xi32, #tpu.memory_space<hbm>> -> memref<3328xi32, #tpu.memory_space<hbm>>
    %dma_start3A_669 = arith.constant 0 : i32
    %dma_start3A_670 = tpu.memref_slice %arg6[%dma_start3A_663, %dma_start3A_669] : memref<2x3328xi32, #tpu.memory_space<vmem>> -> memref<1x3328xi32, #tpu.memory_space<vmem>>
    %dma_start3A_671 = tpu.memref_squeeze %dma_start3A_670 : memref<1x3328xi32, #tpu.memory_space<vmem>> -> memref<3328xi32, #tpu.memory_space<vmem>>
    %dma_start3A_672 = tpu.memref_slice %arg2[%dma_start3A_662, %multiple_of3A_661] : memref<2x320000xi32, #tpu.memory_space<hbm>> -> memref<1x3328xi32, #tpu.memory_space<hbm>>
    %dma_start3A_673 = tpu.memref_squeeze %dma_start3A_672 : memref<1x3328xi32, #tpu.memory_space<hbm>> -> memref<3328xi32, #tpu.memory_space<hbm>>
    tpu.enqueue_dma source(%dma_start3A_673 : memref<3328xi32, #tpu.memory_space<hbm>>) target(%dma_start3A_671 : memref<3328xi32, #tpu.memory_space<vmem>>) target_semaphore(%arg14 : memref<!tpu.dma_semaphore, #tpu.memory_space<semaphore_mem>>)
    %dma_start3A_674 = arith.constant 1 : i32
    %dma_start3A_675 = arith.constant 0 : i32
    %dma_start3A_676 = arith.constant 0 : i32
    %dma_start3A_677 = tpu.memref_slice %arg7[%dma_start3A_675, %dma_start3A_676] : memref<2x3328xi32, #tpu.memory_space<vmem>> -> memref<1x3328xi32, #tpu.memory_space<vmem>>
    %dma_start3A_678 = tpu.memref_squeeze %dma_start3A_677 : memref<1x3328xi32, #tpu.memory_space<vmem>> -> memref<3328xi32, #tpu.memory_space<vmem>>
    %dma_start3A_679 = tpu.memref_slice %arg2[%dma_start3A_674, %multiple_of3A_661] : memref<2x320000xi32, #tpu.memory_space<hbm>> -> memref<1x3328xi32, #tpu.memory_space<hbm>>
    %dma_start3A_680 = tpu.memref_squeeze %dma_start3A_679 : memref<1x3328xi32, #tpu.memory_space<hbm>> -> memref<3328xi32, #tpu.memory_space<hbm>>
    %dma_start3A_681 = arith.constant 0 : i32
    %dma_start3A_682 = tpu.memref_slice %arg7[%dma_start3A_675, %dma_start3A_681] : memref<2x3328xi32, #tpu.memory_space<vmem>> -> memref<1x3328xi32, #tpu.memory_space<vmem>>
    %dma_start3A_683 = tpu.memref_squeeze %dma_start3A_682 : memref<1x3328xi32, #tpu.memory_space<vmem>> -> memref<3328xi32, #tpu.memory_space<vmem>>
    %dma_start3A_684 = tpu.memref_slice %arg2[%dma_start3A_674, %multiple_of3A_661] : memref<2x320000xi32, #tpu.memory_space<hbm>> -> memref<1x3328xi32, #tpu.memory_space<hbm>>
    %dma_start3A_685 = tpu.memref_squeeze %dma_start3A_684 : memref<1x3328xi32, #tpu.memory_space<hbm>> -> memref<3328xi32, #tpu.memory_space<hbm>>
    tpu.enqueue_dma source(%dma_start3A_685 : memref<3328xi32, #tpu.memory_space<hbm>>) target(%dma_start3A_683 : memref<3328xi32, #tpu.memory_space<vmem>>) target_semaphore(%arg14 : memref<!tpu.dma_semaphore, #tpu.memory_space<semaphore_mem>>)
    %dma_start3A_686 = arith.constant 1 : i32
    %dma_start3A_687 = arith.constant 0 : i32
    %dma_start3A_688 = tpu.memref_slice %arg6[%dma_start3A_686, %dma_start3A_687] : memref<2x3328xi32, #tpu.memory_space<vmem>> -> memref<1x3328xi32, #tpu.memory_space<vmem>>
    %dma_start3A_689 = tpu.memref_squeeze %dma_start3A_688 : memref<1x3328xi32, #tpu.memory_space<vmem>> -> memref<3328xi32, #tpu.memory_space<vmem>>
    %dma_start3A_690 = arith.constant 0 : i32
    %dma_start3A_691 = tpu.memref_slice %dma_start3A_689[%dma_start3A_690] : memref<3328xi32, #tpu.memory_space<vmem>> -> memref<128xi32, #tpu.memory_space<vmem>>
    %dma_start3A_692 = arith.constant 0 : i32
    %dma_start3A_693 = arith.constant 0 : i32
    %dma_start3A_694 = tpu.memref_slice %arg3[%dma_start3A_692, %dma_start3A_693] : memref<10240x128xf32, #tpu.memory_space<hbm>> -> memref<10240x128xf32, #tpu.memory_space<hbm>>
    tpu.enqueue_indirect_dma source(%dma_start3A_694 : memref<10240x128xf32, #tpu.memory_space<hbm>>) target(%arg8 : memref<128x128xf32, #tpu.memory_space<vmem>>) offsets(%dma_start3A_691 : memref<128xi32, #tpu.memory_space<vmem>>) semaphore(%arg12 : memref<!tpu.dma_semaphore, #tpu.memory_space<semaphore_mem>>)
    %dma_start3A_695 = arith.constant 1 : i32
    %dma_start3A_696 = arith.constant 0 : i32
    %dma_start3A_697 = tpu.memref_slice %arg6[%dma_start3A_695, %dma_start3A_696] : memref<2x3328xi32, #tpu.memory_space<vmem>> -> memref<1x3328xi32, #tpu.memory_space<vmem>>
    %dma_start3A_698 = tpu.memref_squeeze %dma_start3A_697 : memref<1x3328xi32, #tpu.memory_space<vmem>> -> memref<3328xi32, #tpu.memory_space<vmem>>
    %dma_start3A_699 = arith.constant 128 : i32
    %dma_start3A_700 = tpu.memref_slice %dma_start3A_698[%dma_start3A_699] : memref<3328xi32, #tpu.memory_space<vmem>> -> memref<128xi32, #tpu.memory_space<vmem>>
    %dma_start3A_701 = arith.constant 0 : i32
    %dma_start3A_702 = arith.constant 0 : i32
    %dma_start3A_703 = tpu.memref_slice %arg3[%dma_start3A_701, %dma_start3A_702] : memref<10240x128xf32, #tpu.memory_space<hbm>> -> memref<10240x128xf32, #tpu.memory_space<hbm>>
    tpu.enqueue_indirect_dma source(%dma_start3A_703 : memref<10240x128xf32, #tpu.memory_space<hbm>>) target(%arg9 : memref<128x128xf32, #tpu.memory_space<vmem>>) offsets(%dma_start3A_700 : memref<128xi32, #tpu.memory_space<vmem>>) semaphore(%arg13 : memref<!tpu.dma_semaphore, #tpu.memory_space<semaphore_mem>>)
    %scan3A_704 = arith.constant 1 : i32
    %scan3A_705 = arith.constant 1 : i32
    %scan3A_706 = arith.constant 0 : i32
    %scan3A_707 = arith.constant 13 : i32
    %scan3A_708 = arith.addi %scan3A_706, %scan3A_707 : i32
    %scan3A_709 = arith.constant 1 : i32
    scf.for %scan3A_780 = %scan3A_706 to %scan3A_708 step %scan3A_709  : i32 {
      %mul3A_781 = arith.constant 2 : i32
      %mul3A_782 = arith.muli %scan3A_780, %mul3A_781 : i32
      %mul3A_783 = arith.constant 128 : i32
      %mul3A_784 = arith.muli %mul3A_782, %mul3A_783 : i32
      %multiple_of3A_785 = tpu.assume_multiple %mul3A_784, 128 : i32
      %mul3A_786 = arith.constant 2 : i32
      %mul3A_787 = arith.muli %scan3A_780, %mul3A_786 : i32
      %mul3A_788 = arith.constant 128 : i32
      %mul3A_789 = arith.muli %mul3A_787, %mul3A_788 : i32
      %add3A_790 = arith.constant 128 : i32
      %add3A_791 = arith.addi %mul3A_789, %add3A_790 : i32
      %multiple_of3A_792 = tpu.assume_multiple %add3A_791, 128 : i32
      %mul3A_793 = arith.constant 2 : i32
      %mul3A_794 = arith.muli %scan3A_780, %mul3A_793 : i32
      %mul3A_795 = arith.constant 128 : i32
      %mul3A_796 = arith.muli %mul3A_794, %mul3A_795 : i32
      %add3A_797 = arith.constant 256 : i32
      %add3A_798 = arith.addi %mul3A_796, %add3A_797 : i32
      %multiple_of3A_799 = tpu.assume_multiple %add3A_798, 128 : i32
      %mul3A_800 = arith.constant 2 : i32
      %mul3A_801 = arith.muli %scan3A_780, %mul3A_800 : i32
      %mul3A_802 = arith.constant 128 : i32
      %mul3A_803 = arith.muli %mul3A_801, %mul3A_802 : i32
      %add3A_804 = arith.constant 384 : i32
      %add3A_805 = arith.addi %mul3A_803, %add3A_804 : i32
      %multiple_of3A_806 = tpu.assume_multiple %add3A_805, 128 : i32
      %dma_wait3A_807 = arith.constant 0 : i32
      %dma_wait3A_808 = tpu.memref_slice %arg6[%scan3A_704, %dma_wait3A_807] : memref<2x3328xi32, #tpu.memory_space<vmem>> -> memref<1x3328xi32, #tpu.memory_space<vmem>>
      %dma_wait3A_809 = tpu.memref_squeeze %dma_wait3A_808 : memref<1x3328xi32, #tpu.memory_space<vmem>> -> memref<3328xi32, #tpu.memory_space<vmem>>
      %dma_wait3A_810 = tpu.memref_slice %dma_wait3A_809[%multiple_of3A_785] : memref<3328xi32, #tpu.memory_space<vmem>> -> memref<128xi32, #tpu.memory_space<vmem>>
      %dma_wait3A_811 = arith.constant 0 : i32
      %dma_wait3A_812 = arith.constant 0 : i32
      %dma_wait3A_813 = tpu.memref_slice %arg3[%dma_wait3A_811, %dma_wait3A_812] : memref<10240x128xf32, #tpu.memory_space<hbm>> -> memref<10240x128xf32, #tpu.memory_space<hbm>>
      tpu.wait_indirect_dma semaphore(%arg12 : memref<!tpu.dma_semaphore, #tpu.memory_space<semaphore_mem>>) src(%dma_wait3A_813 : memref<10240x128xf32, #tpu.memory_space<hbm>>) dst(%arg8 : memref<128x128xf32, #tpu.memory_space<vmem>>)
      %add3A_814 = arith.constant 1 : i32
      %add3A_815 = arith.addi %scan3A_780, %add3A_814 : i32
      %lt3A_816 = arith.constant 13 : i32
      %lt3A_817 = arith.cmpi slt, %add3A_815, %lt3A_816 : i32
      %convert_element_type3A_818 = arith.extui %lt3A_817 : i1 to i32
      %cond3A_819 = arith.constant 0 : i32
      %cond3A_820 = arith.cmpi ne, %convert_element_type3A_818, %cond3A_819 : i32
      scf.if %cond3A_820 {
        %dma_start3A_835 = arith.constant 0 : i32
        %dma_start3A_836 = tpu.memref_slice %arg6[%scan3A_704, %dma_start3A_835] : memref<2x3328xi32, #tpu.memory_space<vmem>> -> memref<1x3328xi32, #tpu.memory_space<vmem>>
        %dma_start3A_837 = tpu.memref_squeeze %dma_start3A_836 : memref<1x3328xi32, #tpu.memory_space<vmem>> -> memref<3328xi32, #tpu.memory_space<vmem>>
        %dma_start3A_838 = tpu.memref_slice %dma_start3A_837[%multiple_of3A_799] : memref<3328xi32, #tpu.memory_space<vmem>> -> memref<128xi32, #tpu.memory_space<vmem>>
        %dma_start3A_839 = arith.constant 0 : i32
        %dma_start3A_840 = arith.constant 0 : i32
        %dma_start3A_841 = tpu.memref_slice %arg3[%dma_start3A_839, %dma_start3A_840] : memref<10240x128xf32, #tpu.memory_space<hbm>> -> memref<10240x128xf32, #tpu.memory_space<hbm>>
        tpu.enqueue_indirect_dma source(%dma_start3A_841 : memref<10240x128xf32, #tpu.memory_space<hbm>>) target(%arg8 : memref<128x128xf32, #tpu.memory_space<vmem>>) offsets(%dma_start3A_838 : memref<128xi32, #tpu.memory_space<vmem>>) semaphore(%arg12 : memref<!tpu.dma_semaphore, #tpu.memory_space<semaphore_mem>>)
      } else {
      }
      "tpu.region"() ({
        %run_scoped3A = tpu.sem_alloc : memref<!tpu.dma_semaphore, #tpu.memory_space<semaphore_mem>>
        %dma_start3A_835 = arith.constant 0 : i32
        %dma_start3A_836 = tpu.memref_slice %arg7[%scan3A_705, %dma_start3A_835] : memref<2x3328xi32, #tpu.memory_space<vmem>> -> memref<1x3328xi32, #tpu.memory_space<vmem>>
        %dma_start3A_837 = tpu.memref_squeeze %dma_start3A_836 : memref<1x3328xi32, #tpu.memory_space<vmem>> -> memref<3328xi32, #tpu.memory_space<vmem>>
        %dma_start3A_838 = tpu.memref_slice %dma_start3A_837[%multiple_of3A_785] : memref<3328xi32, #tpu.memory_space<vmem>> -> memref<128xi32, #tpu.memory_space<vmem>>
        %dma_start3A_839 = arith.constant 0 : i32
        %dma_start3A_840 = arith.constant 0 : i32
        %dma_start3A_841 = tpu.memref_slice %arg11[%dma_start3A_839, %dma_start3A_840] : memref<10240x128xf32, #tpu.memory_space<vmem_shared>> -> memref<10240x128xf32, #tpu.memory_space<vmem_shared>>
        tpu.enqueue_indirect_dma source(%arg8 : memref<128x128xf32, #tpu.memory_space<vmem>>) target(%dma_start3A_841 : memref<10240x128xf32, #tpu.memory_space<vmem_shared>>) offsets(%dma_start3A_838 : memref<128xi32, #tpu.memory_space<vmem>>) semaphore(%run_scoped3A : memref<!tpu.dma_semaphore, #tpu.memory_space<semaphore_mem>>) {add = true}
        %dma_wait3A_842 = arith.constant 0 : i32
        %dma_wait3A_843 = tpu.memref_slice %arg7[%scan3A_705, %dma_wait3A_842] : memref<2x3328xi32, #tpu.memory_space<vmem>> -> memref<1x3328xi32, #tpu.memory_space<vmem>>
        %dma_wait3A_844 = tpu.memref_squeeze %dma_wait3A_843 : memref<1x3328xi32, #tpu.memory_space<vmem>> -> memref<3328xi32, #tpu.memory_space<vmem>>
        %dma_wait3A_845 = tpu.memref_slice %dma_wait3A_844[%multiple_of3A_785] : memref<3328xi32, #tpu.memory_space<vmem>> -> memref<128xi32, #tpu.memory_space<vmem>>
        %dma_wait3A_846 = arith.constant 0 : i32
        %dma_wait3A_847 = arith.constant 0 : i32
        %dma_wait3A_848 = tpu.memref_slice %arg11[%dma_wait3A_846, %dma_wait3A_847] : memref<10240x128xf32, #tpu.memory_space<vmem_shared>> -> memref<10240x128xf32, #tpu.memory_space<vmem_shared>>
        tpu.wait_indirect_dma semaphore(%run_scoped3A : memref<!tpu.dma_semaphore, #tpu.memory_space<semaphore_mem>>) src(%arg8 : memref<128x128xf32, #tpu.memory_space<vmem>>) dst(%dma_wait3A_848 : memref<10240x128xf32, #tpu.memory_space<vmem_shared>>)
        tpu.yield
      }) : () -> ()
      %dma_wait3A_821 = arith.constant 0 : i32
      %dma_wait3A_822 = tpu.memref_slice %arg6[%scan3A_704, %dma_wait3A_821] : memref<2x3328xi32, #tpu.memory_space<vmem>> -> memref<1x3328xi32, #tpu.memory_space<vmem>>
      %dma_wait3A_823 = tpu.memref_squeeze %dma_wait3A_822 : memref<1x3328xi32, #tpu.memory_space<vmem>> -> memref<3328xi32, #tpu.memory_space<vmem>>
      %dma_wait3A_824 = tpu.memref_slice %dma_wait3A_823[%multiple_of3A_792] : memref<3328xi32, #tpu.memory_space<vmem>> -> memref<128xi32, #tpu.memory_space<vmem>>
      %dma_wait3A_825 = arith.constant 0 : i32
      %dma_wait3A_826 = arith.constant 0 : i32
      %dma_wait3A_827 = tpu.memref_slice %arg3[%dma_wait3A_825, %dma_wait3A_826] : memref<10240x128xf32, #tpu.memory_space<hbm>> -> memref<10240x128xf32, #tpu.memory_space<hbm>>
      tpu.wait_indirect_dma semaphore(%arg13 : memref<!tpu.dma_semaphore, #tpu.memory_space<semaphore_mem>>) src(%dma_wait3A_827 : memref<10240x128xf32, #tpu.memory_space<hbm>>) dst(%arg9 : memref<128x128xf32, #tpu.memory_space<vmem>>)
      %add3A_828 = arith.constant 1 : i32
      %add3A_829 = arith.addi %scan3A_780, %add3A_828 : i32
      %lt3A_830 = arith.constant 13 : i32
      %lt3A_831 = arith.cmpi slt, %add3A_829, %lt3A_830 : i32
      %convert_element_type3A_832 = arith.extui %lt3A_831 : i1 to i32
      %cond3A_833 = arith.constant 0 : i32
      %cond3A_834 = arith.cmpi ne, %convert_element_type3A_832, %cond3A_833 : i32
      scf.if %cond3A_834 {
        %dma_start3A_835 = arith.constant 0 : i32
        %dma_start3A_836 = tpu.memref_slice %arg6[%scan3A_704, %dma_start3A_835] : memref<2x3328xi32, #tpu.memory_space<vmem>> -> memref<1x3328xi32, #tpu.memory_space<vmem>>
        %dma_start3A_837 = tpu.memref_squeeze %dma_start3A_836 : memref<1x3328xi32, #tpu.memory_space<vmem>> -> memref<3328xi32, #tpu.memory_space<vmem>>
        %dma_start3A_838 = tpu.memref_slice %dma_start3A_837[%multiple_of3A_806] : memref<3328xi32, #tpu.memory_space<vmem>> -> memref<128xi32, #tpu.memory_space<vmem>>
        %dma_start3A_839 = arith.constant 0 : i32
        %dma_start3A_840 = arith.constant 0 : i32
        %dma_start3A_841 = tpu.memref_slice %arg3[%dma_start3A_839, %dma_start3A_840] : memref<10240x128xf32, #tpu.memory_space<hbm>> -> memref<10240x128xf32, #tpu.memory_space<hbm>>
        tpu.enqueue_indirect_dma source(%dma_start3A_841 : memref<10240x128xf32, #tpu.memory_space<hbm>>) target(%arg9 : memref<128x128xf32, #tpu.memory_space<vmem>>) offsets(%dma_start3A_838 : memref<128xi32, #tpu.memory_space<vmem>>) semaphore(%arg13 : memref<!tpu.dma_semaphore, #tpu.memory_space<semaphore_mem>>)
      } else {
      }
      "tpu.region"() ({
        %run_scoped3A = tpu.sem_alloc : memref<!tpu.dma_semaphore, #tpu.memory_space<semaphore_mem>>
        %dma_start3A_835 = arith.constant 0 : i32
        %dma_start3A_836 = tpu.memref_slice %arg7[%scan3A_705, %dma_start3A_835] : memref<2x3328xi32, #tpu.memory_space<vmem>> -> memref<1x3328xi32, #tpu.memory_space<vmem>>
        %dma_start3A_837 = tpu.memref_squeeze %dma_start3A_836 : memref<1x3328xi32, #tpu.memory_space<vmem>> -> memref<3328xi32, #tpu.memory_space<vmem>>
        %dma_start3A_838 = tpu.memref_slice %dma_start3A_837[%multiple_of3A_792] : memref<3328xi32, #tpu.memory_space<vmem>> -> memref<128xi32, #tpu.memory_space<vmem>>
        %dma_start3A_839 = arith.constant 0 : i32
        %dma_start3A_840 = arith.constant 0 : i32
        %dma_start3A_841 = tpu.memref_slice %arg11[%dma_start3A_839, %dma_start3A_840] : memref<10240x128xf32, #tpu.memory_space<vmem_shared>> -> memref<10240x128xf32, #tpu.memory_space<vmem_shared>>
        tpu.enqueue_indirect_dma source(%arg9 : memref<128x128xf32, #tpu.memory_space<vmem>>) target(%dma_start3A_841 : memref<10240x128xf32, #tpu.memory_space<vmem_shared>>) offsets(%dma_start3A_838 : memref<128xi32, #tpu.memory_space<vmem>>) semaphore(%run_scoped3A : memref<!tpu.dma_semaphore, #tpu.memory_space<semaphore_mem>>) {add = true}
        %dma_wait3A_842 = arith.constant 0 : i32
        %dma_wait3A_843 = tpu.memref_slice %arg7[%scan3A_705, %dma_wait3A_842] : memref<2x3328xi32, #tpu.memory_space<vmem>> -> memref<1x3328xi32, #tpu.memory_space<vmem>>
        %dma_wait3A_844 = tpu.memref_squeeze %dma_wait3A_843 : memref<1x3328xi32, #tpu.memory_space<vmem>> -> memref<3328xi32, #tpu.memory_space<vmem>>
        %dma_wait3A_845 = tpu.memref_slice %dma_wait3A_844[%multiple_of3A_792] : memref<3328xi32, #tpu.memory_space<vmem>> -> memref<128xi32, #tpu.memory_space<vmem>>
        %dma_wait3A_846 = arith.constant 0 : i32
        %dma_wait3A_847 = arith.constant 0 : i32
        %dma_wait3A_848 = tpu.memref_slice %arg11[%dma_wait3A_846, %dma_wait3A_847] : memref<10240x128xf32, #tpu.memory_space<vmem_shared>> -> memref<10240x128xf32, #tpu.memory_space<vmem_shared>>
        tpu.wait_indirect_dma semaphore(%run_scoped3A : memref<!tpu.dma_semaphore, #tpu.memory_space<semaphore_mem>>) src(%arg9 : memref<128x128xf32, #tpu.memory_space<vmem>>) dst(%dma_wait3A_848 : memref<10240x128xf32, #tpu.memory_space<vmem_shared>>)
        tpu.yield
      }) : () -> ()
    }
    %scan3A_710 = arith.constant 13 : i32
    %mul3A_711 = arith.constant 9984 : i32
    %mul3A_712 = arith.muli %add3A, %mul3A_711 : i32
    %add3A_713 = arith.constant 6656 : i32
    %add3A_714 = arith.addi %mul3A_712, %add3A_713 : i32
    %multiple_of3A_715 = tpu.assume_multiple %add3A_714, 128 : i32
    %dma_wait3A_716 = arith.constant 0 : i32
    %dma_wait3A_717 = arith.constant 0 : i32
    %dma_wait3A_718 = arith.constant 0 : i32
    %dma_wait3A_719 = tpu.memref_slice %arg6[%dma_wait3A_717, %dma_wait3A_718] : memref<2x3328xi32, #tpu.memory_space<vmem>> -> memref<1x3328xi32, #tpu.memory_space<vmem>>
    %dma_wait3A_720 = tpu.memref_squeeze %dma_wait3A_719 : memref<1x3328xi32, #tpu.memory_space<vmem>> -> memref<3328xi32, #tpu.memory_space<vmem>>
    %dma_wait3A_721 = tpu.memref_slice %arg2[%dma_wait3A_716, %multiple_of3A_715] : memref<2x320000xi32, #tpu.memory_space<hbm>> -> memref<1x3328xi32, #tpu.memory_space<hbm>>
    %dma_wait3A_722 = tpu.memref_squeeze %dma_wait3A_721 : memref<1x3328xi32, #tpu.memory_space<hbm>> -> memref<3328xi32, #tpu.memory_space<hbm>>
    %dma_wait3A_723 = arith.constant 0 : i32
    %dma_wait3A_724 = tpu.memref_slice %arg6[%dma_wait3A_717, %dma_wait3A_723] : memref<2x3328xi32, #tpu.memory_space<vmem>> -> memref<1x3328xi32, #tpu.memory_space<vmem>>
    %dma_wait3A_725 = tpu.memref_squeeze %dma_wait3A_724 : memref<1x3328xi32, #tpu.memory_space<vmem>> -> memref<3328xi32, #tpu.memory_space<vmem>>
    %dma_wait3A_726 = tpu.memref_slice %arg2[%dma_wait3A_716, %multiple_of3A_715] : memref<2x320000xi32, #tpu.memory_space<hbm>> -> memref<1x3328xi32, #tpu.memory_space<hbm>>
    %dma_wait3A_727 = tpu.memref_squeeze %dma_wait3A_726 : memref<1x3328xi32, #tpu.memory_space<hbm>> -> memref<3328xi32, #tpu.memory_space<hbm>>
    tpu.wait_dma2 semaphore(%arg14 : memref<!tpu.dma_semaphore, #tpu.memory_space<semaphore_mem>>) src(%dma_wait3A_727 : memref<3328xi32, #tpu.memory_space<hbm>>) dst(%dma_wait3A_725 : memref<3328xi32, #tpu.memory_space<vmem>>)
    %dma_wait3A_728 = arith.constant 1 : i32
    %dma_wait3A_729 = arith.constant 0 : i32
    %dma_wait3A_730 = arith.constant 0 : i32
    %dma_wait3A_731 = tpu.memref_slice %arg7[%dma_wait3A_729, %dma_wait3A_730] : memref<2x3328xi32, #tpu.memory_space<vmem>> -> memref<1x3328xi32, #tpu.memory_space<vmem>>
    %dma_wait3A_732 = tpu.memref_squeeze %dma_wait3A_731 : memref<1x3328xi32, #tpu.memory_space<vmem>> -> memref<3328xi32, #tpu.memory_space<vmem>>
    %dma_wait3A_733 = tpu.memref_slice %arg2[%dma_wait3A_728, %multiple_of3A_715] : memref<2x320000xi32, #tpu.memory_space<hbm>> -> memref<1x3328xi32, #tpu.memory_space<hbm>>
    %dma_wait3A_734 = tpu.memref_squeeze %dma_wait3A_733 : memref<1x3328xi32, #tpu.memory_space<hbm>> -> memref<3328xi32, #tpu.memory_space<hbm>>
    %dma_wait3A_735 = arith.constant 0 : i32
    %dma_wait3A_736 = tpu.memref_slice %arg7[%dma_wait3A_729, %dma_wait3A_735] : memref<2x3328xi32, #tpu.memory_space<vmem>> -> memref<1x3328xi32, #tpu.memory_space<vmem>>
    %dma_wait3A_737 = tpu.memref_squeeze %dma_wait3A_736 : memref<1x3328xi32, #tpu.memory_space<vmem>> -> memref<3328xi32, #tpu.memory_space<vmem>>
    %dma_wait3A_738 = tpu.memref_slice %arg2[%dma_wait3A_728, %multiple_of3A_715] : memref<2x320000xi32, #tpu.memory_space<hbm>> -> memref<1x3328xi32, #tpu.memory_space<hbm>>
    %dma_wait3A_739 = tpu.memref_squeeze %dma_wait3A_738 : memref<1x3328xi32, #tpu.memory_space<hbm>> -> memref<3328xi32, #tpu.memory_space<hbm>>
    tpu.wait_dma2 semaphore(%arg14 : memref<!tpu.dma_semaphore, #tpu.memory_space<semaphore_mem>>) src(%dma_wait3A_739 : memref<3328xi32, #tpu.memory_space<hbm>>) dst(%dma_wait3A_737 : memref<3328xi32, #tpu.memory_space<vmem>>)
    %dma_start3A_740 = arith.constant 0 : i32
    %dma_start3A_741 = arith.constant 0 : i32
    %dma_start3A_742 = tpu.memref_slice %arg6[%dma_start3A_740, %dma_start3A_741] : memref<2x3328xi32, #tpu.memory_space<vmem>> -> memref<1x3328xi32, #tpu.memory_space<vmem>>
    %dma_start3A_743 = tpu.memref_squeeze %dma_start3A_742 : memref<1x3328xi32, #tpu.memory_space<vmem>> -> memref<3328xi32, #tpu.memory_space<vmem>>
    %dma_start3A_744 = arith.constant 0 : i32
    %dma_start3A_745 = tpu.memref_slice %dma_start3A_743[%dma_start3A_744] : memref<3328xi32, #tpu.memory_space<vmem>> -> memref<128xi32, #tpu.memory_space<vmem>>
    %dma_start3A_746 = arith.constant 0 : i32
    %dma_start3A_747 = arith.constant 0 : i32
    %dma_start3A_748 = tpu.memref_slice %arg3[%dma_start3A_746, %dma_start3A_747] : memref<10240x128xf32, #tpu.memory_space<hbm>> -> memref<10240x128xf32, #tpu.memory_space<hbm>>
    tpu.enqueue_indirect_dma source(%dma_start3A_748 : memref<10240x128xf32, #tpu.memory_space<hbm>>) target(%arg8 : memref<128x128xf32, #tpu.memory_space<vmem>>) offsets(%dma_start3A_745 : memref<128xi32, #tpu.memory_space<vmem>>) semaphore(%arg12 : memref<!tpu.dma_semaphore, #tpu.memory_space<semaphore_mem>>)
    %dma_start3A_749 = arith.constant 0 : i32
    %dma_start3A_750 = arith.constant 0 : i32
    %dma_start3A_751 = tpu.memref_slice %arg6[%dma_start3A_749, %dma_start3A_750] : memref<2x3328xi32, #tpu.memory_space<vmem>> -> memref<1x3328xi32, #tpu.memory_space<vmem>>
    %dma_start3A_752 = tpu.memref_squeeze %dma_start3A_751 : memref<1x3328xi32, #tpu.memory_space<vmem>> -> memref<3328xi32, #tpu.memory_space<vmem>>
    %dma_start3A_753 = arith.constant 128 : i32
    %dma_start3A_754 = tpu.memref_slice %dma_start3A_752[%dma_start3A_753] : memref<3328xi32, #tpu.memory_space<vmem>> -> memref<128xi32, #tpu.memory_space<vmem>>
    %dma_start3A_755 = arith.constant 0 : i32
    %dma_start3A_756 = arith.constant 0 : i32
    %dma_start3A_757 = tpu.memref_slice %arg3[%dma_start3A_755, %dma_start3A_756] : memref<10240x128xf32, #tpu.memory_space<hbm>> -> memref<10240x128xf32, #tpu.memory_space<hbm>>
    tpu.enqueue_indirect_dma source(%dma_start3A_757 : memref<10240x128xf32, #tpu.memory_space<hbm>>) target(%arg9 : memref<128x128xf32, #tpu.memory_space<vmem>>) offsets(%dma_start3A_754 : memref<128xi32, #tpu.memory_space<vmem>>) semaphore(%arg13 : memref<!tpu.dma_semaphore, #tpu.memory_space<semaphore_mem>>)
    %scan3A_758 = arith.constant 0 : i32
    %scan3A_759 = arith.constant 0 : i32
    %scan3A_760 = arith.constant 0 : i32
    %scan3A_761 = arith.constant 13 : i32
    %scan3A_762 = arith.addi %scan3A_760, %scan3A_761 : i32
    %scan3A_763 = arith.constant 1 : i32
    scf.for %scan3A_780 = %scan3A_760 to %scan3A_762 step %scan3A_763  : i32 {
      %mul3A_781 = arith.constant 2 : i32
      %mul3A_782 = arith.muli %scan3A_780, %mul3A_781 : i32
      %mul3A_783 = arith.constant 128 : i32
      %mul3A_784 = arith.muli %mul3A_782, %mul3A_783 : i32
      %multiple_of3A_785 = tpu.assume_multiple %mul3A_784, 128 : i32
      %mul3A_786 = arith.constant 2 : i32
      %mul3A_787 = arith.muli %scan3A_780, %mul3A_786 : i32
      %mul3A_788 = arith.constant 128 : i32
      %mul3A_789 = arith.muli %mul3A_787, %mul3A_788 : i32
      %add3A_790 = arith.constant 128 : i32
      %add3A_791 = arith.addi %mul3A_789, %add3A_790 : i32
      %multiple_of3A_792 = tpu.assume_multiple %add3A_791, 128 : i32
      %mul3A_793 = arith.constant 2 : i32
      %mul3A_794 = arith.muli %scan3A_780, %mul3A_793 : i32
      %mul3A_795 = arith.constant 128 : i32
      %mul3A_796 = arith.muli %mul3A_794, %mul3A_795 : i32
      %add3A_797 = arith.constant 256 : i32
      %add3A_798 = arith.addi %mul3A_796, %add3A_797 : i32
      %multiple_of3A_799 = tpu.assume_multiple %add3A_798, 128 : i32
      %mul3A_800 = arith.constant 2 : i32
      %mul3A_801 = arith.muli %scan3A_780, %mul3A_800 : i32
      %mul3A_802 = arith.constant 128 : i32
      %mul3A_803 = arith.muli %mul3A_801, %mul3A_802 : i32
      %add3A_804 = arith.constant 384 : i32
      %add3A_805 = arith.addi %mul3A_803, %add3A_804 : i32
      %multiple_of3A_806 = tpu.assume_multiple %add3A_805, 128 : i32
      %dma_wait3A_807 = arith.constant 0 : i32
      %dma_wait3A_808 = tpu.memref_slice %arg6[%scan3A_758, %dma_wait3A_807] : memref<2x3328xi32, #tpu.memory_space<vmem>> -> memref<1x3328xi32, #tpu.memory_space<vmem>>
      %dma_wait3A_809 = tpu.memref_squeeze %dma_wait3A_808 : memref<1x3328xi32, #tpu.memory_space<vmem>> -> memref<3328xi32, #tpu.memory_space<vmem>>
      %dma_wait3A_810 = tpu.memref_slice %dma_wait3A_809[%multiple_of3A_785] : memref<3328xi32, #tpu.memory_space<vmem>> -> memref<128xi32, #tpu.memory_space<vmem>>
      %dma_wait3A_811 = arith.constant 0 : i32
      %dma_wait3A_812 = arith.constant 0 : i32
      %dma_wait3A_813 = tpu.memref_slice %arg3[%dma_wait3A_811, %dma_wait3A_812] : memref<10240x128xf32, #tpu.memory_space<hbm>> -> memref<10240x128xf32, #tpu.memory_space<hbm>>
      tpu.wait_indirect_dma semaphore(%arg12 : memref<!tpu.dma_semaphore, #tpu.memory_space<semaphore_mem>>) src(%dma_wait3A_813 : memref<10240x128xf32, #tpu.memory_space<hbm>>) dst(%arg8 : memref<128x128xf32, #tpu.memory_space<vmem>>)
      %add3A_814 = arith.constant 1 : i32
      %add3A_815 = arith.addi %scan3A_780, %add3A_814 : i32
      %lt3A_816 = arith.constant 13 : i32
      %lt3A_817 = arith.cmpi slt, %add3A_815, %lt3A_816 : i32
      %convert_element_type3A_818 = arith.extui %lt3A_817 : i1 to i32
      %cond3A_819 = arith.constant 0 : i32
      %cond3A_820 = arith.cmpi ne, %convert_element_type3A_818, %cond3A_819 : i32
      scf.if %cond3A_820 {
        %dma_start3A_835 = arith.constant 0 : i32
        %dma_start3A_836 = tpu.memref_slice %arg6[%scan3A_758, %dma_start3A_835] : memref<2x3328xi32, #tpu.memory_space<vmem>> -> memref<1x3328xi32, #tpu.memory_space<vmem>>
        %dma_start3A_837 = tpu.memref_squeeze %dma_start3A_836 : memref<1x3328xi32, #tpu.memory_space<vmem>> -> memref<3328xi32, #tpu.memory_space<vmem>>
        %dma_start3A_838 = tpu.memref_slice %dma_start3A_837[%multiple_of3A_799] : memref<3328xi32, #tpu.memory_space<vmem>> -> memref<128xi32, #tpu.memory_space<vmem>>
        %dma_start3A_839 = arith.constant 0 : i32
        %dma_start3A_840 = arith.constant 0 : i32
        %dma_start3A_841 = tpu.memref_slice %arg3[%dma_start3A_839, %dma_start3A_840] : memref<10240x128xf32, #tpu.memory_space<hbm>> -> memref<10240x128xf32, #tpu.memory_space<hbm>>
        tpu.enqueue_indirect_dma source(%dma_start3A_841 : memref<10240x128xf32, #tpu.memory_space<hbm>>) target(%arg8 : memref<128x128xf32, #tpu.memory_space<vmem>>) offsets(%dma_start3A_838 : memref<128xi32, #tpu.memory_space<vmem>>) semaphore(%arg12 : memref<!tpu.dma_semaphore, #tpu.memory_space<semaphore_mem>>)
      } else {
      }
      "tpu.region"() ({
        %run_scoped3A = tpu.sem_alloc : memref<!tpu.dma_semaphore, #tpu.memory_space<semaphore_mem>>
        %dma_start3A_835 = arith.constant 0 : i32
        %dma_start3A_836 = tpu.memref_slice %arg7[%scan3A_759, %dma_start3A_835] : memref<2x3328xi32, #tpu.memory_space<vmem>> -> memref<1x3328xi32, #tpu.memory_space<vmem>>
        %dma_start3A_837 = tpu.memref_squeeze %dma_start3A_836 : memref<1x3328xi32, #tpu.memory_space<vmem>> -> memref<3328xi32, #tpu.memory_space<vmem>>
        %dma_start3A_838 = tpu.memref_slice %dma_start3A_837[%multiple_of3A_785] : memref<3328xi32, #tpu.memory_space<vmem>> -> memref<128xi32, #tpu.memory_space<vmem>>
        %dma_start3A_839 = arith.constant 0 : i32
        %dma_start3A_840 = arith.constant 0 : i32
        %dma_start3A_841 = tpu.memref_slice %arg11[%dma_start3A_839, %dma_start3A_840] : memref<10240x128xf32, #tpu.memory_space<vmem_shared>> -> memref<10240x128xf32, #tpu.memory_space<vmem_shared>>
        tpu.enqueue_indirect_dma source(%arg8 : memref<128x128xf32, #tpu.memory_space<vmem>>) target(%dma_start3A_841 : memref<10240x128xf32, #tpu.memory_space<vmem_shared>>) offsets(%dma_start3A_838 : memref<128xi32, #tpu.memory_space<vmem>>) semaphore(%run_scoped3A : memref<!tpu.dma_semaphore, #tpu.memory_space<semaphore_mem>>) {add = true}
        %dma_wait3A_842 = arith.constant 0 : i32
        %dma_wait3A_843 = tpu.memref_slice %arg7[%scan3A_759, %dma_wait3A_842] : memref<2x3328xi32, #tpu.memory_space<vmem>> -> memref<1x3328xi32, #tpu.memory_space<vmem>>
        %dma_wait3A_844 = tpu.memref_squeeze %dma_wait3A_843 : memref<1x3328xi32, #tpu.memory_space<vmem>> -> memref<3328xi32, #tpu.memory_space<vmem>>
        %dma_wait3A_845 = tpu.memref_slice %dma_wait3A_844[%multiple_of3A_785] : memref<3328xi32, #tpu.memory_space<vmem>> -> memref<128xi32, #tpu.memory_space<vmem>>
        %dma_wait3A_846 = arith.constant 0 : i32
        %dma_wait3A_847 = arith.constant 0 : i32
        %dma_wait3A_848 = tpu.memref_slice %arg11[%dma_wait3A_846, %dma_wait3A_847] : memref<10240x128xf32, #tpu.memory_space<vmem_shared>> -> memref<10240x128xf32, #tpu.memory_space<vmem_shared>>
        tpu.wait_indirect_dma semaphore(%run_scoped3A : memref<!tpu.dma_semaphore, #tpu.memory_space<semaphore_mem>>) src(%arg8 : memref<128x128xf32, #tpu.memory_space<vmem>>) dst(%dma_wait3A_848 : memref<10240x128xf32, #tpu.memory_space<vmem_shared>>)
        tpu.yield
      }) : () -> ()
      %dma_wait3A_821 = arith.constant 0 : i32
      %dma_wait3A_822 = tpu.memref_slice %arg6[%scan3A_758, %dma_wait3A_821] : memref<2x3328xi32, #tpu.memory_space<vmem>> -> memref<1x3328xi32, #tpu.memory_space<vmem>>
      %dma_wait3A_823 = tpu.memref_squeeze %dma_wait3A_822 : memref<1x3328xi32, #tpu.memory_space<vmem>> -> memref<3328xi32, #tpu.memory_space<vmem>>
      %dma_wait3A_824 = tpu.memref_slice %dma_wait3A_823[%multiple_of3A_792] : memref<3328xi32, #tpu.memory_space<vmem>> -> memref<128xi32, #tpu.memory_space<vmem>>
      %dma_wait3A_825 = arith.constant 0 : i32
      %dma_wait3A_826 = arith.constant 0 : i32
      %dma_wait3A_827 = tpu.memref_slice %arg3[%dma_wait3A_825, %dma_wait3A_826] : memref<10240x128xf32, #tpu.memory_space<hbm>> -> memref<10240x128xf32, #tpu.memory_space<hbm>>
      tpu.wait_indirect_dma semaphore(%arg13 : memref<!tpu.dma_semaphore, #tpu.memory_space<semaphore_mem>>) src(%dma_wait3A_827 : memref<10240x128xf32, #tpu.memory_space<hbm>>) dst(%arg9 : memref<128x128xf32, #tpu.memory_space<vmem>>)
      %add3A_828 = arith.constant 1 : i32
      %add3A_829 = arith.addi %scan3A_780, %add3A_828 : i32
      %lt3A_830 = arith.constant 13 : i32
      %lt3A_831 = arith.cmpi slt, %add3A_829, %lt3A_830 : i32
      %convert_element_type3A_832 = arith.extui %lt3A_831 : i1 to i32
      %cond3A_833 = arith.constant 0 : i32
      %cond3A_834 = arith.cmpi ne, %convert_element_type3A_832, %cond3A_833 : i32
      scf.if %cond3A_834 {
        %dma_start3A_835 = arith.constant 0 : i32
        %dma_start3A_836 = tpu.memref_slice %arg6[%scan3A_758, %dma_start3A_835] : memref<2x3328xi32, #tpu.memory_space<vmem>> -> memref<1x3328xi32, #tpu.memory_space<vmem>>
        %dma_start3A_837 = tpu.memref_squeeze %dma_start3A_836 : memref<1x3328xi32, #tpu.memory_space<vmem>> -> memref<3328xi32, #tpu.memory_space<vmem>>
        %dma_start3A_838 = tpu.memref_slice %dma_start3A_837[%multiple_of3A_806] : memref<3328xi32, #tpu.memory_space<vmem>> -> memref<128xi32, #tpu.memory_space<vmem>>
        %dma_start3A_839 = arith.constant 0 : i32
        %dma_start3A_840 = arith.constant 0 : i32
        %dma_start3A_841 = tpu.memref_slice %arg3[%dma_start3A_839, %dma_start3A_840] : memref<10240x128xf32, #tpu.memory_space<hbm>> -> memref<10240x128xf32, #tpu.memory_space<hbm>>
        tpu.enqueue_indirect_dma source(%dma_start3A_841 : memref<10240x128xf32, #tpu.memory_space<hbm>>) target(%arg9 : memref<128x128xf32, #tpu.memory_space<vmem>>) offsets(%dma_start3A_838 : memref<128xi32, #tpu.memory_space<vmem>>) semaphore(%arg13 : memref<!tpu.dma_semaphore, #tpu.memory_space<semaphore_mem>>)
      } else {
      }
      "tpu.region"() ({
        %run_scoped3A = tpu.sem_alloc : memref<!tpu.dma_semaphore, #tpu.memory_space<semaphore_mem>>
        %dma_start3A_835 = arith.constant 0 : i32
        %dma_start3A_836 = tpu.memref_slice %arg7[%scan3A_759, %dma_start3A_835] : memref<2x3328xi32, #tpu.memory_space<vmem>> -> memref<1x3328xi32, #tpu.memory_space<vmem>>
        %dma_start3A_837 = tpu.memref_squeeze %dma_start3A_836 : memref<1x3328xi32, #tpu.memory_space<vmem>> -> memref<3328xi32, #tpu.memory_space<vmem>>
        %dma_start3A_838 = tpu.memref_slice %dma_start3A_837[%multiple_of3A_792] : memref<3328xi32, #tpu.memory_space<vmem>> -> memref<128xi32, #tpu.memory_space<vmem>>
        %dma_start3A_839 = arith.constant 0 : i32
        %dma_start3A_840 = arith.constant 0 : i32
        %dma_start3A_841 = tpu.memref_slice %arg11[%dma_start3A_839, %dma_start3A_840] : memref<10240x128xf32, #tpu.memory_space<vmem_shared>> -> memref<10240x128xf32, #tpu.memory_space<vmem_shared>>
        tpu.enqueue_indirect_dma source(%arg9 : memref<128x128xf32, #tpu.memory_space<vmem>>) target(%dma_start3A_841 : memref<10240x128xf32, #tpu.memory_space<vmem_shared>>) offsets(%dma_start3A_838 : memref<128xi32, #tpu.memory_space<vmem>>) semaphore(%run_scoped3A : memref<!tpu.dma_semaphore, #tpu.memory_space<semaphore_mem>>) {add = true}
        %dma_wait3A_842 = arith.constant 0 : i32
        %dma_wait3A_843 = tpu.memref_slice %arg7[%scan3A_759, %dma_wait3A_842] : memref<2x3328xi32, #tpu.memory_space<vmem>> -> memref<1x3328xi32, #tpu.memory_space<vmem>>
        %dma_wait3A_844 = tpu.memref_squeeze %dma_wait3A_843 : memref<1x3328xi32, #tpu.memory_space<vmem>> -> memref<3328xi32, #tpu.memory_space<vmem>>
        %dma_wait3A_845 = tpu.memref_slice %dma_wait3A_844[%multiple_of3A_792] : memref<3328xi32, #tpu.memory_space<vmem>> -> memref<128xi32, #tpu.memory_space<vmem>>
        %dma_wait3A_846 = arith.constant 0 : i32
        %dma_wait3A_847 = arith.constant 0 : i32
        %dma_wait3A_848 = tpu.memref_slice %arg11[%dma_wait3A_846, %dma_wait3A_847] : memref<10240x128xf32, #tpu.memory_space<vmem_shared>> -> memref<10240x128xf32, #tpu.memory_space<vmem_shared>>
        tpu.wait_indirect_dma semaphore(%run_scoped3A : memref<!tpu.dma_semaphore, #tpu.memory_space<semaphore_mem>>) src(%arg9 : memref<128x128xf32, #tpu.memory_space<vmem>>) dst(%dma_wait3A_848 : memref<10240x128xf32, #tpu.memory_space<vmem_shared>>)
        tpu.yield
      }) : () -> ()
    }
    %scan3A_764 = arith.constant 13 : i32
    %mul3A_765 = arith.constant 2 : i32
    %mul3A_766 = arith.muli %arg1, %mul3A_765 : i32
    %add3A_767 = arith.addi %mul3A_766, %arg0 : i32
    %lt3A = arith.constant 4 : i32
    %lt3A_768 = arith.cmpi slt, %add3A_767, %lt3A : i32
    %convert_element_type3A = arith.extui %lt3A_768 : i1 to i32
    %cond3A = arith.constant 0 : i32
    %cond3A_769 = arith.cmpi ne, %convert_element_type3A, %cond3A : i32
    scf.if %cond3A_769 {
      %mul3A_780 = arith.constant 2 : i32
      %mul3A_781 = arith.muli %arg1, %mul3A_780 : i32
      %add3A_782 = arith.addi %mul3A_781, %arg0 : i32
      %mul3A_783 = arith.constant 128 : i32
      %mul3A_784 = arith.muli %add3A_782, %mul3A_783 : i32
      %add3A_785 = arith.constant 319488 : i32
      %add3A_786 = arith.addi %add3A_785, %mul3A_784 : i32
      %multiple_of3A_787 = tpu.assume_multiple %add3A_786, 128 : i32
      %run_scoped3A = arith.constant 0 : i32
      %run_scoped3A_788 = arith.constant 0 : i32
      "tpu.region"() ({
        %run_scoped3A_793 = tpu.sem_alloc : memref<!tpu.dma_semaphore, #tpu.memory_space<semaphore_mem>>
        %dma_start3A_794 = arith.constant 0 : i32
        %dma_start3A_795 = tpu.memref_slice %arg6[%run_scoped3A_788, %dma_start3A_794] : memref<2x3328xi32, #tpu.memory_space<vmem>> -> memref<1x128xi32, #tpu.memory_space<vmem>>
        %dma_start3A_796 = tpu.memref_squeeze %dma_start3A_795 : memref<1x128xi32, #tpu.memory_space<vmem>> -> memref<128xi32, #tpu.memory_space<vmem>>
        %dma_start3A_797 = tpu.memref_slice %arg2[%run_scoped3A, %multiple_of3A_787] : memref<2x320000xi32, #tpu.memory_space<hbm>> -> memref<1x128xi32, #tpu.memory_space<hbm>>
        %dma_start3A_798 = tpu.memref_squeeze %dma_start3A_797 : memref<1x128xi32, #tpu.memory_space<hbm>> -> memref<128xi32, #tpu.memory_space<hbm>>
        %dma_start3A_799 = arith.constant 0 : i32
        %dma_start3A_800 = tpu.memref_slice %arg6[%run_scoped3A_788, %dma_start3A_799] : memref<2x3328xi32, #tpu.memory_space<vmem>> -> memref<1x128xi32, #tpu.memory_space<vmem>>
        %dma_start3A_801 = tpu.memref_squeeze %dma_start3A_800 : memref<1x128xi32, #tpu.memory_space<vmem>> -> memref<128xi32, #tpu.memory_space<vmem>>
        %dma_start3A_802 = tpu.memref_slice %arg2[%run_scoped3A, %multiple_of3A_787] : memref<2x320000xi32, #tpu.memory_space<hbm>> -> memref<1x128xi32, #tpu.memory_space<hbm>>
        %dma_start3A_803 = tpu.memref_squeeze %dma_start3A_802 : memref<1x128xi32, #tpu.memory_space<hbm>> -> memref<128xi32, #tpu.memory_space<hbm>>
        tpu.enqueue_dma source(%dma_start3A_803 : memref<128xi32, #tpu.memory_space<hbm>>) target(%dma_start3A_801 : memref<128xi32, #tpu.memory_space<vmem>>) target_semaphore(%run_scoped3A_793 : memref<!tpu.dma_semaphore, #tpu.memory_space<semaphore_mem>>)
        %dma_wait3A_804 = arith.constant 0 : i32
        %dma_wait3A_805 = tpu.memref_slice %arg6[%run_scoped3A_788, %dma_wait3A_804] : memref<2x3328xi32, #tpu.memory_space<vmem>> -> memref<1x128xi32, #tpu.memory_space<vmem>>
        %dma_wait3A_806 = tpu.memref_squeeze %dma_wait3A_805 : memref<1x128xi32, #tpu.memory_space<vmem>> -> memref<128xi32, #tpu.memory_space<vmem>>
        %dma_wait3A_807 = tpu.memref_slice %arg2[%run_scoped3A, %multiple_of3A_787] : memref<2x320000xi32, #tpu.memory_space<hbm>> -> memref<1x128xi32, #tpu.memory_space<hbm>>
        %dma_wait3A_808 = tpu.memref_squeeze %dma_wait3A_807 : memref<1x128xi32, #tpu.memory_space<hbm>> -> memref<128xi32, #tpu.memory_space<hbm>>
        %dma_wait3A_809 = arith.constant 0 : i32
        %dma_wait3A_810 = tpu.memref_slice %arg6[%run_scoped3A_788, %dma_wait3A_809] : memref<2x3328xi32, #tpu.memory_space<vmem>> -> memref<1x128xi32, #tpu.memory_space<vmem>>
        %dma_wait3A_811 = tpu.memref_squeeze %dma_wait3A_810 : memref<1x128xi32, #tpu.memory_space<vmem>> -> memref<128xi32, #tpu.memory_space<vmem>>
        %dma_wait3A_812 = tpu.memref_slice %arg2[%run_scoped3A, %multiple_of3A_787] : memref<2x320000xi32, #tpu.memory_space<hbm>> -> memref<1x128xi32, #tpu.memory_space<hbm>>
        %dma_wait3A_813 = tpu.memref_squeeze %dma_wait3A_812 : memref<1x128xi32, #tpu.memory_space<hbm>> -> memref<128xi32, #tpu.memory_space<hbm>>
        tpu.wait_dma2 semaphore(%run_scoped3A_793 : memref<!tpu.dma_semaphore, #tpu.memory_space<semaphore_mem>>) src(%dma_wait3A_813 : memref<128xi32, #tpu.memory_space<hbm>>) dst(%dma_wait3A_811 : memref<128xi32, #tpu.memory_space<vmem>>)
        tpu.yield
      }) : () -> ()
      %run_scoped3A_789 = arith.constant 1 : i32
      %run_scoped3A_790 = arith.constant 0 : i32
      "tpu.region"() ({
        %run_scoped3A_793 = tpu.sem_alloc : memref<!tpu.dma_semaphore, #tpu.memory_space<semaphore_mem>>
        %dma_start3A_794 = arith.constant 0 : i32
        %dma_start3A_795 = tpu.memref_slice %arg7[%run_scoped3A_790, %dma_start3A_794] : memref<2x3328xi32, #tpu.memory_space<vmem>> -> memref<1x128xi32, #tpu.memory_space<vmem>>
        %dma_start3A_796 = tpu.memref_squeeze %dma_start3A_795 : memref<1x128xi32, #tpu.memory_space<vmem>> -> memref<128xi32, #tpu.memory_space<vmem>>
        %dma_start3A_797 = tpu.memref_slice %arg2[%run_scoped3A_789, %multiple_of3A_787] : memref<2x320000xi32, #tpu.memory_space<hbm>> -> memref<1x128xi32, #tpu.memory_space<hbm>>
        %dma_start3A_798 = tpu.memref_squeeze %dma_start3A_797 : memref<1x128xi32, #tpu.memory_space<hbm>> -> memref<128xi32, #tpu.memory_space<hbm>>
        %dma_start3A_799 = arith.constant 0 : i32
        %dma_start3A_800 = tpu.memref_slice %arg7[%run_scoped3A_790, %dma_start3A_799] : memref<2x3328xi32, #tpu.memory_space<vmem>> -> memref<1x128xi32, #tpu.memory_space<vmem>>
        %dma_start3A_801 = tpu.memref_squeeze %dma_start3A_800 : memref<1x128xi32, #tpu.memory_space<vmem>> -> memref<128xi32, #tpu.memory_space<vmem>>
        %dma_start3A_802 = tpu.memref_slice %arg2[%run_scoped3A_789, %multiple_of3A_787] : memref<2x320000xi32, #tpu.memory_space<hbm>> -> memref<1x128xi32, #tpu.memory_space<hbm>>
        %dma_start3A_803 = tpu.memref_squeeze %dma_start3A_802 : memref<1x128xi32, #tpu.memory_space<hbm>> -> memref<128xi32, #tpu.memory_space<hbm>>
        tpu.enqueue_dma source(%dma_start3A_803 : memref<128xi32, #tpu.memory_space<hbm>>) target(%dma_start3A_801 : memref<128xi32, #tpu.memory_space<vmem>>) target_semaphore(%run_scoped3A_793 : memref<!tpu.dma_semaphore, #tpu.memory_space<semaphore_mem>>)
        %dma_wait3A_804 = arith.constant 0 : i32
        %dma_wait3A_805 = tpu.memref_slice %arg7[%run_scoped3A_790, %dma_wait3A_804] : memref<2x3328xi32, #tpu.memory_space<vmem>> -> memref<1x128xi32, #tpu.memory_space<vmem>>
        %dma_wait3A_806 = tpu.memref_squeeze %dma_wait3A_805 : memref<1x128xi32, #tpu.memory_space<vmem>> -> memref<128xi32, #tpu.memory_space<vmem>>
        %dma_wait3A_807 = tpu.memref_slice %arg2[%run_scoped3A_789, %multiple_of3A_787] : memref<2x320000xi32, #tpu.memory_space<hbm>> -> memref<1x128xi32, #tpu.memory_space<hbm>>
        %dma_wait3A_808 = tpu.memref_squeeze %dma_wait3A_807 : memref<1x128xi32, #tpu.memory_space<hbm>> -> memref<128xi32, #tpu.memory_space<hbm>>
        %dma_wait3A_809 = arith.constant 0 : i32
        %dma_wait3A_810 = tpu.memref_slice %arg7[%run_scoped3A_790, %dma_wait3A_809] : memref<2x3328xi32, #tpu.memory_space<vmem>> -> memref<1x128xi32, #tpu.memory_space<vmem>>
        %dma_wait3A_811 = tpu.memref_squeeze %dma_wait3A_810 : memref<1x128xi32, #tpu.memory_space<vmem>> -> memref<128xi32, #tpu.memory_space<vmem>>
        %dma_wait3A_812 = tpu.memref_slice %arg2[%run_scoped3A_789, %multiple_of3A_787] : memref<2x320000xi32, #tpu.memory_space<hbm>> -> memref<1x128xi32, #tpu.memory_space<hbm>>
        %dma_wait3A_813 = tpu.memref_squeeze %dma_wait3A_812 : memref<1x128xi32, #tpu.memory_space<hbm>> -> memref<128xi32, #tpu.memory_space<hbm>>
        tpu.wait_dma2 semaphore(%run_scoped3A_793 : memref<!tpu.dma_semaphore, #tpu.memory_space<semaphore_mem>>) src(%dma_wait3A_813 : memref<128xi32, #tpu.memory_space<hbm>>) dst(%dma_wait3A_811 : memref<128xi32, #tpu.memory_space<vmem>>)
        tpu.yield
      }) : () -> ()
      %run_scoped3A_791 = arith.constant 0 : i32
      "tpu.region"() ({
        %run_scoped3A_793 = tpu.sem_alloc : memref<!tpu.dma_semaphore, #tpu.memory_space<semaphore_mem>>
        %dma_start3A_794 = arith.constant 0 : i32
        %dma_start3A_795 = tpu.memref_slice %arg6[%run_scoped3A_791, %dma_start3A_794] : memref<2x3328xi32, #tpu.memory_space<vmem>> -> memref<1x128xi32, #tpu.memory_space<vmem>>
        %dma_start3A_796 = tpu.memref_squeeze %dma_start3A_795 : memref<1x128xi32, #tpu.memory_space<vmem>> -> memref<128xi32, #tpu.memory_space<vmem>>
        %dma_start3A_797 = arith.constant 0 : i32
        %dma_start3A_798 = arith.constant 0 : i32
        %dma_start3A_799 = tpu.memref_slice %arg3[%dma_start3A_797, %dma_start3A_798] : memref<10240x128xf32, #tpu.memory_space<hbm>> -> memref<10240x128xf32, #tpu.memory_space<hbm>>
        tpu.enqueue_indirect_dma source(%dma_start3A_799 : memref<10240x128xf32, #tpu.memory_space<hbm>>) target(%arg8 : memref<128x128xf32, #tpu.memory_space<vmem>>) offsets(%dma_start3A_796 : memref<128xi32, #tpu.memory_space<vmem>>) semaphore(%run_scoped3A_793 : memref<!tpu.dma_semaphore, #tpu.memory_space<semaphore_mem>>)
        %dma_wait3A_800 = arith.constant 0 : i32
        %dma_wait3A_801 = tpu.memref_slice %arg6[%run_scoped3A_791, %dma_wait3A_800] : memref<2x3328xi32, #tpu.memory_space<vmem>> -> memref<1x128xi32, #tpu.memory_space<vmem>>
        %dma_wait3A_802 = tpu.memref_squeeze %dma_wait3A_801 : memref<1x128xi32, #tpu.memory_space<vmem>> -> memref<128xi32, #tpu.memory_space<vmem>>
        %dma_wait3A_803 = arith.constant 0 : i32
        %dma_wait3A_804 = arith.constant 0 : i32
        %dma_wait3A_805 = tpu.memref_slice %arg3[%dma_wait3A_803, %dma_wait3A_804] : memref<10240x128xf32, #tpu.memory_space<hbm>> -> memref<10240x128xf32, #tpu.memory_space<hbm>>
        tpu.wait_indirect_dma semaphore(%run_scoped3A_793 : memref<!tpu.dma_semaphore, #tpu.memory_space<semaphore_mem>>) src(%dma_wait3A_805 : memref<10240x128xf32, #tpu.memory_space<hbm>>) dst(%arg8 : memref<128x128xf32, #tpu.memory_space<vmem>>)
        tpu.yield
      }) : () -> ()
      %run_scoped3A_792 = arith.constant 0 : i32
      "tpu.region"() ({
        %run_scoped3A_793 = tpu.sem_alloc : memref<!tpu.dma_semaphore, #tpu.memory_space<semaphore_mem>>
        %dma_start3A_794 = arith.constant 0 : i32
        %dma_start3A_795 = tpu.memref_slice %arg7[%run_scoped3A_792, %dma_start3A_794] : memref<2x3328xi32, #tpu.memory_space<vmem>> -> memref<1x128xi32, #tpu.memory_space<vmem>>
        %dma_start3A_796 = tpu.memref_squeeze %dma_start3A_795 : memref<1x128xi32, #tpu.memory_space<vmem>> -> memref<128xi32, #tpu.memory_space<vmem>>
        %dma_start3A_797 = arith.constant 0 : i32
        %dma_start3A_798 = arith.constant 0 : i32
        %dma_start3A_799 = tpu.memref_slice %arg11[%dma_start3A_797, %dma_start3A_798] : memref<10240x128xf32, #tpu.memory_space<vmem_shared>> -> memref<10240x128xf32, #tpu.memory_space<vmem_shared>>
        tpu.enqueue_indirect_dma source(%arg8 : memref<128x128xf32, #tpu.memory_space<vmem>>) target(%dma_start3A_799 : memref<10240x128xf32, #tpu.memory_space<vmem_shared>>) offsets(%dma_start3A_796 : memref<128xi32, #tpu.memory_space<vmem>>) semaphore(%run_scoped3A_793 : memref<!tpu.dma_semaphore, #tpu.memory_space<semaphore_mem>>) {add = true}
        %dma_wait3A_800 = arith.constant 0 : i32
        %dma_wait3A_801 = tpu.memref_slice %arg7[%run_scoped3A_792, %dma_wait3A_800] : memref<2x3328xi32, #tpu.memory_space<vmem>> -> memref<1x128xi32, #tpu.memory_space<vmem>>
        %dma_wait3A_802 = tpu.memref_squeeze %dma_wait3A_801 : memref<1x128xi32, #tpu.memory_space<vmem>> -> memref<128xi32, #tpu.memory_space<vmem>>
        %dma_wait3A_803 = arith.constant 0 : i32
        %dma_wait3A_804 = arith.constant 0 : i32
        %dma_wait3A_805 = tpu.memref_slice %arg11[%dma_wait3A_803, %dma_wait3A_804] : memref<10240x128xf32, #tpu.memory_space<vmem_shared>> -> memref<10240x128xf32, #tpu.memory_space<vmem_shared>>
        tpu.wait_indirect_dma semaphore(%run_scoped3A_793 : memref<!tpu.dma_semaphore, #tpu.memory_space<semaphore_mem>>) src(%arg8 : memref<128x128xf32, #tpu.memory_space<vmem>>) dst(%dma_wait3A_805 : memref<10240x128xf32, #tpu.memory_space<vmem_shared>>)
        tpu.yield
      }) : () -> ()
    } else {
    }
    %barrier3A_770 = arith.constant 0 : index
    tpu.barrier barrier_id(%barrier3A_770)
    %eq3A = arith.constant 0 : i32
    %eq3A_771 = arith.cmpi eq, %arg0, %eq3A : i32
    %convert_element_type3A_772 = arith.extui %eq3A_771 : i1 to i32
    %cond3A_773 = arith.constant 0 : i32
    %cond3A_774 = arith.cmpi ne, %convert_element_type3A_772, %cond3A_773 : i32
    scf.if %cond3A_774 {
      "tpu.region"() ({
        %run_scoped3A = tpu.sem_alloc : memref<!tpu.dma_semaphore, #tpu.memory_space<semaphore_mem>>
        %dma_start3A_780 = arith.constant 0 : i32
        %dma_start3A_781 = tpu.memref_slice %arg4[%mul3A_541, %dma_start3A_780] : memref<10240x128xf32, #tpu.memory_space<hbm>> -> memref<640x128xf32, #tpu.memory_space<hbm>>
        %dma_start3A_782 = arith.constant 0 : i32
        %dma_start3A_783 = tpu.memref_slice %arg11[%mul3A_541, %dma_start3A_782] : memref<10240x128xf32, #tpu.memory_space<vmem_shared>> -> memref<640x128xf32, #tpu.memory_space<vmem_shared>>
        tpu.enqueue_dma source(%dma_start3A_783 : memref<640x128xf32, #tpu.memory_space<vmem_shared>>) target(%dma_start3A_781 : memref<640x128xf32, #tpu.memory_space<hbm>>) target_semaphore(%run_scoped3A : memref<!tpu.dma_semaphore, #tpu.memory_space<semaphore_mem>>)
        %dma_wait3A_784 = arith.constant 0 : i32
        %dma_wait3A_785 = tpu.memref_slice %arg4[%mul3A_541, %dma_wait3A_784] : memref<10240x128xf32, #tpu.memory_space<hbm>> -> memref<640x128xf32, #tpu.memory_space<hbm>>
        %dma_wait3A_786 = arith.constant 0 : i32
        %dma_wait3A_787 = tpu.memref_slice %arg11[%mul3A_541, %dma_wait3A_786] : memref<10240x128xf32, #tpu.memory_space<vmem_shared>> -> memref<640x128xf32, #tpu.memory_space<vmem_shared>>
        tpu.wait_dma2 semaphore(%run_scoped3A : memref<!tpu.dma_semaphore, #tpu.memory_space<semaphore_mem>>) src(%dma_wait3A_787 : memref<640x128xf32, #tpu.memory_space<vmem_shared>>) dst(%dma_wait3A_785 : memref<640x128xf32, #tpu.memory_space<hbm>>)
        tpu.yield
      }) : () -> ()
    } else {
    }
    %eq3A_775 = arith.constant 1 : i32
    %eq3A_776 = arith.cmpi eq, %arg0, %eq3A_775 : i32
    %convert_element_type3A_777 = arith.extui %eq3A_776 : i1 to i32
    %cond3A_778 = arith.constant 0 : i32
    %cond3A_779 = arith.cmpi ne, %convert_element_type3A_777, %cond3A_778 : i32
    scf.if %cond3A_779 {
      "tpu.region"() ({
        %run_scoped3A = tpu.sem_alloc : memref<!tpu.dma_semaphore, #tpu.memory_space<semaphore_mem>>
        %dma_start3A_780 = arith.constant 0 : i32
        %dma_start3A_781 = tpu.memref_slice %arg5[%mul3A_541, %dma_start3A_780] : memref<10240x128xf32, #tpu.memory_space<hbm>> -> memref<640x128xf32, #tpu.memory_space<hbm>>
        %dma_start3A_782 = arith.constant 0 : i32
        %dma_start3A_783 = tpu.memref_slice %arg11[%mul3A_541, %dma_start3A_782] : memref<10240x128xf32, #tpu.memory_space<vmem_shared>> -> memref<640x128xf32, #tpu.memory_space<vmem_shared>>
        tpu.enqueue_dma source(%dma_start3A_783 : memref<640x128xf32, #tpu.memory_space<vmem_shared>>) target(%dma_start3A_781 : memref<640x128xf32, #tpu.memory_space<hbm>>) target_semaphore(%run_scoped3A : memref<!tpu.dma_semaphore, #tpu.memory_space<semaphore_mem>>)
        %dma_wait3A_784 = arith.constant 0 : i32
        %dma_wait3A_785 = tpu.memref_slice %arg5[%mul3A_541, %dma_wait3A_784] : memref<10240x128xf32, #tpu.memory_space<hbm>> -> memref<640x128xf32, #tpu.memory_space<hbm>>
        %dma_wait3A_786 = arith.constant 0 : i32
        %dma_wait3A_787 = tpu.memref_slice %arg11[%mul3A_541, %dma_wait3A_786] : memref<10240x128xf32, #tpu.memory_space<vmem_shared>> -> memref<640x128xf32, #tpu.memory_space<vmem_shared>>
        tpu.wait_dma2 semaphore(%run_scoped3A : memref<!tpu.dma_semaphore, #tpu.memory_space<semaphore_mem>>) src(%dma_wait3A_787 : memref<640x128xf32, #tpu.memory_space<vmem_shared>>) dst(%dma_wait3A_785 : memref<640x128xf32, #tpu.memory_space<hbm>>)
        tpu.yield
      }) : () -> ()
    } else {
    }
    return
  }
}

module attributes {stable_mosaic.version = 14 : i64} {
  func.func @_tc1a_body(%arg0: i32, %arg1: memref<2048x2xi32, #tpu.memory_space<vmem>>, %arg2: memref<120x128xf32, #tpu.memory_space<vmem>>, %arg3: memref<4x128xf32, #tpu.memory_space<vmem>>, %arg4: memref<128x128xf32, #tpu.memory_space<vmem>>, %arg5: memref<2048x128xf32, #tpu.memory_space<vmem>>) attributes {dimension_semantics = [#tpu.dimension_semantics<arbitrary>], iteration_bounds = array<i64: 5>, scalar_prefetch = 0 : i64, scratch_operands = 0 : i64, tpu.core_type = #tpu.core_type<tc>, window_params = [{transform_indices = @transform_0, window_bounds = array<i64: 2048, 2>}, {pipeline_mode = #tpu.pipeline_mode<synchronous>, transform_indices = @transform_1, window_bounds = array<i64: 120, 128>}, {pipeline_mode = #tpu.pipeline_mode<synchronous>, transform_indices = @transform_2, window_bounds = array<i64: 4, 128>}, {pipeline_mode = #tpu.pipeline_mode<synchronous>, transform_indices = @transform_3, window_bounds = array<i64: 128, 128>}, {transform_indices = @transform_4, window_bounds = array<i64: 2048, 128>}]} {
    %get3A = arith.constant 0 : index
    %get3A_0 = arith.constant 0 : index
    %get3A_1 = vector.load %arg1[%get3A, %get3A_0] : memref<2048x2xi32, #tpu.memory_space<vmem>>, vector<2048x1xi32>
    %get3A_2 = arith.constant 0 : index
    %get3A_3 = arith.constant 1 : index
    %get3A_4 = vector.load %arg1[%get3A_2, %get3A_3] : memref<2048x2xi32, #tpu.memory_space<vmem>>, vector<2048x1xi32>
    %add3A = arith.constant 120 : i32
    %add3A_5 = vector.broadcast %add3A : i32 to vector<2048x1xi32>
    %add3A_6 = arith.addi %get3A_4, %add3A_5 : vector<2048x1xi32>
    %iota3A = tpu.iota {dimensions = array<i32: 1>} : vector<1x128xi32>
    %eq3A = vector.broadcast %get3A_1 : vector<2048x1xi32> to vector<2048x128xi32>
    %eq3A_7 = vector.broadcast %iota3A : vector<1x128xi32> to vector<2048x128xi32>
    %eq3A_8 = arith.cmpi eq, %eq3A, %eq3A_7 : vector<2048x128xi32>
    %eq3A_9 = vector.broadcast %add3A_6 : vector<2048x1xi32> to vector<2048x128xi32>
    %eq3A_10 = vector.broadcast %iota3A : vector<1x128xi32> to vector<2048x128xi32>
    %eq3A_11 = arith.cmpi eq, %eq3A_9, %eq3A_10 : vector<2048x128xi32>
    %or3A = arith.ori %eq3A_8, %eq3A_11 : vector<2048x128xi1>
    %convert_element_type3A = arith.extui %or3A : vector<2048x128xi1> to vector<2048x128xi32>
    %convert_element_type3A_12 = arith.sitofp %convert_element_type3A : vector<2048x128xi32> to vector<2048x128xf32>
    %get3A_13 = arith.constant 0 : index
    %get3A_14 = arith.constant 0 : index
    %get3A_15 = vector.load %arg2[%get3A_13, %get3A_14] : memref<120x128xf32, #tpu.memory_space<vmem>>, vector<120x128xf32>
    %get3A_16 = arith.constant 0 : index
    %get3A_17 = arith.constant 0 : index
    %get3A_18 = vector.load %arg3[%get3A_16, %get3A_17] : memref<4x128xf32, #tpu.memory_space<vmem>>, vector<4x128xf32>
    %broadcast_in_dim3A = arith.constant 0.000000e+00 : f32
    %broadcast_in_dim3A_19 = vector.broadcast %broadcast_in_dim3A : f32 to vector<4x128xf32>
    %concatenate3A = tpu.concatenate %get3A_15, %get3A_18, %broadcast_in_dim3A_19 in 0 : vector<120x128xf32>, vector<4x128xf32>, vector<4x128xf32> -> vector<128x128xf32>
    %get3A_20 = arith.constant 0 : index
    %get3A_21 = arith.constant 0 : index
    %get3A_22 = vector.load %arg4[%get3A_20, %get3A_21] : memref<128x128xf32, #tpu.memory_space<vmem>>, vector<128x128xf32>
    %dot_general3A = arith.constant dense<0.000000e+00> : vector<128x128xf32>
    %dot_general3A_23 = tpu.matmul %concatenate3A, %get3A_22, %dot_general3A {dimension_numbers = #tpu.dot_dimension_numbers<[1], [0], [0], [1], [0, 0, 1, 1], [], []>, transpose_lhs_hint = false} : vector<128x128xf32>, vector<128x128xf32>, vector<128x128xf32> -> vector<128x128xf32>
    %dot_general3A_24 = arith.constant dense<0.000000e+00> : vector<2048x128xf32>
    %dot_general3A_25 = tpu.matmul %convert_element_type3A_12, %dot_general3A_23, %dot_general3A_24 {dimension_numbers = #tpu.dot_dimension_numbers<[1], [0], [0], [1], [0, 0, 1, 1], [], []>, transpose_lhs_hint = false} : vector<2048x128xf32>, vector<128x128xf32>, vector<2048x128xf32> -> vector<2048x128xf32>
    %swap3A = arith.constant 0 : index
    %swap3A_26 = arith.constant 0 : index
    %swap3A_27 = vector.load %arg5[%swap3A, %swap3A_26] : memref<2048x128xf32, #tpu.memory_space<vmem>>, vector<2048x128xf32>
    tpu.vector_store %arg5[%swap3A, %swap3A_26], %dot_general3A_25 {strides = array<i32>} : memref<2048x128xf32, #tpu.memory_space<vmem>>, vector<2048x128xf32>,
    return
  }
  func.func @transform_0(%arg0: i32) -> (i32, i32) {
    %c0_i32 = arith.constant 0 : i32
    %c0_i32_0 = arith.constant 0 : i32
    return %arg0, %c0_i32 : i32, i32
  }
  func.func @transform_1(%arg0: i32) -> (i32, i32) {
    %c0_i32 = arith.constant 0 : i32
    %c0_i32_0 = arith.constant 0 : i32
    %c0_i32_1 = arith.constant 0 : i32
    return %c0_i32, %c0_i32_0 : i32, i32
  }
  func.func @transform_2(%arg0: i32) -> (i32, i32) {
    %c0_i32 = arith.constant 0 : i32
    %c0_i32_0 = arith.constant 0 : i32
    %c0_i32_1 = arith.constant 0 : i32
    return %c0_i32, %c0_i32_0 : i32, i32
  }
  func.func @transform_3(%arg0: i32) -> (i32, i32) {
    %c0_i32 = arith.constant 0 : i32
    %c0_i32_0 = arith.constant 0 : i32
    %c0_i32_1 = arith.constant 0 : i32
    return %c0_i32, %c0_i32_0 : i32, i32
  }
  func.func @transform_4(%arg0: i32) -> (i32, i32) {
    %c0_i32 = arith.constant 0 : i32
    %c0_i32_0 = arith.constant 0 : i32
    return %arg0, %c0_i32 : i32, i32
  }
}

module attributes {stable_mosaic.version = 14 : i64} {
  func.func @_tc2_body(%arg0: i32, %arg1: memref<2048x128xf32, #tpu.memory_space<vmem>>, %arg2: memref<2048x128xf32, #tpu.memory_space<vmem>>, %arg3: memref<2048x128xf32, #tpu.memory_space<vmem>>, %arg4: memref<2048x1xf32, #tpu.memory_space<vmem>>, %arg5: memref<1x128xf32, #tpu.memory_space<vmem>>, %arg6: memref<128x128xf32, #tpu.memory_space<vmem>>, %arg7: memref<2048x128xf32, #tpu.memory_space<vmem>>) attributes {dimension_semantics = [#tpu.dimension_semantics<arbitrary>], iteration_bounds = array<i64: 5>, scalar_prefetch = 0 : i64, scratch_operands = 0 : i64, tpu.core_type = #tpu.core_type<tc>, window_params = [{transform_indices = @transform_0, window_bounds = array<i64: 2048, 128>}, {transform_indices = @transform_1, window_bounds = array<i64: 2048, 128>}, {transform_indices = @transform_2, window_bounds = array<i64: 2048, 128>}, {transform_indices = @transform_3, window_bounds = array<i64: 2048, 1>}, {pipeline_mode = #tpu.pipeline_mode<synchronous>, transform_indices = @transform_4, window_bounds = array<i64: 1, 128>}, {pipeline_mode = #tpu.pipeline_mode<synchronous>, transform_indices = @transform_5, window_bounds = array<i64: 128, 128>}, {transform_indices = @transform_6, window_bounds = array<i64: 2048, 128>}]} {
    %get3A = arith.constant 0 : index
    %get3A_0 = arith.constant 0 : index
    %get3A_1 = vector.load %arg4[%get3A, %get3A_0] : memref<2048x1xf32, #tpu.memory_space<vmem>>, vector<2048x1xf32>
    %get3A_2 = arith.constant 0 : index
    %get3A_3 = arith.constant 0 : index
    %get3A_4 = vector.load %arg1[%get3A_2, %get3A_3] : memref<2048x128xf32, #tpu.memory_space<vmem>>, vector<2048x128xf32>
    %get3A_5 = arith.constant 0 : index
    %get3A_6 = arith.constant 0 : index
    %get3A_7 = vector.load %arg2[%get3A_5, %get3A_6] : memref<2048x128xf32, #tpu.memory_space<vmem>>, vector<2048x128xf32>
    %add3A = arith.addf %get3A_4, %get3A_7 : vector<2048x128xf32>
    %get3A_8 = arith.constant 0 : index
    %get3A_9 = arith.constant 0 : index
    %get3A_10 = vector.load %arg3[%get3A_8, %get3A_9] : memref<2048x128xf32, #tpu.memory_space<vmem>>, vector<2048x128xf32>
    %add3A_11 = arith.addf %add3A, %get3A_10 : vector<2048x128xf32>
    %mul3A = vector.broadcast %get3A_1 : vector<2048x1xf32> to vector<2048x128xf32>
    %mul3A_12 = arith.mulf %mul3A, %add3A_11 : vector<2048x128xf32>
    %get3A_13 = arith.constant 0 : index
    %get3A_14 = arith.constant 0 : index
    %get3A_15 = vector.load %arg5[%get3A_13, %get3A_14] : memref<1x128xf32, #tpu.memory_space<vmem>>, vector<1x128xf32>
    %add3A_16 = vector.broadcast %get3A_15 : vector<1x128xf32> to vector<2048x128xf32>
    %add3A_17 = arith.addf %mul3A_12, %add3A_16 : vector<2048x128xf32>
    %ge3A = arith.constant 0.000000e+00 : f32
    %ge3A_18 = vector.broadcast %ge3A : f32 to vector<2048x128xf32>
    %ge3A_19 = arith.cmpf oge, %add3A_17, %ge3A_18 : vector<2048x128xf32>
    %mul3A_20 = arith.constant 2.000000e-01 : f32
    %mul3A_21 = vector.broadcast %mul3A_20 : f32 to vector<2048x128xf32>
    %mul3A_22 = arith.mulf %mul3A_21, %add3A_17 : vector<2048x128xf32>
    %select_n3A = arith.select %ge3A_19, %add3A_17, %mul3A_22 : vector<2048x128xi1>, vector<2048x128xf32>
    %get3A_23 = arith.constant 0 : index
    %get3A_24 = arith.constant 0 : index
    %get3A_25 = vector.load %arg6[%get3A_23, %get3A_24] : memref<128x128xf32, #tpu.memory_space<vmem>>, vector<128x128xf32>
    %dot_general3A = arith.constant dense<0.000000e+00> : vector<2048x128xf32>
    %dot_general3A_26 = tpu.matmul %select_n3A, %get3A_25, %dot_general3A {dimension_numbers = #tpu.dot_dimension_numbers<[1], [0], [0], [1], [0, 0, 1, 1], [], []>, transpose_lhs_hint = false} : vector<2048x128xf32>, vector<128x128xf32>, vector<2048x128xf32> -> vector<2048x128xf32>
    %mul3A_27 = vector.broadcast %get3A_1 : vector<2048x1xf32> to vector<2048x128xf32>
    %mul3A_28 = arith.mulf %mul3A_27, %dot_general3A_26 : vector<2048x128xf32>
    %swap3A = arith.constant 0 : index
    %swap3A_29 = arith.constant 0 : index
    %swap3A_30 = vector.load %arg7[%swap3A, %swap3A_29] : memref<2048x128xf32, #tpu.memory_space<vmem>>, vector<2048x128xf32>
    tpu.vector_store %arg7[%swap3A, %swap3A_29], %mul3A_28 {strides = array<i32>} : memref<2048x128xf32, #tpu.memory_space<vmem>>, vector<2048x128xf32>,
    return
  }
  func.func @transform_0(%arg0: i32) -> (i32, i32) {
    %c0_i32 = arith.constant 0 : i32
    %c0_i32_0 = arith.constant 0 : i32
    return %arg0, %c0_i32 : i32, i32
  }
  func.func @transform_1(%arg0: i32) -> (i32, i32) {
    %c0_i32 = arith.constant 0 : i32
    %c0_i32_0 = arith.constant 0 : i32
    return %arg0, %c0_i32 : i32, i32
  }
  func.func @transform_2(%arg0: i32) -> (i32, i32) {
    %c0_i32 = arith.constant 0 : i32
    %c0_i32_0 = arith.constant 0 : i32
    return %arg0, %c0_i32 : i32, i32
  }
  func.func @transform_3(%arg0: i32) -> (i32, i32) {
    %c0_i32 = arith.constant 0 : i32
    %c0_i32_0 = arith.constant 0 : i32
    return %arg0, %c0_i32 : i32, i32
  }
  func.func @transform_4(%arg0: i32) -> (i32, i32) {
    %c0_i32 = arith.constant 0 : i32
    %c0_i32_0 = arith.constant 0 : i32
    %c0_i32_1 = arith.constant 0 : i32
    return %c0_i32, %c0_i32_0 : i32, i32
  }
  func.func @transform_5(%arg0: i32) -> (i32, i32) {
    %c0_i32 = arith.constant 0 : i32
    %c0_i32_0 = arith.constant 0 : i32
    %c0_i32_1 = arith.constant 0 : i32
    return %c0_i32, %c0_i32_0 : i32, i32
  }
  func.func @transform_6(%arg0: i32) -> (i32, i32) {
    %c0_i32 = arith.constant 0 : i32
    %c0_i32_0 = arith.constant 0 : i32
    return %arg0, %c0_i32 : i32, i32
  }
}

module attributes {stable_mosaic.version = 14 : i64} {
  func.func @_tc1b_body(%arg0: i32, %arg1: memref<32x2048xf32, #tpu.memory_space<vmem>>, %arg2: memref<2048x128xf32, #tpu.memory_space<vmem>>, %arg3: memref<2048x128xf32, #tpu.memory_space<vmem>>, %arg4: memref<2048x1xf32, #tpu.memory_space<vmem>>) attributes {dimension_semantics = [#tpu.dimension_semantics<arbitrary>], iteration_bounds = array<i64: 5>, scalar_prefetch = 0 : i64, scratch_operands = 0 : i64, tpu.core_type = #tpu.core_type<tc>, window_params = [{transform_indices = @transform_0, window_bounds = array<i64: 32, 2048>}, {transform_indices = @transform_1, window_bounds = array<i64: 2048, 128>}, {transform_indices = @transform_2, window_bounds = array<i64: 2048, 128>}, {transform_indices = @transform_3, window_bounds = array<i64: 2048, 1>}]} {
    %broadcast_in_dim3A = arith.constant 1.000000e+00 : f32
    %broadcast_in_dim3A_0 = vector.broadcast %broadcast_in_dim3A : f32 to vector<32x1xf32>
    %get3A = arith.constant 0 : index
    %get3A_1 = arith.constant 0 : index
    %get3A_2 = vector.load %arg1[%get3A, %get3A_1] : memref<32x2048xf32, #tpu.memory_space<vmem>>, vector<32x2048xf32>
    %dot_general3A = arith.constant dense<0.000000e+00> : vector<2048x1xf32>
    %dot_general3A_3 = tpu.matmul %get3A_2, %broadcast_in_dim3A_0, %dot_general3A {dimension_numbers = #tpu.dot_dimension_numbers<[0], [0], [1], [1], [0, 1, 1, 1], [], []>, transpose_lhs_hint = false} : vector<32x2048xf32>, vector<32x1xf32>, vector<2048x1xf32> -> vector<2048x1xf32>
    %add3A = arith.constant 1.000000e+00 : f32
    %add3A_4 = vector.broadcast %add3A : f32 to vector<2048x1xf32>
    %add3A_5 = arith.addf %dot_general3A_3, %add3A_4 : vector<2048x1xf32>
    %rsqrt3A = math.rsqrt %add3A_5 : vector<2048x1xf32>
    %swap3A = arith.constant 0 : index
    %swap3A_6 = arith.constant 0 : index
    %swap3A_7 = vector.load %arg4[%swap3A, %swap3A_6] : memref<2048x1xf32, #tpu.memory_space<vmem>>, vector<2048x1xf32>
    tpu.vector_store %arg4[%swap3A, %swap3A_6], %rsqrt3A {strides = array<i32>} : memref<2048x1xf32, #tpu.memory_space<vmem>>, vector<2048x1xf32>,
    %get3A_8 = arith.constant 0 : index
    %get3A_9 = arith.constant 0 : index
    %get3A_10 = vector.load %arg2[%get3A_8, %get3A_9] : memref<2048x128xf32, #tpu.memory_space<vmem>>, vector<2048x128xf32>
    %mul3A = vector.broadcast %rsqrt3A : vector<2048x1xf32> to vector<2048x128xf32>
    %mul3A_11 = arith.mulf %mul3A, %get3A_10 : vector<2048x128xf32>
    %swap3A_12 = arith.constant 0 : index
    %swap3A_13 = arith.constant 0 : index
    %swap3A_14 = vector.load %arg3[%swap3A_12, %swap3A_13] : memref<2048x128xf32, #tpu.memory_space<vmem>>, vector<2048x128xf32>
    tpu.vector_store %arg3[%swap3A_12, %swap3A_13], %mul3A_11 {strides = array<i32>} : memref<2048x128xf32, #tpu.memory_space<vmem>>, vector<2048x128xf32>,
    return
  }
  func.func @transform_0(%arg0: i32) -> (i32, i32) {
    %c0_i32 = arith.constant 0 : i32
    %c0_i32_0 = arith.constant 0 : i32
    return %c0_i32, %arg0 : i32, i32
  }
  func.func @transform_1(%arg0: i32) -> (i32, i32) {
    %c0_i32 = arith.constant 0 : i32
    %c0_i32_0 = arith.constant 0 : i32
    return %arg0, %c0_i32 : i32, i32
  }
  func.func @transform_2(%arg0: i32) -> (i32, i32) {
    %c0_i32 = arith.constant 0 : i32
    %c0_i32_0 = arith.constant 0 : i32
    return %arg0, %c0_i32 : i32, i32
  }
  func.func @transform_3(%arg0: i32) -> (i32, i32) {
    %c0_i32 = arith.constant 0 : i32
    %c0_i32_0 = arith.constant 0 : i32
    return %arg0, %c0_i32 : i32, i32
  }
}

module attributes {stable_mosaic.version = 14 : i64} {
  func.func @_tc3_body(%arg0: i32, %arg1: memref<2048x128xf32, #tpu.memory_space<vmem>>, %arg2: memref<2048x128xf32, #tpu.memory_space<vmem>>, %arg3: memref<2048x128xf32, #tpu.memory_space<vmem>>, %arg4: memref<2048x1xf32, #tpu.memory_space<vmem>>, %arg5: memref<1x128xf32, #tpu.memory_space<vmem>>, %arg6: memref<1x128xf32, #tpu.memory_space<vmem>>) attributes {dimension_semantics = [#tpu.dimension_semantics<arbitrary>], iteration_bounds = array<i64: 5>, scalar_prefetch = 0 : i64, scratch_operands = 0 : i64, tpu.core_type = #tpu.core_type<tc>, window_params = [{transform_indices = @transform_0, window_bounds = array<i64: 2048, 128>}, {transform_indices = @transform_1, window_bounds = array<i64: 2048, 128>}, {transform_indices = @transform_2, window_bounds = array<i64: 2048, 128>}, {transform_indices = @transform_3, window_bounds = array<i64: 2048, 1>}, {pipeline_mode = #tpu.pipeline_mode<synchronous>, transform_indices = @transform_4, window_bounds = array<i64: 1, 128>}, {pipeline_mode = #tpu.pipeline_mode<synchronous>, transform_indices = @transform_5, window_bounds = array<i64: 1, 128>}]} {
    %get3A = arith.constant 0 : index
    %get3A_0 = arith.constant 0 : index
    %get3A_1 = vector.load %arg4[%get3A, %get3A_0] : memref<2048x1xf32, #tpu.memory_space<vmem>>, vector<2048x1xf32>
    %get3A_2 = arith.constant 0 : index
    %get3A_3 = arith.constant 0 : index
    %get3A_4 = vector.load %arg1[%get3A_2, %get3A_3] : memref<2048x128xf32, #tpu.memory_space<vmem>>, vector<2048x128xf32>
    %get3A_5 = arith.constant 0 : index
    %get3A_6 = arith.constant 0 : index
    %get3A_7 = vector.load %arg2[%get3A_5, %get3A_6] : memref<2048x128xf32, #tpu.memory_space<vmem>>, vector<2048x128xf32>
    %add3A = arith.addf %get3A_4, %get3A_7 : vector<2048x128xf32>
    %get3A_8 = arith.constant 0 : index
    %get3A_9 = arith.constant 0 : index
    %get3A_10 = vector.load %arg3[%get3A_8, %get3A_9] : memref<2048x128xf32, #tpu.memory_space<vmem>>, vector<2048x128xf32>
    %add3A_11 = arith.addf %add3A, %get3A_10 : vector<2048x128xf32>
    %mul3A = vector.broadcast %get3A_1 : vector<2048x1xf32> to vector<2048x128xf32>
    %mul3A_12 = arith.mulf %mul3A, %add3A_11 : vector<2048x128xf32>
    %get3A_13 = arith.constant 0 : index
    %get3A_14 = arith.constant 0 : index
    %get3A_15 = vector.load %arg5[%get3A_13, %get3A_14] : memref<1x128xf32, #tpu.memory_space<vmem>>, vector<1x128xf32>
    %add3A_16 = vector.broadcast %get3A_15 : vector<1x128xf32> to vector<2048x128xf32>
    %add3A_17 = arith.addf %mul3A_12, %add3A_16 : vector<2048x128xf32>
    %ge3A = arith.constant 0.000000e+00 : f32
    %ge3A_18 = vector.broadcast %ge3A : f32 to vector<2048x128xf32>
    %ge3A_19 = arith.cmpf oge, %add3A_17, %ge3A_18 : vector<2048x128xf32>
    %mul3A_20 = arith.constant 2.000000e-01 : f32
    %mul3A_21 = vector.broadcast %mul3A_20 : f32 to vector<2048x128xf32>
    %mul3A_22 = arith.mulf %mul3A_21, %add3A_17 : vector<2048x128xf32>
    %select_n3A = arith.select %ge3A_19, %add3A_17, %mul3A_22 : vector<2048x128xi1>, vector<2048x128xf32>
    %mul3A_23 = arith.constant 2048 : i32
    %mul3A_24 = arith.muli %arg0, %mul3A_23 : i32
    %iota3A = tpu.iota {dimensions = array<i32: 0>} : vector<2048x1xi32>
    %add3A_25 = vector.broadcast %mul3A_24 : i32 to vector<2048x1xi32>
    %add3A_26 = arith.addi %add3A_25, %iota3A : vector<2048x1xi32>
    %lt3A = arith.constant 10000 : i32
    %lt3A_27 = vector.broadcast %lt3A : i32 to vector<2048x1xi32>
    %lt3A_28 = arith.cmpi slt, %add3A_26, %lt3A_27 : vector<2048x1xi32>
    %jit3A = arith.constant 0.000000e+00 : f32
    %broadcast_in_dim3A = vector.shape_cast %lt3A_28 : vector<2048x1xi1> to vector<2048x1xi1>
    %broadcast_in_dim3A_29 = vector.broadcast %broadcast_in_dim3A : vector<2048x1xi1> to vector<2048x128xi1>
    %broadcast_in_dim3A_30 = vector.broadcast %jit3A : f32 to vector<2048x128xf32>
    %select_n3A_31 = arith.select %broadcast_in_dim3A_29, %select_n3A, %broadcast_in_dim3A_30 : vector<2048x128xi1>, vector<2048x128xf32>
    %reduce_sum3A = arith.constant dense<0.000000e+00> : vector<128xf32>
    %reduce_sum3A_32 = vector.multi_reduction <add>, %select_n3A_31, %reduce_sum3A [0] : vector<2048x128xf32> to vector<128xf32>
    %broadcast_in_dim3A_33 = vector.shape_cast %reduce_sum3A_32 : vector<128xf32> to vector<1x128xf32>
    %mul3A_34 = arith.constant 9.99999974E-5 : f32
    %mul3A_35 = vector.broadcast %mul3A_34 : f32 to vector<1x128xf32>
    %mul3A_36 = arith.mulf %broadcast_in_dim3A_33, %mul3A_35 : vector<1x128xf32>
    %eq3A = arith.constant 0 : i32
    %eq3A_37 = arith.cmpi eq, %arg0, %eq3A : i32
    %convert_element_type3A = arith.extui %eq3A_37 : i1 to i32
    %cond3A = arith.constant 0 : i32
    %cond3A_38 = arith.cmpi ne, %convert_element_type3A, %cond3A : i32
    scf.if %cond3A_38 {
      %swap3A = arith.constant 0 : index
      %swap3A_43 = arith.constant 0 : index
      %swap3A_44 = vector.load %arg6[%swap3A, %swap3A_43] : memref<1x128xf32, #tpu.memory_space<vmem>>, vector<1x128xf32>
      tpu.vector_store %arg6[%swap3A, %swap3A_43], %mul3A_36 {strides = array<i32>} : memref<1x128xf32, #tpu.memory_space<vmem>>, vector<1x128xf32>,
    } else {
    }
    %ne3A = arith.constant 0 : i32
    %ne3A_39 = arith.cmpi ne, %arg0, %ne3A : i32
    %convert_element_type3A_40 = arith.extui %ne3A_39 : i1 to i32
    %cond3A_41 = arith.constant 0 : i32
    %cond3A_42 = arith.cmpi ne, %convert_element_type3A_40, %cond3A_41 : i32
    scf.if %cond3A_42 {
      %get3A_43 = arith.constant 0 : index
      %get3A_44 = arith.constant 0 : index
      %get3A_45 = vector.load %arg6[%get3A_43, %get3A_44] : memref<1x128xf32, #tpu.memory_space<vmem>>, vector<1x128xf32>
      %add3A_46 = arith.addf %get3A_45, %mul3A_36 : vector<1x128xf32>
      %swap3A = arith.constant 0 : index
      %swap3A_47 = arith.constant 0 : index
      %swap3A_48 = vector.load %arg6[%swap3A, %swap3A_47] : memref<1x128xf32, #tpu.memory_space<vmem>>, vector<1x128xf32>
      tpu.vector_store %arg6[%swap3A, %swap3A_47], %add3A_46 {strides = array<i32>} : memref<1x128xf32, #tpu.memory_space<vmem>>, vector<1x128xf32>,
    } else {
    }
    return
  }
  func.func @transform_0(%arg0: i32) -> (i32, i32) {
    %c0_i32 = arith.constant 0 : i32
    %c0_i32_0 = arith.constant 0 : i32
    return %arg0, %c0_i32 : i32, i32
  }
  func.func @transform_1(%arg0: i32) -> (i32, i32) {
    %c0_i32 = arith.constant 0 : i32
    %c0_i32_0 = arith.constant 0 : i32
    return %arg0, %c0_i32 : i32, i32
  }
  func.func @transform_2(%arg0: i32) -> (i32, i32) {
    %c0_i32 = arith.constant 0 : i32
    %c0_i32_0 = arith.constant 0 : i32
    return %arg0, %c0_i32 : i32, i32
  }
  func.func @transform_3(%arg0: i32) -> (i32, i32) {
    %c0_i32 = arith.constant 0 : i32
    %c0_i32_0 = arith.constant 0 : i32
    return %arg0, %c0_i32 : i32, i32
  }
  func.func @transform_4(%arg0: i32) -> (i32, i32) {
    %c0_i32 = arith.constant 0 : i32
    %c0_i32_0 = arith.constant 0 : i32
    %c0_i32_1 = arith.constant 0 : i32
    return %c0_i32, %c0_i32_0 : i32, i32
  }
  func.func @transform_5(%arg0: i32) -> (i32, i32) {
    %c0_i32 = arith.constant 0 : i32
    %c0_i32_0 = arith.constant 0 : i32
    %c0_i32_1 = arith.constant 0 : i32
    return %c0_i32, %c0_i32_0 : i32, i32
  }
}

</mosaic_0001>

<sc_bundles>
// kernel: kernel.12.cloned.1.call-start
scs
__scs_entry_jumppad:
0x0: {  	(pc) =	sbr.rel $0x88, $3  }
0x1: {  	(tag) =	ssettag $0x0;
	lr =	simm.s32 $0x1  }
0x2: {  	[smem:$0x3F99] =	sst lr;
	_ =	strace $0xD0000000  }
0x3: {  	_ = 	snop  }
0x4: {  	_ = 	snop  }
0x5: {  	_ = 	snop  }
0x6: {  	_ = 	snop  }
0x7: {  	_ = 	snop  }
__scs_overlays_trampoline_lowered:
0x8: {  	[smem:$0x3FA8] =	sst s0  }
0x9: {  	[smem:$0x3FA9] =	sst s1  }
0xa: {  	[smem:$0x3FAA] =	sst s2  }
0xb: {  	[smem:$0x3FAB] =	sst s3  }
0xc: {  	[smem:$0x3FAC] =	sst s4  }
0xd: {  	[smem:$0x3FAD] =	sst s5  }
0xe: {  	[smem:$0x3FAE] =	sst s6  }
0xf: {  	[smem:$0x3FAF] =	sst s7  }
0x10: {  	[smem:$0x3FB0] =	sst s8  }
0x11: {  	[smem:$0x3FB1] =	sst s9;
	s0 =	simm.s32 @!p0 $0x0  }
0x12: {  	s1 =	sld [smem:$0x3F97];
	s0 =	simm.s32 @p0 $0x1  }
0x13: {  	[smem:$0x3FB2] =	sst s0;
	s0 =	simm.s32 @!p1 $0x0  }
0x14: {  	s2 =	sld [smem:$0x3F96];
	s0 =	simm.s32 @p1 $0x1  }
0x15: {  	[smem:$0x3FB3] =	sst s0;
	s0 =	simm.s32 @!p2 $0x0  }
0x16: {  	s3 =	sld [smem:$0x3FDB];
	s0 =	simm.s32 @p2 $0x1  }
0x17: {  	s4 =	simm.s32 $0x1BF5;
	[smem:$0x3FB5] =	sst s0  }
0x18: {  	s0 =	sld [smem:$0x3F98];
	_ =	swait.ge [sflag:s4], $0x0  }
0x19: {  	s7 =	sld [smem:$0x3F99]  }
0x1a: {  	s8 =	sadd.s32 $0xFFFFE003, lr  }
0x1b: {  	s9 =	sadd.s32 $0xFFFFFEF7, lr;
	s5 =	simm.s32 $0xFFFFFFFF;
	p2 =	slt.u32 s8, $0xFFFFF086  }
0x1c: {  	p1 =	slt.u32 s9, $0xF7A;
	s5 =	simm.s32 @!p2 $0x0  }
0x1d: {  	s5 =	simm.s32 @p1 $0x1;
	p0 =	seq.s32 s7, s2  }
0x1e: {  	s7 =	smul.u32 @!p0 $0xF7A, s2;
	p2 =	seq.s32 @!p0 s5, $0x0  }
0x1f: {  	s9 =	smul.u32 $0xF7A, s1;
	s8 =	simm.s32 @!p0 $0x1BF5;
	p2 =	por !p2, p0  }
0x20: {  	[sflag:s8] =	ssyncset.s32 @!p0 $0xFFFFF086;
	s6 =	sadd.s32 @!p0 s3, s7;
	s7 =	simm.s32 @!p0 $0x108  }
0x21: {  	s3 =	sadd.s32 s3, s9;
	s6 =	sadd.s32 @!p0 $0x88, s6;
	s7 =	simm.s32 @p2 $0x1082  }
0x22: {  	[simem:s7], [sflag:s8] =	dma.local @!p0 [hbm:s6], $0xF7A  }
0x23: {  	s9 =	sor.u32 $0xD0000000, s2;
	s6 =	simm.s32 $0x108;
	_ =	swait.ge @!p0 [sflag:s8], $0x0  }
0x24: {  	s3 =	sadd.s32 $0x88, s3;
	s6 =	simm.s32 @!p1 $0x1082;
	[sflag:s4] =	ssyncset.s32 $0xFFFFF086  }
0x25: {  	[simem:s6], [sflag:s4] =	dma.local [hbm:s3], $0xF7A  }
0x26: {  	[smem:$0x3F99] =	sst s1;
	(tag) =	ssettag s2;
	_ =	strace s9  }
0x27: {  	s1 =	sld [smem:$0x3FA9]  }
0x28: {  	s2 =	sld [smem:$0x3FAA]  }
0x29: {  	s4 =	sld [smem:$0x3FAC]  }
0x2a: {  	p0 =	seq.s32 s5, $0x0;
	s5 =	sld [smem:$0x3FAD]  }
0x2b: {  	s6 =	sld [smem:$0x3FAE]  }
0x2c: {  	s7 =	sld [smem:$0x3FAF]  }
0x2d: {  	s3 =	simm.s32 $0x108;
	s8 =	sld [smem:$0x3FB0]  }
0x2e: {  	s3 =	simm.s32 @!p0 $0x1082;
	s9 =	sld [smem:$0x3FB1]  }
0x2f: {  	lr =	sadd.s32 s0, s3;
	s0 =	sld [smem:$0x3FA8]  }
0x30: {  	s3 =	sld [smem:$0x3FAB]  }
0x31: {  	[smem:$0x3FB4] =	sst s10  }
0x32: {  	s10 =	sld [smem:$0x3FB2];
	_ =	sdelay $0x3  }
0x33: {  	p0 =	seq.s32 s10, $0x1;
	s10 =	sld [smem:$0x3FB4];
	_ =	sdelay $0x3  }
0x34: {  	[smem:$0x3FB4] =	sst s10  }
0x35: {  	s10 =	sld [smem:$0x3FB3];
	_ =	sdelay $0x3  }
0x36: {  	p1 =	seq.s32 s10, $0x1;
	s10 =	sld [smem:$0x3FB4];
	_ =	sdelay $0x3  }
0x37: {  	[smem:$0x3FB4] =	sst s10  }
0x38: {  	s10 =	sld [smem:$0x3FB5]  }
0x39: {  	_ = 	snop;
	(pc) =	sbr.ind lr, $3  }
0x3a: {  	_ = 	snop  }
0x3b: {  	_ = 	snop  }
0x3c: {  	p2 =	seq.s32 s10, $0x1;
	s10 =	sld [smem:$0x3FB4]  }
0x3d: {  	_ =	shalt  }
0x3e: {  	_ =	shalt  }
0x3f: {  	_ =	shalt  }
0x40: {  	_ =	shalt  }
0x41: {  	_ =	shalt  }
0x42: {  	_ =	shalt  }
0x43: {  	_ =	shalt  }
0x44: {  	_ =	shalt  }
0x45: {  	_ =	shalt  }
0x46: {  	_ =	shalt  }
0x47: {  	_ =	shalt  }
0x48: {  	_ =	shalt  }
0x49: {  	_ =	shalt  }
0x4a: {  	_ =	shalt  }
0x4b: {  	_ =	shalt  }
0x4c: {  	_ =	shalt  }
0x4d: {  	_ =	shalt  }
0x4e: {  	_ =	shalt  }
0x4f: {  	_ =	shalt  }
0x50: {  	_ =	shalt  }
0x51: {  	_ =	shalt  }
0x52: {  	_ =	shalt  }
0x53: {  	_ =	shalt  }
0x54: {  	_ =	shalt  }
0x55: {  	_ =	shalt  }
0x56: {  	_ =	shalt  }
0x57: {  	_ =	shalt  }
0x58: {  	_ =	shalt  }
0x59: {  	_ =	shalt  }
0x5a: {  	_ =	shalt  }
0x5b: {  	_ =	shalt  }
0x5c: {  	_ =	shalt  }
0x5d: {  	_ =	shalt  }
0x5e: {  	_ =	shalt  }
0x5f: {  	_ =	shalt  }
0x60: {  	_ =	shalt  }
0x61: {  	_ =	shalt  }
0x62: {  	_ =	shalt  }
0x63: {  	_ =	shalt  }
0x64: {  	_ =	shalt  }
0x65: {  	_ =	shalt  }
0x66: {  	_ =	shalt  }
0x67: {  	_ =	shalt  }
0x68: {  	_ =	shalt  }
0x69: {  	_ =	shalt  }
0x6a: {  	_ =	shalt  }
0x6b: {  	_ =	shalt  }
0x6c: {  	_ =	shalt  }
0x6d: {  	_ =	shalt  }
0x6e: {  	_ =	shalt  }
0x6f: {  	_ =	shalt  }
0x70: {  	_ =	shalt  }
0x71: {  	_ =	shalt  }
0x72: {  	_ =	shalt  }
0x73: {  	_ =	shalt  }
0x74: {  	_ =	shalt  }
0x75: {  	_ =	shalt  }
0x76: {  	_ =	shalt  }
0x77: {  	_ =	shalt  }
0x78: {  	_ =	shalt  }
0x79: {  	_ =	shalt  }
0x7a: {  	_ =	shalt  }
0x7b: {  	_ =	shalt  }
0x7c: {  	_ =	shalt  }
0x7d: {  	_ =	shalt  }
0x7e: {  	_ =	shalt  }
0x7f: {  	_ =	shalt  }
0x80: {  	_ =	shalt  }
0x81: {  	_ =	shalt  }
0x82: {  	_ =	shalt  }
0x83: {  	_ =	shalt  }
0x84: {  	_ =	shalt  }
0x85: {  	_ =	shalt  }
0x86: {  	_ =	shalt  }
0x87: {  	_ =	shalt  }
.Lfunc_end0:
.L_simem_size_0:
called_computation.1_lowered:
.L_overlay_start_0:
0x88: {  	s2 =	sld [smem:$0x3FD9]  }
0x89: {  	s3 =	sld [smem:$0x3FFE];
	_ =	sdelay $0x1  }
0x8a: {  	s1 =	srdreg.scid  }
0x8b: {  	s0 =	sand.u32 $0x1, s1  }
0x8c: {  	s17 =	sshll.u32 s0, $0xA;
	s2 =	sadd.s32 s3, s2  }
0x8d: {  	s2 =	sadd.s32 s2, s17  }
0x8e: {  	[smem:$0x3FC0] =	sst s2  }
0x8f: {  	_ = 	snop  }
0x90: {  	s2 =	sld [smem:$0x3FC8];
	(tm) =	ssettm $0x1  }
0x91: {  	s18 =	sld [smem:$0x3FFB];
	_ =	sdelay $0x3  }
0x92: {  	_ =	strace s18  }
0x93: {  	s3 =	sld [smem:$0x3FFC];
	_ =	sdelay $0x3  }
0x94: {  	_ =	strace s3  }
0x95: {  	s3 =	sld [smem:$0x3FFD];
	_ =	sdelay $0x3  }
0x96: {  	_ =	strace s3  }
0x97: {  	_ =	strace $0x8FFFFFFF  }
0x98: {  	s19 =	sld [smem:$0x3FDB];
	_ =	sdelay $0x1  }
0x99: {  	s4 =	simm.s32 $_scs_section_size  }
0x9a: {  	s5 =	simm.s32 $_size__tile_overlayer_lowered;
	s6 =	simm.s32 $_tile_overlayer_lowered  }
0x9b: {  	s22 =	simm.s32 $0x1BFF;
	s21 =	sshll.u32 s6, $0x1;
	s3 =	sadd.s32 s4, s19  }
0x9c: {  	s7 =	simm.s32 $0x0;
	s20 =	sshll.u32 s5, $0x1;
	s5 =	sadd.s32 s21, s3  }
0x9d: {  	[timem:s7], [sflag:s22] =	dma.local [hbm:s5], s20  }
0x9e: {  	_ =	swait.ge [sflag:s22], s20  }
0x9f: {  	s4 =	ssub.s32 $0x0, s20;
	[sflag:s22] =	ssyncset.done $0x0  }
0xa0: {  	[sflag:s22] =	ssyncadd.s32 s4;
	_ =	sdelay $0x1  }
0xa1: {  	s23 =	simm.s32 $0x1B8B  }
0xa2: {  	_ =	swait.ge [sflag:s23], $0x1  }
0xa3: {  	[sflag:s23] =	ssyncset.done $0x0  }
0xa4: {  	s25 =	simm.s32 $0x1B8E;
	s24 =	sld [smem:$0x3FFE];
	[sflag:s23] =	ssyncadd.s32 $0xFFFFFFFF  }
0xa5: {  	s26 =	simm.s32 $execute0_lowered;
	[smem:$0x3FD2] =	sst s25  }
0xa6: {  	s5 =	sshll.u32 s26, $0x1;
	_ =	strace $0x80000049;
	[dreg:$0x1] =	wrdreg $0xFFFFFFFF  }
0xa7: {  	s28 =	simm.s32 $_size_execute0_lowered;
	s3 =	sadd.s32 s3, s5;
	[dreg:$0x0] =	wrdreg $0x0  }
0xa8: {  	s5 =	sshll.u32 s28, $0x1;
	[dreg:$0x2] =	wrdreg s3  }
0xa9: {  	[dreg:$0x3] =	wrdreg s5  }
0xaa: {  	[dreg:$0x4] =	wrdreg $0xC0  }
0xab: {  	_ =	task [dreg:s7], $0x5FFFF  }
0xac: {  	[dreg:$0x1] =	wrdreg $0xFFFFFFFF  }
0xad: {  	[dreg:$0x0] =	wrdreg $0x60  }
0xae: {  	[dreg:$0x2] =	wrdreg s2  }
0xaf: {  	[dreg:$0x3] =	wrdreg s24  }
0xb0: {  	[dreg:$0x4] =	wrdreg $0xBC000  }
0xb1: {  	[dreg:$0x5] =	wrdreg $0x9  }
0xb2: {  	_ =	task.clear_ibuf [dreg:s7], $0x6FFFF;
	_ =	strace $0x90000049  }
0xb3: {  	s29 =	simm.s32 $0x9;
	_ =	strace $0x8000004B  }
0xb4: {  	_ =	swait.ge [sflag:s29], $0x1  }
0xb5: {  	[sflag:s29] =	ssyncadd.s32 $0xFFFFFFFF  }
0xb6: {  	_ =	strace $0x9000004B  }
0xb7: {  	_ =	sfence  }
0xb8: {  	s30 =	sld [smem:$0x0];
	_ =	sdelay $0x2  }
0xb9: {  	s31 =	sshll.u32 s1, $0xD;
	s1 =	sshrl.u32 s1, $0x2  }
0xba: {  	s3 =	sand.u32 $0x4000, s31;
	s1 =	sadd.s32 s1, s30  }
0xbb: {  	s0 =	sor.u32 s3, s0;
	s1 =	sshll.u32 s1, $0x11  }
0xbc: {  	s0 =	sor.u32 s1, s0  }
0xbd: {  	s0 =	sadd.s32 $0x8F2B, s0  }
0xbe: {  	[sflag:s0] =	ssyncadd.remote.s32 $0x1  }
0xbf: {  	_ =	sfence.sel $0xFFFF  }
0xc0: {  	[dreg:$0x0] =	wrdreg $0xFFFFFFFF;
	(pc) =	sbr.abs _section_cstart, $3  }
0xc1: {  	[dreg:$0x1] =	wrdreg $0xFFFFFFFF  }
0xc2: {  	_ =	task.clear_ibuf [dreg:s7], $0x2FFFF;
	_ =	strace $0x9FFFFFFF  }
0xc3: {  	(tm) =	ssettm $0x7FFFFFFF  }
tec
execute0_lowered:
.L_overlay_start_1:
0x0: {  	(tag) =	ssettag $0x1  }
0x1: {  	s0 =	rddreg [dreg:$0x0]  }
0x2: {  	s1 =	srdreg.scid;
	s13 =	rddreg [dreg:$0x1]  }
0x3: {  	s2 =	rddreg [dreg:$0x2];
	s22 =	stileid.u32  }
0x4: {  	s3 =	simm.s32 $0x0;
	s17 =	simm.s32 $0xB400;
	s18 =	simm.s32 $0x5  }
0x5: {  	s19 =	simm.s32 $0x3;
	s20 =	simm.s32 $0x80;
	s21 =	simm.s32 $0x3400  }
0x6: {  	s23 =	simm.s32 $0x7400;
	s24 =	simm.s32 $0x1;
	s25 =	simm.s32 $0x2  }
0x7: {  	s26 =	simm.s32 $0x3200;
	s28 =	simm.s32 $0x3300;
	s29 =	simm.s32 $0x4  }
0x8: {  	s1 =	sand.u32 $0x1, s1;
	[smem:$0x7FF] =	sst s3;
	s7 =	smul.u32 $0x50000, s22  }
0x9: {  	s10 =	sshll.u32 s22, $0x6;
	s16 =	smul.u32 $0x2800, s22;
	s4 =	sshll.u32 s1, $0x4  }
0xa: {  	_ =	strace $0x8000004A;
	s6 =	ssub.s32 $0x2, s1;
	s14 =	sshll.u32 s1, $0x5  }
0xb: {  	p0 =	seq.s32 s1, $0x1;
	s1 =	simm.s32 $0x7BA00;
	s4 =	sor.u32 s22, s4  }
0xc: {  	s8 =	sshrl.u32 s6, $0x1;
	s7 =	sshrl.u32 s7, $0x2;
	s14 =	sor.u32 s14, s10  }
0xd: {  	s1 =	simm.s32 @!p0 $0x53A00;
	p0 =	sgt.u32 s22, $0x1;
	s5 =	smul.u32 $0x4E00, s4  }
0xe: {  	s4 =	sadd.s32 $0x3A00, s13;
	s15 =	ssub.s32 s6, s8;
	s7 =	sadd.s32 s7, s2  }
0xf: {  	s31 =	sadd.s32 s1, s13;
	s1 =	simm.s32 $0x0;
	s5 =	sshrl.u32 s5, $0x3  }
0x10: {  	s15 =	smax.u32 s15, $0x1;
	s16 =	sadd.s32 s31, s16;
	s5 =	sadd.s32 s0, s5  }
0x11: {  	s0 =	sadd.s32 s14, s0;
	s6 =	sadd.s32 $0x10, s5;
	s8 =	sadd.s32 $0x340, s5  }
0x12: {  	s9 =	sadd.s32 $0x350, s5;
	s11 =	sadd.s32 $0x680, s5;
	s14 =	sadd.s32 $0x13800, s0  }
0x13: {  	v0 =	vimm.f32 $0.0e+00;
	s12 =	sadd.s32 $0x690, s5;
	[dreg:$0x4] =	wrdreg s14;
	s14 =	sadd.s32 $0x13810, s0  }
.LBB2_1:
0x14: {  	s30 =	simm.s32 $0x20  }
0x15: {  	s13 =	sadd.s32 $0x0, s5;
	s31 =	simm.s32 $0x100;
	s0 =	simm.s32 $0x0  }
.LBB2_2:
0x16: {  	[tilespmem:s0], [sflag:$0x3] =	stream.linear.gather [hbm4b:s13+s3], $0x80, $0x38;
	[tilespmem:$0x1FC00] =	vst v63  }
0x17: {  	s13 =	smov.u32 s30;
	s0 =	smov.u32 s31;
	p1 =	sne.s32 s30, $0x320  }
.Ltmp0:
0x18: {  	s30 =	sadd.s32 $0x20, s30;
	(pc) =	sbr.rel @p1 .LBB2_2-.Ltmp0, $2  }
0x19: {  	_ =	sdelay $0x2  }
0x1a: {  	s31 =	sadd.s32 $0x100, s31;
	s13 =	sadd.s32 s13, s5  }
0x1b: {  	[tilespmem:s0], [sflag:$0x3] =	stream.linear.gather [hbm4b:s13+s3], $0x80, $0x38;
	[tilespmem:$0x1FC00] =	vst v63  }
0x1c: {  	s30 =	simm.s32 $0x1A00  }
0x1d: {  	s31 =	simm.s32 $0x20;
	s13 =	sadd.s32 $0x0, s6;
	s0 =	simm.s32 $0x1B00  }
.LBB2_4:
0x1e: {  	[tilespmem:s30], [sflag:$0x3] =	stream.linear.gather [hbm4b:s13+s3], $0x80, $0x38;
	[tilespmem:$0x1FC00] =	vst v63  }
0x1f: {  	s13 =	smov.u32 s31;
	s30 =	smov.u32 s0;
	p1 =	sne.s32 s31, $0x320  }
.Ltmp1:
0x20: {  	s31 =	sadd.s32 $0x20, s31;
	(pc) =	sbr.rel @p1 .LBB2_4-.Ltmp1, $2  }
0x21: {  	_ =	sdelay $0x2  }
0x22: {  	s0 =	sadd.s32 $0x100, s0;
	s13 =	sadd.s32 s13, s6  }
0x23: {  	[tilespmem:s30], [sflag:$0x3] =	stream.linear.gather [hbm4b:s13+s3], $0x80, $0x38;
	[tilespmem:$0x1FC00] =	vst v63  }
0x24: {  	[tilespmem:$0xB400] =	vst v0  }
0x25: {  	[tilespmem:$0xB410] =	vst v0  }
0x26: {  	[tilespmem:$0xB420] =	vst v0  }
0x27: {  	[tilespmem:$0xB430] =	vst v0  }
0x28: {  	[tilespmem:$0xB440] =	vst v0  }
0x29: {  	[tilespmem:$0xB450] =	vst v0  }
0x2a: {  	[tilespmem:$0xB460] =	vst v0  }
0x2b: {  	[tilespmem:$0xB470] =	vst v0  }
0x2c: {  	[tilespmem:$0xB480] =	vst v0  }
0x2d: {  	[tilespmem:$0xB490] =	vst v0  }
0x2e: {  	[tilespmem:$0xB4A0] =	vst v0  }
0x2f: {  	[tilespmem:$0xB4B0] =	vst v0  }
0x30: {  	[tilespmem:$0xB4C0] =	vst v0  }
0x31: {  	[tilespmem:$0xB4D0] =	vst v0  }
0x32: {  	[tilespmem:$0xB4E0] =	vst v0  }
0x33: {  	[tilespmem:$0xB4F0] =	vst v0  }
0x34: {  	[tilespmem:$0xB500] =	vst v0  }
0x35: {  	[tilespmem:$0xB510] =	vst v0  }
0x36: {  	[tilespmem:$0xB520] =	vst v0  }
0x37: {  	[tilespmem:$0xB530] =	vst v0  }
0x38: {  	[tilespmem:$0xB540] =	vst v0  }
0x39: {  	[tilespmem:$0xB550] =	vst v0  }
0x3a: {  	[tilespmem:$0xB560] =	vst v0  }
0x3b: {  	[tilespmem:$0xB570] =	vst v0  }
0x3c: {  	[tilespmem:$0xB580] =	vst v0  }
0x3d: {  	[tilespmem:$0xB590] =	vst v0  }
0x3e: {  	[tilespmem:$0xB5A0] =	vst v0  }
0x3f: {  	[tilespmem:$0xB5B0] =	vst v0  }
0x40: {  	[tilespmem:$0xB5C0] =	vst v0  }
0x41: {  	[tilespmem:$0xB5D0] =	vst v0  }
0x42: {  	[tilespmem:$0xB5E0] =	vst v0  }
0x43: {  	[tilespmem:$0xB5F0] =	vst v0  }
0x44: {  	[tilespmem:$0xB600] =	vst v0  }
0x45: {  	[tilespmem:$0xB610] =	vst v0  }
0x46: {  	[tilespmem:$0xB620] =	vst v0  }
0x47: {  	[tilespmem:$0xB630] =	vst v0  }
0x48: {  	[tilespmem:$0xB640] =	vst v0  }
0x49: {  	[tilespmem:$0xB650] =	vst v0  }
0x4a: {  	[tilespmem:$0xB660] =	vst v0  }
0x4b: {  	[tilespmem:$0xB670] =	vst v0  }
0x4c: {  	[tilespmem:$0xB680] =	vst v0  }
0x4d: {  	[tilespmem:$0xB690] =	vst v0  }
0x4e: {  	[tilespmem:$0xB6A0] =	vst v0  }
0x4f: {  	[tilespmem:$0xB6B0] =	vst v0  }
0x50: {  	[tilespmem:$0xB6C0] =	vst v0  }
0x51: {  	[tilespmem:$0xB6D0] =	vst v0  }
0x52: {  	[tilespmem:$0xB6E0] =	vst v0  }
0x53: {  	[tilespmem:$0xB6F0] =	vst v0  }
0x54: {  	[tilespmem:$0xB700] =	vst v0  }
0x55: {  	[tilespmem:$0xB710] =	vst v0  }
0x56: {  	[tilespmem:$0xB720] =	vst v0  }
0x57: {  	[tilespmem:$0xB730] =	vst v0  }
0x58: {  	[tilespmem:$0xB740] =	vst v0  }
0x59: {  	[tilespmem:$0xB750] =	vst v0  }
0x5a: {  	[tilespmem:$0xB760] =	vst v0  }
0x5b: {  	[tilespmem:$0xB770] =	vst v0  }
0x5c: {  	[tilespmem:$0xB780] =	vst v0  }
0x5d: {  	[tilespmem:$0xB790] =	vst v0  }
0x5e: {  	[tilespmem:$0xB7A0] =	vst v0  }
0x5f: {  	[tilespmem:$0xB7B0] =	vst v0  }
0x60: {  	[tilespmem:$0xB7C0] =	vst v0  }
0x61: {  	[tilespmem:$0xB7D0] =	vst v0  }
0x62: {  	[tilespmem:$0xB7E0] =	vst v0  }
0x63: {  	[tilespmem:$0xB7F0] =	vst v0  }
0x64: {  	[tilespmem:$0xB800] =	vst v0  }
0x65: {  	[tilespmem:$0xB810] =	vst v0  }
0x66: {  	[tilespmem:$0xB820] =	vst v0  }
0x67: {  	[tilespmem:$0xB830] =	vst v0  }
0x68: {  	[tilespmem:$0xB840] =	vst v0  }
0x69: {  	[tilespmem:$0xB850] =	vst v0  }
0x6a: {  	[tilespmem:$0xB860] =	vst v0  }
0x6b: {  	[tilespmem:$0xB870] =	vst v0  }
0x6c: {  	[tilespmem:$0xB880] =	vst v0  }
0x6d: {  	[tilespmem:$0xB890] =	vst v0  }
0x6e: {  	[tilespmem:$0xB8A0] =	vst v0  }
0x6f: {  	[tilespmem:$0xB8B0] =	vst v0  }
0x70: {  	[tilespmem:$0xB8C0] =	vst v0  }
0x71: {  	[tilespmem:$0xB8D0] =	vst v0  }
0x72: {  	[tilespmem:$0xB8E0] =	vst v0  }
0x73: {  	[tilespmem:$0xB8F0] =	vst v0  }
0x74: {  	[tilespmem:$0xB900] =	vst v0  }
0x75: {  	[tilespmem:$0xB910] =	vst v0  }
0x76: {  	[tilespmem:$0xB920] =	vst v0  }
0x77: {  	[tilespmem:$0xB930] =	vst v0  }
0x78: {  	[tilespmem:$0xB940] =	vst v0  }
0x79: {  	[tilespmem:$0xB950] =	vst v0  }
0x7a: {  	[tilespmem:$0xB960] =	vst v0  }
0x7b: {  	[tilespmem:$0xB970] =	vst v0  }
0x7c: {  	[tilespmem:$0xB980] =	vst v0  }
0x7d: {  	[tilespmem:$0xB990] =	vst v0  }
0x7e: {  	[tilespmem:$0xB9A0] =	vst v0  }
0x7f: {  	[tilespmem:$0xB9B0] =	vst v0  }
0x80: {  	[tilespmem:$0xB9C0] =	vst v0  }
0x81: {  	[tilespmem:$0xB9D0] =	vst v0  }
0x82: {  	[tilespmem:$0xB9E0] =	vst v0  }
0x83: {  	[tilespmem:$0xB9F0] =	vst v0  }
0x84: {  	[tilespmem:$0xBA00] =	vst v0  }
0x85: {  	[tilespmem:$0xBA10] =	vst v0  }
0x86: {  	[tilespmem:$0xBA20] =	vst v0  }
0x87: {  	[tilespmem:$0xBA30] =	vst v0  }
0x88: {  	[tilespmem:$0xBA40] =	vst v0  }
0x89: {  	[tilespmem:$0xBA50] =	vst v0  }
0x8a: {  	[tilespmem:$0xBA60] =	vst v0  }
0x8b: {  	[tilespmem:$0xBA70] =	vst v0  }
0x8c: {  	[tilespmem:$0xBA80] =	vst v0  }
0x8d: {  	[tilespmem:$0xBA90] =	vst v0  }
0x8e: {  	[tilespmem:$0xBAA0] =	vst v0  }
0x8f: {  	[tilespmem:$0xBAB0] =	vst v0  }
0x90: {  	[tilespmem:$0xBAC0] =	vst v0  }
0x91: {  	[tilespmem:$0xBAD0] =	vst v0  }
0x92: {  	[tilespmem:$0xBAE0] =	vst v0  }
0x93: {  	[tilespmem:$0xBAF0] =	vst v0  }
0x94: {  	[tilespmem:$0xBB00] =	vst v0  }
0x95: {  	[tilespmem:$0xBB10] =	vst v0  }
0x96: {  	[tilespmem:$0xBB20] =	vst v0  }
0x97: {  	[tilespmem:$0xBB30] =	vst v0  }
0x98: {  	[tilespmem:$0xBB40] =	vst v0  }
0x99: {  	[tilespmem:$0xBB50] =	vst v0  }
0x9a: {  	[tilespmem:$0xBB60] =	vst v0  }
0x9b: {  	[tilespmem:$0xBB70] =	vst v0  }
0x9c: {  	[tilespmem:$0xBB80] =	vst v0  }
0x9d: {  	[tilespmem:$0xBB90] =	vst v0  }
0x9e: {  	[tilespmem:$0xBBA0] =	vst v0  }
0x9f: {  	[tilespmem:$0xBBB0] =	vst v0  }
0xa0: {  	[tilespmem:$0xBBC0] =	vst v0  }
0xa1: {  	[tilespmem:$0xBBD0] =	vst v0  }
0xa2: {  	[tilespmem:$0xBBE0] =	vst v0  }
0xa3: {  	s0 =	sadd.s32 $0x0, s7;
	[tilespmem:$0xBBF0] =	vst v0  }
0xa4: {  	[spmem:s0] =	stream.linear.scatter [tilespmem:s17], [sflag:$0x5], $0x800, $0x38;
	[tilespmem:$0x1FC00] =	vst v63  }
0xa5: {  	s30 =	simm.s32 $0x2000;
	_ =	swait.ge [sflag:s18], $0x800  }
.LBB2_6:
0xa6: {  	s0 =	sshra.s32 s30, $0x2;
	[sflag:s18] =	ssyncset.done $0x0;
	p1 =	sne.s32 s30, $0x4E000  }
.Ltmp2:
0xa7: {  	s0 =	sadd.s32 s0, s7;
	[sflag:s18] =	ssyncadd.s32 $0xFFFFF800;
	(pc) =	sbr.rel @p1 .LBB2_6-.Ltmp2, $3  }
0xa8: {  	[spmem:s0] =	stream.linear.scatter [tilespmem:s17], [sflag:$0x5], $0x800, $0x38;
	[tilespmem:$0x1FC00] =	vst v63  }
0xa9: {  	s30 =	sadd.s32 $0x2000, s30;
	_ =	sdelay $0x1  }
0xaa: {  	_ =	swait.ge [sflag:s18], $0x800  }
0xab: {  	[sflag:s18] =	ssyncset.done $0x0  }
0xac: {  	[sflag:s18] =	ssyncadd.s32 $0xFFFFF800  }
0xad: {  	[bflag:$0x0] =	sbarrier.arrive $0xFFFF  }
0xae: {  	_ =	swait.ge [sflag:s19], $0xD00  }
0xaf: {  	[sflag:s19] =	ssyncset.done $0x0  }
0xb0: {  	[sflag:s19] =	ssyncadd.s32 $0xFFFFF300  }
0xb1: {  	_ =	swait.ge [sflag:s19], $0xD00  }
0xb2: {  	s30 =	simm.s32 $0x80;
	s31 =	simm.s32 $0x20;
	[sflag:s19] =	ssyncset.done $0x0  }
0xb3: {  	s13 =	sadd.s32 $0x0, s8;
	s0 =	simm.s32 $0x180;
	[sflag:s19] =	ssyncadd.s32 $0xFFFFF300  }
.LBB2_8:
0xb4: {  	[tilespmem:s30], [sflag:$0x4] =	stream.linear.gather [hbm4b:s13+s3], $0x80, $0x38;
	[tilespmem:$0x1FC00] =	vst v63  }
0xb5: {  	s13 =	smov.u32 s31;
	s30 =	smov.u32 s0;
	p1 =	sne.s32 s31, $0x320  }
.Ltmp3:
0xb6: {  	s31 =	sadd.s32 $0x20, s31;
	(pc) =	sbr.rel @p1 .LBB2_8-.Ltmp3, $2  }
0xb7: {  	_ =	sdelay $0x2  }
0xb8: {  	s0 =	sadd.s32 $0x100, s0;
	s13 =	sadd.s32 s13, s8  }
0xb9: {  	[tilespmem:s30], [sflag:$0x4] =	stream.linear.gather [hbm4b:s13+s3], $0x80, $0x38;
	[tilespmem:$0x1FC00] =	vst v63  }
0xba: {  	s30 =	simm.s32 $0x1A80  }
0xbb: {  	s31 =	simm.s32 $0x20;
	s13 =	sadd.s32 $0x0, s9;
	s0 =	simm.s32 $0x1B80  }
.LBB2_10:
0xbc: {  	[tilespmem:s30], [sflag:$0x4] =	stream.linear.gather [hbm4b:s13+s3], $0x80, $0x38;
	[tilespmem:$0x1FC00] =	vst v63  }
0xbd: {  	s13 =	smov.u32 s31;
	s30 =	smov.u32 s0;
	p1 =	sne.s32 s31, $0x320  }
.Ltmp4:
0xbe: {  	s31 =	sadd.s32 $0x20, s31;
	(pc) =	sbr.rel @p1 .LBB2_10-.Ltmp4, $2  }
0xbf: {  	_ =	sdelay $0x2  }
0xc0: {  	s0 =	sadd.s32 $0x100, s0;
	s13 =	sadd.s32 s13, s9  }
0xc1: {  	[tilespmem:s30], [sflag:$0x4] =	stream.linear.gather [hbm4b:s13+s3], $0x80, $0x38;
	[tilespmem:$0x1FC00] =	vst v63  }
0xc2: {  	s0 =	simm.s32 $0x0  }
0xc3: {  	[tilespmem:s21], [sflag:$0x1] =	stream.indirect.gather [hbm4b:s4+s20], $0x80, s0, s20, $0xb8;
	[tilespmem:$0x1FC00] =	vst v63  }
0xc4: {  	s22 =	simm.s32 $0x100  }
0xc5: {  	[tilespmem:s23], [sflag:$0x2] =	stream.indirect.gather [hbm4b:s4+s20], $0x80, s22, s20, $0xb8;
	[tilespmem:$0x1FC00] =	vst v63  }
0xc6: {  	_ =	swait.ge [sflag:s24], $0x4000  }
0xc7: {  	[sflag:s24] =	ssyncset.done $0x0  }
0xc8: {  	s31 =	simm.s32 $0x200;
	[sflag:s24] =	ssyncadd.s32 $0xFFFFC000  }
0xc9: {  	[tilespmem:s21], [sflag:$0x1] =	stream.indirect.gather [hbm4b:s4+s20], $0x80, s31, s20, $0xb8;
	[tilespmem:$0x1FC00] =	vst v63  }
0xca: {  	s13 =	simm.s32 $0x1A00  }
0xcb: {  	[spmem:s2] =	stream.indirect.scatter.add.f32 [tilespmem:s21], [sflag:$0x5], $0x80, s13, s20, $0xb8;
	[tilespmem:$0x1FC00] =	vst v63  }
0xcc: {  	_ =	swait.ge [sflag:s18], $0x4000  }
0xcd: {  	[sflag:s18] =	ssyncset.done $0x0  }
0xce: {  	[sflag:s18] =	ssyncadd.s32 $0xFFFFC000  }
0xcf: {  	_ =	swait.ge [sflag:s25], $0x4000  }
0xd0: {  	[sflag:s25] =	ssyncset.done $0x0  }
0xd1: {  	s22 =	simm.s32 $0x300;
	[sflag:s25] =	ssyncadd.s32 $0xFFFFC000  }
0xd2: {  	[tilespmem:s23], [sflag:$0x2] =	stream.indirect.gather [hbm4b:s4+s20], $0x80, s22, s20, $0xb8;
	[tilespmem:$0x1FC00] =	vst v63  }
0xd3: {  	s31 =	simm.s32 $0x1B00  }
0xd4: {  	[spmem:s2] =	stream.indirect.scatter.add.f32 [tilespmem:s23], [sflag:$0x5], $0x80, s31, s20, $0xb8;
	[tilespmem:$0x1FC00] =	vst v63  }
0xd5: {  	_ =	swait.ge [sflag:s18], $0x4000  }
0xd6: {  	s30 =	simm.s32 $0x800;
	[sflag:s18] =	ssyncset.done $0x0  }
.LBB2_12:
0xd7: {  	p1 =	sne.s32 s30, $0x5800  }
0xd8: {  	[sflag:s18] =	ssyncadd.s32 $0xFFFFC000;
	s0 =	smov.u32 s30;
	s30 =	sadd.s32 $0x800, s30  }
0xd9: {  	_ = 	snop  }
0xda: {  	_ =	swait.ge [sflag:s24], $0x4000  }
0xdb: {  	s0 =	sshra.s32 s0, $0x2;
	[sflag:s24] =	ssyncset.done $0x0  }
0xdc: {  	s13 =	sadd.s32 $0x200, s0;
	[sflag:s24] =	ssyncadd.s32 $0xFFFFC000  }
0xdd: {  	[tilespmem:s21], [sflag:$0x1] =	stream.indirect.gather [hbm4b:s4+s20], $0x80, s13, s20, $0xb8;
	[tilespmem:$0x1FC00] =	vst v63  }
0xde: {  	s13 =	sadd.s32 $0x1A00, s0  }
0xdf: {  	[spmem:s2] =	stream.indirect.scatter.add.f32 [tilespmem:s21], [sflag:$0x5], $0x80, s13, s20, $0xb8;
	[tilespmem:$0x1FC00] =	vst v63  }
0xe0: {  	_ =	swait.ge [sflag:s18], $0x4000  }
0xe1: {  	[sflag:s18] =	ssyncset.done $0x0  }
0xe2: {  	[sflag:s18] =	ssyncadd.s32 $0xFFFFC000  }
0xe3: {  	_ =	swait.ge [sflag:s25], $0x4000  }
0xe4: {  	[sflag:s25] =	ssyncset.done $0x0  }
0xe5: {  	s13 =	sadd.s32 $0x300, s0;
	[sflag:s25] =	ssyncadd.s32 $0xFFFFC000  }
0xe6: {  	[tilespmem:s23], [sflag:$0x2] =	stream.indirect.gather [hbm4b:s4+s20], $0x80, s13, s20, $0xb8;
	[tilespmem:$0x1FC00] =	vst v63  }
.Ltmp5:
0xe7: {  	_ = 	snop;
	(pc) =	sbr.rel @p1 .LBB2_12-.Ltmp5, $4  }
0xe8: {  	s0 =	sadd.s32 $0x1B00, s0  }
0xe9: {  	[spmem:s2] =	stream.indirect.scatter.add.f32 [tilespmem:s23], [sflag:$0x5], $0x80, s0, s20, $0xb8;
	[tilespmem:$0x1FC00] =	vst v63  }
0xea: {  	_ =	swait.ge [sflag:s18], $0x4000  }
0xeb: {  	[sflag:s18] =	ssyncset.done $0x0  }
0xec: {  	[sflag:s18] =	ssyncadd.s32 $0xFFFFC000  }
0xed: {  	_ =	swait.ge [sflag:s24], $0x4000  }
0xee: {  	[sflag:s24] =	ssyncset.done $0x0  }
0xef: {  	[sflag:s24] =	ssyncadd.s32 $0xFFFFC000  }
0xf0: {  	[spmem:s2] =	stream.indirect.scatter.add.f32 [tilespmem:s21], [sflag:$0x5], $0x80, s26, s20, $0xb8;
	[tilespmem:$0x1FC00] =	vst v63  }
0xf1: {  	_ =	swait.ge [sflag:s18], $0x4000  }
0xf2: {  	[sflag:s18] =	ssyncset.done $0x0  }
0xf3: {  	[sflag:s18] =	ssyncadd.s32 $0xFFFFC000  }
0xf4: {  	_ =	swait.ge [sflag:s25], $0x4000  }
0xf5: {  	[sflag:s25] =	ssyncset.done $0x0  }
0xf6: {  	[sflag:s25] =	ssyncadd.s32 $0xFFFFC000  }
0xf7: {  	[spmem:s2] =	stream.indirect.scatter.add.f32 [tilespmem:s23], [sflag:$0x5], $0x80, s28, s20, $0xb8;
	[tilespmem:$0x1FC00] =	vst v63  }
0xf8: {  	_ =	swait.ge [sflag:s18], $0x4000  }
0xf9: {  	[sflag:s18] =	ssyncset.done $0x0  }
0xfa: {  	[sflag:s18] =	ssyncadd.s32 $0xFFFFC000  }
0xfb: {  	_ =	swait.ge [sflag:s29], $0xD00  }
0xfc: {  	[sflag:s29] =	ssyncset.done $0x0  }
0xfd: {  	[sflag:s29] =	ssyncadd.s32 $0xFFFFF300  }
0xfe: {  	_ =	swait.ge [sflag:s29], $0xD00  }
0xff: {  	s30 =	simm.s32 $0x0;
	s31 =	simm.s32 $0x20;
	[sflag:s29] =	ssyncset.done $0x0  }
0x100: {  	s13 =	sadd.s32 $0x0, s11;
	s0 =	simm.s32 $0x100;
	[sflag:s29] =	ssyncadd.s32 $0xFFFFF300  }
.LBB2_14:
0x101: {  	[tilespmem:s30], [sflag:$0x3] =	stream.linear.gather [hbm4b:s13+s3], $0x80, $0x38;
	[tilespmem:$0x1FC00] =	vst v63  }
0x102: {  	s13 =	smov.u32 s31;
	s30 =	smov.u32 s0;
	p1 =	sne.s32 s31, $0x320  }
.Ltmp6:
0x103: {  	s31 =	sadd.s32 $0x20, s31;
	(pc) =	sbr.rel @p1 .LBB2_14-.Ltmp6, $2  }
0x104: {  	_ =	sdelay $0x2  }
0x105: {  	s0 =	sadd.s32 $0x100, s0;
	s13 =	sadd.s32 s13, s11  }
0x106: {  	[tilespmem:s30], [sflag:$0x3] =	stream.linear.gather [hbm4b:s13+s3], $0x80, $0x38;
	[tilespmem:$0x1FC00] =	vst v63  }
0x107: {  	s30 =	simm.s32 $0x1A00  }
0x108: {  	s31 =	simm.s32 $0x20;
	s13 =	sadd.s32 $0x0, s12;
	s0 =	simm.s32 $0x1B00  }
.LBB2_16:
0x109: {  	[tilespmem:s30], [sflag:$0x3] =	stream.linear.gather [hbm4b:s13+s3], $0x80, $0x38;
	[tilespmem:$0x1FC00] =	vst v63  }
0x10a: {  	s13 =	smov.u32 s31;
	s30 =	smov.u32 s0;
	p1 =	sne.s32 s31, $0x320  }
.Ltmp7:
0x10b: {  	s31 =	sadd.s32 $0x20, s31;
	(pc) =	sbr.rel @p1 .LBB2_16-.Ltmp7, $2  }
0x10c: {  	_ =	sdelay $0x2  }
0x10d: {  	s0 =	sadd.s32 $0x100, s0;
	s13 =	sadd.s32 s13, s12  }
0x10e: {  	[tilespmem:s30], [sflag:$0x3] =	stream.linear.gather [hbm4b:s13+s3], $0x80, $0x38;
	[tilespmem:$0x1FC00] =	vst v63  }
0x10f: {  	_ = 	snop  }
0x110: {  	[tilespmem:s21], [sflag:$0x1] =	stream.indirect.gather [hbm4b:s4+s20], $0x80, s20, s20, $0xb8;
	[tilespmem:$0x1FC00] =	vst v63  }
0x111: {  	s0 =	simm.s32 $0x180  }
0x112: {  	[tilespmem:s23], [sflag:$0x2] =	stream.indirect.gather [hbm4b:s4+s20], $0x80, s0, s20, $0xb8;
	[tilespmem:$0x1FC00] =	vst v63  }
0x113: {  	_ =	swait.ge [sflag:s24], $0x4000  }
0x114: {  	[sflag:s24] =	ssyncset.done $0x0  }
0x115: {  	s31 =	simm.s32 $0x280;
	[sflag:s24] =	ssyncadd.s32 $0xFFFFC000  }
0x116: {  	[tilespmem:s21], [sflag:$0x1] =	stream.indirect.gather [hbm4b:s4+s20], $0x80, s31, s20, $0xb8;
	[tilespmem:$0x1FC00] =	vst v63  }
0x117: {  	s13 =	simm.s32 $0x1A80  }
0x118: {  	[spmem:s2] =	stream.indirect.scatter.add.f32 [tilespmem:s21], [sflag:$0x5], $0x80, s13, s20, $0xb8;
	[tilespmem:$0x1FC00] =	vst v63  }
0x119: {  	_ =	swait.ge [sflag:s18], $0x4000  }
0x11a: {  	[sflag:s18] =	ssyncset.done $0x0  }
0x11b: {  	[sflag:s18] =	ssyncadd.s32 $0xFFFFC000  }
0x11c: {  	_ =	swait.ge [sflag:s25], $0x4000  }
0x11d: {  	[sflag:s25] =	ssyncset.done $0x0  }
0x11e: {  	s22 =	simm.s32 $0x380;
	[sflag:s25] =	ssyncadd.s32 $0xFFFFC000  }
0x11f: {  	[tilespmem:s23], [sflag:$0x2] =	stream.indirect.gather [hbm4b:s4+s20], $0x80, s22, s20, $0xb8;
	[tilespmem:$0x1FC00] =	vst v63  }
0x120: {  	s31 =	simm.s32 $0x1B80  }
0x121: {  	[spmem:s2] =	stream.indirect.scatter.add.f32 [tilespmem:s23], [sflag:$0x5], $0x80, s31, s20, $0xb8;
	[tilespmem:$0x1FC00] =	vst v63  }
0x122: {  	_ =	swait.ge [sflag:s18], $0x4000  }
0x123: {  	s30 =	simm.s32 $0xFFFFA800;
	[sflag:s18] =	ssyncset.done $0x0  }
.LBB2_18:
0x124: {  	p1 =	sne.s32 s30, $0xFFFFF800  }
0x125: {  	[sflag:s18] =	ssyncadd.s32 $0xFFFFC000;
	s0 =	smov.u32 s30;
	s30 =	sadd.s32 $0x800, s30  }
0x126: {  	_ = 	snop  }
0x127: {  	_ =	swait.ge [sflag:s24], $0x4000  }
0x128: {  	s0 =	sshra.s32 s0, $0x2;
	[sflag:s24] =	ssyncset.done $0x0  }
0x129: {  	s13 =	sadd.s32 $0x1A80, s0;
	[sflag:s24] =	ssyncadd.s32 $0xFFFFC000  }
0x12a: {  	[tilespmem:s21], [sflag:$0x1] =	stream.indirect.gather [hbm4b:s4+s20], $0x80, s13, s20, $0xb8;
	[tilespmem:$0x1FC00] =	vst v63  }
0x12b: {  	s13 =	sadd.s32 $0x3280, s0  }
0x12c: {  	[spmem:s2] =	stream.indirect.scatter.add.f32 [tilespmem:s21], [sflag:$0x5], $0x80, s13, s20, $0xb8;
	[tilespmem:$0x1FC00] =	vst v63  }
0x12d: {  	_ =	swait.ge [sflag:s18], $0x4000  }
0x12e: {  	[sflag:s18] =	ssyncset.done $0x0  }
0x12f: {  	[sflag:s18] =	ssyncadd.s32 $0xFFFFC000  }
0x130: {  	_ =	swait.ge [sflag:s25], $0x4000  }
0x131: {  	[sflag:s25] =	ssyncset.done $0x0  }
0x132: {  	s13 =	sadd.s32 $0x1B80, s0;
	[sflag:s25] =	ssyncadd.s32 $0xFFFFC000  }
0x133: {  	[tilespmem:s23], [sflag:$0x2] =	stream.indirect.gather [hbm4b:s4+s20], $0x80, s13, s20, $0xb8;
	[tilespmem:$0x1FC00] =	vst v63  }
.Ltmp8:
0x134: {  	_ = 	snop;
	(pc) =	sbr.rel @p1 .LBB2_18-.Ltmp8, $4  }
0x135: {  	s0 =	sadd.s32 $0x3380, s0  }
0x136: {  	[spmem:s2] =	stream.indirect.scatter.add.f32 [tilespmem:s23], [sflag:$0x5], $0x80, s0, s20, $0xb8;
	[tilespmem:$0x1FC00] =	vst v63  }
0x137: {  	_ =	swait.ge [sflag:s18], $0x4000  }
0x138: {  	[sflag:s18] =	ssyncset.done $0x0  }
0x139: {  	[sflag:s18] =	ssyncadd.s32 $0xFFFFC000  }
0x13a: {  	_ =	swait.ge [sflag:s24], $0x4000  }
0x13b: {  	[sflag:s24] =	ssyncset.done $0x0  }
0x13c: {  	s0 =	simm.s32 $0x3280;
	[sflag:s24] =	ssyncadd.s32 $0xFFFFC000  }
0x13d: {  	[spmem:s2] =	stream.indirect.scatter.add.f32 [tilespmem:s21], [sflag:$0x5], $0x80, s0, s20, $0xb8;
	[tilespmem:$0x1FC00] =	vst v63  }
0x13e: {  	_ =	swait.ge [sflag:s18], $0x4000  }
0x13f: {  	[sflag:s18] =	ssyncset.done $0x0  }
0x140: {  	[sflag:s18] =	ssyncadd.s32 $0xFFFFC000  }
0x141: {  	_ =	swait.ge [sflag:s25], $0x4000  }
0x142: {  	[sflag:s25] =	ssyncset.done $0x0  }
0x143: {  	s31 =	simm.s32 $0x3380;
	[sflag:s25] =	ssyncadd.s32 $0xFFFFC000  }
0x144: {  	[spmem:s2] =	stream.indirect.scatter.add.f32 [tilespmem:s23], [sflag:$0x5], $0x80, s31, s20, $0xb8;
	[tilespmem:$0x1FC00] =	vst v63  }
0x145: {  	_ =	swait.ge [sflag:s18], $0x4000  }
0x146: {  	[sflag:s18] =	ssyncset.done $0x0  }
0x147: {  	[sflag:s18] =	ssyncadd.s32 $0xFFFFC000  }
0x148: {  	_ =	swait.ge [sflag:s19], $0xD00  }
0x149: {  	[sflag:s19] =	ssyncset.done $0x0  }
0x14a: {  	[sflag:s19] =	ssyncadd.s32 $0xFFFFF300  }
0x14b: {  	_ =	swait.ge [sflag:s19], $0xD00  }
0x14c: {  	[sflag:s19] =	ssyncset.done $0x0  }
0x14d: {  	s13 =	simm.s32 $0x0;
	[sflag:s19] =	ssyncadd.s32 $0xFFFFF300  }
0x14e: {  	[tilespmem:s21], [sflag:$0x1] =	stream.indirect.gather [hbm4b:s4+s20], $0x80, s13, s20, $0xb8;
	[tilespmem:$0x1FC00] =	vst v63  }
0x14f: {  	s22 =	simm.s32 $0x100  }
0x150: {  	[tilespmem:s23], [sflag:$0x2] =	stream.indirect.gather [hbm4b:s4+s20], $0x80, s22, s20, $0xb8;
	[tilespmem:$0x1FC00] =	vst v63  }
0x151: {  	_ =	swait.ge [sflag:s24], $0x4000  }
0x152: {  	[sflag:s24] =	ssyncset.done $0x0  }
0x153: {  	s31 =	simm.s32 $0x200;
	[sflag:s24] =	ssyncadd.s32 $0xFFFFC000  }
0x154: {  	[tilespmem:s21], [sflag:$0x1] =	stream.indirect.gather [hbm4b:s4+s20], $0x80, s31, s20, $0xb8;
	[tilespmem:$0x1FC00] =	vst v63  }
0x155: {  	s13 =	simm.s32 $0x1A00  }
0x156: {  	[spmem:s2] =	stream.indirect.scatter.add.f32 [tilespmem:s21], [sflag:$0x5], $0x80, s13, s20, $0xb8;
	[tilespmem:$0x1FC00] =	vst v63  }
0x157: {  	_ =	swait.ge [sflag:s18], $0x4000  }
0x158: {  	[sflag:s18] =	ssyncset.done $0x0  }
0x159: {  	[sflag:s18] =	ssyncadd.s32 $0xFFFFC000  }
0x15a: {  	_ =	swait.ge [sflag:s25], $0x4000  }
0x15b: {  	[sflag:s25] =	ssyncset.done $0x0  }
0x15c: {  	s22 =	simm.s32 $0x300;
	[sflag:s25] =	ssyncadd.s32 $0xFFFFC000  }
0x15d: {  	[tilespmem:s23], [sflag:$0x2] =	stream.indirect.gather [hbm4b:s4+s20], $0x80, s22, s20, $0xb8;
	[tilespmem:$0x1FC00] =	vst v63  }
0x15e: {  	s31 =	simm.s32 $0x1B00  }
0x15f: {  	[spmem:s2] =	stream.indirect.scatter.add.f32 [tilespmem:s23], [sflag:$0x5], $0x80, s31, s20, $0xb8;
	[tilespmem:$0x1FC00] =	vst v63  }
0x160: {  	_ =	swait.ge [sflag:s18], $0x4000  }
0x161: {  	s30 =	simm.s32 $0x800;
	[sflag:s18] =	ssyncset.done $0x0  }
.LBB2_20:
0x162: {  	p1 =	sne.s32 s30, $0x5800  }
0x163: {  	[sflag:s18] =	ssyncadd.s32 $0xFFFFC000;
	s0 =	smov.u32 s30;
	s30 =	sadd.s32 $0x800, s30  }
0x164: {  	_ = 	snop  }
0x165: {  	_ =	swait.ge [sflag:s24], $0x4000  }
0x166: {  	s0 =	sshra.s32 s0, $0x2;
	[sflag:s24] =	ssyncset.done $0x0  }
0x167: {  	s13 =	sadd.s32 $0x200, s0;
	[sflag:s24] =	ssyncadd.s32 $0xFFFFC000  }
0x168: {  	[tilespmem:s21], [sflag:$0x1] =	stream.indirect.gather [hbm4b:s4+s20], $0x80, s13, s20, $0xb8;
	[tilespmem:$0x1FC00] =	vst v63  }
0x169: {  	s13 =	sadd.s32 $0x1A00, s0  }
0x16a: {  	[spmem:s2] =	stream.indirect.scatter.add.f32 [tilespmem:s21], [sflag:$0x5], $0x80, s13, s20, $0xb8;
	[tilespmem:$0x1FC00] =	vst v63  }
0x16b: {  	_ =	swait.ge [sflag:s18], $0x4000  }
0x16c: {  	[sflag:s18] =	ssyncset.done $0x0  }
0x16d: {  	[sflag:s18] =	ssyncadd.s32 $0xFFFFC000  }
0x16e: {  	_ =	swait.ge [sflag:s25], $0x4000  }
0x16f: {  	[sflag:s25] =	ssyncset.done $0x0  }
0x170: {  	s13 =	sadd.s32 $0x300, s0;
	[sflag:s25] =	ssyncadd.s32 $0xFFFFC000  }
0x171: {  	[tilespmem:s23], [sflag:$0x2] =	stream.indirect.gather [hbm4b:s4+s20], $0x80, s13, s20, $0xb8;
	[tilespmem:$0x1FC00] =	vst v63  }
.Ltmp9:
0x172: {  	_ = 	snop;
	(pc) =	sbr.rel @p1 .LBB2_20-.Ltmp9, $4  }
0x173: {  	s0 =	sadd.s32 $0x1B00, s0  }
0x174: {  	[spmem:s2] =	stream.indirect.scatter.add.f32 [tilespmem:s23], [sflag:$0x5], $0x80, s0, s20, $0xb8;
	[tilespmem:$0x1FC00] =	vst v63  }
0x175: {  	_ =	swait.ge [sflag:s18], $0x4000  }
0x176: {  	[sflag:s18] =	ssyncset.done $0x0  }
0x177: {  	[sflag:s18] =	ssyncadd.s32 $0xFFFFC000  }
0x178: {  	_ =	swait.ge [sflag:s24], $0x4000  }
0x179: {  	[sflag:s24] =	ssyncset.done $0x0  }
0x17a: {  	[sflag:s24] =	ssyncadd.s32 $0xFFFFC000  }
0x17b: {  	[spmem:s2] =	stream.indirect.scatter.add.f32 [tilespmem:s21], [sflag:$0x5], $0x80, s26, s20, $0xb8;
	[tilespmem:$0x1FC00] =	vst v63  }
0x17c: {  	_ =	swait.ge [sflag:s18], $0x4000  }
0x17d: {  	[sflag:s18] =	ssyncset.done $0x0  }
0x17e: {  	[sflag:s18] =	ssyncadd.s32 $0xFFFFC000  }
0x17f: {  	_ =	swait.ge [sflag:s25], $0x4000  }
0x180: {  	[sflag:s25] =	ssyncset.done $0x0  }
0x181: {  	[sflag:s25] =	ssyncadd.s32 $0xFFFFC000  }
0x182: {  	[spmem:s2] =	stream.indirect.scatter.add.f32 [tilespmem:s23], [sflag:$0x5], $0x80, s28, s20, $0xb8;
	[tilespmem:$0x1FC00] =	vst v63  }
0x183: {  	_ =	swait.ge [sflag:s18], $0x4000  }
0x184: {  	[sflag:s18] =	ssyncset.done $0x0  }
0x185: {  	s0 =	simm.s32 @!p0 $0x0;
	s13 =	rddreg [dreg:$0x4];
	[sflag:s18] =	ssyncadd.s32 $0xFFFFC000  }
0x186: {  	[tilespmem:s0], [sflag:$0x5] =	stream.linear.gather @!p0 [hbm4b:s13+s0], $0x80, $0x38;
	[tilespmem:$0x1FC00] =	vst v63  }
0x187: {  	s13 =	simm.s32 @!p0 $0x5  }
0x188: {  	_ =	swait.ge @!p0 [sflag:s13], $0x80  }
0x189: {  	[sflag:s13] =	ssyncset.done @!p0 $0x0  }
0x18a: {  	s30 =	simm.s32 @!p0 $0x1A00;
	[sflag:s13] =	ssyncadd.s32 @!p0 $0xFFFFFF80  }
0x18b: {  	[tilespmem:s30], [sflag:$0x5] =	stream.linear.gather @!p0 [hbm4b:s14+s0], $0x80, $0x38;
	[tilespmem:$0x1FC00] =	vst v63  }
0x18c: {  	_ =	swait.ge @!p0 [sflag:s13], $0x80  }
0x18d: {  	[sflag:s13] =	ssyncset.done @!p0 $0x0  }
0x18e: {  	s31 =	simm.s32 @!p0 $0x80;
	s22 =	simm.s32 @!p0 $0x3400;
	[sflag:s13] =	ssyncadd.s32 @!p0 $0xFFFFFF80  }
0x18f: {  	[tilespmem:s22], [sflag:$0x5] =	stream.indirect.gather @!p0 [hbm4b:s4+s31], $0x80, s0, s31, $0xb8;
	[tilespmem:$0x1FC00] =	vst v63  }
0x190: {  	_ =	swait.ge @!p0 [sflag:s13], $0x4000  }
0x191: {  	[sflag:s13] =	ssyncset.done @!p0 $0x0  }
0x192: {  	[sflag:s13] =	ssyncadd.s32 @!p0 $0xFFFFC000  }
0x193: {  	[spmem:s2] =	stream.indirect.scatter.add.f32 @!p0 [tilespmem:s22], [sflag:$0x5], $0x80, s30, s31, $0xb8;
	[tilespmem:$0x1FC00] =	vst v63  }
0x194: {  	_ =	swait.ge @!p0 [sflag:s13], $0x4000  }
0x195: {  	s1 =	sadd.s32 $0x1, s1;
	[sflag:s13] =	ssyncset.done @!p0 $0x0  }
0x196: {  	p1 =	sne.s32 s1, s15;
	s30 =	sor.u32 $0x1C05, s10;
	[sflag:s13] =	ssyncadd.s32 @!p0 $0xFFFFC000  }
.Ltmp10:
0x197: {  	s31 =	sshrl.u32 s7, $0x3;
	[bflag:$0x0] =	sbarrier.arrive $0xFFFF;
	(pc) =	sbr.rel @p1 .LBB2_1-.Ltmp10, $4  }
0x198: {  	[hbm:s16], [sflag:s30] =	dma.local [spmem:s31], $0x2800  }
0x199: {  	_ =	swait.ge [sflag:s18], $0x2800  }
0x19a: {  	[sflag:s18] =	ssyncset.done $0x0  }
0x19b: {  	[sflag:s18] =	ssyncadd.s32 $0xFFFFD800  }
0x19c: {  	_ =	sfence.sel $0x180000  }
0x19d: {  	[bflag:$0x0] =	sbarrier.arrive $0xFFFF  }
0x19e: {  	_ =	strace $0x9000004A  }
0x19f: {  	s0 =	stileid.u32;
	[bflag:$0x2] =	sbarrier.arrive $0xFFFF  }
0x1a0: {  	p0 =	sne.s32 s0, $0x0;
	s0 =	rddreg [dreg:$0x3]  }
0x1a1: {  	s0 =	sadd.s32 @!p0 $0x100000, s0  }
0x1a2: {  	[sflag:s0] =	ssyncadd.tile.s32 @!p0 $0x1;
	_ =	shalt  }
.Lfunc_end2:
_tile_overlayer_lowered:
.L_overlay_start_2:
0x1a3: {  	(tag) =	ssettag $0x2  }
0x1a4: {  	s0 =	rddreg [dreg:$0x0];
	s2 =	stileid.u32  }
0x1a5: {  	s1 =	rddreg [dreg:$0x1];
	p0 =	sne.s32 s2, $0x0  }
0x1a6: {  	s3 =	rddreg [dreg:$0x2];
	[bflag:$0x3] =	sbarrier.arrive $0xFFFF;
	s2 =	simm.s32 @!p0 $0x1C05  }
0x1a7: {  	[timem:s3], [sflag:s2] =	dma.local @!p0 [hbm:s0], s1  }
0x1a8: {  	s0 =	simm.s32 @!p0 $0x5  }
0x1a9: {  	_ =	swait.ge @!p0 [sflag:s0], s1  }
0x1aa: {  	s1 =	ssub.s32 @!p0 $0x0, s1;
	[sflag:s0] =	ssyncset.done @!p0 $0x0  }
0x1ab: {  	[sflag:s0] =	ssyncadd.s32 @!p0 s1  }
0x1ac: {  	[bflag:$0x3] =	sbarrier.arrive $0xFFFF  }
0x1ad: {  	_ =	shalt  }

// kernel: kernel.15.cloned.1.call-start
scs
__scs_entry_jumppad:
0x0: {  	(pc) =	sbr.rel $0x88, $3  }
0x1: {  	(tag) =	ssettag $0x0;
	lr =	simm.s32 $0x1  }
0x2: {  	[smem:$0x3F99] =	sst lr;
	_ =	strace $0xD0000000  }
0x3: {  	_ = 	snop  }
0x4: {  	_ = 	snop  }
0x5: {  	_ = 	snop  }
0x6: {  	_ = 	snop  }
0x7: {  	_ = 	snop  }
__scs_overlays_trampoline_lowered:
0x8: {  	[smem:$0x3FA8] =	sst s0  }
0x9: {  	[smem:$0x3FA9] =	sst s1  }
0xa: {  	[smem:$0x3FAA] =	sst s2  }
0xb: {  	[smem:$0x3FAB] =	sst s3  }
0xc: {  	[smem:$0x3FAC] =	sst s4  }
0xd: {  	[smem:$0x3FAD] =	sst s5  }
0xe: {  	[smem:$0x3FAE] =	sst s6  }
0xf: {  	[smem:$0x3FAF] =	sst s7  }
0x10: {  	[smem:$0x3FB0] =	sst s8  }
0x11: {  	[smem:$0x3FB1] =	sst s9;
	s0 =	simm.s32 @!p0 $0x0  }
0x12: {  	s1 =	sld [smem:$0x3F97];
	s0 =	simm.s32 @p0 $0x1  }
0x13: {  	[smem:$0x3FB2] =	sst s0;
	s0 =	simm.s32 @!p1 $0x0  }
0x14: {  	s2 =	sld [smem:$0x3F96];
	s0 =	simm.s32 @p1 $0x1  }
0x15: {  	[smem:$0x3FB3] =	sst s0;
	s0 =	simm.s32 @!p2 $0x0  }
0x16: {  	s3 =	sld [smem:$0x3FDB];
	s0 =	simm.s32 @p2 $0x1  }
0x17: {  	s4 =	simm.s32 $0x1BF5;
	[smem:$0x3FB5] =	sst s0  }
0x18: {  	s0 =	sld [smem:$0x3F98];
	_ =	swait.ge [sflag:s4], $0x0  }
0x19: {  	s7 =	sld [smem:$0x3F99]  }
0x1a: {  	s8 =	sadd.s32 $0xFFFFE003, lr  }
0x1b: {  	s9 =	sadd.s32 $0xFFFFFEF7, lr;
	s5 =	simm.s32 $0xFFFFFFFF;
	p2 =	slt.u32 s8, $0xFFFFF086  }
0x1c: {  	p1 =	slt.u32 s9, $0xF7A;
	s5 =	simm.s32 @!p2 $0x0  }
0x1d: {  	s5 =	simm.s32 @p1 $0x1;
	p0 =	seq.s32 s7, s2  }
0x1e: {  	s7 =	smul.u32 @!p0 $0xF7A, s2;
	p2 =	seq.s32 @!p0 s5, $0x0  }
0x1f: {  	s9 =	smul.u32 $0xF7A, s1;
	s8 =	simm.s32 @!p0 $0x1BF5;
	p2 =	por !p2, p0  }
0x20: {  	[sflag:s8] =	ssyncset.s32 @!p0 $0xFFFFF086;
	s6 =	sadd.s32 @!p0 s3, s7;
	s7 =	simm.s32 @!p0 $0x108  }
0x21: {  	s3 =	sadd.s32 s3, s9;
	s6 =	sadd.s32 @!p0 $0x88, s6;
	s7 =	simm.s32 @p2 $0x1082  }
0x22: {  	[simem:s7], [sflag:s8] =	dma.local @!p0 [hbm:s6], $0xF7A  }
0x23: {  	s9 =	sor.u32 $0xD0000000, s2;
	s6 =	simm.s32 $0x108;
	_ =	swait.ge @!p0 [sflag:s8], $0x0  }
0x24: {  	s3 =	sadd.s32 $0x88, s3;
	s6 =	simm.s32 @!p1 $0x1082;
	[sflag:s4] =	ssyncset.s32 $0xFFFFF086  }
0x25: {  	[simem:s6], [sflag:s4] =	dma.local [hbm:s3], $0xF7A  }
0x26: {  	[smem:$0x3F99] =	sst s1;
	(tag) =	ssettag s2;
	_ =	strace s9  }
0x27: {  	s1 =	sld [smem:$0x3FA9]  }
0x28: {  	s2 =	sld [smem:$0x3FAA]  }
0x29: {  	s4 =	sld [smem:$0x3FAC]  }
0x2a: {  	p0 =	seq.s32 s5, $0x0;
	s5 =	sld [smem:$0x3FAD]  }
0x2b: {  	s6 =	sld [smem:$0x3FAE]  }
0x2c: {  	s7 =	sld [smem:$0x3FAF]  }
0x2d: {  	s3 =	simm.s32 $0x108;
	s8 =	sld [smem:$0x3FB0]  }
0x2e: {  	s3 =	simm.s32 @!p0 $0x1082;
	s9 =	sld [smem:$0x3FB1]  }
0x2f: {  	lr =	sadd.s32 s0, s3;
	s0 =	sld [smem:$0x3FA8]  }
0x30: {  	s3 =	sld [smem:$0x3FAB]  }
0x31: {  	[smem:$0x3FB4] =	sst s10  }
0x32: {  	s10 =	sld [smem:$0x3FB2];
	_ =	sdelay $0x3  }
0x33: {  	p0 =	seq.s32 s10, $0x1;
	s10 =	sld [smem:$0x3FB4];
	_ =	sdelay $0x3  }
0x34: {  	[smem:$0x3FB4] =	sst s10  }
0x35: {  	s10 =	sld [smem:$0x3FB3];
	_ =	sdelay $0x3  }
0x36: {  	p1 =	seq.s32 s10, $0x1;
	s10 =	sld [smem:$0x3FB4];
	_ =	sdelay $0x3  }
0x37: {  	[smem:$0x3FB4] =	sst s10  }
0x38: {  	s10 =	sld [smem:$0x3FB5]  }
0x39: {  	_ = 	snop;
	(pc) =	sbr.ind lr, $3  }
0x3a: {  	_ = 	snop  }
0x3b: {  	_ = 	snop  }
0x3c: {  	p2 =	seq.s32 s10, $0x1;
	s10 =	sld [smem:$0x3FB4]  }
0x3d: {  	_ =	shalt  }
0x3e: {  	_ =	shalt  }
0x3f: {  	_ =	shalt  }
0x40: {  	_ =	shalt  }
0x41: {  	_ =	shalt  }
0x42: {  	_ =	shalt  }
0x43: {  	_ =	shalt  }
0x44: {  	_ =	shalt  }
0x45: {  	_ =	shalt  }
0x46: {  	_ =	shalt  }
0x47: {  	_ =	shalt  }
0x48: {  	_ =	shalt  }
0x49: {  	_ =	shalt  }
0x4a: {  	_ =	shalt  }
0x4b: {  	_ =	shalt  }
0x4c: {  	_ =	shalt  }
0x4d: {  	_ =	shalt  }
0x4e: {  	_ =	shalt  }
0x4f: {  	_ =	shalt  }
0x50: {  	_ =	shalt  }
0x51: {  	_ =	shalt  }
0x52: {  	_ =	shalt  }
0x53: {  	_ =	shalt  }
0x54: {  	_ =	shalt  }
0x55: {  	_ =	shalt  }
0x56: {  	_ =	shalt  }
0x57: {  	_ =	shalt  }
0x58: {  	_ =	shalt  }
0x59: {  	_ =	shalt  }
0x5a: {  	_ =	shalt  }
0x5b: {  	_ =	shalt  }
0x5c: {  	_ =	shalt  }
0x5d: {  	_ =	shalt  }
0x5e: {  	_ =	shalt  }
0x5f: {  	_ =	shalt  }
0x60: {  	_ =	shalt  }
0x61: {  	_ =	shalt  }
0x62: {  	_ =	shalt  }
0x63: {  	_ =	shalt  }
0x64: {  	_ =	shalt  }
0x65: {  	_ =	shalt  }
0x66: {  	_ =	shalt  }
0x67: {  	_ =	shalt  }
0x68: {  	_ =	shalt  }
0x69: {  	_ =	shalt  }
0x6a: {  	_ =	shalt  }
0x6b: {  	_ =	shalt  }
0x6c: {  	_ =	shalt  }
0x6d: {  	_ =	shalt  }
0x6e: {  	_ =	shalt  }
0x6f: {  	_ =	shalt  }
0x70: {  	_ =	shalt  }
0x71: {  	_ =	shalt  }
0x72: {  	_ =	shalt  }
0x73: {  	_ =	shalt  }
0x74: {  	_ =	shalt  }
0x75: {  	_ =	shalt  }
0x76: {  	_ =	shalt  }
0x77: {  	_ =	shalt  }
0x78: {  	_ =	shalt  }
0x79: {  	_ =	shalt  }
0x7a: {  	_ =	shalt  }
0x7b: {  	_ =	shalt  }
0x7c: {  	_ =	shalt  }
0x7d: {  	_ =	shalt  }
0x7e: {  	_ =	shalt  }
0x7f: {  	_ =	shalt  }
0x80: {  	_ =	shalt  }
0x81: {  	_ =	shalt  }
0x82: {  	_ =	shalt  }
0x83: {  	_ =	shalt  }
0x84: {  	_ =	shalt  }
0x85: {  	_ =	shalt  }
0x86: {  	_ =	shalt  }
0x87: {  	_ =	shalt  }
.Lfunc_end0:
.L_simem_size_0:
called_computation.2_lowered:
.L_overlay_start_0:
0x88: {  	s2 =	sld [smem:$0x3FD9]  }
0x89: {  	s3 =	sld [smem:$0x3FFE];
	_ =	sdelay $0x1  }
0x8a: {  	s1 =	srdreg.scid  }
0x8b: {  	s0 =	sand.u32 $0x1, s1  }
0x8c: {  	s17 =	sshll.u32 s0, $0xA;
	s2 =	sadd.s32 s3, s2  }
0x8d: {  	s2 =	sadd.s32 s2, s17  }
0x8e: {  	[smem:$0x3FC0] =	sst s2  }
0x8f: {  	_ = 	snop  }
0x90: {  	s2 =	sld [smem:$0x3FC8];
	(tm) =	ssettm $0x1  }
0x91: {  	s18 =	sld [smem:$0x3FFB];
	_ =	sdelay $0x3  }
0x92: {  	_ =	strace s18  }
0x93: {  	s3 =	sld [smem:$0x3FFC];
	_ =	sdelay $0x3  }
0x94: {  	_ =	strace s3  }
0x95: {  	s3 =	sld [smem:$0x3FFD];
	_ =	sdelay $0x3  }
0x96: {  	_ =	strace s3  }
0x97: {  	_ =	strace $0x8FFFFFFF  }
0x98: {  	s19 =	sld [smem:$0x3FDB];
	_ =	sdelay $0x1  }
0x99: {  	s4 =	simm.s32 $_scs_section_size  }
0x9a: {  	s5 =	simm.s32 $_size__tile_overlayer_lowered;
	s6 =	simm.s32 $_tile_overlayer_lowered  }
0x9b: {  	s22 =	simm.s32 $0x1BFF;
	s21 =	sshll.u32 s6, $0x1;
	s3 =	sadd.s32 s4, s19  }
0x9c: {  	s7 =	simm.s32 $0x0;
	s20 =	sshll.u32 s5, $0x1;
	s5 =	sadd.s32 s21, s3  }
0x9d: {  	[timem:s7], [sflag:s22] =	dma.local [hbm:s5], s20  }
0x9e: {  	_ =	swait.ge [sflag:s22], s20  }
0x9f: {  	s4 =	ssub.s32 $0x0, s20;
	[sflag:s22] =	ssyncset.done $0x0  }
0xa0: {  	[sflag:s22] =	ssyncadd.s32 s4;
	_ =	sdelay $0x1  }
0xa1: {  	s23 =	simm.s32 $0x1B8B  }
0xa2: {  	_ =	swait.ge [sflag:s23], $0x1  }
0xa3: {  	[sflag:s23] =	ssyncset.done $0x0  }
0xa4: {  	s25 =	simm.s32 $0x1B8E;
	s24 =	sld [smem:$0x3FFE];
	[sflag:s23] =	ssyncadd.s32 $0xFFFFFFFF  }
0xa5: {  	s26 =	simm.s32 $execute0_lowered;
	[smem:$0x3FD2] =	sst s25  }
0xa6: {  	s5 =	sshll.u32 s26, $0x1;
	_ =	strace $0x8000004C;
	[dreg:$0x1] =	wrdreg $0xFFFFFFFF  }
0xa7: {  	s28 =	simm.s32 $_size_execute0_lowered;
	s3 =	sadd.s32 s3, s5;
	[dreg:$0x0] =	wrdreg $0x0  }
0xa8: {  	s5 =	sshll.u32 s28, $0x1;
	[dreg:$0x2] =	wrdreg s3  }
0xa9: {  	[dreg:$0x3] =	wrdreg s5  }
0xaa: {  	[dreg:$0x4] =	wrdreg $0xC0  }
0xab: {  	_ =	task [dreg:s7], $0x5FFFF  }
0xac: {  	[dreg:$0x1] =	wrdreg $0xFFFFFFFF  }
0xad: {  	[dreg:$0x0] =	wrdreg $0x60  }
0xae: {  	[dreg:$0x2] =	wrdreg s2  }
0xaf: {  	[dreg:$0x3] =	wrdreg s24  }
0xb0: {  	[dreg:$0x4] =	wrdreg $0xBC000  }
0xb1: {  	[dreg:$0x5] =	wrdreg $0x9  }
0xb2: {  	_ =	task.clear_ibuf [dreg:s7], $0x6FFFF;
	_ =	strace $0x9000004C  }
0xb3: {  	s29 =	simm.s32 $0x9;
	_ =	strace $0x8000004E  }
0xb4: {  	_ =	swait.ge [sflag:s29], $0x1  }
0xb5: {  	[sflag:s29] =	ssyncadd.s32 $0xFFFFFFFF  }
0xb6: {  	_ =	strace $0x9000004E  }
0xb7: {  	_ =	sfence  }
0xb8: {  	s30 =	sld [smem:$0x0];
	_ =	sdelay $0x2  }
0xb9: {  	s31 =	sshll.u32 s1, $0xD;
	s1 =	sshrl.u32 s1, $0x2  }
0xba: {  	s3 =	sand.u32 $0x4000, s31;
	s1 =	sadd.s32 s1, s30  }
0xbb: {  	s0 =	sor.u32 s3, s0;
	s1 =	sshll.u32 s1, $0x11  }
0xbc: {  	s0 =	sor.u32 s1, s0  }
0xbd: {  	s0 =	sadd.s32 $0x8F2B, s0  }
0xbe: {  	[sflag:s0] =	ssyncadd.remote.s32 $0x1  }
0xbf: {  	_ =	sfence.sel $0xFFFF  }
0xc0: {  	[dreg:$0x0] =	wrdreg $0xFFFFFFFF;
	(pc) =	sbr.abs _section_cstart, $3  }
0xc1: {  	[dreg:$0x1] =	wrdreg $0xFFFFFFFF  }
0xc2: {  	_ =	task.clear_ibuf [dreg:s7], $0x2FFFF;
	_ =	strace $0x9FFFFFFF  }
0xc3: {  	(tm) =	ssettm $0x7FFFFFFF  }
tec
execute0_lowered:
.L_overlay_start_1:
0x0: {  	(tag) =	ssettag $0x1  }
0x1: {  	s0 =	rddreg [dreg:$0x0]  }
0x2: {  	s1 =	srdreg.scid;
	s13 =	rddreg [dreg:$0x1]  }
0x3: {  	s2 =	rddreg [dreg:$0x2];
	s22 =	stileid.u32  }
0x4: {  	s3 =	simm.s32 $0x0;
	s17 =	simm.s32 $0xB400;
	s18 =	simm.s32 $0x5  }
0x5: {  	s19 =	simm.s32 $0x3;
	s20 =	simm.s32 $0x80;
	s21 =	simm.s32 $0x3400  }
0x6: {  	s23 =	simm.s32 $0x7400;
	s24 =	simm.s32 $0x1;
	s25 =	simm.s32 $0x2  }
0x7: {  	s26 =	simm.s32 $0x3200;
	s28 =	simm.s32 $0x3300;
	s29 =	simm.s32 $0x4  }
0x8: {  	s1 =	sand.u32 $0x1, s1;
	[smem:$0x7FF] =	sst s3;
	s7 =	smul.u32 $0x50000, s22  }
0x9: {  	s10 =	sshll.u32 s22, $0x6;
	s16 =	smul.u32 $0x2800, s22;
	s4 =	sshll.u32 s1, $0x4  }
0xa: {  	_ =	strace $0x8000004D;
	s6 =	ssub.s32 $0x2, s1;
	s14 =	sshll.u32 s1, $0x5  }
0xb: {  	p0 =	seq.s32 s1, $0x1;
	s1 =	simm.s32 $0x7BA00;
	s4 =	sor.u32 s22, s4  }
0xc: {  	s8 =	sshrl.u32 s6, $0x1;
	s7 =	sshrl.u32 s7, $0x2;
	s14 =	sor.u32 s14, s10  }
0xd: {  	s1 =	simm.s32 @!p0 $0x53A00;
	p0 =	sgt.u32 s22, $0x1;
	s5 =	smul.u32 $0x4E00, s4  }
0xe: {  	s4 =	sadd.s32 $0x3A00, s13;
	s15 =	ssub.s32 s6, s8;
	s7 =	sadd.s32 s7, s2  }
0xf: {  	s31 =	sadd.s32 s1, s13;
	s1 =	simm.s32 $0x0;
	s5 =	sshrl.u32 s5, $0x3  }
0x10: {  	s15 =	smax.u32 s15, $0x1;
	s16 =	sadd.s32 s31, s16;
	s5 =	sadd.s32 s0, s5  }
0x11: {  	s0 =	sadd.s32 s14, s0;
	s6 =	sadd.s32 $0x10, s5;
	s8 =	sadd.s32 $0x340, s5  }
0x12: {  	s9 =	sadd.s32 $0x350, s5;
	s11 =	sadd.s32 $0x680, s5;
	s14 =	sadd.s32 $0x13800, s0  }
0x13: {  	v0 =	vimm.f32 $0.0e+00;
	s12 =	sadd.s32 $0x690, s5;
	[dreg:$0x4] =	wrdreg s14;
	s14 =	sadd.s32 $0x13810, s0  }
.LBB2_1:
0x14: {  	s30 =	simm.s32 $0x20  }
0x15: {  	s13 =	sadd.s32 $0x0, s5;
	s31 =	simm.s32 $0x100;
	s0 =	simm.s32 $0x0  }
.LBB2_2:
0x16: {  	[tilespmem:s0], [sflag:$0x3] =	stream.linear.gather [hbm4b:s13+s3], $0x80, $0x38;
	[tilespmem:$0x1FC00] =	vst v63  }
0x17: {  	s13 =	smov.u32 s30;
	s0 =	smov.u32 s31;
	p1 =	sne.s32 s30, $0x320  }
.Ltmp0:
0x18: {  	s30 =	sadd.s32 $0x20, s30;
	(pc) =	sbr.rel @p1 .LBB2_2-.Ltmp0, $2  }
0x19: {  	_ =	sdelay $0x2  }
0x1a: {  	s31 =	sadd.s32 $0x100, s31;
	s13 =	sadd.s32 s13, s5  }
0x1b: {  	[tilespmem:s0], [sflag:$0x3] =	stream.linear.gather [hbm4b:s13+s3], $0x80, $0x38;
	[tilespmem:$0x1FC00] =	vst v63  }
0x1c: {  	s30 =	simm.s32 $0x1A00  }
0x1d: {  	s31 =	simm.s32 $0x20;
	s13 =	sadd.s32 $0x0, s6;
	s0 =	simm.s32 $0x1B00  }
.LBB2_4:
0x1e: {  	[tilespmem:s30], [sflag:$0x3] =	stream.linear.gather [hbm4b:s13+s3], $0x80, $0x38;
	[tilespmem:$0x1FC00] =	vst v63  }
0x1f: {  	s13 =	smov.u32 s31;
	s30 =	smov.u32 s0;
	p1 =	sne.s32 s31, $0x320  }
.Ltmp1:
0x20: {  	s31 =	sadd.s32 $0x20, s31;
	(pc) =	sbr.rel @p1 .LBB2_4-.Ltmp1, $2  }
0x21: {  	_ =	sdelay $0x2  }
0x22: {  	s0 =	sadd.s32 $0x100, s0;
	s13 =	sadd.s32 s13, s6  }
0x23: {  	[tilespmem:s30], [sflag:$0x3] =	stream.linear.gather [hbm4b:s13+s3], $0x80, $0x38;
	[tilespmem:$0x1FC00] =	vst v63  }
0x24: {  	[tilespmem:$0xB400] =	vst v0  }
0x25: {  	[tilespmem:$0xB410] =	vst v0  }
0x26: {  	[tilespmem:$0xB420] =	vst v0  }
0x27: {  	[tilespmem:$0xB430] =	vst v0  }
0x28: {  	[tilespmem:$0xB440] =	vst v0  }
0x29: {  	[tilespmem:$0xB450] =	vst v0  }
0x2a: {  	[tilespmem:$0xB460] =	vst v0  }
0x2b: {  	[tilespmem:$0xB470] =	vst v0  }
0x2c: {  	[tilespmem:$0xB480] =	vst v0  }
0x2d: {  	[tilespmem:$0xB490] =	vst v0  }
0x2e: {  	[tilespmem:$0xB4A0] =	vst v0  }
0x2f: {  	[tilespmem:$0xB4B0] =	vst v0  }
0x30: {  	[tilespmem:$0xB4C0] =	vst v0  }
0x31: {  	[tilespmem:$0xB4D0] =	vst v0  }
0x32: {  	[tilespmem:$0xB4E0] =	vst v0  }
0x33: {  	[tilespmem:$0xB4F0] =	vst v0  }
0x34: {  	[tilespmem:$0xB500] =	vst v0  }
0x35: {  	[tilespmem:$0xB510] =	vst v0  }
0x36: {  	[tilespmem:$0xB520] =	vst v0  }
0x37: {  	[tilespmem:$0xB530] =	vst v0  }
0x38: {  	[tilespmem:$0xB540] =	vst v0  }
0x39: {  	[tilespmem:$0xB550] =	vst v0  }
0x3a: {  	[tilespmem:$0xB560] =	vst v0  }
0x3b: {  	[tilespmem:$0xB570] =	vst v0  }
0x3c: {  	[tilespmem:$0xB580] =	vst v0  }
0x3d: {  	[tilespmem:$0xB590] =	vst v0  }
0x3e: {  	[tilespmem:$0xB5A0] =	vst v0  }
0x3f: {  	[tilespmem:$0xB5B0] =	vst v0  }
0x40: {  	[tilespmem:$0xB5C0] =	vst v0  }
0x41: {  	[tilespmem:$0xB5D0] =	vst v0  }
0x42: {  	[tilespmem:$0xB5E0] =	vst v0  }
0x43: {  	[tilespmem:$0xB5F0] =	vst v0  }
0x44: {  	[tilespmem:$0xB600] =	vst v0  }
0x45: {  	[tilespmem:$0xB610] =	vst v0  }
0x46: {  	[tilespmem:$0xB620] =	vst v0  }
0x47: {  	[tilespmem:$0xB630] =	vst v0  }
0x48: {  	[tilespmem:$0xB640] =	vst v0  }
0x49: {  	[tilespmem:$0xB650] =	vst v0  }
0x4a: {  	[tilespmem:$0xB660] =	vst v0  }
0x4b: {  	[tilespmem:$0xB670] =	vst v0  }
0x4c: {  	[tilespmem:$0xB680] =	vst v0  }
0x4d: {  	[tilespmem:$0xB690] =	vst v0  }
0x4e: {  	[tilespmem:$0xB6A0] =	vst v0  }
0x4f: {  	[tilespmem:$0xB6B0] =	vst v0  }
0x50: {  	[tilespmem:$0xB6C0] =	vst v0  }
0x51: {  	[tilespmem:$0xB6D0] =	vst v0  }
0x52: {  	[tilespmem:$0xB6E0] =	vst v0  }
0x53: {  	[tilespmem:$0xB6F0] =	vst v0  }
0x54: {  	[tilespmem:$0xB700] =	vst v0  }
0x55: {  	[tilespmem:$0xB710] =	vst v0  }
0x56: {  	[tilespmem:$0xB720] =	vst v0  }
0x57: {  	[tilespmem:$0xB730] =	vst v0  }
0x58: {  	[tilespmem:$0xB740] =	vst v0  }
0x59: {  	[tilespmem:$0xB750] =	vst v0  }
0x5a: {  	[tilespmem:$0xB760] =	vst v0  }
0x5b: {  	[tilespmem:$0xB770] =	vst v0  }
0x5c: {  	[tilespmem:$0xB780] =	vst v0  }
0x5d: {  	[tilespmem:$0xB790] =	vst v0  }
0x5e: {  	[tilespmem:$0xB7A0] =	vst v0  }
0x5f: {  	[tilespmem:$0xB7B0] =	vst v0  }
0x60: {  	[tilespmem:$0xB7C0] =	vst v0  }
0x61: {  	[tilespmem:$0xB7D0] =	vst v0  }
0x62: {  	[tilespmem:$0xB7E0] =	vst v0  }
0x63: {  	[tilespmem:$0xB7F0] =	vst v0  }
0x64: {  	[tilespmem:$0xB800] =	vst v0  }
0x65: {  	[tilespmem:$0xB810] =	vst v0  }
0x66: {  	[tilespmem:$0xB820] =	vst v0  }
0x67: {  	[tilespmem:$0xB830] =	vst v0  }
0x68: {  	[tilespmem:$0xB840] =	vst v0  }
0x69: {  	[tilespmem:$0xB850] =	vst v0  }
0x6a: {  	[tilespmem:$0xB860] =	vst v0  }
0x6b: {  	[tilespmem:$0xB870] =	vst v0  }
0x6c: {  	[tilespmem:$0xB880] =	vst v0  }
0x6d: {  	[tilespmem:$0xB890] =	vst v0  }
0x6e: {  	[tilespmem:$0xB8A0] =	vst v0  }
0x6f: {  	[tilespmem:$0xB8B0] =	vst v0  }
0x70: {  	[tilespmem:$0xB8C0] =	vst v0  }
0x71: {  	[tilespmem:$0xB8D0] =	vst v0  }
0x72: {  	[tilespmem:$0xB8E0] =	vst v0  }
0x73: {  	[tilespmem:$0xB8F0] =	vst v0  }
0x74: {  	[tilespmem:$0xB900] =	vst v0  }
0x75: {  	[tilespmem:$0xB910] =	vst v0  }
0x76: {  	[tilespmem:$0xB920] =	vst v0  }
0x77: {  	[tilespmem:$0xB930] =	vst v0  }
0x78: {  	[tilespmem:$0xB940] =	vst v0  }
0x79: {  	[tilespmem:$0xB950] =	vst v0  }
0x7a: {  	[tilespmem:$0xB960] =	vst v0  }
0x7b: {  	[tilespmem:$0xB970] =	vst v0  }
0x7c: {  	[tilespmem:$0xB980] =	vst v0  }
0x7d: {  	[tilespmem:$0xB990] =	vst v0  }
0x7e: {  	[tilespmem:$0xB9A0] =	vst v0  }
0x7f: {  	[tilespmem:$0xB9B0] =	vst v0  }
0x80: {  	[tilespmem:$0xB9C0] =	vst v0  }
0x81: {  	[tilespmem:$0xB9D0] =	vst v0  }
0x82: {  	[tilespmem:$0xB9E0] =	vst v0  }
0x83: {  	[tilespmem:$0xB9F0] =	vst v0  }
0x84: {  	[tilespmem:$0xBA00] =	vst v0  }
0x85: {  	[tilespmem:$0xBA10] =	vst v0  }
0x86: {  	[tilespmem:$0xBA20] =	vst v0  }
0x87: {  	[tilespmem:$0xBA30] =	vst v0  }
0x88: {  	[tilespmem:$0xBA40] =	vst v0  }
0x89: {  	[tilespmem:$0xBA50] =	vst v0  }
0x8a: {  	[tilespmem:$0xBA60] =	vst v0  }
0x8b: {  	[tilespmem:$0xBA70] =	vst v0  }
0x8c: {  	[tilespmem:$0xBA80] =	vst v0  }
0x8d: {  	[tilespmem:$0xBA90] =	vst v0  }
0x8e: {  	[tilespmem:$0xBAA0] =	vst v0  }
0x8f: {  	[tilespmem:$0xBAB0] =	vst v0  }
0x90: {  	[tilespmem:$0xBAC0] =	vst v0  }
0x91: {  	[tilespmem:$0xBAD0] =	vst v0  }
0x92: {  	[tilespmem:$0xBAE0] =	vst v0  }
0x93: {  	[tilespmem:$0xBAF0] =	vst v0  }
0x94: {  	[tilespmem:$0xBB00] =	vst v0  }
0x95: {  	[tilespmem:$0xBB10] =	vst v0  }
0x96: {  	[tilespmem:$0xBB20] =	vst v0  }
0x97: {  	[tilespmem:$0xBB30] =	vst v0  }
0x98: {  	[tilespmem:$0xBB40] =	vst v0  }
0x99: {  	[tilespmem:$0xBB50] =	vst v0  }
0x9a: {  	[tilespmem:$0xBB60] =	vst v0  }
0x9b: {  	[tilespmem:$0xBB70] =	vst v0  }
0x9c: {  	[tilespmem:$0xBB80] =	vst v0  }
0x9d: {  	[tilespmem:$0xBB90] =	vst v0  }
0x9e: {  	[tilespmem:$0xBBA0] =	vst v0  }
0x9f: {  	[tilespmem:$0xBBB0] =	vst v0  }
0xa0: {  	[tilespmem:$0xBBC0] =	vst v0  }
0xa1: {  	[tilespmem:$0xBBD0] =	vst v0  }
0xa2: {  	[tilespmem:$0xBBE0] =	vst v0  }
0xa3: {  	s0 =	sadd.s32 $0x0, s7;
	[tilespmem:$0xBBF0] =	vst v0  }
0xa4: {  	[spmem:s0] =	stream.linear.scatter [tilespmem:s17], [sflag:$0x5], $0x800, $0x38;
	[tilespmem:$0x1FC00] =	vst v63  }
0xa5: {  	s30 =	simm.s32 $0x2000;
	_ =	swait.ge [sflag:s18], $0x800  }
.LBB2_6:
0xa6: {  	s0 =	sshra.s32 s30, $0x2;
	[sflag:s18] =	ssyncset.done $0x0;
	p1 =	sne.s32 s30, $0x4E000  }
.Ltmp2:
0xa7: {  	s0 =	sadd.s32 s0, s7;
	[sflag:s18] =	ssyncadd.s32 $0xFFFFF800;
	(pc) =	sbr.rel @p1 .LBB2_6-.Ltmp2, $3  }
0xa8: {  	[spmem:s0] =	stream.linear.scatter [tilespmem:s17], [sflag:$0x5], $0x800, $0x38;
	[tilespmem:$0x1FC00] =	vst v63  }
0xa9: {  	s30 =	sadd.s32 $0x2000, s30;
	_ =	sdelay $0x1  }
0xaa: {  	_ =	swait.ge [sflag:s18], $0x800  }
0xab: {  	[sflag:s18] =	ssyncset.done $0x0  }
0xac: {  	[sflag:s18] =	ssyncadd.s32 $0xFFFFF800  }
0xad: {  	[bflag:$0x0] =	sbarrier.arrive $0xFFFF  }
0xae: {  	_ =	swait.ge [sflag:s19], $0xD00  }
0xaf: {  	[sflag:s19] =	ssyncset.done $0x0  }
0xb0: {  	[sflag:s19] =	ssyncadd.s32 $0xFFFFF300  }
0xb1: {  	_ =	swait.ge [sflag:s19], $0xD00  }
0xb2: {  	s30 =	simm.s32 $0x80;
	s31 =	simm.s32 $0x20;
	[sflag:s19] =	ssyncset.done $0x0  }
0xb3: {  	s13 =	sadd.s32 $0x0, s8;
	s0 =	simm.s32 $0x180;
	[sflag:s19] =	ssyncadd.s32 $0xFFFFF300  }
.LBB2_8:
0xb4: {  	[tilespmem:s30], [sflag:$0x4] =	stream.linear.gather [hbm4b:s13+s3], $0x80, $0x38;
	[tilespmem:$0x1FC00] =	vst v63  }
0xb5: {  	s13 =	smov.u32 s31;
	s30 =	smov.u32 s0;
	p1 =	sne.s32 s31, $0x320  }
.Ltmp3:
0xb6: {  	s31 =	sadd.s32 $0x20, s31;
	(pc) =	sbr.rel @p1 .LBB2_8-.Ltmp3, $2  }
0xb7: {  	_ =	sdelay $0x2  }
0xb8: {  	s0 =	sadd.s32 $0x100, s0;
	s13 =	sadd.s32 s13, s8  }
0xb9: {  	[tilespmem:s30], [sflag:$0x4] =	stream.linear.gather [hbm4b:s13+s3], $0x80, $0x38;
	[tilespmem:$0x1FC00] =	vst v63  }
0xba: {  	s30 =	simm.s32 $0x1A80  }
0xbb: {  	s31 =	simm.s32 $0x20;
	s13 =	sadd.s32 $0x0, s9;
	s0 =	simm.s32 $0x1B80  }
.LBB2_10:
0xbc: {  	[tilespmem:s30], [sflag:$0x4] =	stream.linear.gather [hbm4b:s13+s3], $0x80, $0x38;
	[tilespmem:$0x1FC00] =	vst v63  }
0xbd: {  	s13 =	smov.u32 s31;
	s30 =	smov.u32 s0;
	p1 =	sne.s32 s31, $0x320  }
.Ltmp4:
0xbe: {  	s31 =	sadd.s32 $0x20, s31;
	(pc) =	sbr.rel @p1 .LBB2_10-.Ltmp4, $2  }
0xbf: {  	_ =	sdelay $0x2  }
0xc0: {  	s0 =	sadd.s32 $0x100, s0;
	s13 =	sadd.s32 s13, s9  }
0xc1: {  	[tilespmem:s30], [sflag:$0x4] =	stream.linear.gather [hbm4b:s13+s3], $0x80, $0x38;
	[tilespmem:$0x1FC00] =	vst v63  }
0xc2: {  	s0 =	simm.s32 $0x0  }
0xc3: {  	[tilespmem:s21], [sflag:$0x1] =	stream.indirect.gather [hbm4b:s4+s20], $0x80, s0, s20, $0xb8;
	[tilespmem:$0x1FC00] =	vst v63  }
0xc4: {  	s22 =	simm.s32 $0x100  }
0xc5: {  	[tilespmem:s23], [sflag:$0x2] =	stream.indirect.gather [hbm4b:s4+s20], $0x80, s22, s20, $0xb8;
	[tilespmem:$0x1FC00] =	vst v63  }
0xc6: {  	_ =	swait.ge [sflag:s24], $0x4000  }
0xc7: {  	[sflag:s24] =	ssyncset.done $0x0  }
0xc8: {  	s31 =	simm.s32 $0x200;
	[sflag:s24] =	ssyncadd.s32 $0xFFFFC000  }
0xc9: {  	[tilespmem:s21], [sflag:$0x1] =	stream.indirect.gather [hbm4b:s4+s20], $0x80, s31, s20, $0xb8;
	[tilespmem:$0x1FC00] =	vst v63  }
0xca: {  	s13 =	simm.s32 $0x1A00  }
0xcb: {  	[spmem:s2] =	stream.indirect.scatter.add.f32 [tilespmem:s21], [sflag:$0x5], $0x80, s13, s20, $0xb8;
	[tilespmem:$0x1FC00] =	vst v63  }
0xcc: {  	_ =	swait.ge [sflag:s18], $0x4000  }
0xcd: {  	[sflag:s18] =	ssyncset.done $0x0  }
0xce: {  	[sflag:s18] =	ssyncadd.s32 $0xFFFFC000  }
0xcf: {  	_ =	swait.ge [sflag:s25], $0x4000  }
0xd0: {  	[sflag:s25] =	ssyncset.done $0x0  }
0xd1: {  	s22 =	simm.s32 $0x300;
	[sflag:s25] =	ssyncadd.s32 $0xFFFFC000  }
0xd2: {  	[tilespmem:s23], [sflag:$0x2] =	stream.indirect.gather [hbm4b:s4+s20], $0x80, s22, s20, $0xb8;
	[tilespmem:$0x1FC00] =	vst v63  }
0xd3: {  	s31 =	simm.s32 $0x1B00  }
0xd4: {  	[spmem:s2] =	stream.indirect.scatter.add.f32 [tilespmem:s23], [sflag:$0x5], $0x80, s31, s20, $0xb8;
	[tilespmem:$0x1FC00] =	vst v63  }
0xd5: {  	_ =	swait.ge [sflag:s18], $0x4000  }
0xd6: {  	s30 =	simm.s32 $0x800;
	[sflag:s18] =	ssyncset.done $0x0  }
.LBB2_12:
0xd7: {  	p1 =	sne.s32 s30, $0x5800  }
0xd8: {  	[sflag:s18] =	ssyncadd.s32 $0xFFFFC000;
	s0 =	smov.u32 s30;
	s30 =	sadd.s32 $0x800, s30  }
0xd9: {  	_ = 	snop  }
0xda: {  	_ =	swait.ge [sflag:s24], $0x4000  }
0xdb: {  	s0 =	sshra.s32 s0, $0x2;
	[sflag:s24] =	ssyncset.done $0x0  }
0xdc: {  	s13 =	sadd.s32 $0x200, s0;
	[sflag:s24] =	ssyncadd.s32 $0xFFFFC000  }
0xdd: {  	[tilespmem:s21], [sflag:$0x1] =	stream.indirect.gather [hbm4b:s4+s20], $0x80, s13, s20, $0xb8;
	[tilespmem:$0x1FC00] =	vst v63  }
0xde: {  	s13 =	sadd.s32 $0x1A00, s0  }
0xdf: {  	[spmem:s2] =	stream.indirect.scatter.add.f32 [tilespmem:s21], [sflag:$0x5], $0x80, s13, s20, $0xb8;
	[tilespmem:$0x1FC00] =	vst v63  }
0xe0: {  	_ =	swait.ge [sflag:s18], $0x4000  }
0xe1: {  	[sflag:s18] =	ssyncset.done $0x0  }
0xe2: {  	[sflag:s18] =	ssyncadd.s32 $0xFFFFC000  }
0xe3: {  	_ =	swait.ge [sflag:s25], $0x4000  }
0xe4: {  	[sflag:s25] =	ssyncset.done $0x0  }
0xe5: {  	s13 =	sadd.s32 $0x300, s0;
	[sflag:s25] =	ssyncadd.s32 $0xFFFFC000  }
0xe6: {  	[tilespmem:s23], [sflag:$0x2] =	stream.indirect.gather [hbm4b:s4+s20], $0x80, s13, s20, $0xb8;
	[tilespmem:$0x1FC00] =	vst v63  }
.Ltmp5:
0xe7: {  	_ = 	snop;
	(pc) =	sbr.rel @p1 .LBB2_12-.Ltmp5, $4  }
0xe8: {  	s0 =	sadd.s32 $0x1B00, s0  }
0xe9: {  	[spmem:s2] =	stream.indirect.scatter.add.f32 [tilespmem:s23], [sflag:$0x5], $0x80, s0, s20, $0xb8;
	[tilespmem:$0x1FC00] =	vst v63  }
0xea: {  	_ =	swait.ge [sflag:s18], $0x4000  }
0xeb: {  	[sflag:s18] =	ssyncset.done $0x0  }
0xec: {  	[sflag:s18] =	ssyncadd.s32 $0xFFFFC000  }
0xed: {  	_ =	swait.ge [sflag:s24], $0x4000  }
0xee: {  	[sflag:s24] =	ssyncset.done $0x0  }
0xef: {  	[sflag:s24] =	ssyncadd.s32 $0xFFFFC000  }
0xf0: {  	[spmem:s2] =	stream.indirect.scatter.add.f32 [tilespmem:s21], [sflag:$0x5], $0x80, s26, s20, $0xb8;
	[tilespmem:$0x1FC00] =	vst v63  }
0xf1: {  	_ =	swait.ge [sflag:s18], $0x4000  }
0xf2: {  	[sflag:s18] =	ssyncset.done $0x0  }
0xf3: {  	[sflag:s18] =	ssyncadd.s32 $0xFFFFC000  }
0xf4: {  	_ =	swait.ge [sflag:s25], $0x4000  }
0xf5: {  	[sflag:s25] =	ssyncset.done $0x0  }
0xf6: {  	[sflag:s25] =	ssyncadd.s32 $0xFFFFC000  }
0xf7: {  	[spmem:s2] =	stream.indirect.scatter.add.f32 [tilespmem:s23], [sflag:$0x5], $0x80, s28, s20, $0xb8;
	[tilespmem:$0x1FC00] =	vst v63  }
0xf8: {  	_ =	swait.ge [sflag:s18], $0x4000  }
0xf9: {  	[sflag:s18] =	ssyncset.done $0x0  }
0xfa: {  	[sflag:s18] =	ssyncadd.s32 $0xFFFFC000  }
0xfb: {  	_ =	swait.ge [sflag:s29], $0xD00  }
0xfc: {  	[sflag:s29] =	ssyncset.done $0x0  }
0xfd: {  	[sflag:s29] =	ssyncadd.s32 $0xFFFFF300  }
0xfe: {  	_ =	swait.ge [sflag:s29], $0xD00  }
0xff: {  	s30 =	simm.s32 $0x0;
	s31 =	simm.s32 $0x20;
	[sflag:s29] =	ssyncset.done $0x0  }
0x100: {  	s13 =	sadd.s32 $0x0, s11;
	s0 =	simm.s32 $0x100;
	[sflag:s29] =	ssyncadd.s32 $0xFFFFF300  }
.LBB2_14:
0x101: {  	[tilespmem:s30], [sflag:$0x3] =	stream.linear.gather [hbm4b:s13+s3], $0x80, $0x38;
	[tilespmem:$0x1FC00] =	vst v63  }
0x102: {  	s13 =	smov.u32 s31;
	s30 =	smov.u32 s0;
	p1 =	sne.s32 s31, $0x320  }
.Ltmp6:
0x103: {  	s31 =	sadd.s32 $0x20, s31;
	(pc) =	sbr.rel @p1 .LBB2_14-.Ltmp6, $2  }
0x104: {  	_ =	sdelay $0x2  }
0x105: {  	s0 =	sadd.s32 $0x100, s0;
	s13 =	sadd.s32 s13, s11  }
0x106: {  	[tilespmem:s30], [sflag:$0x3] =	stream.linear.gather [hbm4b:s13+s3], $0x80, $0x38;
	[tilespmem:$0x1FC00] =	vst v63  }
0x107: {  	s30 =	simm.s32 $0x1A00  }
0x108: {  	s31 =	simm.s32 $0x20;
	s13 =	sadd.s32 $0x0, s12;
	s0 =	simm.s32 $0x1B00  }
.LBB2_16:
0x109: {  	[tilespmem:s30], [sflag:$0x3] =	stream.linear.gather [hbm4b:s13+s3], $0x80, $0x38;
	[tilespmem:$0x1FC00] =	vst v63  }
0x10a: {  	s13 =	smov.u32 s31;
	s30 =	smov.u32 s0;
	p1 =	sne.s32 s31, $0x320  }
.Ltmp7:
0x10b: {  	s31 =	sadd.s32 $0x20, s31;
	(pc) =	sbr.rel @p1 .LBB2_16-.Ltmp7, $2  }
0x10c: {  	_ =	sdelay $0x2  }
0x10d: {  	s0 =	sadd.s32 $0x100, s0;
	s13 =	sadd.s32 s13, s12  }
0x10e: {  	[tilespmem:s30], [sflag:$0x3] =	stream.linear.gather [hbm4b:s13+s3], $0x80, $0x38;
	[tilespmem:$0x1FC00] =	vst v63  }
0x10f: {  	_ = 	snop  }
0x110: {  	[tilespmem:s21], [sflag:$0x1] =	stream.indirect.gather [hbm4b:s4+s20], $0x80, s20, s20, $0xb8;
	[tilespmem:$0x1FC00] =	vst v63  }
0x111: {  	s0 =	simm.s32 $0x180  }
0x112: {  	[tilespmem:s23], [sflag:$0x2] =	stream.indirect.gather [hbm4b:s4+s20], $0x80, s0, s20, $0xb8;
	[tilespmem:$0x1FC00] =	vst v63  }
0x113: {  	_ =	swait.ge [sflag:s24], $0x4000  }
0x114: {  	[sflag:s24] =	ssyncset.done $0x0  }
0x115: {  	s31 =	simm.s32 $0x280;
	[sflag:s24] =	ssyncadd.s32 $0xFFFFC000  }
0x116: {  	[tilespmem:s21], [sflag:$0x1] =	stream.indirect.gather [hbm4b:s4+s20], $0x80, s31, s20, $0xb8;
	[tilespmem:$0x1FC00] =	vst v63  }
0x117: {  	s13 =	simm.s32 $0x1A80  }
0x118: {  	[spmem:s2] =	stream.indirect.scatter.add.f32 [tilespmem:s21], [sflag:$0x5], $0x80, s13, s20, $0xb8;
	[tilespmem:$0x1FC00] =	vst v63  }
0x119: {  	_ =	swait.ge [sflag:s18], $0x4000  }
0x11a: {  	[sflag:s18] =	ssyncset.done $0x0  }
0x11b: {  	[sflag:s18] =	ssyncadd.s32 $0xFFFFC000  }
0x11c: {  	_ =	swait.ge [sflag:s25], $0x4000  }
0x11d: {  	[sflag:s25] =	ssyncset.done $0x0  }
0x11e: {  	s22 =	simm.s32 $0x380;
	[sflag:s25] =	ssyncadd.s32 $0xFFFFC000  }
0x11f: {  	[tilespmem:s23], [sflag:$0x2] =	stream.indirect.gather [hbm4b:s4+s20], $0x80, s22, s20, $0xb8;
	[tilespmem:$0x1FC00] =	vst v63  }
0x120: {  	s31 =	simm.s32 $0x1B80  }
0x121: {  	[spmem:s2] =	stream.indirect.scatter.add.f32 [tilespmem:s23], [sflag:$0x5], $0x80, s31, s20, $0xb8;
	[tilespmem:$0x1FC00] =	vst v63  }
0x122: {  	_ =	swait.ge [sflag:s18], $0x4000  }
0x123: {  	s30 =	simm.s32 $0xFFFFA800;
	[sflag:s18] =	ssyncset.done $0x0  }
.LBB2_18:
0x124: {  	p1 =	sne.s32 s30, $0xFFFFF800  }
0x125: {  	[sflag:s18] =	ssyncadd.s32 $0xFFFFC000;
	s0 =	smov.u32 s30;
	s30 =	sadd.s32 $0x800, s30  }
0x126: {  	_ = 	snop  }
0x127: {  	_ =	swait.ge [sflag:s24], $0x4000  }
0x128: {  	s0 =	sshra.s32 s0, $0x2;
	[sflag:s24] =	ssyncset.done $0x0  }
0x129: {  	s13 =	sadd.s32 $0x1A80, s0;
	[sflag:s24] =	ssyncadd.s32 $0xFFFFC000  }
0x12a: {  	[tilespmem:s21], [sflag:$0x1] =	stream.indirect.gather [hbm4b:s4+s20], $0x80, s13, s20, $0xb8;
	[tilespmem:$0x1FC00] =	vst v63  }
0x12b: {  	s13 =	sadd.s32 $0x3280, s0  }
0x12c: {  	[spmem:s2] =	stream.indirect.scatter.add.f32 [tilespmem:s21], [sflag:$0x5], $0x80, s13, s20, $0xb8;
	[tilespmem:$0x1FC00] =	vst v63  }
0x12d: {  	_ =	swait.ge [sflag:s18], $0x4000  }
0x12e: {  	[sflag:s18] =	ssyncset.done $0x0  }
0x12f: {  	[sflag:s18] =	ssyncadd.s32 $0xFFFFC000  }
0x130: {  	_ =	swait.ge [sflag:s25], $0x4000  }
0x131: {  	[sflag:s25] =	ssyncset.done $0x0  }
0x132: {  	s13 =	sadd.s32 $0x1B80, s0;
	[sflag:s25] =	ssyncadd.s32 $0xFFFFC000  }
0x133: {  	[tilespmem:s23], [sflag:$0x2] =	stream.indirect.gather [hbm4b:s4+s20], $0x80, s13, s20, $0xb8;
	[tilespmem:$0x1FC00] =	vst v63  }
.Ltmp8:
0x134: {  	_ = 	snop;
	(pc) =	sbr.rel @p1 .LBB2_18-.Ltmp8, $4  }
0x135: {  	s0 =	sadd.s32 $0x3380, s0  }
0x136: {  	[spmem:s2] =	stream.indirect.scatter.add.f32 [tilespmem:s23], [sflag:$0x5], $0x80, s0, s20, $0xb8;
	[tilespmem:$0x1FC00] =	vst v63  }
0x137: {  	_ =	swait.ge [sflag:s18], $0x4000  }
0x138: {  	[sflag:s18] =	ssyncset.done $0x0  }
0x139: {  	[sflag:s18] =	ssyncadd.s32 $0xFFFFC000  }
0x13a: {  	_ =	swait.ge [sflag:s24], $0x4000  }
0x13b: {  	[sflag:s24] =	ssyncset.done $0x0  }
0x13c: {  	s0 =	simm.s32 $0x3280;
	[sflag:s24] =	ssyncadd.s32 $0xFFFFC000  }
0x13d: {  	[spmem:s2] =	stream.indirect.scatter.add.f32 [tilespmem:s21], [sflag:$0x5], $0x80, s0, s20, $0xb8;
	[tilespmem:$0x1FC00] =	vst v63  }
0x13e: {  	_ =	swait.ge [sflag:s18], $0x4000  }
0x13f: {  	[sflag:s18] =	ssyncset.done $0x0  }
0x140: {  	[sflag:s18] =	ssyncadd.s32 $0xFFFFC000  }
0x141: {  	_ =	swait.ge [sflag:s25], $0x4000  }
0x142: {  	[sflag:s25] =	ssyncset.done $0x0  }
0x143: {  	s31 =	simm.s32 $0x3380;
	[sflag:s25] =	ssyncadd.s32 $0xFFFFC000  }
0x144: {  	[spmem:s2] =	stream.indirect.scatter.add.f32 [tilespmem:s23], [sflag:$0x5], $0x80, s31, s20, $0xb8;
	[tilespmem:$0x1FC00] =	vst v63  }
0x145: {  	_ =	swait.ge [sflag:s18], $0x4000  }
0x146: {  	[sflag:s18] =	ssyncset.done $0x0  }
0x147: {  	[sflag:s18] =	ssyncadd.s32 $0xFFFFC000  }
0x148: {  	_ =	swait.ge [sflag:s19], $0xD00  }
0x149: {  	[sflag:s19] =	ssyncset.done $0x0  }
0x14a: {  	[sflag:s19] =	ssyncadd.s32 $0xFFFFF300  }
0x14b: {  	_ =	swait.ge [sflag:s19], $0xD00  }
0x14c: {  	[sflag:s19] =	ssyncset.done $0x0  }
0x14d: {  	s13 =	simm.s32 $0x0;
	[sflag:s19] =	ssyncadd.s32 $0xFFFFF300  }
0x14e: {  	[tilespmem:s21], [sflag:$0x1] =	stream.indirect.gather [hbm4b:s4+s20], $0x80, s13, s20, $0xb8;
	[tilespmem:$0x1FC00] =	vst v63  }
0x14f: {  	s22 =	simm.s32 $0x100  }
0x150: {  	[tilespmem:s23], [sflag:$0x2] =	stream.indirect.gather [hbm4b:s4+s20], $0x80, s22, s20, $0xb8;
	[tilespmem:$0x1FC00] =	vst v63  }
0x151: {  	_ =	swait.ge [sflag:s24], $0x4000  }
0x152: {  	[sflag:s24] =	ssyncset.done $0x0  }
0x153: {  	s31 =	simm.s32 $0x200;
	[sflag:s24] =	ssyncadd.s32 $0xFFFFC000  }
0x154: {  	[tilespmem:s21], [sflag:$0x1] =	stream.indirect.gather [hbm4b:s4+s20], $0x80, s31, s20, $0xb8;
	[tilespmem:$0x1FC00] =	vst v63  }
0x155: {  	s13 =	simm.s32 $0x1A00  }
0x156: {  	[spmem:s2] =	stream.indirect.scatter.add.f32 [tilespmem:s21], [sflag:$0x5], $0x80, s13, s20, $0xb8;
	[tilespmem:$0x1FC00] =	vst v63  }
0x157: {  	_ =	swait.ge [sflag:s18], $0x4000  }
0x158: {  	[sflag:s18] =	ssyncset.done $0x0  }
0x159: {  	[sflag:s18] =	ssyncadd.s32 $0xFFFFC000  }
0x15a: {  	_ =	swait.ge [sflag:s25], $0x4000  }
0x15b: {  	[sflag:s25] =	ssyncset.done $0x0  }
0x15c: {  	s22 =	simm.s32 $0x300;
	[sflag:s25] =	ssyncadd.s32 $0xFFFFC000  }
0x15d: {  	[tilespmem:s23], [sflag:$0x2] =	stream.indirect.gather [hbm4b:s4+s20], $0x80, s22, s20, $0xb8;
	[tilespmem:$0x1FC00] =	vst v63  }
0x15e: {  	s31 =	simm.s32 $0x1B00  }
0x15f: {  	[spmem:s2] =	stream.indirect.scatter.add.f32 [tilespmem:s23], [sflag:$0x5], $0x80, s31, s20, $0xb8;
	[tilespmem:$0x1FC00] =	vst v63  }
0x160: {  	_ =	swait.ge [sflag:s18], $0x4000  }
0x161: {  	s30 =	simm.s32 $0x800;
	[sflag:s18] =	ssyncset.done $0x0  }
.LBB2_20:
0x162: {  	p1 =	sne.s32 s30, $0x5800  }
0x163: {  	[sflag:s18] =	ssyncadd.s32 $0xFFFFC000;
	s0 =	smov.u32 s30;
	s30 =	sadd.s32 $0x800, s30  }
0x164: {  	_ = 	snop  }
0x165: {  	_ =	swait.ge [sflag:s24], $0x4000  }
0x166: {  	s0 =	sshra.s32 s0, $0x2;
	[sflag:s24] =	ssyncset.done $0x0  }
0x167: {  	s13 =	sadd.s32 $0x200, s0;
	[sflag:s24] =	ssyncadd.s32 $0xFFFFC000  }
0x168: {  	[tilespmem:s21], [sflag:$0x1] =	stream.indirect.gather [hbm4b:s4+s20], $0x80, s13, s20, $0xb8;
	[tilespmem:$0x1FC00] =	vst v63  }
0x169: {  	s13 =	sadd.s32 $0x1A00, s0  }
0x16a: {  	[spmem:s2] =	stream.indirect.scatter.add.f32 [tilespmem:s21], [sflag:$0x5], $0x80, s13, s20, $0xb8;
	[tilespmem:$0x1FC00] =	vst v63  }
0x16b: {  	_ =	swait.ge [sflag:s18], $0x4000  }
0x16c: {  	[sflag:s18] =	ssyncset.done $0x0  }
0x16d: {  	[sflag:s18] =	ssyncadd.s32 $0xFFFFC000  }
0x16e: {  	_ =	swait.ge [sflag:s25], $0x4000  }
0x16f: {  	[sflag:s25] =	ssyncset.done $0x0  }
0x170: {  	s13 =	sadd.s32 $0x300, s0;
	[sflag:s25] =	ssyncadd.s32 $0xFFFFC000  }
0x171: {  	[tilespmem:s23], [sflag:$0x2] =	stream.indirect.gather [hbm4b:s4+s20], $0x80, s13, s20, $0xb8;
	[tilespmem:$0x1FC00] =	vst v63  }
.Ltmp9:
0x172: {  	_ = 	snop;
	(pc) =	sbr.rel @p1 .LBB2_20-.Ltmp9, $4  }
0x173: {  	s0 =	sadd.s32 $0x1B00, s0  }
0x174: {  	[spmem:s2] =	stream.indirect.scatter.add.f32 [tilespmem:s23], [sflag:$0x5], $0x80, s0, s20, $0xb8;
	[tilespmem:$0x1FC00] =	vst v63  }
0x175: {  	_ =	swait.ge [sflag:s18], $0x4000  }
0x176: {  	[sflag:s18] =	ssyncset.done $0x0  }
0x177: {  	[sflag:s18] =	ssyncadd.s32 $0xFFFFC000  }
0x178: {  	_ =	swait.ge [sflag:s24], $0x4000  }
0x179: {  	[sflag:s24] =	ssyncset.done $0x0  }
0x17a: {  	[sflag:s24] =	ssyncadd.s32 $0xFFFFC000  }
0x17b: {  	[spmem:s2] =	stream.indirect.scatter.add.f32 [tilespmem:s21], [sflag:$0x5], $0x80, s26, s20, $0xb8;
	[tilespmem:$0x1FC00] =	vst v63  }
0x17c: {  	_ =	swait.ge [sflag:s18], $0x4000  }
0x17d: {  	[sflag:s18] =	ssyncset.done $0x0  }
0x17e: {  	[sflag:s18] =	ssyncadd.s32 $0xFFFFC000  }
0x17f: {  	_ =	swait.ge [sflag:s25], $0x4000  }
0x180: {  	[sflag:s25] =	ssyncset.done $0x0  }
0x181: {  	[sflag:s25] =	ssyncadd.s32 $0xFFFFC000  }
0x182: {  	[spmem:s2] =	stream.indirect.scatter.add.f32 [tilespmem:s23], [sflag:$0x5], $0x80, s28, s20, $0xb8;
	[tilespmem:$0x1FC00] =	vst v63  }
0x183: {  	_ =	swait.ge [sflag:s18], $0x4000  }
0x184: {  	[sflag:s18] =	ssyncset.done $0x0  }
0x185: {  	s0 =	simm.s32 @!p0 $0x0;
	s13 =	rddreg [dreg:$0x4];
	[sflag:s18] =	ssyncadd.s32 $0xFFFFC000  }
0x186: {  	[tilespmem:s0], [sflag:$0x5] =	stream.linear.gather @!p0 [hbm4b:s13+s0], $0x80, $0x38;
	[tilespmem:$0x1FC00] =	vst v63  }
0x187: {  	s13 =	simm.s32 @!p0 $0x5  }
0x188: {  	_ =	swait.ge @!p0 [sflag:s13], $0x80  }
0x189: {  	[sflag:s13] =	ssyncset.done @!p0 $0x0  }
0x18a: {  	s30 =	simm.s32 @!p0 $0x1A00;
	[sflag:s13] =	ssyncadd.s32 @!p0 $0xFFFFFF80  }
0x18b: {  	[tilespmem:s30], [sflag:$0x5] =	stream.linear.gather @!p0 [hbm4b:s14+s0], $0x80, $0x38;
	[tilespmem:$0x1FC00] =	vst v63  }
0x18c: {  	_ =	swait.ge @!p0 [sflag:s13], $0x80  }
0x18d: {  	[sflag:s13] =	ssyncset.done @!p0 $0x0  }
0x18e: {  	s31 =	simm.s32 @!p0 $0x80;
	s22 =	simm.s32 @!p0 $0x3400;
	[sflag:s13] =	ssyncadd.s32 @!p0 $0xFFFFFF80  }
0x18f: {  	[tilespmem:s22], [sflag:$0x5] =	stream.indirect.gather @!p0 [hbm4b:s4+s31], $0x80, s0, s31, $0xb8;
	[tilespmem:$0x1FC00] =	vst v63  }
0x190: {  	_ =	swait.ge @!p0 [sflag:s13], $0x4000  }
0x191: {  	[sflag:s13] =	ssyncset.done @!p0 $0x0  }
0x192: {  	[sflag:s13] =	ssyncadd.s32 @!p0 $0xFFFFC000  }
0x193: {  	[spmem:s2] =	stream.indirect.scatter.add.f32 @!p0 [tilespmem:s22], [sflag:$0x5], $0x80, s30, s31, $0xb8;
	[tilespmem:$0x1FC00] =	vst v63  }
0x194: {  	_ =	swait.ge @!p0 [sflag:s13], $0x4000  }
0x195: {  	s1 =	sadd.s32 $0x1, s1;
	[sflag:s13] =	ssyncset.done @!p0 $0x0  }
0x196: {  	p1 =	sne.s32 s1, s15;
	s30 =	sor.u32 $0x1C05, s10;
	[sflag:s13] =	ssyncadd.s32 @!p0 $0xFFFFC000  }
.Ltmp10:
0x197: {  	s31 =	sshrl.u32 s7, $0x3;
	[bflag:$0x0] =	sbarrier.arrive $0xFFFF;
	(pc) =	sbr.rel @p1 .LBB2_1-.Ltmp10, $4  }
0x198: {  	[hbm:s16], [sflag:s30] =	dma.local [spmem:s31], $0x2800  }
0x199: {  	_ =	swait.ge [sflag:s18], $0x2800  }
0x19a: {  	[sflag:s18] =	ssyncset.done $0x0  }
0x19b: {  	[sflag:s18] =	ssyncadd.s32 $0xFFFFD800  }
0x19c: {  	_ =	sfence.sel $0x180000  }
0x19d: {  	[bflag:$0x0] =	sbarrier.arrive $0xFFFF  }
0x19e: {  	_ =	strace $0x9000004D  }
0x19f: {  	s0 =	stileid.u32;
	[bflag:$0x2] =	sbarrier.arrive $0xFFFF  }
0x1a0: {  	p0 =	sne.s32 s0, $0x0;
	s0 =	rddreg [dreg:$0x3]  }
0x1a1: {  	s0 =	sadd.s32 @!p0 $0x100000, s0  }
0x1a2: {  	[sflag:s0] =	ssyncadd.tile.s32 @!p0 $0x1;
	_ =	shalt  }
.Lfunc_end2:
_tile_overlayer_lowered:
.L_overlay_start_2:
0x1a3: {  	(tag) =	ssettag $0x2  }
0x1a4: {  	s0 =	rddreg [dreg:$0x0];
	s2 =	stileid.u32  }
0x1a5: {  	s1 =	rddreg [dreg:$0x1];
	p0 =	sne.s32 s2, $0x0  }
0x1a6: {  	s3 =	rddreg [dreg:$0x2];
	[bflag:$0x3] =	sbarrier.arrive $0xFFFF;
	s2 =	simm.s32 @!p0 $0x1C05  }
0x1a7: {  	[timem:s3], [sflag:s2] =	dma.local @!p0 [hbm:s0], s1  }
0x1a8: {  	s0 =	simm.s32 @!p0 $0x5  }
0x1a9: {  	_ =	swait.ge @!p0 [sflag:s0], s1  }
0x1aa: {  	s1 =	ssub.s32 @!p0 $0x0, s1;
	[sflag:s0] =	ssyncset.done @!p0 $0x0  }
0x1ab: {  	[sflag:s0] =	ssyncadd.s32 @!p0 s1  }
0x1ac: {  	[bflag:$0x3] =	sbarrier.arrive $0xFFFF  }
0x1ad: {  	_ =	shalt  }

// kernel: kernel.9.cloned.1.call-start
scs
__scs_entry_jumppad:
0x0: {  	(pc) =	sbr.rel $0x88, $3  }
0x1: {  	(tag) =	ssettag $0x0;
	lr =	simm.s32 $0x1  }
0x2: {  	[smem:$0x3F99] =	sst lr;
	_ =	strace $0xD0000000  }
0x3: {  	_ = 	snop  }
0x4: {  	_ = 	snop  }
0x5: {  	_ = 	snop  }
0x6: {  	_ = 	snop  }
0x7: {  	_ = 	snop  }
__scs_overlays_trampoline_lowered:
0x8: {  	[smem:$0x3FA8] =	sst s0  }
0x9: {  	[smem:$0x3FA9] =	sst s1  }
0xa: {  	[smem:$0x3FAA] =	sst s2  }
0xb: {  	[smem:$0x3FAB] =	sst s3  }
0xc: {  	[smem:$0x3FAC] =	sst s4  }
0xd: {  	[smem:$0x3FAD] =	sst s5  }
0xe: {  	[smem:$0x3FAE] =	sst s6  }
0xf: {  	[smem:$0x3FAF] =	sst s7  }
0x10: {  	[smem:$0x3FB0] =	sst s8  }
0x11: {  	[smem:$0x3FB1] =	sst s9;
	s0 =	simm.s32 @!p0 $0x0  }
0x12: {  	s1 =	sld [smem:$0x3F97];
	s0 =	simm.s32 @p0 $0x1  }
0x13: {  	[smem:$0x3FB2] =	sst s0;
	s0 =	simm.s32 @!p1 $0x0  }
0x14: {  	s2 =	sld [smem:$0x3F96];
	s0 =	simm.s32 @p1 $0x1  }
0x15: {  	[smem:$0x3FB3] =	sst s0;
	s0 =	simm.s32 @!p2 $0x0  }
0x16: {  	s3 =	sld [smem:$0x3FDB];
	s0 =	simm.s32 @p2 $0x1  }
0x17: {  	s4 =	simm.s32 $0x1BF5;
	[smem:$0x3FB5] =	sst s0  }
0x18: {  	s0 =	sld [smem:$0x3F98];
	_ =	swait.ge [sflag:s4], $0x0  }
0x19: {  	s7 =	sld [smem:$0x3F99]  }
0x1a: {  	s8 =	sadd.s32 $0xFFFFE003, lr  }
0x1b: {  	s9 =	sadd.s32 $0xFFFFFEF7, lr;
	s5 =	simm.s32 $0xFFFFFFFF;
	p2 =	slt.u32 s8, $0xFFFFF086  }
0x1c: {  	p1 =	slt.u32 s9, $0xF7A;
	s5 =	simm.s32 @!p2 $0x0  }
0x1d: {  	s5 =	simm.s32 @p1 $0x1;
	p0 =	seq.s32 s7, s2  }
0x1e: {  	s7 =	smul.u32 @!p0 $0xF7A, s2;
	p2 =	seq.s32 @!p0 s5, $0x0  }
0x1f: {  	s9 =	smul.u32 $0xF7A, s1;
	s8 =	simm.s32 @!p0 $0x1BF5;
	p2 =	por !p2, p0  }
0x20: {  	[sflag:s8] =	ssyncset.s32 @!p0 $0xFFFFF086;
	s6 =	sadd.s32 @!p0 s3, s7;
	s7 =	simm.s32 @!p0 $0x108  }
0x21: {  	s3 =	sadd.s32 s3, s9;
	s6 =	sadd.s32 @!p0 $0x88, s6;
	s7 =	simm.s32 @p2 $0x1082  }
0x22: {  	[simem:s7], [sflag:s8] =	dma.local @!p0 [hbm:s6], $0xF7A  }
0x23: {  	s9 =	sor.u32 $0xD0000000, s2;
	s6 =	simm.s32 $0x108;
	_ =	swait.ge @!p0 [sflag:s8], $0x0  }
0x24: {  	s3 =	sadd.s32 $0x88, s3;
	s6 =	simm.s32 @!p1 $0x1082;
	[sflag:s4] =	ssyncset.s32 $0xFFFFF086  }
0x25: {  	[simem:s6], [sflag:s4] =	dma.local [hbm:s3], $0xF7A  }
0x26: {  	[smem:$0x3F99] =	sst s1;
	(tag) =	ssettag s2;
	_ =	strace s9  }
0x27: {  	s1 =	sld [smem:$0x3FA9]  }
0x28: {  	s2 =	sld [smem:$0x3FAA]  }
0x29: {  	s4 =	sld [smem:$0x3FAC]  }
0x2a: {  	p0 =	seq.s32 s5, $0x0;
	s5 =	sld [smem:$0x3FAD]  }
0x2b: {  	s6 =	sld [smem:$0x3FAE]  }
0x2c: {  	s7 =	sld [smem:$0x3FAF]  }
0x2d: {  	s3 =	simm.s32 $0x108;
	s8 =	sld [smem:$0x3FB0]  }
0x2e: {  	s3 =	simm.s32 @!p0 $0x1082;
	s9 =	sld [smem:$0x3FB1]  }
0x2f: {  	lr =	sadd.s32 s0, s3;
	s0 =	sld [smem:$0x3FA8]  }
0x30: {  	s3 =	sld [smem:$0x3FAB]  }
0x31: {  	[smem:$0x3FB4] =	sst s10  }
0x32: {  	s10 =	sld [smem:$0x3FB2];
	_ =	sdelay $0x3  }
0x33: {  	p0 =	seq.s32 s10, $0x1;
	s10 =	sld [smem:$0x3FB4];
	_ =	sdelay $0x3  }
0x34: {  	[smem:$0x3FB4] =	sst s10  }
0x35: {  	s10 =	sld [smem:$0x3FB3];
	_ =	sdelay $0x3  }
0x36: {  	p1 =	seq.s32 s10, $0x1;
	s10 =	sld [smem:$0x3FB4];
	_ =	sdelay $0x3  }
0x37: {  	[smem:$0x3FB4] =	sst s10  }
0x38: {  	s10 =	sld [smem:$0x3FB5]  }
0x39: {  	_ = 	snop;
	(pc) =	sbr.ind lr, $3  }
0x3a: {  	_ = 	snop  }
0x3b: {  	_ = 	snop  }
0x3c: {  	p2 =	seq.s32 s10, $0x1;
	s10 =	sld [smem:$0x3FB4]  }
0x3d: {  	_ =	shalt  }
0x3e: {  	_ =	shalt  }
0x3f: {  	_ =	shalt  }
0x40: {  	_ =	shalt  }
0x41: {  	_ =	shalt  }
0x42: {  	_ =	shalt  }
0x43: {  	_ =	shalt  }
0x44: {  	_ =	shalt  }
0x45: {  	_ =	shalt  }
0x46: {  	_ =	shalt  }
0x47: {  	_ =	shalt  }
0x48: {  	_ =	shalt  }
0x49: {  	_ =	shalt  }
0x4a: {  	_ =	shalt  }
0x4b: {  	_ =	shalt  }
0x4c: {  	_ =	shalt  }
0x4d: {  	_ =	shalt  }
0x4e: {  	_ =	shalt  }
0x4f: {  	_ =	shalt  }
0x50: {  	_ =	shalt  }
0x51: {  	_ =	shalt  }
0x52: {  	_ =	shalt  }
0x53: {  	_ =	shalt  }
0x54: {  	_ =	shalt  }
0x55: {  	_ =	shalt  }
0x56: {  	_ =	shalt  }
0x57: {  	_ =	shalt  }
0x58: {  	_ =	shalt  }
0x59: {  	_ =	shalt  }
0x5a: {  	_ =	shalt  }
0x5b: {  	_ =	shalt  }
0x5c: {  	_ =	shalt  }
0x5d: {  	_ =	shalt  }
0x5e: {  	_ =	shalt  }
0x5f: {  	_ =	shalt  }
0x60: {  	_ =	shalt  }
0x61: {  	_ =	shalt  }
0x62: {  	_ =	shalt  }
0x63: {  	_ =	shalt  }
0x64: {  	_ =	shalt  }
0x65: {  	_ =	shalt  }
0x66: {  	_ =	shalt  }
0x67: {  	_ =	shalt  }
0x68: {  	_ =	shalt  }
0x69: {  	_ =	shalt  }
0x6a: {  	_ =	shalt  }
0x6b: {  	_ =	shalt  }
0x6c: {  	_ =	shalt  }
0x6d: {  	_ =	shalt  }
0x6e: {  	_ =	shalt  }
0x6f: {  	_ =	shalt  }
0x70: {  	_ =	shalt  }
0x71: {  	_ =	shalt  }
0x72: {  	_ =	shalt  }
0x73: {  	_ =	shalt  }
0x74: {  	_ =	shalt  }
0x75: {  	_ =	shalt  }
0x76: {  	_ =	shalt  }
0x77: {  	_ =	shalt  }
0x78: {  	_ =	shalt  }
0x79: {  	_ =	shalt  }
0x7a: {  	_ =	shalt  }
0x7b: {  	_ =	shalt  }
0x7c: {  	_ =	shalt  }
0x7d: {  	_ =	shalt  }
0x7e: {  	_ =	shalt  }
0x7f: {  	_ =	shalt  }
0x80: {  	_ =	shalt  }
0x81: {  	_ =	shalt  }
0x82: {  	_ =	shalt  }
0x83: {  	_ =	shalt  }
0x84: {  	_ =	shalt  }
0x85: {  	_ =	shalt  }
0x86: {  	_ =	shalt  }
0x87: {  	_ =	shalt  }
.Lfunc_end0:
.L_simem_size_0:
called_computation_lowered:
.L_overlay_start_0:
0x88: {  	s2 =	sld [smem:$0x3FD9]  }
0x89: {  	s3 =	sld [smem:$0x3FFE];
	_ =	sdelay $0x1  }
0x8a: {  	s1 =	srdreg.scid  }
0x8b: {  	s0 =	sand.u32 $0x1, s1  }
0x8c: {  	s17 =	sshll.u32 s0, $0xA;
	s2 =	sadd.s32 s3, s2  }
0x8d: {  	s2 =	sadd.s32 s2, s17  }
0x8e: {  	[smem:$0x3FC0] =	sst s2  }
0x8f: {  	_ = 	snop  }
0x90: {  	s2 =	sld [smem:$0x3FC8];
	(tm) =	ssettm $0x1  }
0x91: {  	s18 =	sld [smem:$0x3FFB];
	_ =	sdelay $0x3  }
0x92: {  	_ =	strace s18  }
0x93: {  	s3 =	sld [smem:$0x3FFC];
	_ =	sdelay $0x3  }
0x94: {  	_ =	strace s3  }
0x95: {  	s3 =	sld [smem:$0x3FFD];
	_ =	sdelay $0x3  }
0x96: {  	_ =	strace s3  }
0x97: {  	_ =	strace $0x8FFFFFFF  }
0x98: {  	s19 =	sld [smem:$0x3FDB];
	_ =	sdelay $0x1  }
0x99: {  	s4 =	simm.s32 $_scs_section_size  }
0x9a: {  	s5 =	simm.s32 $_size__tile_overlayer_lowered;
	s6 =	simm.s32 $_tile_overlayer_lowered  }
0x9b: {  	s22 =	simm.s32 $0x1BFF;
	s21 =	sshll.u32 s6, $0x1;
	s3 =	sadd.s32 s4, s19  }
0x9c: {  	s7 =	simm.s32 $0x0;
	s20 =	sshll.u32 s5, $0x1;
	s5 =	sadd.s32 s21, s3  }
0x9d: {  	[timem:s7], [sflag:s22] =	dma.local [hbm:s5], s20  }
0x9e: {  	_ =	swait.ge [sflag:s22], s20  }
0x9f: {  	s4 =	ssub.s32 $0x0, s20;
	[sflag:s22] =	ssyncset.done $0x0  }
0xa0: {  	[sflag:s22] =	ssyncadd.s32 s4;
	_ =	sdelay $0x1  }
0xa1: {  	s23 =	simm.s32 $0x1B8B  }
0xa2: {  	_ =	swait.ge [sflag:s23], $0x1  }
0xa3: {  	[sflag:s23] =	ssyncset.done $0x0  }
0xa4: {  	s25 =	simm.s32 $0x1B8E;
	s24 =	sld [smem:$0x3FFE];
	[sflag:s23] =	ssyncadd.s32 $0xFFFFFFFF  }
0xa5: {  	s26 =	simm.s32 $execute0_lowered;
	[smem:$0x3FD2] =	sst s25  }
0xa6: {  	s5 =	sshll.u32 s26, $0x1;
	_ =	strace $0x80000046;
	[dreg:$0x1] =	wrdreg $0xFFFFFFFF  }
0xa7: {  	s28 =	simm.s32 $_size_execute0_lowered;
	s3 =	sadd.s32 s3, s5;
	[dreg:$0x0] =	wrdreg $0x0  }
0xa8: {  	s5 =	sshll.u32 s28, $0x1;
	[dreg:$0x2] =	wrdreg s3  }
0xa9: {  	[dreg:$0x3] =	wrdreg s5  }
0xaa: {  	[dreg:$0x4] =	wrdreg $0xC0  }
0xab: {  	_ =	task [dreg:s7], $0x5FFFF  }
0xac: {  	[dreg:$0x1] =	wrdreg $0xFFFFFFFF  }
0xad: {  	[dreg:$0x0] =	wrdreg $0x60  }
0xae: {  	[dreg:$0x2] =	wrdreg s2  }
0xaf: {  	[dreg:$0x3] =	wrdreg s24  }
0xb0: {  	[dreg:$0x4] =	wrdreg $0x9  }
0xb1: {  	_ =	task.clear_ibuf [dreg:s7], $0x5FFFF;
	_ =	strace $0x90000046  }
0xb2: {  	s29 =	simm.s32 $0x9;
	_ =	strace $0x80000048  }
0xb3: {  	_ =	swait.ge [sflag:s29], $0x1  }
0xb4: {  	[sflag:s29] =	ssyncadd.s32 $0xFFFFFFFF  }
0xb5: {  	_ =	strace $0x90000048  }
0xb6: {  	_ =	sfence  }
0xb7: {  	s30 =	sld [smem:$0x0];
	_ =	sdelay $0x2  }
0xb8: {  	s31 =	sshll.u32 s1, $0xD;
	s1 =	sshrl.u32 s1, $0x2  }
0xb9: {  	s3 =	sand.u32 $0x4000, s31;
	s1 =	sadd.s32 s1, s30  }
0xba: {  	s0 =	sor.u32 s3, s0;
	s1 =	sshll.u32 s1, $0x11  }
0xbb: {  	s0 =	sor.u32 s1, s0  }
0xbc: {  	s0 =	sadd.s32 $0x8F2B, s0  }
0xbd: {  	[sflag:s0] =	ssyncadd.remote.s32 $0x1  }
0xbe: {  	_ =	sfence.sel $0xFFFF  }
0xbf: {  	[dreg:$0x0] =	wrdreg $0xFFFFFFFF;
	(pc) =	sbr.abs _section_cstart, $3  }
0xc0: {  	[dreg:$0x1] =	wrdreg $0xFFFFFFFF  }
0xc1: {  	_ =	task.clear_ibuf [dreg:s7], $0x2FFFF;
	_ =	strace $0x9FFFFFFF  }
0xc2: {  	(tm) =	ssettm $0x7FFFFFFF  }
0xc3: {  	_ =	shalt  }
tec
execute0_lowered:
.L_overlay_start_1:
0x0: {  	(tag) =	ssettag $0x1  }
0x1: {  	s0 =	srdreg.scid;
	s4 =	rddreg [dreg:$0x0]  }
0x2: {  	s5 =	rddreg [dreg:$0x1];
	s2 =	simm.s32 $0x0;
	s8 =	simm.s32 $0x100  }
0x3: {  	s9 =	simm.s32 $0x2800;
	s10 =	simm.s32 $0x1;
	s3 =	sand.u32 $0x1, s0  }
0x4: {  	s12 =	simm.s32 $0x0;
	s0 =	stileid.u32;
	s1 =	sshll.u32 s3, $0x4  }
0x5: {  	[smem:$0x7FF] =	sst s2;
	s7 =	sshll.u32 s0, $0x7;
	s11 =	sor.u32 s0, s1  }
0x6: {  	s3 =	ssub.s32 $0x2, s3;
	s1 =	sshrl.u32 s11, $0x3;
	s30 =	smul.u32 $0x9C0, s11  }
0x7: {  	s7 =	sand.u32 $0x380, s7;
	s31 =	sshrl.u32 s3, $0x1;
	s6 =	smul.u32 $0x14000, s1  }
.Ltmp0:
0x8: {  	p0 =	sne.s32 s11, $0x0;
	s11 =	simm.s32 $0x400;
	(pc) =	sbr.rel .LBB2_1-.Ltmp0, $4  }
0x9: {  	s1 =	rddreg [dreg:$0x2];
	_ =	strace $0x80000047;
	s6 =	sor.u32 s7, s6  }
0xa: {  	s7 =	sadd.s32 s30, s4;
	s4 =	sadd.s32 $0x13810, s4;
	s6 =	sshrl.u32 s6, $0x3  }
0xb: {  	s5 =	sadd.s32 s6, s5;
	s6 =	ssub.s32 s3, s31;
	s3 =	sadd.s32 $0x10, s7  }
0xc: {  	v0 =	vimm.f32 $0.0e+00;
	v1 =	vimm.f32 $1.000000000e+00;
	s7 =	simm.s32 $0x80;
	s5 =	sadd.s32 $0x3A00, s5;
	s6 =	smax.u32 s6, $0x1  }
.LBB2_7:
0xd: {  	s12 =	sadd.s32 $0x1, s12  }
0xe: {  	p1 =	sne.s32 s12, s6  }
.Ltmp1:
0xf: {  	_ = 	snop;
	(pc) =	sbr.rel @!p1 .LBB2_8-.Ltmp1, $4  }
0x10: {  	[hbm4b:s5+s7] =	stream.strided.scatter [tilespmem:s2], [sflag:$0x1], $0x2800, s11, s7, $0x38;
	[tilespmem:$0x4F00] =	vst v63  }
0x11: {  	_ =	swait.ge [sflag:s10], $0x2800  }
0x12: {  	[sflag:s10] =	ssyncset.done $0x0  }
0x13: {  	[sflag:s10] =	ssyncadd.s32 $0xFFFFD800  }
.LBB2_1:
0x14: {  	s13 =	simm.s32 $0x20  }
0x15: {  	[tilespmem:s13+$0xFFFFFFE0] =	vst v0  }
0x16: {  	[tilespmem:s13+$0x10] =	vst v0  }
0x17: {  	s14 =	simm.s32 $0x0;
	[tilespmem:s13+$0x0] =	vst v0  }
.LBB2_2:
0x18: {  	s14 =	sadd.s32 $0x4, s14  }
0x19: {  	[tilespmem:s13+$0xFFFFFFF0] =	vst v0;
	s13 =	sadd.s32 $0x40, s13;
	p1 =	slt.u32 s14, $0x27C  }
.Ltmp2:
0x1a: {  	[tilespmem:s13+$0xFFFFFFE0] =	vst v0;
	(pc) =	sbr.rel @p1 .LBB2_2-.Ltmp2, $3  }
0x1b: {  	_ =	sdelay $0x1  }
0x1c: {  	[tilespmem:s13+$0x10] =	vst v0  }
0x1d: {  	[tilespmem:s13+$0x0] =	vst v0  }
0x1e: {  	[tilespmem:s13+$0xFFFFFFF0] =	vst v0  }
0x1f: {  	[tilespmem:s9], [sflag:$0x1] =	stream.strided.gather [hbm4b:s3+s7], $0x2700, s8, s7, $0x38;
	[tilespmem:$0x4F00] =	vst v63  }
0x20: {  	_ =	swait.ge [sflag:s10], $0x2700  }
0x21: {  	[sflag:s10] =	ssyncset.done $0x0  }
0x22: {  	s13 =	simm.s32 $0xFFFFFFFC;
	s14 =	simm.s32 $0x2820;
	[sflag:s10] =	ssyncadd.s32 $0xFFFFD900  }
.LBB2_4:
0x23: {  	v2 =	vld [tilespmem:s14+$0xFFFFFFE0];
	_ =	sdelay $0x7  }
0x24: {  	[tilespmem:v2+s2+$0x0] =	vst.idx.add.f32.msk $0xffff, v1  }
0x25: {  	v2 =	vld [tilespmem:s14+$0xFFFFFFF0];
	_ =	sdelay $0x7  }
0x26: {  	[tilespmem:v2+s2+$0x0] =	vst.idx.add.f32.msk $0xffff, v1  }
0x27: {  	v2 =	vld [tilespmem:s14+$0x0];
	_ =	sdelay $0x7  }
0x28: {  	[tilespmem:v2+s2+$0x0] =	vst.idx.add.f32.msk $0xffff, v1  }
0x29: {  	v2 =	vld [tilespmem:s14+$0x10];
	_ =	sdelay $0x1  }
0x2a: {  	s13 =	sadd.s32 $0x4, s13  }
0x2b: {  	p1 =	slt.u32 s13, $0x26C  }
.Ltmp3:
0x2c: {  	_ = 	snop;
	(pc) =	sbr.rel @p1 .LBB2_4-.Ltmp3, $2  }
0x2d: {  	_ =	sdelay $0x2  }
0x2e: {  	s14 =	sadd.s32 $0x40, s14;
	[tilespmem:v2+s2+$0x0] =	vst.idx.add.f32.msk $0xffff, v1  }
.Ltmp4:
0x2f: {  	(pc) =	sbr.rel @p0 .LBB2_7-.Ltmp4, $1  }
0x30: {  	_ =	sdelay $0x3  }
0x31: {  	[tilespmem:s9], [sflag:$0x1] =	stream.strided.gather [hbm4b:s4+s7], $0x200, s8, s7, $0x38;
	[tilespmem:$0x4F00] =	vst v63  }
0x32: {  	_ =	swait.ge [sflag:s10], $0x200  }
0x33: {  	[sflag:s10] =	ssyncset.done $0x0  }
0x34: {  	[sflag:s10] =	ssyncadd.s32 $0xFFFFFE00  }
0x35: {  	v2 =	vld [tilespmem:$0x2800];
	_ =	sdelay $0x7  }
0x36: {  	[tilespmem:v2+s2+$0x0] =	vst.idx.add.f32.msk $0xffff, v1  }
0x37: {  	v2 =	vld [tilespmem:$0x2810];
	_ =	sdelay $0x7  }
0x38: {  	[tilespmem:v2+s2+$0x0] =	vst.idx.add.f32.msk $0xffff, v1  }
0x39: {  	v2 =	vld [tilespmem:$0x2820];
	_ =	sdelay $0x7  }
0x3a: {  	[tilespmem:v2+s2+$0x0] =	vst.idx.add.f32.msk $0xffff, v1  }
0x3b: {  	v2 =	vld [tilespmem:$0x2830];
	_ =	sdelay $0x7  }
0x3c: {  	[tilespmem:v2+s2+$0x0] =	vst.idx.add.f32.msk $0xffff, v1  }
0x3d: {  	v2 =	vld [tilespmem:$0x2840];
	_ =	sdelay $0x7  }
0x3e: {  	[tilespmem:v2+s2+$0x0] =	vst.idx.add.f32.msk $0xffff, v1  }
0x3f: {  	v2 =	vld [tilespmem:$0x2850];
	_ =	sdelay $0x7  }
0x40: {  	[tilespmem:v2+s2+$0x0] =	vst.idx.add.f32.msk $0xffff, v1  }
0x41: {  	v2 =	vld [tilespmem:$0x2860];
	_ =	sdelay $0x7  }
0x42: {  	[tilespmem:v2+s2+$0x0] =	vst.idx.add.f32.msk $0xffff, v1  }
0x43: {  	v2 =	vld [tilespmem:$0x2870];
	_ =	sdelay $0x7  }
0x44: {  	[tilespmem:v2+s2+$0x0] =	vst.idx.add.f32.msk $0xffff, v1  }
0x45: {  	v2 =	vld [tilespmem:$0x2880];
	_ =	sdelay $0x7  }
0x46: {  	[tilespmem:v2+s2+$0x0] =	vst.idx.add.f32.msk $0xffff, v1  }
0x47: {  	v2 =	vld [tilespmem:$0x2890];
	_ =	sdelay $0x7  }
0x48: {  	[tilespmem:v2+s2+$0x0] =	vst.idx.add.f32.msk $0xffff, v1  }
0x49: {  	v2 =	vld [tilespmem:$0x28A0];
	_ =	sdelay $0x7  }
0x4a: {  	[tilespmem:v2+s2+$0x0] =	vst.idx.add.f32.msk $0xffff, v1  }
0x4b: {  	v2 =	vld [tilespmem:$0x28B0];
	_ =	sdelay $0x7  }
0x4c: {  	[tilespmem:v2+s2+$0x0] =	vst.idx.add.f32.msk $0xffff, v1  }
0x4d: {  	v2 =	vld [tilespmem:$0x28C0];
	_ =	sdelay $0x7  }
0x4e: {  	[tilespmem:v2+s2+$0x0] =	vst.idx.add.f32.msk $0xffff, v1  }
0x4f: {  	v2 =	vld [tilespmem:$0x28D0];
	_ =	sdelay $0x7  }
0x50: {  	[tilespmem:v2+s2+$0x0] =	vst.idx.add.f32.msk $0xffff, v1  }
0x51: {  	v2 =	vld [tilespmem:$0x28E0];
	_ =	sdelay $0x7  }
0x52: {  	[tilespmem:v2+s2+$0x0] =	vst.idx.add.f32.msk $0xffff, v1  }
0x53: {  	v2 =	vld [tilespmem:$0x28F0];
	_ =	sdelay $0x7  }
0x54: {  	[tilespmem:v2+s2+$0x0] =	vst.idx.add.f32.msk $0xffff, v1  }
0x55: {  	v2 =	vld [tilespmem:$0x2900];
	_ =	sdelay $0x7  }
0x56: {  	[tilespmem:v2+s2+$0x0] =	vst.idx.add.f32.msk $0xffff, v1  }
0x57: {  	v2 =	vld [tilespmem:$0x2910];
	_ =	sdelay $0x7  }
0x58: {  	[tilespmem:v2+s2+$0x0] =	vst.idx.add.f32.msk $0xffff, v1  }
0x59: {  	v2 =	vld [tilespmem:$0x2920];
	_ =	sdelay $0x7  }
0x5a: {  	[tilespmem:v2+s2+$0x0] =	vst.idx.add.f32.msk $0xffff, v1  }
0x5b: {  	v2 =	vld [tilespmem:$0x2930];
	_ =	sdelay $0x7  }
0x5c: {  	[tilespmem:v2+s2+$0x0] =	vst.idx.add.f32.msk $0xffff, v1  }
0x5d: {  	v2 =	vld [tilespmem:$0x2940];
	_ =	sdelay $0x7  }
0x5e: {  	[tilespmem:v2+s2+$0x0] =	vst.idx.add.f32.msk $0xffff, v1  }
0x5f: {  	v2 =	vld [tilespmem:$0x2950];
	_ =	sdelay $0x7  }
0x60: {  	[tilespmem:v2+s2+$0x0] =	vst.idx.add.f32.msk $0xffff, v1  }
0x61: {  	v2 =	vld [tilespmem:$0x2960];
	_ =	sdelay $0x7  }
0x62: {  	[tilespmem:v2+s2+$0x0] =	vst.idx.add.f32.msk $0xffff, v1  }
0x63: {  	v2 =	vld [tilespmem:$0x2970];
	_ =	sdelay $0x7  }
0x64: {  	[tilespmem:v2+s2+$0x0] =	vst.idx.add.f32.msk $0xffff, v1  }
0x65: {  	v2 =	vld [tilespmem:$0x2980];
	_ =	sdelay $0x7  }
0x66: {  	[tilespmem:v2+s2+$0x0] =	vst.idx.add.f32.msk $0xffff, v1  }
0x67: {  	v2 =	vld [tilespmem:$0x2990];
	_ =	sdelay $0x7  }
0x68: {  	[tilespmem:v2+s2+$0x0] =	vst.idx.add.f32.msk $0xffff, v1  }
0x69: {  	v2 =	vld [tilespmem:$0x29A0];
	_ =	sdelay $0x7  }
0x6a: {  	[tilespmem:v2+s2+$0x0] =	vst.idx.add.f32.msk $0xffff, v1  }
0x6b: {  	v2 =	vld [tilespmem:$0x29B0];
	_ =	sdelay $0x7  }
0x6c: {  	[tilespmem:v2+s2+$0x0] =	vst.idx.add.f32.msk $0xffff, v1  }
0x6d: {  	v2 =	vld [tilespmem:$0x29C0];
	_ =	sdelay $0x7  }
0x6e: {  	[tilespmem:v2+s2+$0x0] =	vst.idx.add.f32.msk $0xffff, v1  }
0x6f: {  	v2 =	vld [tilespmem:$0x29D0];
	_ =	sdelay $0x7  }
0x70: {  	[tilespmem:v2+s2+$0x0] =	vst.idx.add.f32.msk $0xffff, v1  }
0x71: {  	v2 =	vld [tilespmem:$0x29E0];
	_ =	sdelay $0x7  }
0x72: {  	[tilespmem:v2+s2+$0x0] =	vst.idx.add.f32.msk $0xffff, v1  }
0x73: {  	v2 =	vld [tilespmem:$0x29F0];
	_ =	sdelay $0x3  }
.Ltmp5:
0x74: {  	_ = 	snop;
	(pc) =	sbr.rel .LBB2_7-.Ltmp5, $2  }
0x75: {  	_ =	sdelay $0x2  }
0x76: {  	[tilespmem:v2+s2+$0x0] =	vst.idx.add.f32.msk $0xffff, v1  }
.LBB2_8:
0x77: {  	_ =	sfence.sel $0x180000  }
0x78: {  	[bflag:$0x0] =	sbarrier.arrive $0xFFFF  }
0x79: {  	p0 =	sne.s32 s0, $0x0;
	_ =	strace $0x90000047  }
0x7a: {  	s0 =	sadd.s32 @!p0 $0x100000, s1;
	[bflag:$0x2] =	sbarrier.arrive $0xFFFF  }
0x7b: {  	[sflag:s0] =	ssyncadd.tile.s32 @!p0 $0x1;
	_ =	shalt  }
.Lfunc_end2:
_tile_overlayer_lowered:
.L_overlay_start_2:
0x7c: {  	(tag) =	ssettag $0x2  }
0x7d: {  	s0 =	rddreg [dreg:$0x0];
	s2 =	stileid.u32  }
0x7e: {  	s1 =	rddreg [dreg:$0x1];
	p0 =	sne.s32 s2, $0x0  }
0x7f: {  	s3 =	rddreg [dreg:$0x2];
	[bflag:$0x3] =	sbarrier.arrive $0xFFFF;
	s2 =	simm.s32 @!p0 $0x1C01  }
0x80: {  	[timem:s3], [sflag:s2] =	dma.local @!p0 [hbm:s0], s1  }
0x81: {  	s0 =	simm.s32 @!p0 $0x1  }
0x82: {  	_ =	swait.ge @!p0 [sflag:s0], s1  }
0x83: {  	s1 =	ssub.s32 @!p0 $0x0, s1;
	[sflag:s0] =	ssyncset.done @!p0 $0x0  }
0x84: {  	[sflag:s0] =	ssyncadd.s32 @!p0 s1  }
0x85: {  	[bflag:$0x3] =	sbarrier.arrive $0xFFFF  }
0x86: {  	_ =	shalt  }

</sc_bundles>
